<compile_context>
chip_gen: v7x
topology: tpu7x:2x2x1
jax: 0.10.2.dev20260603
libtpu: 0.0.44.dev20260713+nightly
codegen_flags: <defaults>
</compile_context>

<pallas_src>
import functools

import jax
import jax.numpy as jnp
from jax import lax
from jax.experimental import pallas as pl
from jax.experimental.pallas import tpu as pltpu
from jax.experimental.pallas import tpu_sc as plsc

_N = 5000
_NPAD = 5120
_B = 512
_NB = _NPAD // _B
_T = 0.5

_D = 128
_NW = 32
_BPW = _NPAD // _NW


@functools.cache
def _make_sc_gather():
    mesh = plsc.VectorSubcoreMesh(core_axis_name="c", subcore_axis_name="s")

    @functools.partial(
        pl.kernel,
        mesh=mesh,
        out_type=jax.ShapeDtypeStruct((_NPAD, _D), jnp.float32),
        scratch_types=[
            pltpu.VMEM((_BPW,), jnp.int32),
            pltpu.VMEM((_BPW, _D), jnp.float32),
            pltpu.SemaphoreType.DMA,
        ],
    )
    def gather_rows(table_hbm, idx_hbm, out_hbm, idx_v, rows_v, sem):
        wid = lax.axis_index("s") * 2 + lax.axis_index("c")
        base = wid * _BPW
        pltpu.sync_copy(idx_hbm.at[pl.ds(base, _BPW)], idx_v)
        pltpu.async_copy(table_hbm.at[idx_v], rows_v, sem).wait()
        pltpu.sync_copy(rows_v, out_hbm.at[pl.ds(base, _BPW)])

    return gather_rows


def _nms_body(bt_ref, btt_ref, s_ref, keep_out, ks_out, keep_ref):
    lane = jax.lax.broadcasted_iota(jnp.int32, (8, _NPAD), 1)
    keep_ref[...] = jnp.where(lane < _N, 1.0, 0.0).astype(jnp.float32)

    row_i = jax.lax.broadcasted_iota(jnp.int32, (_B, _B), 0)
    col_i = jax.lax.broadcasted_iota(jnp.int32, (_B, _B), 1)
    upper = col_i > row_i

    area_col = (bt_ref[:, 2:3] - bt_ref[:, 0:1]) * (bt_ref[:, 3:4] - bt_ref[:, 1:2])
    area_row = (btt_ref[2:3, :] - btt_ref[0:1, :]) * (btt_ref[3:4, :] - btt_ref[1:2, :])

    def row_tiles(i):
        r0 = i * _B
        return tuple(
            jnp.broadcast_to(v, (_B, _B))
            for v in (bt_ref[r0:r0 + _B, 0:1], bt_ref[r0:r0 + _B, 1:2],
                      bt_ref[r0:r0 + _B, 2:3], bt_ref[r0:r0 + _B, 3:4],
                      area_col[r0:r0 + _B, :]))

    def iou_block(rows, j):
        c0 = j * _B
        x1r, y1r, x2r, y2r, ar = rows
        x1c = btt_ref[0:1, c0:c0 + _B]
        y1c = btt_ref[1:2, c0:c0 + _B]
        x2c = btt_ref[2:3, c0:c0 + _B]
        y2c = btt_ref[3:4, c0:c0 + _B]
        ac = area_row[:, c0:c0 + _B]
        xx1 = jnp.maximum(x1r, x1c)
        yy1 = jnp.maximum(y1r, y1c)
        xx2 = jnp.minimum(x2r, x2c)
        yy2 = jnp.minimum(y2r, y2c)
        w = jnp.maximum(xx2 - xx1, 0.0)
        h = jnp.maximum(yy2 - yy1, 0.0)
        inter = w * h
        iou = inter / (ar + ac - inter + 1e-9)
        return iou > _T

    for i in range(_NB):
        r0 = i * _B
        rows = row_tiles(i)
        d = jnp.where(iou_block(rows, i) & upper, 1.0, 0.0).astype(jnp.float32)
        init = keep_ref[:, r0:r0 + _B]

        def cond(c):
            return c[1]

        def body(c):
            k, _ = c
            sup = jnp.dot(k, d, preferred_element_type=jnp.float32)
            k1 = jnp.where(sup > 0.5, 0.0, init)
            sup2 = jnp.dot(k1, d, preferred_element_type=jnp.float32)
            k2 = jnp.where(sup2 > 0.5, 0.0, init)
            return k2, jnp.any(k2[0:1, :] != k1[0:1, :])

        k, _ = jax.lax.while_loop(cond, body, (init, jnp.bool_(True)))
        keep_ref[:, r0:r0 + _B] = k

        for j in range(i + 1, _NB):
            c0 = j * _B
            s_ij = jnp.where(iou_block(rows, j), 1.0, 0.0).astype(jnp.float32)
            sup = jnp.dot(k, s_ij, preferred_element_type=jnp.float32)
            keep_ref[:, c0:c0 + _B] = jnp.where(
                sup > 0.5, 0.0, keep_ref[:, c0:c0 + _B])

    kv = jnp.reshape(keep_ref[0:1, 0:_N], (_N,))
    keep_out[...] = kv
    ks_out[...] = s_ref[...] * kv


def _nms_pallas(bt, btt, s):
    return pl.pallas_call(
        _nms_body,
        out_shape=(
            jax.ShapeDtypeStruct((_N,), jnp.float32),
            jax.ShapeDtypeStruct((_N,), jnp.float32),
        ),
        scratch_shapes=[pltpu.VMEM((8, _NPAD), jnp.float32)],
    )(bt, btt, s)


def kernel(boxes, scores):
    neg_sorted, order = lax.sort_key_val(-scores, jnp.arange(_N, dtype=jnp.int32))
    s = -neg_sorted

    table = jnp.pad(boxes, ((0, 0), (0, _D - 4)))
    idx = jnp.pad(order, (0, _NPAD - _N))
    bt = _make_sc_gather()(table, idx)[:, :4]
    btt = bt.T

    keep_f, kept_scores = _nms_pallas(bt, btt, s)
    keep = keep_f > 0.5
    return kept_scores, keep, order

# --- scband reference (transcript-rebuilt; emitter-appended) ---
"""Pipeline reference for scband-network-4587025072324 (READ-ONLY COPY).

The authoritative reference and input builder live on the scoring server;
editing this copy changes nothing except your own understanding.
"""

import jax, jax.numpy as jnp
import numpy as np

N = 5000
IOU_THRESH = 0.5


def setup_inputs(seed: int = 0) -> dict:
    key = jax.random.key(seed)
    k1, k2, k3 = jax.random.split(key, 3)
    # well-formed boxes: x1 < x2, y1 < y2, inside a ~1000x1000 image
    xy = jax.random.uniform(k1, (N, 2), minval=0.0, maxval=900.0)
    wh = jax.random.uniform(k2, (N, 2), minval=8.0, maxval=120.0)
    boxes = jnp.concatenate([xy, xy + wh], axis=1).astype(jnp.float32)
    scores = jax.random.uniform(k3, (N,), dtype=jnp.float32)
    return {"boxes": boxes, "scores": scores}


def _nms_keep(iou):
    # greedy hard-NMS suppression over score-sorted boxes
    n = iou.shape[0]
    idx = jnp.arange(n)

    def body(i, keep):
        alive = keep[i]
        suppress = (iou[i] > IOU_THRESH) & (idx > i)
        return jnp.where(alive, keep & (~suppress), keep)

    keep0 = jnp.ones((n,), dtype=bool)
    return jax.lax.fori_loop(0, n, body, keep0)


def reference(boxes, scores):
    # sort by descending score
    order = jnp.argsort(-scores)
    b = boxes[order]
    s = scores[order]
    # pairwise IoU matrix [N, N]  (compute-dominant O(N^2) part)
    areas = (b[:, 2] - b[:, 0]) * (b[:, 3] - b[:, 1])
    xx1 = jnp.maximum(b[:, None, 0], b[None, :, 0])
    yy1 = jnp.maximum(b[:, None, 1], b[None, :, 1])
    xx2 = jnp.minimum(b[:, None, 2], b[None, :, 2])
    yy2 = jnp.minimum(b[:, None, 3], b[None, :, 3])
    w = jnp.maximum(xx2 - xx1, 0.0)
    h = jnp.maximum(yy2 - yy1, 0.0)
    inter = w * h
    iou = inter / (areas[:, None] + areas[None, :] - inter + 1e-9)
    keep = _nms_keep(jax.lax.stop_gradient(iou))
    kept_scores = s * keep.astype(s.dtype)
    return kept_scores, keep, order

if __name__ == "__main__":
    import jax
    _d = setup_inputs()
    print(jax.jit(kernel)(*tuple(_d.values())))

</pallas_src>

<mosaic_0001>
#map = affine_map<(d0, d1) -> (0, 0)>
#map1 = affine_map<(d0, d1) -> (0)>
module attributes {stable_mosaic.version = 14 : i64} {
  func.func @gather_rows(%arg0: i32, %arg1: i32, %arg2: memref<5000x128xf32, #tpu.memory_space<hbm>>, %arg3: memref<5120xi32, #tpu.memory_space<hbm>>, %arg4: memref<5120x128xf32, #tpu.memory_space<hbm>>, %arg5: memref<160xi32, #tpu.memory_space<vmem>>, %arg6: memref<160x128xf32, #tpu.memory_space<vmem>>, %arg7: memref<!tpu.dma_semaphore, #tpu.memory_space<semaphore_mem>>) attributes {dimension_semantics = [#tpu.dimension_semantics<core_parallel>, #tpu.dimension_semantics<subcore_parallel>], iteration_bounds = array<i64: 2, 16>, scalar_prefetch = 0 : i64, scratch_operands = 3 : i64, tpu.core_type = #tpu.core_type<sc_vector_subcore>, window_params = [{transform_indices = #map}, {transform_indices = #map1}, {transform_indices = #map}]} {
    %mul3A = arith.constant 2 : i32
    %mul3A_0 = arith.muli %arg1, %mul3A : i32
    %add3A = arith.addi %mul3A_0, %arg0 : i32
    %mul3A_1 = arith.constant 160 : i32
    %mul3A_2 = arith.muli %add3A, %mul3A_1 : i32
    "tpu.region"() ({
      %run_scoped3A = tpu.sem_alloc : memref<!tpu.dma_semaphore, #tpu.memory_space<semaphore_mem>>
      %dma_start3A_7 = tpu.memref_slice %arg3[%mul3A_2] : memref<5120xi32, #tpu.memory_space<hbm>> -> memref<160xi32, #tpu.memory_space<hbm>>
      %dma_start3A_8 = tpu.memref_slice %arg3[%mul3A_2] : memref<5120xi32, #tpu.memory_space<hbm>> -> memref<160xi32, #tpu.memory_space<hbm>>
      tpu.enqueue_dma source(%dma_start3A_8 : memref<160xi32, #tpu.memory_space<hbm>>) target(%arg5 : memref<160xi32, #tpu.memory_space<vmem>>) target_semaphore(%run_scoped3A : memref<!tpu.dma_semaphore, #tpu.memory_space<semaphore_mem>>)
      %dma_wait3A_9 = tpu.memref_slice %arg3[%mul3A_2] : memref<5120xi32, #tpu.memory_space<hbm>> -> memref<160xi32, #tpu.memory_space<hbm>>
      %dma_wait3A_10 = tpu.memref_slice %arg3[%mul3A_2] : memref<5120xi32, #tpu.memory_space<hbm>> -> memref<160xi32, #tpu.memory_space<hbm>>
      tpu.wait_dma2 semaphore(%run_scoped3A : memref<!tpu.dma_semaphore, #tpu.memory_space<semaphore_mem>>) src(%dma_wait3A_10 : memref<160xi32, #tpu.memory_space<hbm>>) dst(%arg5 : memref<160xi32, #tpu.memory_space<vmem>>)
      tpu.yield
    }) : () -> ()
    %dma_start3A = arith.constant 0 : i32
    %dma_start3A_3 = arith.constant 0 : i32
    %dma_start3A_4 = tpu.memref_slice %arg2[%dma_start3A, %dma_start3A_3] : memref<5000x128xf32, #tpu.memory_space<hbm>> -> memref<5000x128xf32, #tpu.memory_space<hbm>>
    tpu.enqueue_indirect_dma source(%dma_start3A_4 : memref<5000x128xf32, #tpu.memory_space<hbm>>) target(%arg6 : memref<160x128xf32, #tpu.memory_space<vmem>>) offsets(%arg5 : memref<160xi32, #tpu.memory_space<vmem>>) semaphore(%arg7 : memref<!tpu.dma_semaphore, #tpu.memory_space<semaphore_mem>>)
    %dma_wait3A = arith.constant 0 : i32
    %dma_wait3A_5 = arith.constant 0 : i32
    %dma_wait3A_6 = tpu.memref_slice %arg2[%dma_wait3A, %dma_wait3A_5] : memref<5000x128xf32, #tpu.memory_space<hbm>> -> memref<5000x128xf32, #tpu.memory_space<hbm>>
    tpu.wait_indirect_dma semaphore(%arg7 : memref<!tpu.dma_semaphore, #tpu.memory_space<semaphore_mem>>) src(%dma_wait3A_6 : memref<5000x128xf32, #tpu.memory_space<hbm>>) dst(%arg6 : memref<160x128xf32, #tpu.memory_space<vmem>>)
    "tpu.region"() ({
      %run_scoped3A = tpu.sem_alloc : memref<!tpu.dma_semaphore, #tpu.memory_space<semaphore_mem>>
      %dma_start3A_7 = arith.constant 0 : i32
      %dma_start3A_8 = tpu.memref_slice %arg4[%mul3A_2, %dma_start3A_7] : memref<5120x128xf32, #tpu.memory_space<hbm>> -> memref<160x128xf32, #tpu.memory_space<hbm>>
      %dma_start3A_9 = arith.constant 0 : i32
      %dma_start3A_10 = tpu.memref_slice %arg4[%mul3A_2, %dma_start3A_9] : memref<5120x128xf32, #tpu.memory_space<hbm>> -> memref<160x128xf32, #tpu.memory_space<hbm>>
      tpu.enqueue_dma source(%arg6 : memref<160x128xf32, #tpu.memory_space<vmem>>) target(%dma_start3A_10 : memref<160x128xf32, #tpu.memory_space<hbm>>) target_semaphore(%run_scoped3A : memref<!tpu.dma_semaphore, #tpu.memory_space<semaphore_mem>>)
      %dma_wait3A_11 = arith.constant 0 : i32
      %dma_wait3A_12 = tpu.memref_slice %arg4[%mul3A_2, %dma_wait3A_11] : memref<5120x128xf32, #tpu.memory_space<hbm>> -> memref<160x128xf32, #tpu.memory_space<hbm>>
      %dma_wait3A_13 = arith.constant 0 : i32
      %dma_wait3A_14 = tpu.memref_slice %arg4[%mul3A_2, %dma_wait3A_13] : memref<5120x128xf32, #tpu.memory_space<hbm>> -> memref<160x128xf32, #tpu.memory_space<hbm>>
      tpu.wait_dma2 semaphore(%run_scoped3A : memref<!tpu.dma_semaphore, #tpu.memory_space<semaphore_mem>>) src(%arg6 : memref<160x128xf32, #tpu.memory_space<vmem>>) dst(%dma_wait3A_14 : memref<160x128xf32, #tpu.memory_space<hbm>>)
      tpu.yield
    }) : () -> ()
    return
  }
}

module attributes {stable_mosaic.version = 14 : i64} {
  func.func @_nms_body(%arg0: memref<5120x4xf32, #tpu.memory_space<vmem>>, %arg1: memref<4x5120xf32, #tpu.memory_space<vmem>>, %arg2: memref<5000xf32, #tpu.memory_space<vmem>>, %arg3: memref<5000xf32, #tpu.memory_space<vmem>>, %arg4: memref<5000xf32, #tpu.memory_space<vmem>>, %arg5: memref<8x5120xf32, #tpu.memory_space<vmem>>) attributes {dimension_semantics = [], scalar_prefetch = 0 : i64, scratch_operands = 1 : i64, tpu.core_type = #tpu.core_type<tc>} {
    %iota3A = tpu.iota {dimensions = array<i32: 1>} : vector<8x5120xi32>
    %lt3A = arith.constant 5000 : i32
    %lt3A_0 = vector.broadcast %lt3A : i32 to vector<8x5120xi32>
    %lt3A_1 = arith.cmpi slt, %iota3A, %lt3A_0 : vector<8x5120xi32>
    %jit3A = arith.constant 1.000000e+00 : f32
    %jit3A_2 = arith.constant 0.000000e+00 : f32
    %broadcast_in_dim3A = vector.broadcast %jit3A : f32 to vector<8x5120xf32>
    %broadcast_in_dim3A_3 = vector.broadcast %jit3A_2 : f32 to vector<8x5120xf32>
    %select_n3A = arith.select %lt3A_1, %broadcast_in_dim3A, %broadcast_in_dim3A_3 : vector<8x5120xi1>, vector<8x5120xf32>
    %swap3A = arith.constant 0 : index
    %swap3A_4 = arith.constant 0 : index
    %swap3A_5 = vector.load %arg5[%swap3A, %swap3A_4] : memref<8x5120xf32, #tpu.memory_space<vmem>>, vector<8x5120xf32>
    tpu.vector_store %arg5[%swap3A, %swap3A_4], %select_n3A {strides = array<i32>} : memref<8x5120xf32, #tpu.memory_space<vmem>>, vector<8x5120xf32>,
    %iota3A_6 = tpu.iota {dimensions = array<i32: 0>} : vector<512x512xi32>
    %iota3A_7 = tpu.iota {dimensions = array<i32: 1>} : vector<512x512xi32>
    %gt3A = arith.cmpi sgt, %iota3A_7, %iota3A_6 : vector<512x512xi32>
    %get3A = arith.constant 0 : index
    %get3A_8 = arith.constant 2 : index
    %get3A_9 = vector.load %arg0[%get3A, %get3A_8] : memref<5120x4xf32, #tpu.memory_space<vmem>>, vector<5120x1xf32>
    %get3A_10 = arith.constant 0 : index
    %get3A_11 = arith.constant 0 : index
    %get3A_12 = vector.load %arg0[%get3A_10, %get3A_11] : memref<5120x4xf32, #tpu.memory_space<vmem>>, vector<5120x1xf32>
    %sub3A = arith.subf %get3A_9, %get3A_12 : vector<5120x1xf32>
    %get3A_13 = arith.constant 0 : index
    %get3A_14 = arith.constant 3 : index
    %get3A_15 = vector.load %arg0[%get3A_13, %get3A_14] : memref<5120x4xf32, #tpu.memory_space<vmem>>, vector<5120x1xf32>
    %get3A_16 = arith.constant 0 : index
    %get3A_17 = arith.constant 1 : index
    %get3A_18 = vector.load %arg0[%get3A_16, %get3A_17] : memref<5120x4xf32, #tpu.memory_space<vmem>>, vector<5120x1xf32>
    %sub3A_19 = arith.subf %get3A_15, %get3A_18 : vector<5120x1xf32>
    %mul3A = arith.mulf %sub3A, %sub3A_19 : vector<5120x1xf32>
    %get3A_20 = arith.constant 2 : index
    %get3A_21 = arith.constant 0 : index
    %get3A_22 = vector.load %arg1[%get3A_20, %get3A_21] : memref<4x5120xf32, #tpu.memory_space<vmem>>, vector<1x5120xf32>
    %get3A_23 = arith.constant 0 : index
    %get3A_24 = arith.constant 0 : index
    %get3A_25 = vector.load %arg1[%get3A_23, %get3A_24] : memref<4x5120xf32, #tpu.memory_space<vmem>>, vector<1x5120xf32>
    %sub3A_26 = arith.subf %get3A_22, %get3A_25 : vector<1x5120xf32>
    %get3A_27 = arith.constant 3 : index
    %get3A_28 = arith.constant 0 : index
    %get3A_29 = vector.load %arg1[%get3A_27, %get3A_28] : memref<4x5120xf32, #tpu.memory_space<vmem>>, vector<1x5120xf32>
    %get3A_30 = arith.constant 1 : index
    %get3A_31 = arith.constant 0 : index
    %get3A_32 = vector.load %arg1[%get3A_30, %get3A_31] : memref<4x5120xf32, #tpu.memory_space<vmem>>, vector<1x5120xf32>
    %sub3A_33 = arith.subf %get3A_29, %get3A_32 : vector<1x5120xf32>
    %mul3A_34 = arith.mulf %sub3A_26, %sub3A_33 : vector<1x5120xf32>
    %get3A_35 = arith.constant 0 : index
    %get3A_36 = arith.constant 0 : index
    %get3A_37 = vector.load %arg0[%get3A_35, %get3A_36] : memref<5120x4xf32, #tpu.memory_space<vmem>>, vector<512x1xf32>
    %get3A_38 = arith.constant 0 : index
    %get3A_39 = arith.constant 1 : index
    %get3A_40 = vector.load %arg0[%get3A_38, %get3A_39] : memref<5120x4xf32, #tpu.memory_space<vmem>>, vector<512x1xf32>
    %get3A_41 = arith.constant 0 : index
    %get3A_42 = arith.constant 2 : index
    %get3A_43 = vector.load %arg0[%get3A_41, %get3A_42] : memref<5120x4xf32, #tpu.memory_space<vmem>>, vector<512x1xf32>
    %get3A_44 = arith.constant 0 : index
    %get3A_45 = arith.constant 3 : index
    %get3A_46 = vector.load %arg0[%get3A_44, %get3A_45] : memref<5120x4xf32, #tpu.memory_space<vmem>>, vector<512x1xf32>
    %slice3A = vector.extract_strided_slice %mul3A {offsets = [0, 0], sizes = [512, 1], strides = [1, 1]} : vector<5120x1xf32> to vector<512x1xf32>
    %broadcast_in_dim3A_47 = vector.shape_cast %get3A_37 : vector<512x1xf32> to vector<512x1xf32>
    %broadcast_in_dim3A_48 = vector.broadcast %broadcast_in_dim3A_47 : vector<512x1xf32> to vector<512x512xf32>
    %broadcast_in_dim3A_49 = vector.shape_cast %get3A_40 : vector<512x1xf32> to vector<512x1xf32>
    %broadcast_in_dim3A_50 = vector.broadcast %broadcast_in_dim3A_49 : vector<512x1xf32> to vector<512x512xf32>
    %broadcast_in_dim3A_51 = vector.shape_cast %get3A_43 : vector<512x1xf32> to vector<512x1xf32>
    %broadcast_in_dim3A_52 = vector.broadcast %broadcast_in_dim3A_51 : vector<512x1xf32> to vector<512x512xf32>
    %broadcast_in_dim3A_53 = vector.shape_cast %get3A_46 : vector<512x1xf32> to vector<512x1xf32>
    %broadcast_in_dim3A_54 = vector.broadcast %broadcast_in_dim3A_53 : vector<512x1xf32> to vector<512x512xf32>
    %broadcast_in_dim3A_55 = vector.shape_cast %slice3A : vector<512x1xf32> to vector<512x1xf32>
    %broadcast_in_dim3A_56 = vector.broadcast %broadcast_in_dim3A_55 : vector<512x1xf32> to vector<512x512xf32>
    %get3A_57 = arith.constant 0 : index
    %get3A_58 = arith.constant 0 : index
    %get3A_59 = vector.load %arg1[%get3A_57, %get3A_58] : memref<4x5120xf32, #tpu.memory_space<vmem>>, vector<1x512xf32>
    %get3A_60 = arith.constant 1 : index
    %get3A_61 = arith.constant 0 : index
    %get3A_62 = vector.load %arg1[%get3A_60, %get3A_61] : memref<4x5120xf32, #tpu.memory_space<vmem>>, vector<1x512xf32>
    %get3A_63 = arith.constant 2 : index
    %get3A_64 = arith.constant 0 : index
    %get3A_65 = vector.load %arg1[%get3A_63, %get3A_64] : memref<4x5120xf32, #tpu.memory_space<vmem>>, vector<1x512xf32>
    %get3A_66 = arith.constant 3 : index
    %get3A_67 = arith.constant 0 : index
    %get3A_68 = vector.load %arg1[%get3A_66, %get3A_67] : memref<4x5120xf32, #tpu.memory_space<vmem>>, vector<1x512xf32>
    %slice3A_69 = vector.extract_strided_slice %mul3A_34 {offsets = [0, 0], sizes = [1, 512], strides = [1, 1]} : vector<1x5120xf32> to vector<1x512xf32>
    %max3A = vector.broadcast %get3A_59 : vector<1x512xf32> to vector<512x512xf32>
    %max3A_70 = arith.maximumf %broadcast_in_dim3A_48, %max3A : vector<512x512xf32>
    %max3A_71 = vector.broadcast %get3A_62 : vector<1x512xf32> to vector<512x512xf32>
    %max3A_72 = arith.maximumf %broadcast_in_dim3A_50, %max3A_71 : vector<512x512xf32>
    %min3A = vector.broadcast %get3A_65 : vector<1x512xf32> to vector<512x512xf32>
    %min3A_73 = arith.minimumf %broadcast_in_dim3A_52, %min3A : vector<512x512xf32>
    %min3A_74 = vector.broadcast %get3A_68 : vector<1x512xf32> to vector<512x512xf32>
    %min3A_75 = arith.minimumf %broadcast_in_dim3A_54, %min3A_74 : vector<512x512xf32>
    %sub3A_76 = arith.subf %min3A_73, %max3A_70 : vector<512x512xf32>
    %max3A_77 = arith.constant 0.000000e+00 : f32
    %max3A_78 = vector.broadcast %max3A_77 : f32 to vector<512x512xf32>
    %max3A_79 = arith.maximumf %sub3A_76, %max3A_78 : vector<512x512xf32>
    %sub3A_80 = arith.subf %min3A_75, %max3A_72 : vector<512x512xf32>
    %max3A_81 = arith.constant 0.000000e+00 : f32
    %max3A_82 = vector.broadcast %max3A_81 : f32 to vector<512x512xf32>
    %max3A_83 = arith.maximumf %sub3A_80, %max3A_82 : vector<512x512xf32>
    %mul3A_84 = arith.mulf %max3A_79, %max3A_83 : vector<512x512xf32>
    %add3A = vector.broadcast %slice3A_69 : vector<1x512xf32> to vector<512x512xf32>
    %add3A_85 = arith.addf %broadcast_in_dim3A_56, %add3A : vector<512x512xf32>
    %sub3A_86 = arith.subf %add3A_85, %mul3A_84 : vector<512x512xf32>
    %add3A_87 = arith.constant 9.99999971E-10 : f32
    %add3A_88 = vector.broadcast %add3A_87 : f32 to vector<512x512xf32>
    %add3A_89 = arith.addf %sub3A_86, %add3A_88 : vector<512x512xf32>
    %div3A = arith.divf %mul3A_84, %add3A_89 : vector<512x512xf32>
    %gt3A_90 = arith.constant 5.000000e-01 : f32
    %gt3A_91 = vector.broadcast %gt3A_90 : f32 to vector<512x512xf32>
    %gt3A_92 = arith.cmpf ogt, %div3A, %gt3A_91 : vector<512x512xf32>
    %and3A = arith.andi %gt3A_92, %gt3A : vector<512x512xi1>
    %jit3A_93 = arith.constant 1.000000e+00 : f32
    %jit3A_94 = arith.constant 0.000000e+00 : f32
    %broadcast_in_dim3A_95 = vector.broadcast %jit3A_93 : f32 to vector<512x512xf32>
    %broadcast_in_dim3A_96 = vector.broadcast %jit3A_94 : f32 to vector<512x512xf32>
    %select_n3A_97 = arith.select %and3A, %broadcast_in_dim3A_95, %broadcast_in_dim3A_96 : vector<512x512xi1>, vector<512x512xf32>
    %get3A_98 = arith.constant 0 : index
    %get3A_99 = arith.constant 0 : index
    %get3A_100 = vector.load %arg5[%get3A_98, %get3A_99] : memref<8x5120xf32, #tpu.memory_space<vmem>>, vector<8x512xf32>
    %while3A = arith.constant true
    %while3A_101:2 = scf.while (%while3A_3462 = %get3A_100, %while3A_3463 = %while3A) : (vector<8x512xf32>, i1) -> (vector<8x512xf32>, i1) {
      scf.condition(%while3A_3463) %while3A_3462, %while3A_3463 : vector<8x512xf32>, i1
    } do {
    ^bb0(%while3A_3462: vector<8x512xf32>, %while3A_3463: i1):
      %dot_general3A_3464 = arith.constant dense<0.000000e+00> : vector<8x512xf32>
      %dot_general3A_3465 = tpu.matmul %while3A_3462, %select_n3A_97, %dot_general3A_3464 {dimension_numbers = #tpu.dot_dimension_numbers<[1], [0], [0], [1], [0, 0, 1, 1], [], []>, transpose_lhs_hint = false} : vector<8x512xf32>, vector<512x512xf32>, vector<8x512xf32> -> vector<8x512xf32>
      %gt3A_3466 = arith.constant 5.000000e-01 : f32
      %gt3A_3467 = vector.broadcast %gt3A_3466 : f32 to vector<8x512xf32>
      %gt3A_3468 = arith.cmpf ogt, %dot_general3A_3465, %gt3A_3467 : vector<8x512xf32>
      %jit3A_3469 = arith.constant 0.000000e+00 : f32
      %broadcast_in_dim3A_3470 = vector.broadcast %jit3A_3469 : f32 to vector<8x512xf32>
      %select_n3A_3471 = arith.select %gt3A_3468, %broadcast_in_dim3A_3470, %get3A_100 : vector<8x512xi1>, vector<8x512xf32>
      %dot_general3A_3472 = arith.constant dense<0.000000e+00> : vector<8x512xf32>
      %dot_general3A_3473 = tpu.matmul %select_n3A_3471, %select_n3A_97, %dot_general3A_3472 {dimension_numbers = #tpu.dot_dimension_numbers<[1], [0], [0], [1], [0, 0, 1, 1], [], []>, transpose_lhs_hint = false} : vector<8x512xf32>, vector<512x512xf32>, vector<8x512xf32> -> vector<8x512xf32>
      %gt3A_3474 = arith.constant 5.000000e-01 : f32
      %gt3A_3475 = vector.broadcast %gt3A_3474 : f32 to vector<8x512xf32>
      %gt3A_3476 = arith.cmpf ogt, %dot_general3A_3473, %gt3A_3475 : vector<8x512xf32>
      %jit3A_3477 = arith.constant 0.000000e+00 : f32
      %broadcast_in_dim3A_3478 = vector.broadcast %jit3A_3477 : f32 to vector<8x512xf32>
      %select_n3A_3479 = arith.select %gt3A_3476, %broadcast_in_dim3A_3478, %get3A_100 : vector<8x512xi1>, vector<8x512xf32>
      %slice3A_3480 = vector.extract_strided_slice %select_n3A_3479 {offsets = [0, 0], sizes = [1, 512], strides = [1, 1]} : vector<8x512xf32> to vector<1x512xf32>
      %slice3A_3481 = vector.extract_strided_slice %select_n3A_3471 {offsets = [0, 0], sizes = [1, 512], strides = [1, 1]} : vector<8x512xf32> to vector<1x512xf32>
      %ne3A = arith.cmpf one, %slice3A_3480, %slice3A_3481 : vector<1x512xf32>
      %reduce_or3A = arith.constant 1.000000e+00 : f32
      %reduce_or3A_3482 = arith.constant 0.000000e+00 : f32
      %reduce_or3A_3483 = vector.broadcast %reduce_or3A : f32 to vector<1x512xf32>
      %reduce_or3A_3484 = vector.broadcast %reduce_or3A_3482 : f32 to vector<1x512xf32>
      %reduce_or3A_3485 = arith.select %ne3A, %reduce_or3A_3483, %reduce_or3A_3484 : vector<1x512xi1>, vector<1x512xf32>
      %reduce_or3A_3486 = vector.shape_cast %reduce_or3A_3485 : vector<1x512xf32> to vector<1x1x512xf32>
      %reduce_or3A_3487 = arith.constant dense<0xFF800000> : vector<1xf32>
      %reduce_or3A_3488 = vector.multi_reduction <maximumf>, %reduce_or3A_3486, %reduce_or3A_3487 [1, 2] : vector<1x1x512xf32> to vector<1xf32>
      %reduce_or3A_3489 = vector.shape_cast %reduce_or3A_3488 : vector<1xf32> to vector<1x1x1xf32>
      %reduce_or3A_3490 = vector.extract %reduce_or3A_3489[0, 0, 0] : f32 from vector<1x1x1xf32>
      %reduce_or3A_3491 = arith.constant 0.000000e+00 : f32
      %reduce_or3A_3492 = arith.cmpf ogt, %reduce_or3A_3490, %reduce_or3A_3491 : f32
      scf.yield %select_n3A_3479, %reduce_or3A_3492 : vector<8x512xf32>, i1
    }
    %swap3A_102 = arith.constant 0 : index
    %swap3A_103 = arith.constant 0 : index
    %swap3A_104 = vector.load %arg5[%swap3A_102, %swap3A_103] : memref<8x5120xf32, #tpu.memory_space<vmem>>, vector<8x512xf32>
    tpu.vector_store %arg5[%swap3A_102, %swap3A_103], %while3A_101#0 {strides = array<i32>} : memref<8x5120xf32, #tpu.memory_space<vmem>>, vector<8x512xf32>,
    %get3A_105 = arith.constant 0 : index
    %get3A_106 = arith.constant 512 : index
    %get3A_107 = vector.load %arg1[%get3A_105, %get3A_106] : memref<4x5120xf32, #tpu.memory_space<vmem>>, vector<1x512xf32>
    %get3A_108 = arith.constant 1 : index
    %get3A_109 = arith.constant 512 : index
    %get3A_110 = vector.load %arg1[%get3A_108, %get3A_109] : memref<4x5120xf32, #tpu.memory_space<vmem>>, vector<1x512xf32>
    %get3A_111 = arith.constant 2 : index
    %get3A_112 = arith.constant 512 : index
    %get3A_113 = vector.load %arg1[%get3A_111, %get3A_112] : memref<4x5120xf32, #tpu.memory_space<vmem>>, vector<1x512xf32>
    %get3A_114 = arith.constant 3 : index
    %get3A_115 = arith.constant 512 : index
    %get3A_116 = vector.load %arg1[%get3A_114, %get3A_115] : memref<4x5120xf32, #tpu.memory_space<vmem>>, vector<1x512xf32>
    %slice3A_117 = vector.extract_strided_slice %mul3A_34 {offsets = [0, 512], sizes = [1, 512], strides = [1, 1]} : vector<1x5120xf32> to vector<1x512xf32>
    %max3A_118 = vector.broadcast %get3A_107 : vector<1x512xf32> to vector<512x512xf32>
    %max3A_119 = arith.maximumf %broadcast_in_dim3A_48, %max3A_118 : vector<512x512xf32>
    %max3A_120 = vector.broadcast %get3A_110 : vector<1x512xf32> to vector<512x512xf32>
    %max3A_121 = arith.maximumf %broadcast_in_dim3A_50, %max3A_120 : vector<512x512xf32>
    %min3A_122 = vector.broadcast %get3A_113 : vector<1x512xf32> to vector<512x512xf32>
    %min3A_123 = arith.minimumf %broadcast_in_dim3A_52, %min3A_122 : vector<512x512xf32>
    %min3A_124 = vector.broadcast %get3A_116 : vector<1x512xf32> to vector<512x512xf32>
    %min3A_125 = arith.minimumf %broadcast_in_dim3A_54, %min3A_124 : vector<512x512xf32>
    %sub3A_126 = arith.subf %min3A_123, %max3A_119 : vector<512x512xf32>
    %max3A_127 = arith.constant 0.000000e+00 : f32
    %max3A_128 = vector.broadcast %max3A_127 : f32 to vector<512x512xf32>
    %max3A_129 = arith.maximumf %sub3A_126, %max3A_128 : vector<512x512xf32>
    %sub3A_130 = arith.subf %min3A_125, %max3A_121 : vector<512x512xf32>
    %max3A_131 = arith.constant 0.000000e+00 : f32
    %max3A_132 = vector.broadcast %max3A_131 : f32 to vector<512x512xf32>
    %max3A_133 = arith.maximumf %sub3A_130, %max3A_132 : vector<512x512xf32>
    %mul3A_134 = arith.mulf %max3A_129, %max3A_133 : vector<512x512xf32>
    %add3A_135 = vector.broadcast %slice3A_117 : vector<1x512xf32> to vector<512x512xf32>
    %add3A_136 = arith.addf %broadcast_in_dim3A_56, %add3A_135 : vector<512x512xf32>
    %sub3A_137 = arith.subf %add3A_136, %mul3A_134 : vector<512x512xf32>
    %add3A_138 = arith.constant 9.99999971E-10 : f32
    %add3A_139 = vector.broadcast %add3A_138 : f32 to vector<512x512xf32>
    %add3A_140 = arith.addf %sub3A_137, %add3A_139 : vector<512x512xf32>
    %div3A_141 = arith.divf %mul3A_134, %add3A_140 : vector<512x512xf32>
    %gt3A_142 = arith.constant 5.000000e-01 : f32
    %gt3A_143 = vector.broadcast %gt3A_142 : f32 to vector<512x512xf32>
    %gt3A_144 = arith.cmpf ogt, %div3A_141, %gt3A_143 : vector<512x512xf32>
    %jit3A_145 = arith.constant 1.000000e+00 : f32
    %jit3A_146 = arith.constant 0.000000e+00 : f32
    %broadcast_in_dim3A_147 = vector.broadcast %jit3A_145 : f32 to vector<512x512xf32>
    %broadcast_in_dim3A_148 = vector.broadcast %jit3A_146 : f32 to vector<512x512xf32>
    %select_n3A_149 = arith.select %gt3A_144, %broadcast_in_dim3A_147, %broadcast_in_dim3A_148 : vector<512x512xi1>, vector<512x512xf32>
    %dot_general3A = arith.constant dense<0.000000e+00> : vector<8x512xf32>
    %dot_general3A_150 = tpu.matmul %while3A_101#0, %select_n3A_149, %dot_general3A {dimension_numbers = #tpu.dot_dimension_numbers<[1], [0], [0], [1], [0, 0, 1, 1], [], []>, transpose_lhs_hint = false} : vector<8x512xf32>, vector<512x512xf32>, vector<8x512xf32> -> vector<8x512xf32>
    %gt3A_151 = arith.constant 5.000000e-01 : f32
    %gt3A_152 = vector.broadcast %gt3A_151 : f32 to vector<8x512xf32>
    %gt3A_153 = arith.cmpf ogt, %dot_general3A_150, %gt3A_152 : vector<8x512xf32>
    %get3A_154 = arith.constant 0 : index
    %get3A_155 = arith.constant 512 : index
    %get3A_156 = vector.load %arg5[%get3A_154, %get3A_155] : memref<8x5120xf32, #tpu.memory_space<vmem>>, vector<8x512xf32>
    %jit3A_157 = arith.constant 0.000000e+00 : f32
    %broadcast_in_dim3A_158 = vector.broadcast %jit3A_157 : f32 to vector<8x512xf32>
    %select_n3A_159 = arith.select %gt3A_153, %broadcast_in_dim3A_158, %get3A_156 : vector<8x512xi1>, vector<8x512xf32>
    %swap3A_160 = arith.constant 0 : index
    %swap3A_161 = arith.constant 512 : index
    %swap3A_162 = vector.load %arg5[%swap3A_160, %swap3A_161] : memref<8x5120xf32, #tpu.memory_space<vmem>>, vector<8x512xf32>
    tpu.vector_store %arg5[%swap3A_160, %swap3A_161], %select_n3A_159 {strides = array<i32>} : memref<8x5120xf32, #tpu.memory_space<vmem>>, vector<8x512xf32>,
    %get3A_163 = arith.constant 0 : index
    %get3A_164 = arith.constant 1024 : index
    %get3A_165 = vector.load %arg1[%get3A_163, %get3A_164] : memref<4x5120xf32, #tpu.memory_space<vmem>>, vector<1x512xf32>
    %get3A_166 = arith.constant 1 : index
    %get3A_167 = arith.constant 1024 : index
    %get3A_168 = vector.load %arg1[%get3A_166, %get3A_167] : memref<4x5120xf32, #tpu.memory_space<vmem>>, vector<1x512xf32>
    %get3A_169 = arith.constant 2 : index
    %get3A_170 = arith.constant 1024 : index
    %get3A_171 = vector.load %arg1[%get3A_169, %get3A_170] : memref<4x5120xf32, #tpu.memory_space<vmem>>, vector<1x512xf32>
    %get3A_172 = arith.constant 3 : index
    %get3A_173 = arith.constant 1024 : index
    %get3A_174 = vector.load %arg1[%get3A_172, %get3A_173] : memref<4x5120xf32, #tpu.memory_space<vmem>>, vector<1x512xf32>
    %slice3A_175 = vector.extract_strided_slice %mul3A_34 {offsets = [0, 1024], sizes = [1, 512], strides = [1, 1]} : vector<1x5120xf32> to vector<1x512xf32>
    %max3A_176 = vector.broadcast %get3A_165 : vector<1x512xf32> to vector<512x512xf32>
    %max3A_177 = arith.maximumf %broadcast_in_dim3A_48, %max3A_176 : vector<512x512xf32>
    %max3A_178 = vector.broadcast %get3A_168 : vector<1x512xf32> to vector<512x512xf32>
    %max3A_179 = arith.maximumf %broadcast_in_dim3A_50, %max3A_178 : vector<512x512xf32>
    %min3A_180 = vector.broadcast %get3A_171 : vector<1x512xf32> to vector<512x512xf32>
    %min3A_181 = arith.minimumf %broadcast_in_dim3A_52, %min3A_180 : vector<512x512xf32>
    %min3A_182 = vector.broadcast %get3A_174 : vector<1x512xf32> to vector<512x512xf32>
    %min3A_183 = arith.minimumf %broadcast_in_dim3A_54, %min3A_182 : vector<512x512xf32>
    %sub3A_184 = arith.subf %min3A_181, %max3A_177 : vector<512x512xf32>
    %max3A_185 = arith.constant 0.000000e+00 : f32
    %max3A_186 = vector.broadcast %max3A_185 : f32 to vector<512x512xf32>
    %max3A_187 = arith.maximumf %sub3A_184, %max3A_186 : vector<512x512xf32>
    %sub3A_188 = arith.subf %min3A_183, %max3A_179 : vector<512x512xf32>
    %max3A_189 = arith.constant 0.000000e+00 : f32
    %max3A_190 = vector.broadcast %max3A_189 : f32 to vector<512x512xf32>
    %max3A_191 = arith.maximumf %sub3A_188, %max3A_190 : vector<512x512xf32>
    %mul3A_192 = arith.mulf %max3A_187, %max3A_191 : vector<512x512xf32>
    %add3A_193 = vector.broadcast %slice3A_175 : vector<1x512xf32> to vector<512x512xf32>
    %add3A_194 = arith.addf %broadcast_in_dim3A_56, %add3A_193 : vector<512x512xf32>
    %sub3A_195 = arith.subf %add3A_194, %mul3A_192 : vector<512x512xf32>
    %add3A_196 = arith.constant 9.99999971E-10 : f32
    %add3A_197 = vector.broadcast %add3A_196 : f32 to vector<512x512xf32>
    %add3A_198 = arith.addf %sub3A_195, %add3A_197 : vector<512x512xf32>
    %div3A_199 = arith.divf %mul3A_192, %add3A_198 : vector<512x512xf32>
    %gt3A_200 = arith.constant 5.000000e-01 : f32
    %gt3A_201 = vector.broadcast %gt3A_200 : f32 to vector<512x512xf32>
    %gt3A_202 = arith.cmpf ogt, %div3A_199, %gt3A_201 : vector<512x512xf32>
    %jit3A_203 = arith.constant 1.000000e+00 : f32
    %jit3A_204 = arith.constant 0.000000e+00 : f32
    %broadcast_in_dim3A_205 = vector.broadcast %jit3A_203 : f32 to vector<512x512xf32>
    %broadcast_in_dim3A_206 = vector.broadcast %jit3A_204 : f32 to vector<512x512xf32>
    %select_n3A_207 = arith.select %gt3A_202, %broadcast_in_dim3A_205, %broadcast_in_dim3A_206 : vector<512x512xi1>, vector<512x512xf32>
    %dot_general3A_208 = arith.constant dense<0.000000e+00> : vector<8x512xf32>
    %dot_general3A_209 = tpu.matmul %while3A_101#0, %select_n3A_207, %dot_general3A_208 {dimension_numbers = #tpu.dot_dimension_numbers<[1], [0], [0], [1], [0, 0, 1, 1], [], []>, transpose_lhs_hint = false} : vector<8x512xf32>, vector<512x512xf32>, vector<8x512xf32> -> vector<8x512xf32>
    %gt3A_210 = arith.constant 5.000000e-01 : f32
    %gt3A_211 = vector.broadcast %gt3A_210 : f32 to vector<8x512xf32>
    %gt3A_212 = arith.cmpf ogt, %dot_general3A_209, %gt3A_211 : vector<8x512xf32>
    %get3A_213 = arith.constant 0 : index
    %get3A_214 = arith.constant 1024 : index
    %get3A_215 = vector.load %arg5[%get3A_213, %get3A_214] : memref<8x5120xf32, #tpu.memory_space<vmem>>, vector<8x512xf32>
    %jit3A_216 = arith.constant 0.000000e+00 : f32
    %broadcast_in_dim3A_217 = vector.broadcast %jit3A_216 : f32 to vector<8x512xf32>
    %select_n3A_218 = arith.select %gt3A_212, %broadcast_in_dim3A_217, %get3A_215 : vector<8x512xi1>, vector<8x512xf32>
    %swap3A_219 = arith.constant 0 : index
    %swap3A_220 = arith.constant 1024 : index
    %swap3A_221 = vector.load %arg5[%swap3A_219, %swap3A_220] : memref<8x5120xf32, #tpu.memory_space<vmem>>, vector<8x512xf32>
    tpu.vector_store %arg5[%swap3A_219, %swap3A_220], %select_n3A_218 {strides = array<i32>} : memref<8x5120xf32, #tpu.memory_space<vmem>>, vector<8x512xf32>,
    %get3A_222 = arith.constant 0 : index
    %get3A_223 = arith.constant 1536 : index
    %get3A_224 = vector.load %arg1[%get3A_222, %get3A_223] : memref<4x5120xf32, #tpu.memory_space<vmem>>, vector<1x512xf32>
    %get3A_225 = arith.constant 1 : index
    %get3A_226 = arith.constant 1536 : index
    %get3A_227 = vector.load %arg1[%get3A_225, %get3A_226] : memref<4x5120xf32, #tpu.memory_space<vmem>>, vector<1x512xf32>
    %get3A_228 = arith.constant 2 : index
    %get3A_229 = arith.constant 1536 : index
    %get3A_230 = vector.load %arg1[%get3A_228, %get3A_229] : memref<4x5120xf32, #tpu.memory_space<vmem>>, vector<1x512xf32>
    %get3A_231 = arith.constant 3 : index
    %get3A_232 = arith.constant 1536 : index
    %get3A_233 = vector.load %arg1[%get3A_231, %get3A_232] : memref<4x5120xf32, #tpu.memory_space<vmem>>, vector<1x512xf32>
    %slice3A_234 = vector.extract_strided_slice %mul3A_34 {offsets = [0, 1536], sizes = [1, 512], strides = [1, 1]} : vector<1x5120xf32> to vector<1x512xf32>
    %max3A_235 = vector.broadcast %get3A_224 : vector<1x512xf32> to vector<512x512xf32>
    %max3A_236 = arith.maximumf %broadcast_in_dim3A_48, %max3A_235 : vector<512x512xf32>
    %max3A_237 = vector.broadcast %get3A_227 : vector<1x512xf32> to vector<512x512xf32>
    %max3A_238 = arith.maximumf %broadcast_in_dim3A_50, %max3A_237 : vector<512x512xf32>
    %min3A_239 = vector.broadcast %get3A_230 : vector<1x512xf32> to vector<512x512xf32>
    %min3A_240 = arith.minimumf %broadcast_in_dim3A_52, %min3A_239 : vector<512x512xf32>
    %min3A_241 = vector.broadcast %get3A_233 : vector<1x512xf32> to vector<512x512xf32>
    %min3A_242 = arith.minimumf %broadcast_in_dim3A_54, %min3A_241 : vector<512x512xf32>
    %sub3A_243 = arith.subf %min3A_240, %max3A_236 : vector<512x512xf32>
    %max3A_244 = arith.constant 0.000000e+00 : f32
    %max3A_245 = vector.broadcast %max3A_244 : f32 to vector<512x512xf32>
    %max3A_246 = arith.maximumf %sub3A_243, %max3A_245 : vector<512x512xf32>
    %sub3A_247 = arith.subf %min3A_242, %max3A_238 : vector<512x512xf32>
    %max3A_248 = arith.constant 0.000000e+00 : f32
    %max3A_249 = vector.broadcast %max3A_248 : f32 to vector<512x512xf32>
    %max3A_250 = arith.maximumf %sub3A_247, %max3A_249 : vector<512x512xf32>
    %mul3A_251 = arith.mulf %max3A_246, %max3A_250 : vector<512x512xf32>
    %add3A_252 = vector.broadcast %slice3A_234 : vector<1x512xf32> to vector<512x512xf32>
    %add3A_253 = arith.addf %broadcast_in_dim3A_56, %add3A_252 : vector<512x512xf32>
    %sub3A_254 = arith.subf %add3A_253, %mul3A_251 : vector<512x512xf32>
    %add3A_255 = arith.constant 9.99999971E-10 : f32
    %add3A_256 = vector.broadcast %add3A_255 : f32 to vector<512x512xf32>
    %add3A_257 = arith.addf %sub3A_254, %add3A_256 : vector<512x512xf32>
    %div3A_258 = arith.divf %mul3A_251, %add3A_257 : vector<512x512xf32>
    %gt3A_259 = arith.constant 5.000000e-01 : f32
    %gt3A_260 = vector.broadcast %gt3A_259 : f32 to vector<512x512xf32>
    %gt3A_261 = arith.cmpf ogt, %div3A_258, %gt3A_260 : vector<512x512xf32>
    %jit3A_262 = arith.constant 1.000000e+00 : f32
    %jit3A_263 = arith.constant 0.000000e+00 : f32
    %broadcast_in_dim3A_264 = vector.broadcast %jit3A_262 : f32 to vector<512x512xf32>
    %broadcast_in_dim3A_265 = vector.broadcast %jit3A_263 : f32 to vector<512x512xf32>
    %select_n3A_266 = arith.select %gt3A_261, %broadcast_in_dim3A_264, %broadcast_in_dim3A_265 : vector<512x512xi1>, vector<512x512xf32>
    %dot_general3A_267 = arith.constant dense<0.000000e+00> : vector<8x512xf32>
    %dot_general3A_268 = tpu.matmul %while3A_101#0, %select_n3A_266, %dot_general3A_267 {dimension_numbers = #tpu.dot_dimension_numbers<[1], [0], [0], [1], [0, 0, 1, 1], [], []>, transpose_lhs_hint = false} : vector<8x512xf32>, vector<512x512xf32>, vector<8x512xf32> -> vector<8x512xf32>
    %gt3A_269 = arith.constant 5.000000e-01 : f32
    %gt3A_270 = vector.broadcast %gt3A_269 : f32 to vector<8x512xf32>
    %gt3A_271 = arith.cmpf ogt, %dot_general3A_268, %gt3A_270 : vector<8x512xf32>
    %get3A_272 = arith.constant 0 : index
    %get3A_273 = arith.constant 1536 : index
    %get3A_274 = vector.load %arg5[%get3A_272, %get3A_273] : memref<8x5120xf32, #tpu.memory_space<vmem>>, vector<8x512xf32>
    %jit3A_275 = arith.constant 0.000000e+00 : f32
    %broadcast_in_dim3A_276 = vector.broadcast %jit3A_275 : f32 to vector<8x512xf32>
    %select_n3A_277 = arith.select %gt3A_271, %broadcast_in_dim3A_276, %get3A_274 : vector<8x512xi1>, vector<8x512xf32>
    %swap3A_278 = arith.constant 0 : index
    %swap3A_279 = arith.constant 1536 : index
    %swap3A_280 = vector.load %arg5[%swap3A_278, %swap3A_279] : memref<8x5120xf32, #tpu.memory_space<vmem>>, vector<8x512xf32>
    tpu.vector_store %arg5[%swap3A_278, %swap3A_279], %select_n3A_277 {strides = array<i32>} : memref<8x5120xf32, #tpu.memory_space<vmem>>, vector<8x512xf32>,
    %get3A_281 = arith.constant 0 : index
    %get3A_282 = arith.constant 2048 : index
    %get3A_283 = vector.load %arg1[%get3A_281, %get3A_282] : memref<4x5120xf32, #tpu.memory_space<vmem>>, vector<1x512xf32>
    %get3A_284 = arith.constant 1 : index
    %get3A_285 = arith.constant 2048 : index
    %get3A_286 = vector.load %arg1[%get3A_284, %get3A_285] : memref<4x5120xf32, #tpu.memory_space<vmem>>, vector<1x512xf32>
    %get3A_287 = arith.constant 2 : index
    %get3A_288 = arith.constant 2048 : index
    %get3A_289 = vector.load %arg1[%get3A_287, %get3A_288] : memref<4x5120xf32, #tpu.memory_space<vmem>>, vector<1x512xf32>
    %get3A_290 = arith.constant 3 : index
    %get3A_291 = arith.constant 2048 : index
    %get3A_292 = vector.load %arg1[%get3A_290, %get3A_291] : memref<4x5120xf32, #tpu.memory_space<vmem>>, vector<1x512xf32>
    %slice3A_293 = vector.extract_strided_slice %mul3A_34 {offsets = [0, 2048], sizes = [1, 512], strides = [1, 1]} : vector<1x5120xf32> to vector<1x512xf32>
    %max3A_294 = vector.broadcast %get3A_283 : vector<1x512xf32> to vector<512x512xf32>
    %max3A_295 = arith.maximumf %broadcast_in_dim3A_48, %max3A_294 : vector<512x512xf32>
    %max3A_296 = vector.broadcast %get3A_286 : vector<1x512xf32> to vector<512x512xf32>
    %max3A_297 = arith.maximumf %broadcast_in_dim3A_50, %max3A_296 : vector<512x512xf32>
    %min3A_298 = vector.broadcast %get3A_289 : vector<1x512xf32> to vector<512x512xf32>
    %min3A_299 = arith.minimumf %broadcast_in_dim3A_52, %min3A_298 : vector<512x512xf32>
    %min3A_300 = vector.broadcast %get3A_292 : vector<1x512xf32> to vector<512x512xf32>
    %min3A_301 = arith.minimumf %broadcast_in_dim3A_54, %min3A_300 : vector<512x512xf32>
    %sub3A_302 = arith.subf %min3A_299, %max3A_295 : vector<512x512xf32>
    %max3A_303 = arith.constant 0.000000e+00 : f32
    %max3A_304 = vector.broadcast %max3A_303 : f32 to vector<512x512xf32>
    %max3A_305 = arith.maximumf %sub3A_302, %max3A_304 : vector<512x512xf32>
    %sub3A_306 = arith.subf %min3A_301, %max3A_297 : vector<512x512xf32>
    %max3A_307 = arith.constant 0.000000e+00 : f32
    %max3A_308 = vector.broadcast %max3A_307 : f32 to vector<512x512xf32>
    %max3A_309 = arith.maximumf %sub3A_306, %max3A_308 : vector<512x512xf32>
    %mul3A_310 = arith.mulf %max3A_305, %max3A_309 : vector<512x512xf32>
    %add3A_311 = vector.broadcast %slice3A_293 : vector<1x512xf32> to vector<512x512xf32>
    %add3A_312 = arith.addf %broadcast_in_dim3A_56, %add3A_311 : vector<512x512xf32>
    %sub3A_313 = arith.subf %add3A_312, %mul3A_310 : vector<512x512xf32>
    %add3A_314 = arith.constant 9.99999971E-10 : f32
    %add3A_315 = vector.broadcast %add3A_314 : f32 to vector<512x512xf32>
    %add3A_316 = arith.addf %sub3A_313, %add3A_315 : vector<512x512xf32>
    %div3A_317 = arith.divf %mul3A_310, %add3A_316 : vector<512x512xf32>
    %gt3A_318 = arith.constant 5.000000e-01 : f32
    %gt3A_319 = vector.broadcast %gt3A_318 : f32 to vector<512x512xf32>
    %gt3A_320 = arith.cmpf ogt, %div3A_317, %gt3A_319 : vector<512x512xf32>
    %jit3A_321 = arith.constant 1.000000e+00 : f32
    %jit3A_322 = arith.constant 0.000000e+00 : f32
    %broadcast_in_dim3A_323 = vector.broadcast %jit3A_321 : f32 to vector<512x512xf32>
    %broadcast_in_dim3A_324 = vector.broadcast %jit3A_322 : f32 to vector<512x512xf32>
    %select_n3A_325 = arith.select %gt3A_320, %broadcast_in_dim3A_323, %broadcast_in_dim3A_324 : vector<512x512xi1>, vector<512x512xf32>
    %dot_general3A_326 = arith.constant dense<0.000000e+00> : vector<8x512xf32>
    %dot_general3A_327 = tpu.matmul %while3A_101#0, %select_n3A_325, %dot_general3A_326 {dimension_numbers = #tpu.dot_dimension_numbers<[1], [0], [0], [1], [0, 0, 1, 1], [], []>, transpose_lhs_hint = false} : vector<8x512xf32>, vector<512x512xf32>, vector<8x512xf32> -> vector<8x512xf32>
    %gt3A_328 = arith.constant 5.000000e-01 : f32
    %gt3A_329 = vector.broadcast %gt3A_328 : f32 to vector<8x512xf32>
    %gt3A_330 = arith.cmpf ogt, %dot_general3A_327, %gt3A_329 : vector<8x512xf32>
    %get3A_331 = arith.constant 0 : index
    %get3A_332 = arith.constant 2048 : index
    %get3A_333 = vector.load %arg5[%get3A_331, %get3A_332] : memref<8x5120xf32, #tpu.memory_space<vmem>>, vector<8x512xf32>
    %jit3A_334 = arith.constant 0.000000e+00 : f32
    %broadcast_in_dim3A_335 = vector.broadcast %jit3A_334 : f32 to vector<8x512xf32>
    %select_n3A_336 = arith.select %gt3A_330, %broadcast_in_dim3A_335, %get3A_333 : vector<8x512xi1>, vector<8x512xf32>
    %swap3A_337 = arith.constant 0 : index
    %swap3A_338 = arith.constant 2048 : index
    %swap3A_339 = vector.load %arg5[%swap3A_337, %swap3A_338] : memref<8x5120xf32, #tpu.memory_space<vmem>>, vector<8x512xf32>
    tpu.vector_store %arg5[%swap3A_337, %swap3A_338], %select_n3A_336 {strides = array<i32>} : memref<8x5120xf32, #tpu.memory_space<vmem>>, vector<8x512xf32>,
    %get3A_340 = arith.constant 0 : index
    %get3A_341 = arith.constant 2560 : index
    %get3A_342 = vector.load %arg1[%get3A_340, %get3A_341] : memref<4x5120xf32, #tpu.memory_space<vmem>>, vector<1x512xf32>
    %get3A_343 = arith.constant 1 : index
    %get3A_344 = arith.constant 2560 : index
    %get3A_345 = vector.load %arg1[%get3A_343, %get3A_344] : memref<4x5120xf32, #tpu.memory_space<vmem>>, vector<1x512xf32>
    %get3A_346 = arith.constant 2 : index
    %get3A_347 = arith.constant 2560 : index
    %get3A_348 = vector.load %arg1[%get3A_346, %get3A_347] : memref<4x5120xf32, #tpu.memory_space<vmem>>, vector<1x512xf32>
    %get3A_349 = arith.constant 3 : index
    %get3A_350 = arith.constant 2560 : index
    %get3A_351 = vector.load %arg1[%get3A_349, %get3A_350] : memref<4x5120xf32, #tpu.memory_space<vmem>>, vector<1x512xf32>
    %slice3A_352 = vector.extract_strided_slice %mul3A_34 {offsets = [0, 2560], sizes = [1, 512], strides = [1, 1]} : vector<1x5120xf32> to vector<1x512xf32>
    %max3A_353 = vector.broadcast %get3A_342 : vector<1x512xf32> to vector<512x512xf32>
    %max3A_354 = arith.maximumf %broadcast_in_dim3A_48, %max3A_353 : vector<512x512xf32>
    %max3A_355 = vector.broadcast %get3A_345 : vector<1x512xf32> to vector<512x512xf32>
    %max3A_356 = arith.maximumf %broadcast_in_dim3A_50, %max3A_355 : vector<512x512xf32>
    %min3A_357 = vector.broadcast %get3A_348 : vector<1x512xf32> to vector<512x512xf32>
    %min3A_358 = arith.minimumf %broadcast_in_dim3A_52, %min3A_357 : vector<512x512xf32>
    %min3A_359 = vector.broadcast %get3A_351 : vector<1x512xf32> to vector<512x512xf32>
    %min3A_360 = arith.minimumf %broadcast_in_dim3A_54, %min3A_359 : vector<512x512xf32>
    %sub3A_361 = arith.subf %min3A_358, %max3A_354 : vector<512x512xf32>
    %max3A_362 = arith.constant 0.000000e+00 : f32
    %max3A_363 = vector.broadcast %max3A_362 : f32 to vector<512x512xf32>
    %max3A_364 = arith.maximumf %sub3A_361, %max3A_363 : vector<512x512xf32>
    %sub3A_365 = arith.subf %min3A_360, %max3A_356 : vector<512x512xf32>
    %max3A_366 = arith.constant 0.000000e+00 : f32
    %max3A_367 = vector.broadcast %max3A_366 : f32 to vector<512x512xf32>
    %max3A_368 = arith.maximumf %sub3A_365, %max3A_367 : vector<512x512xf32>
    %mul3A_369 = arith.mulf %max3A_364, %max3A_368 : vector<512x512xf32>
    %add3A_370 = vector.broadcast %slice3A_352 : vector<1x512xf32> to vector<512x512xf32>
    %add3A_371 = arith.addf %broadcast_in_dim3A_56, %add3A_370 : vector<512x512xf32>
    %sub3A_372 = arith.subf %add3A_371, %mul3A_369 : vector<512x512xf32>
    %add3A_373 = arith.constant 9.99999971E-10 : f32
    %add3A_374 = vector.broadcast %add3A_373 : f32 to vector<512x512xf32>
    %add3A_375 = arith.addf %sub3A_372, %add3A_374 : vector<512x512xf32>
    %div3A_376 = arith.divf %mul3A_369, %add3A_375 : vector<512x512xf32>
    %gt3A_377 = arith.constant 5.000000e-01 : f32
    %gt3A_378 = vector.broadcast %gt3A_377 : f32 to vector<512x512xf32>
    %gt3A_379 = arith.cmpf ogt, %div3A_376, %gt3A_378 : vector<512x512xf32>
    %jit3A_380 = arith.constant 1.000000e+00 : f32
    %jit3A_381 = arith.constant 0.000000e+00 : f32
    %broadcast_in_dim3A_382 = vector.broadcast %jit3A_380 : f32 to vector<512x512xf32>
    %broadcast_in_dim3A_383 = vector.broadcast %jit3A_381 : f32 to vector<512x512xf32>
    %select_n3A_384 = arith.select %gt3A_379, %broadcast_in_dim3A_382, %broadcast_in_dim3A_383 : vector<512x512xi1>, vector<512x512xf32>
    %dot_general3A_385 = arith.constant dense<0.000000e+00> : vector<8x512xf32>
    %dot_general3A_386 = tpu.matmul %while3A_101#0, %select_n3A_384, %dot_general3A_385 {dimension_numbers = #tpu.dot_dimension_numbers<[1], [0], [0], [1], [0, 0, 1, 1], [], []>, transpose_lhs_hint = false} : vector<8x512xf32>, vector<512x512xf32>, vector<8x512xf32> -> vector<8x512xf32>
    %gt3A_387 = arith.constant 5.000000e-01 : f32
    %gt3A_388 = vector.broadcast %gt3A_387 : f32 to vector<8x512xf32>
    %gt3A_389 = arith.cmpf ogt, %dot_general3A_386, %gt3A_388 : vector<8x512xf32>
    %get3A_390 = arith.constant 0 : index
    %get3A_391 = arith.constant 2560 : index
    %get3A_392 = vector.load %arg5[%get3A_390, %get3A_391] : memref<8x5120xf32, #tpu.memory_space<vmem>>, vector<8x512xf32>
    %jit3A_393 = arith.constant 0.000000e+00 : f32
    %broadcast_in_dim3A_394 = vector.broadcast %jit3A_393 : f32 to vector<8x512xf32>
    %select_n3A_395 = arith.select %gt3A_389, %broadcast_in_dim3A_394, %get3A_392 : vector<8x512xi1>, vector<8x512xf32>
    %swap3A_396 = arith.constant 0 : index
    %swap3A_397 = arith.constant 2560 : index
    %swap3A_398 = vector.load %arg5[%swap3A_396, %swap3A_397] : memref<8x5120xf32, #tpu.memory_space<vmem>>, vector<8x512xf32>
    tpu.vector_store %arg5[%swap3A_396, %swap3A_397], %select_n3A_395 {strides = array<i32>} : memref<8x5120xf32, #tpu.memory_space<vmem>>, vector<8x512xf32>,
    %get3A_399 = arith.constant 0 : index
    %get3A_400 = arith.constant 3072 : index
    %get3A_401 = vector.load %arg1[%get3A_399, %get3A_400] : memref<4x5120xf32, #tpu.memory_space<vmem>>, vector<1x512xf32>
    %get3A_402 = arith.constant 1 : index
    %get3A_403 = arith.constant 3072 : index
    %get3A_404 = vector.load %arg1[%get3A_402, %get3A_403] : memref<4x5120xf32, #tpu.memory_space<vmem>>, vector<1x512xf32>
    %get3A_405 = arith.constant 2 : index
    %get3A_406 = arith.constant 3072 : index
    %get3A_407 = vector.load %arg1[%get3A_405, %get3A_406] : memref<4x5120xf32, #tpu.memory_space<vmem>>, vector<1x512xf32>
    %get3A_408 = arith.constant 3 : index
    %get3A_409 = arith.constant 3072 : index
    %get3A_410 = vector.load %arg1[%get3A_408, %get3A_409] : memref<4x5120xf32, #tpu.memory_space<vmem>>, vector<1x512xf32>
    %slice3A_411 = vector.extract_strided_slice %mul3A_34 {offsets = [0, 3072], sizes = [1, 512], strides = [1, 1]} : vector<1x5120xf32> to vector<1x512xf32>
    %max3A_412 = vector.broadcast %get3A_401 : vector<1x512xf32> to vector<512x512xf32>
    %max3A_413 = arith.maximumf %broadcast_in_dim3A_48, %max3A_412 : vector<512x512xf32>
    %max3A_414 = vector.broadcast %get3A_404 : vector<1x512xf32> to vector<512x512xf32>
    %max3A_415 = arith.maximumf %broadcast_in_dim3A_50, %max3A_414 : vector<512x512xf32>
    %min3A_416 = vector.broadcast %get3A_407 : vector<1x512xf32> to vector<512x512xf32>
    %min3A_417 = arith.minimumf %broadcast_in_dim3A_52, %min3A_416 : vector<512x512xf32>
    %min3A_418 = vector.broadcast %get3A_410 : vector<1x512xf32> to vector<512x512xf32>
    %min3A_419 = arith.minimumf %broadcast_in_dim3A_54, %min3A_418 : vector<512x512xf32>
    %sub3A_420 = arith.subf %min3A_417, %max3A_413 : vector<512x512xf32>
    %max3A_421 = arith.constant 0.000000e+00 : f32
    %max3A_422 = vector.broadcast %max3A_421 : f32 to vector<512x512xf32>
    %max3A_423 = arith.maximumf %sub3A_420, %max3A_422 : vector<512x512xf32>
    %sub3A_424 = arith.subf %min3A_419, %max3A_415 : vector<512x512xf32>
    %max3A_425 = arith.constant 0.000000e+00 : f32
    %max3A_426 = vector.broadcast %max3A_425 : f32 to vector<512x512xf32>
    %max3A_427 = arith.maximumf %sub3A_424, %max3A_426 : vector<512x512xf32>
    %mul3A_428 = arith.mulf %max3A_423, %max3A_427 : vector<512x512xf32>
    %add3A_429 = vector.broadcast %slice3A_411 : vector<1x512xf32> to vector<512x512xf32>
    %add3A_430 = arith.addf %broadcast_in_dim3A_56, %add3A_429 : vector<512x512xf32>
    %sub3A_431 = arith.subf %add3A_430, %mul3A_428 : vector<512x512xf32>
    %add3A_432 = arith.constant 9.99999971E-10 : f32
    %add3A_433 = vector.broadcast %add3A_432 : f32 to vector<512x512xf32>
    %add3A_434 = arith.addf %sub3A_431, %add3A_433 : vector<512x512xf32>
    %div3A_435 = arith.divf %mul3A_428, %add3A_434 : vector<512x512xf32>
    %gt3A_436 = arith.constant 5.000000e-01 : f32
    %gt3A_437 = vector.broadcast %gt3A_436 : f32 to vector<512x512xf32>
    %gt3A_438 = arith.cmpf ogt, %div3A_435, %gt3A_437 : vector<512x512xf32>
    %jit3A_439 = arith.constant 1.000000e+00 : f32
    %jit3A_440 = arith.constant 0.000000e+00 : f32
    %broadcast_in_dim3A_441 = vector.broadcast %jit3A_439 : f32 to vector<512x512xf32>
    %broadcast_in_dim3A_442 = vector.broadcast %jit3A_440 : f32 to vector<512x512xf32>
    %select_n3A_443 = arith.select %gt3A_438, %broadcast_in_dim3A_441, %broadcast_in_dim3A_442 : vector<512x512xi1>, vector<512x512xf32>
    %dot_general3A_444 = arith.constant dense<0.000000e+00> : vector<8x512xf32>
    %dot_general3A_445 = tpu.matmul %while3A_101#0, %select_n3A_443, %dot_general3A_444 {dimension_numbers = #tpu.dot_dimension_numbers<[1], [0], [0], [1], [0, 0, 1, 1], [], []>, transpose_lhs_hint = false} : vector<8x512xf32>, vector<512x512xf32>, vector<8x512xf32> -> vector<8x512xf32>
    %gt3A_446 = arith.constant 5.000000e-01 : f32
    %gt3A_447 = vector.broadcast %gt3A_446 : f32 to vector<8x512xf32>
    %gt3A_448 = arith.cmpf ogt, %dot_general3A_445, %gt3A_447 : vector<8x512xf32>
    %get3A_449 = arith.constant 0 : index
    %get3A_450 = arith.constant 3072 : index
    %get3A_451 = vector.load %arg5[%get3A_449, %get3A_450] : memref<8x5120xf32, #tpu.memory_space<vmem>>, vector<8x512xf32>
    %jit3A_452 = arith.constant 0.000000e+00 : f32
    %broadcast_in_dim3A_453 = vector.broadcast %jit3A_452 : f32 to vector<8x512xf32>
    %select_n3A_454 = arith.select %gt3A_448, %broadcast_in_dim3A_453, %get3A_451 : vector<8x512xi1>, vector<8x512xf32>
    %swap3A_455 = arith.constant 0 : index
    %swap3A_456 = arith.constant 3072 : index
    %swap3A_457 = vector.load %arg5[%swap3A_455, %swap3A_456] : memref<8x5120xf32, #tpu.memory_space<vmem>>, vector<8x512xf32>
    tpu.vector_store %arg5[%swap3A_455, %swap3A_456], %select_n3A_454 {strides = array<i32>} : memref<8x5120xf32, #tpu.memory_space<vmem>>, vector<8x512xf32>,
    %get3A_458 = arith.constant 0 : index
    %get3A_459 = arith.constant 3584 : index
    %get3A_460 = vector.load %arg1[%get3A_458, %get3A_459] : memref<4x5120xf32, #tpu.memory_space<vmem>>, vector<1x512xf32>
    %get3A_461 = arith.constant 1 : index
    %get3A_462 = arith.constant 3584 : index
    %get3A_463 = vector.load %arg1[%get3A_461, %get3A_462] : memref<4x5120xf32, #tpu.memory_space<vmem>>, vector<1x512xf32>
    %get3A_464 = arith.constant 2 : index
    %get3A_465 = arith.constant 3584 : index
    %get3A_466 = vector.load %arg1[%get3A_464, %get3A_465] : memref<4x5120xf32, #tpu.memory_space<vmem>>, vector<1x512xf32>
    %get3A_467 = arith.constant 3 : index
    %get3A_468 = arith.constant 3584 : index
    %get3A_469 = vector.load %arg1[%get3A_467, %get3A_468] : memref<4x5120xf32, #tpu.memory_space<vmem>>, vector<1x512xf32>
    %slice3A_470 = vector.extract_strided_slice %mul3A_34 {offsets = [0, 3584], sizes = [1, 512], strides = [1, 1]} : vector<1x5120xf32> to vector<1x512xf32>
    %max3A_471 = vector.broadcast %get3A_460 : vector<1x512xf32> to vector<512x512xf32>
    %max3A_472 = arith.maximumf %broadcast_in_dim3A_48, %max3A_471 : vector<512x512xf32>
    %max3A_473 = vector.broadcast %get3A_463 : vector<1x512xf32> to vector<512x512xf32>
    %max3A_474 = arith.maximumf %broadcast_in_dim3A_50, %max3A_473 : vector<512x512xf32>
    %min3A_475 = vector.broadcast %get3A_466 : vector<1x512xf32> to vector<512x512xf32>
    %min3A_476 = arith.minimumf %broadcast_in_dim3A_52, %min3A_475 : vector<512x512xf32>
    %min3A_477 = vector.broadcast %get3A_469 : vector<1x512xf32> to vector<512x512xf32>
    %min3A_478 = arith.minimumf %broadcast_in_dim3A_54, %min3A_477 : vector<512x512xf32>
    %sub3A_479 = arith.subf %min3A_476, %max3A_472 : vector<512x512xf32>
    %max3A_480 = arith.constant 0.000000e+00 : f32
    %max3A_481 = vector.broadcast %max3A_480 : f32 to vector<512x512xf32>
    %max3A_482 = arith.maximumf %sub3A_479, %max3A_481 : vector<512x512xf32>
    %sub3A_483 = arith.subf %min3A_478, %max3A_474 : vector<512x512xf32>
    %max3A_484 = arith.constant 0.000000e+00 : f32
    %max3A_485 = vector.broadcast %max3A_484 : f32 to vector<512x512xf32>
    %max3A_486 = arith.maximumf %sub3A_483, %max3A_485 : vector<512x512xf32>
    %mul3A_487 = arith.mulf %max3A_482, %max3A_486 : vector<512x512xf32>
    %add3A_488 = vector.broadcast %slice3A_470 : vector<1x512xf32> to vector<512x512xf32>
    %add3A_489 = arith.addf %broadcast_in_dim3A_56, %add3A_488 : vector<512x512xf32>
    %sub3A_490 = arith.subf %add3A_489, %mul3A_487 : vector<512x512xf32>
    %add3A_491 = arith.constant 9.99999971E-10 : f32
    %add3A_492 = vector.broadcast %add3A_491 : f32 to vector<512x512xf32>
    %add3A_493 = arith.addf %sub3A_490, %add3A_492 : vector<512x512xf32>
    %div3A_494 = arith.divf %mul3A_487, %add3A_493 : vector<512x512xf32>
    %gt3A_495 = arith.constant 5.000000e-01 : f32
    %gt3A_496 = vector.broadcast %gt3A_495 : f32 to vector<512x512xf32>
    %gt3A_497 = arith.cmpf ogt, %div3A_494, %gt3A_496 : vector<512x512xf32>
    %jit3A_498 = arith.constant 1.000000e+00 : f32
    %jit3A_499 = arith.constant 0.000000e+00 : f32
    %broadcast_in_dim3A_500 = vector.broadcast %jit3A_498 : f32 to vector<512x512xf32>
    %broadcast_in_dim3A_501 = vector.broadcast %jit3A_499 : f32 to vector<512x512xf32>
    %select_n3A_502 = arith.select %gt3A_497, %broadcast_in_dim3A_500, %broadcast_in_dim3A_501 : vector<512x512xi1>, vector<512x512xf32>
    %dot_general3A_503 = arith.constant dense<0.000000e+00> : vector<8x512xf32>
    %dot_general3A_504 = tpu.matmul %while3A_101#0, %select_n3A_502, %dot_general3A_503 {dimension_numbers = #tpu.dot_dimension_numbers<[1], [0], [0], [1], [0, 0, 1, 1], [], []>, transpose_lhs_hint = false} : vector<8x512xf32>, vector<512x512xf32>, vector<8x512xf32> -> vector<8x512xf32>
    %gt3A_505 = arith.constant 5.000000e-01 : f32
    %gt3A_506 = vector.broadcast %gt3A_505 : f32 to vector<8x512xf32>
    %gt3A_507 = arith.cmpf ogt, %dot_general3A_504, %gt3A_506 : vector<8x512xf32>
    %get3A_508 = arith.constant 0 : index
    %get3A_509 = arith.constant 3584 : index
    %get3A_510 = vector.load %arg5[%get3A_508, %get3A_509] : memref<8x5120xf32, #tpu.memory_space<vmem>>, vector<8x512xf32>
    %jit3A_511 = arith.constant 0.000000e+00 : f32
    %broadcast_in_dim3A_512 = vector.broadcast %jit3A_511 : f32 to vector<8x512xf32>
    %select_n3A_513 = arith.select %gt3A_507, %broadcast_in_dim3A_512, %get3A_510 : vector<8x512xi1>, vector<8x512xf32>
    %swap3A_514 = arith.constant 0 : index
    %swap3A_515 = arith.constant 3584 : index
    %swap3A_516 = vector.load %arg5[%swap3A_514, %swap3A_515] : memref<8x5120xf32, #tpu.memory_space<vmem>>, vector<8x512xf32>
    tpu.vector_store %arg5[%swap3A_514, %swap3A_515], %select_n3A_513 {strides = array<i32>} : memref<8x5120xf32, #tpu.memory_space<vmem>>, vector<8x512xf32>,
    %get3A_517 = arith.constant 0 : index
    %get3A_518 = arith.constant 4096 : index
    %get3A_519 = vector.load %arg1[%get3A_517, %get3A_518] : memref<4x5120xf32, #tpu.memory_space<vmem>>, vector<1x512xf32>
    %get3A_520 = arith.constant 1 : index
    %get3A_521 = arith.constant 4096 : index
    %get3A_522 = vector.load %arg1[%get3A_520, %get3A_521] : memref<4x5120xf32, #tpu.memory_space<vmem>>, vector<1x512xf32>
    %get3A_523 = arith.constant 2 : index
    %get3A_524 = arith.constant 4096 : index
    %get3A_525 = vector.load %arg1[%get3A_523, %get3A_524] : memref<4x5120xf32, #tpu.memory_space<vmem>>, vector<1x512xf32>
    %get3A_526 = arith.constant 3 : index
    %get3A_527 = arith.constant 4096 : index
    %get3A_528 = vector.load %arg1[%get3A_526, %get3A_527] : memref<4x5120xf32, #tpu.memory_space<vmem>>, vector<1x512xf32>
    %slice3A_529 = vector.extract_strided_slice %mul3A_34 {offsets = [0, 4096], sizes = [1, 512], strides = [1, 1]} : vector<1x5120xf32> to vector<1x512xf32>
    %max3A_530 = vector.broadcast %get3A_519 : vector<1x512xf32> to vector<512x512xf32>
    %max3A_531 = arith.maximumf %broadcast_in_dim3A_48, %max3A_530 : vector<512x512xf32>
    %max3A_532 = vector.broadcast %get3A_522 : vector<1x512xf32> to vector<512x512xf32>
    %max3A_533 = arith.maximumf %broadcast_in_dim3A_50, %max3A_532 : vector<512x512xf32>
    %min3A_534 = vector.broadcast %get3A_525 : vector<1x512xf32> to vector<512x512xf32>
    %min3A_535 = arith.minimumf %broadcast_in_dim3A_52, %min3A_534 : vector<512x512xf32>
    %min3A_536 = vector.broadcast %get3A_528 : vector<1x512xf32> to vector<512x512xf32>
    %min3A_537 = arith.minimumf %broadcast_in_dim3A_54, %min3A_536 : vector<512x512xf32>
    %sub3A_538 = arith.subf %min3A_535, %max3A_531 : vector<512x512xf32>
    %max3A_539 = arith.constant 0.000000e+00 : f32
    %max3A_540 = vector.broadcast %max3A_539 : f32 to vector<512x512xf32>
    %max3A_541 = arith.maximumf %sub3A_538, %max3A_540 : vector<512x512xf32>
    %sub3A_542 = arith.subf %min3A_537, %max3A_533 : vector<512x512xf32>
    %max3A_543 = arith.constant 0.000000e+00 : f32
    %max3A_544 = vector.broadcast %max3A_543 : f32 to vector<512x512xf32>
    %max3A_545 = arith.maximumf %sub3A_542, %max3A_544 : vector<512x512xf32>
    %mul3A_546 = arith.mulf %max3A_541, %max3A_545 : vector<512x512xf32>
    %add3A_547 = vector.broadcast %slice3A_529 : vector<1x512xf32> to vector<512x512xf32>
    %add3A_548 = arith.addf %broadcast_in_dim3A_56, %add3A_547 : vector<512x512xf32>
    %sub3A_549 = arith.subf %add3A_548, %mul3A_546 : vector<512x512xf32>
    %add3A_550 = arith.constant 9.99999971E-10 : f32
    %add3A_551 = vector.broadcast %add3A_550 : f32 to vector<512x512xf32>
    %add3A_552 = arith.addf %sub3A_549, %add3A_551 : vector<512x512xf32>
    %div3A_553 = arith.divf %mul3A_546, %add3A_552 : vector<512x512xf32>
    %gt3A_554 = arith.constant 5.000000e-01 : f32
    %gt3A_555 = vector.broadcast %gt3A_554 : f32 to vector<512x512xf32>
    %gt3A_556 = arith.cmpf ogt, %div3A_553, %gt3A_555 : vector<512x512xf32>
    %jit3A_557 = arith.constant 1.000000e+00 : f32
    %jit3A_558 = arith.constant 0.000000e+00 : f32
    %broadcast_in_dim3A_559 = vector.broadcast %jit3A_557 : f32 to vector<512x512xf32>
    %broadcast_in_dim3A_560 = vector.broadcast %jit3A_558 : f32 to vector<512x512xf32>
    %select_n3A_561 = arith.select %gt3A_556, %broadcast_in_dim3A_559, %broadcast_in_dim3A_560 : vector<512x512xi1>, vector<512x512xf32>
    %dot_general3A_562 = arith.constant dense<0.000000e+00> : vector<8x512xf32>
    %dot_general3A_563 = tpu.matmul %while3A_101#0, %select_n3A_561, %dot_general3A_562 {dimension_numbers = #tpu.dot_dimension_numbers<[1], [0], [0], [1], [0, 0, 1, 1], [], []>, transpose_lhs_hint = false} : vector<8x512xf32>, vector<512x512xf32>, vector<8x512xf32> -> vector<8x512xf32>
    %gt3A_564 = arith.constant 5.000000e-01 : f32
    %gt3A_565 = vector.broadcast %gt3A_564 : f32 to vector<8x512xf32>
    %gt3A_566 = arith.cmpf ogt, %dot_general3A_563, %gt3A_565 : vector<8x512xf32>
    %get3A_567 = arith.constant 0 : index
    %get3A_568 = arith.constant 4096 : index
    %get3A_569 = vector.load %arg5[%get3A_567, %get3A_568] : memref<8x5120xf32, #tpu.memory_space<vmem>>, vector<8x512xf32>
    %jit3A_570 = arith.constant 0.000000e+00 : f32
    %broadcast_in_dim3A_571 = vector.broadcast %jit3A_570 : f32 to vector<8x512xf32>
    %select_n3A_572 = arith.select %gt3A_566, %broadcast_in_dim3A_571, %get3A_569 : vector<8x512xi1>, vector<8x512xf32>
    %swap3A_573 = arith.constant 0 : index
    %swap3A_574 = arith.constant 4096 : index
    %swap3A_575 = vector.load %arg5[%swap3A_573, %swap3A_574] : memref<8x5120xf32, #tpu.memory_space<vmem>>, vector<8x512xf32>
    tpu.vector_store %arg5[%swap3A_573, %swap3A_574], %select_n3A_572 {strides = array<i32>} : memref<8x5120xf32, #tpu.memory_space<vmem>>, vector<8x512xf32>,
    %get3A_576 = arith.constant 0 : index
    %get3A_577 = arith.constant 4608 : index
    %get3A_578 = vector.load %arg1[%get3A_576, %get3A_577] : memref<4x5120xf32, #tpu.memory_space<vmem>>, vector<1x512xf32>
    %get3A_579 = arith.constant 1 : index
    %get3A_580 = arith.constant 4608 : index
    %get3A_581 = vector.load %arg1[%get3A_579, %get3A_580] : memref<4x5120xf32, #tpu.memory_space<vmem>>, vector<1x512xf32>
    %get3A_582 = arith.constant 2 : index
    %get3A_583 = arith.constant 4608 : index
    %get3A_584 = vector.load %arg1[%get3A_582, %get3A_583] : memref<4x5120xf32, #tpu.memory_space<vmem>>, vector<1x512xf32>
    %get3A_585 = arith.constant 3 : index
    %get3A_586 = arith.constant 4608 : index
    %get3A_587 = vector.load %arg1[%get3A_585, %get3A_586] : memref<4x5120xf32, #tpu.memory_space<vmem>>, vector<1x512xf32>
    %slice3A_588 = vector.extract_strided_slice %mul3A_34 {offsets = [0, 4608], sizes = [1, 512], strides = [1, 1]} : vector<1x5120xf32> to vector<1x512xf32>
    %max3A_589 = vector.broadcast %get3A_578 : vector<1x512xf32> to vector<512x512xf32>
    %max3A_590 = arith.maximumf %broadcast_in_dim3A_48, %max3A_589 : vector<512x512xf32>
    %max3A_591 = vector.broadcast %get3A_581 : vector<1x512xf32> to vector<512x512xf32>
    %max3A_592 = arith.maximumf %broadcast_in_dim3A_50, %max3A_591 : vector<512x512xf32>
    %min3A_593 = vector.broadcast %get3A_584 : vector<1x512xf32> to vector<512x512xf32>
    %min3A_594 = arith.minimumf %broadcast_in_dim3A_52, %min3A_593 : vector<512x512xf32>
    %min3A_595 = vector.broadcast %get3A_587 : vector<1x512xf32> to vector<512x512xf32>
    %min3A_596 = arith.minimumf %broadcast_in_dim3A_54, %min3A_595 : vector<512x512xf32>
    %sub3A_597 = arith.subf %min3A_594, %max3A_590 : vector<512x512xf32>
    %max3A_598 = arith.constant 0.000000e+00 : f32
    %max3A_599 = vector.broadcast %max3A_598 : f32 to vector<512x512xf32>
    %max3A_600 = arith.maximumf %sub3A_597, %max3A_599 : vector<512x512xf32>
    %sub3A_601 = arith.subf %min3A_596, %max3A_592 : vector<512x512xf32>
    %max3A_602 = arith.constant 0.000000e+00 : f32
    %max3A_603 = vector.broadcast %max3A_602 : f32 to vector<512x512xf32>
    %max3A_604 = arith.maximumf %sub3A_601, %max3A_603 : vector<512x512xf32>
    %mul3A_605 = arith.mulf %max3A_600, %max3A_604 : vector<512x512xf32>
    %add3A_606 = vector.broadcast %slice3A_588 : vector<1x512xf32> to vector<512x512xf32>
    %add3A_607 = arith.addf %broadcast_in_dim3A_56, %add3A_606 : vector<512x512xf32>
    %sub3A_608 = arith.subf %add3A_607, %mul3A_605 : vector<512x512xf32>
    %add3A_609 = arith.constant 9.99999971E-10 : f32
    %add3A_610 = vector.broadcast %add3A_609 : f32 to vector<512x512xf32>
    %add3A_611 = arith.addf %sub3A_608, %add3A_610 : vector<512x512xf32>
    %div3A_612 = arith.divf %mul3A_605, %add3A_611 : vector<512x512xf32>
    %gt3A_613 = arith.constant 5.000000e-01 : f32
    %gt3A_614 = vector.broadcast %gt3A_613 : f32 to vector<512x512xf32>
    %gt3A_615 = arith.cmpf ogt, %div3A_612, %gt3A_614 : vector<512x512xf32>
    %jit3A_616 = arith.constant 1.000000e+00 : f32
    %jit3A_617 = arith.constant 0.000000e+00 : f32
    %broadcast_in_dim3A_618 = vector.broadcast %jit3A_616 : f32 to vector<512x512xf32>
    %broadcast_in_dim3A_619 = vector.broadcast %jit3A_617 : f32 to vector<512x512xf32>
    %select_n3A_620 = arith.select %gt3A_615, %broadcast_in_dim3A_618, %broadcast_in_dim3A_619 : vector<512x512xi1>, vector<512x512xf32>
    %dot_general3A_621 = arith.constant dense<0.000000e+00> : vector<8x512xf32>
    %dot_general3A_622 = tpu.matmul %while3A_101#0, %select_n3A_620, %dot_general3A_621 {dimension_numbers = #tpu.dot_dimension_numbers<[1], [0], [0], [1], [0, 0, 1, 1], [], []>, transpose_lhs_hint = false} : vector<8x512xf32>, vector<512x512xf32>, vector<8x512xf32> -> vector<8x512xf32>
    %gt3A_623 = arith.constant 5.000000e-01 : f32
    %gt3A_624 = vector.broadcast %gt3A_623 : f32 to vector<8x512xf32>
    %gt3A_625 = arith.cmpf ogt, %dot_general3A_622, %gt3A_624 : vector<8x512xf32>
    %get3A_626 = arith.constant 0 : index
    %get3A_627 = arith.constant 4608 : index
    %get3A_628 = vector.load %arg5[%get3A_626, %get3A_627] : memref<8x5120xf32, #tpu.memory_space<vmem>>, vector<8x512xf32>
    %jit3A_629 = arith.constant 0.000000e+00 : f32
    %broadcast_in_dim3A_630 = vector.broadcast %jit3A_629 : f32 to vector<8x512xf32>
    %select_n3A_631 = arith.select %gt3A_625, %broadcast_in_dim3A_630, %get3A_628 : vector<8x512xi1>, vector<8x512xf32>
    %swap3A_632 = arith.constant 0 : index
    %swap3A_633 = arith.constant 4608 : index
    %swap3A_634 = vector.load %arg5[%swap3A_632, %swap3A_633] : memref<8x5120xf32, #tpu.memory_space<vmem>>, vector<8x512xf32>
    tpu.vector_store %arg5[%swap3A_632, %swap3A_633], %select_n3A_631 {strides = array<i32>} : memref<8x5120xf32, #tpu.memory_space<vmem>>, vector<8x512xf32>,
    %get3A_635 = arith.constant 512 : index
    %get3A_636 = arith.constant 0 : index
    %get3A_637 = vector.load %arg0[%get3A_635, %get3A_636] : memref<5120x4xf32, #tpu.memory_space<vmem>>, vector<512x1xf32>
    %get3A_638 = arith.constant 512 : index
    %get3A_639 = arith.constant 1 : index
    %get3A_640 = vector.load %arg0[%get3A_638, %get3A_639] : memref<5120x4xf32, #tpu.memory_space<vmem>>, vector<512x1xf32>
    %get3A_641 = arith.constant 512 : index
    %get3A_642 = arith.constant 2 : index
    %get3A_643 = vector.load %arg0[%get3A_641, %get3A_642] : memref<5120x4xf32, #tpu.memory_space<vmem>>, vector<512x1xf32>
    %get3A_644 = arith.constant 512 : index
    %get3A_645 = arith.constant 3 : index
    %get3A_646 = vector.load %arg0[%get3A_644, %get3A_645] : memref<5120x4xf32, #tpu.memory_space<vmem>>, vector<512x1xf32>
    %slice3A_647 = vector.extract_strided_slice %mul3A {offsets = [512, 0], sizes = [512, 1], strides = [1, 1]} : vector<5120x1xf32> to vector<512x1xf32>
    %broadcast_in_dim3A_648 = vector.shape_cast %get3A_637 : vector<512x1xf32> to vector<512x1xf32>
    %broadcast_in_dim3A_649 = vector.broadcast %broadcast_in_dim3A_648 : vector<512x1xf32> to vector<512x512xf32>
    %broadcast_in_dim3A_650 = vector.shape_cast %get3A_640 : vector<512x1xf32> to vector<512x1xf32>
    %broadcast_in_dim3A_651 = vector.broadcast %broadcast_in_dim3A_650 : vector<512x1xf32> to vector<512x512xf32>
    %broadcast_in_dim3A_652 = vector.shape_cast %get3A_643 : vector<512x1xf32> to vector<512x1xf32>
    %broadcast_in_dim3A_653 = vector.broadcast %broadcast_in_dim3A_652 : vector<512x1xf32> to vector<512x512xf32>
    %broadcast_in_dim3A_654 = vector.shape_cast %get3A_646 : vector<512x1xf32> to vector<512x1xf32>
    %broadcast_in_dim3A_655 = vector.broadcast %broadcast_in_dim3A_654 : vector<512x1xf32> to vector<512x512xf32>
    %broadcast_in_dim3A_656 = vector.shape_cast %slice3A_647 : vector<512x1xf32> to vector<512x1xf32>
    %broadcast_in_dim3A_657 = vector.broadcast %broadcast_in_dim3A_656 : vector<512x1xf32> to vector<512x512xf32>
    %get3A_658 = arith.constant 0 : index
    %get3A_659 = arith.constant 512 : index
    %get3A_660 = vector.load %arg1[%get3A_658, %get3A_659] : memref<4x5120xf32, #tpu.memory_space<vmem>>, vector<1x512xf32>
    %get3A_661 = arith.constant 1 : index
    %get3A_662 = arith.constant 512 : index
    %get3A_663 = vector.load %arg1[%get3A_661, %get3A_662] : memref<4x5120xf32, #tpu.memory_space<vmem>>, vector<1x512xf32>
    %get3A_664 = arith.constant 2 : index
    %get3A_665 = arith.constant 512 : index
    %get3A_666 = vector.load %arg1[%get3A_664, %get3A_665] : memref<4x5120xf32, #tpu.memory_space<vmem>>, vector<1x512xf32>
    %get3A_667 = arith.constant 3 : index
    %get3A_668 = arith.constant 512 : index
    %get3A_669 = vector.load %arg1[%get3A_667, %get3A_668] : memref<4x5120xf32, #tpu.memory_space<vmem>>, vector<1x512xf32>
    %slice3A_670 = vector.extract_strided_slice %mul3A_34 {offsets = [0, 512], sizes = [1, 512], strides = [1, 1]} : vector<1x5120xf32> to vector<1x512xf32>
    %max3A_671 = vector.broadcast %get3A_660 : vector<1x512xf32> to vector<512x512xf32>
    %max3A_672 = arith.maximumf %broadcast_in_dim3A_649, %max3A_671 : vector<512x512xf32>
    %max3A_673 = vector.broadcast %get3A_663 : vector<1x512xf32> to vector<512x512xf32>
    %max3A_674 = arith.maximumf %broadcast_in_dim3A_651, %max3A_673 : vector<512x512xf32>
    %min3A_675 = vector.broadcast %get3A_666 : vector<1x512xf32> to vector<512x512xf32>
    %min3A_676 = arith.minimumf %broadcast_in_dim3A_653, %min3A_675 : vector<512x512xf32>
    %min3A_677 = vector.broadcast %get3A_669 : vector<1x512xf32> to vector<512x512xf32>
    %min3A_678 = arith.minimumf %broadcast_in_dim3A_655, %min3A_677 : vector<512x512xf32>
    %sub3A_679 = arith.subf %min3A_676, %max3A_672 : vector<512x512xf32>
    %max3A_680 = arith.constant 0.000000e+00 : f32
    %max3A_681 = vector.broadcast %max3A_680 : f32 to vector<512x512xf32>
    %max3A_682 = arith.maximumf %sub3A_679, %max3A_681 : vector<512x512xf32>
    %sub3A_683 = arith.subf %min3A_678, %max3A_674 : vector<512x512xf32>
    %max3A_684 = arith.constant 0.000000e+00 : f32
    %max3A_685 = vector.broadcast %max3A_684 : f32 to vector<512x512xf32>
    %max3A_686 = arith.maximumf %sub3A_683, %max3A_685 : vector<512x512xf32>
    %mul3A_687 = arith.mulf %max3A_682, %max3A_686 : vector<512x512xf32>
    %add3A_688 = vector.broadcast %slice3A_670 : vector<1x512xf32> to vector<512x512xf32>
    %add3A_689 = arith.addf %broadcast_in_dim3A_657, %add3A_688 : vector<512x512xf32>
    %sub3A_690 = arith.subf %add3A_689, %mul3A_687 : vector<512x512xf32>
    %add3A_691 = arith.constant 9.99999971E-10 : f32
    %add3A_692 = vector.broadcast %add3A_691 : f32 to vector<512x512xf32>
    %add3A_693 = arith.addf %sub3A_690, %add3A_692 : vector<512x512xf32>
    %div3A_694 = arith.divf %mul3A_687, %add3A_693 : vector<512x512xf32>
    %gt3A_695 = arith.constant 5.000000e-01 : f32
    %gt3A_696 = vector.broadcast %gt3A_695 : f32 to vector<512x512xf32>
    %gt3A_697 = arith.cmpf ogt, %div3A_694, %gt3A_696 : vector<512x512xf32>
    %and3A_698 = arith.andi %gt3A_697, %gt3A : vector<512x512xi1>
    %jit3A_699 = arith.constant 1.000000e+00 : f32
    %jit3A_700 = arith.constant 0.000000e+00 : f32
    %broadcast_in_dim3A_701 = vector.broadcast %jit3A_699 : f32 to vector<512x512xf32>
    %broadcast_in_dim3A_702 = vector.broadcast %jit3A_700 : f32 to vector<512x512xf32>
    %select_n3A_703 = arith.select %and3A_698, %broadcast_in_dim3A_701, %broadcast_in_dim3A_702 : vector<512x512xi1>, vector<512x512xf32>
    %get3A_704 = arith.constant 0 : index
    %get3A_705 = arith.constant 512 : index
    %get3A_706 = vector.load %arg5[%get3A_704, %get3A_705] : memref<8x5120xf32, #tpu.memory_space<vmem>>, vector<8x512xf32>
    %while3A_707 = arith.constant true
    %while3A_708:2 = scf.while (%while3A_3462 = %get3A_706, %while3A_3463 = %while3A_707) : (vector<8x512xf32>, i1) -> (vector<8x512xf32>, i1) {
      scf.condition(%while3A_3463) %while3A_3462, %while3A_3463 : vector<8x512xf32>, i1
    } do {
    ^bb0(%while3A_3462: vector<8x512xf32>, %while3A_3463: i1):
      %dot_general3A_3464 = arith.constant dense<0.000000e+00> : vector<8x512xf32>
      %dot_general3A_3465 = tpu.matmul %while3A_3462, %select_n3A_703, %dot_general3A_3464 {dimension_numbers = #tpu.dot_dimension_numbers<[1], [0], [0], [1], [0, 0, 1, 1], [], []>, transpose_lhs_hint = false} : vector<8x512xf32>, vector<512x512xf32>, vector<8x512xf32> -> vector<8x512xf32>
      %gt3A_3466 = arith.constant 5.000000e-01 : f32
      %gt3A_3467 = vector.broadcast %gt3A_3466 : f32 to vector<8x512xf32>
      %gt3A_3468 = arith.cmpf ogt, %dot_general3A_3465, %gt3A_3467 : vector<8x512xf32>
      %jit3A_3469 = arith.constant 0.000000e+00 : f32
      %broadcast_in_dim3A_3470 = vector.broadcast %jit3A_3469 : f32 to vector<8x512xf32>
      %select_n3A_3471 = arith.select %gt3A_3468, %broadcast_in_dim3A_3470, %get3A_706 : vector<8x512xi1>, vector<8x512xf32>
      %dot_general3A_3472 = arith.constant dense<0.000000e+00> : vector<8x512xf32>
      %dot_general3A_3473 = tpu.matmul %select_n3A_3471, %select_n3A_703, %dot_general3A_3472 {dimension_numbers = #tpu.dot_dimension_numbers<[1], [0], [0], [1], [0, 0, 1, 1], [], []>, transpose_lhs_hint = false} : vector<8x512xf32>, vector<512x512xf32>, vector<8x512xf32> -> vector<8x512xf32>
      %gt3A_3474 = arith.constant 5.000000e-01 : f32
      %gt3A_3475 = vector.broadcast %gt3A_3474 : f32 to vector<8x512xf32>
      %gt3A_3476 = arith.cmpf ogt, %dot_general3A_3473, %gt3A_3475 : vector<8x512xf32>
      %jit3A_3477 = arith.constant 0.000000e+00 : f32
      %broadcast_in_dim3A_3478 = vector.broadcast %jit3A_3477 : f32 to vector<8x512xf32>
      %select_n3A_3479 = arith.select %gt3A_3476, %broadcast_in_dim3A_3478, %get3A_706 : vector<8x512xi1>, vector<8x512xf32>
      %slice3A_3480 = vector.extract_strided_slice %select_n3A_3479 {offsets = [0, 0], sizes = [1, 512], strides = [1, 1]} : vector<8x512xf32> to vector<1x512xf32>
      %slice3A_3481 = vector.extract_strided_slice %select_n3A_3471 {offsets = [0, 0], sizes = [1, 512], strides = [1, 1]} : vector<8x512xf32> to vector<1x512xf32>
      %ne3A = arith.cmpf one, %slice3A_3480, %slice3A_3481 : vector<1x512xf32>
      %reduce_or3A = arith.constant 1.000000e+00 : f32
      %reduce_or3A_3482 = arith.constant 0.000000e+00 : f32
      %reduce_or3A_3483 = vector.broadcast %reduce_or3A : f32 to vector<1x512xf32>
      %reduce_or3A_3484 = vector.broadcast %reduce_or3A_3482 : f32 to vector<1x512xf32>
      %reduce_or3A_3485 = arith.select %ne3A, %reduce_or3A_3483, %reduce_or3A_3484 : vector<1x512xi1>, vector<1x512xf32>
      %reduce_or3A_3486 = vector.shape_cast %reduce_or3A_3485 : vector<1x512xf32> to vector<1x1x512xf32>
      %reduce_or3A_3487 = arith.constant dense<0xFF800000> : vector<1xf32>
      %reduce_or3A_3488 = vector.multi_reduction <maximumf>, %reduce_or3A_3486, %reduce_or3A_3487 [1, 2] : vector<1x1x512xf32> to vector<1xf32>
      %reduce_or3A_3489 = vector.shape_cast %reduce_or3A_3488 : vector<1xf32> to vector<1x1x1xf32>
      %reduce_or3A_3490 = vector.extract %reduce_or3A_3489[0, 0, 0] : f32 from vector<1x1x1xf32>
      %reduce_or3A_3491 = arith.constant 0.000000e+00 : f32
      %reduce_or3A_3492 = arith.cmpf ogt, %reduce_or3A_3490, %reduce_or3A_3491 : f32
      scf.yield %select_n3A_3479, %reduce_or3A_3492 : vector<8x512xf32>, i1
    }
    %swap3A_709 = arith.constant 0 : index
    %swap3A_710 = arith.constant 512 : index
    %swap3A_711 = vector.load %arg5[%swap3A_709, %swap3A_710] : memref<8x5120xf32, #tpu.memory_space<vmem>>, vector<8x512xf32>
    tpu.vector_store %arg5[%swap3A_709, %swap3A_710], %while3A_708#0 {strides = array<i32>} : memref<8x5120xf32, #tpu.memory_space<vmem>>, vector<8x512xf32>,
    %get3A_712 = arith.constant 0 : index
    %get3A_713 = arith.constant 1024 : index
    %get3A_714 = vector.load %arg1[%get3A_712, %get3A_713] : memref<4x5120xf32, #tpu.memory_space<vmem>>, vector<1x512xf32>
    %get3A_715 = arith.constant 1 : index
    %get3A_716 = arith.constant 1024 : index
    %get3A_717 = vector.load %arg1[%get3A_715, %get3A_716] : memref<4x5120xf32, #tpu.memory_space<vmem>>, vector<1x512xf32>
    %get3A_718 = arith.constant 2 : index
    %get3A_719 = arith.constant 1024 : index
    %get3A_720 = vector.load %arg1[%get3A_718, %get3A_719] : memref<4x5120xf32, #tpu.memory_space<vmem>>, vector<1x512xf32>
    %get3A_721 = arith.constant 3 : index
    %get3A_722 = arith.constant 1024 : index
    %get3A_723 = vector.load %arg1[%get3A_721, %get3A_722] : memref<4x5120xf32, #tpu.memory_space<vmem>>, vector<1x512xf32>
    %slice3A_724 = vector.extract_strided_slice %mul3A_34 {offsets = [0, 1024], sizes = [1, 512], strides = [1, 1]} : vector<1x5120xf32> to vector<1x512xf32>
    %max3A_725 = vector.broadcast %get3A_714 : vector<1x512xf32> to vector<512x512xf32>
    %max3A_726 = arith.maximumf %broadcast_in_dim3A_649, %max3A_725 : vector<512x512xf32>
    %max3A_727 = vector.broadcast %get3A_717 : vector<1x512xf32> to vector<512x512xf32>
    %max3A_728 = arith.maximumf %broadcast_in_dim3A_651, %max3A_727 : vector<512x512xf32>
    %min3A_729 = vector.broadcast %get3A_720 : vector<1x512xf32> to vector<512x512xf32>
    %min3A_730 = arith.minimumf %broadcast_in_dim3A_653, %min3A_729 : vector<512x512xf32>
    %min3A_731 = vector.broadcast %get3A_723 : vector<1x512xf32> to vector<512x512xf32>
    %min3A_732 = arith.minimumf %broadcast_in_dim3A_655, %min3A_731 : vector<512x512xf32>
    %sub3A_733 = arith.subf %min3A_730, %max3A_726 : vector<512x512xf32>
    %max3A_734 = arith.constant 0.000000e+00 : f32
    %max3A_735 = vector.broadcast %max3A_734 : f32 to vector<512x512xf32>
    %max3A_736 = arith.maximumf %sub3A_733, %max3A_735 : vector<512x512xf32>
    %sub3A_737 = arith.subf %min3A_732, %max3A_728 : vector<512x512xf32>
    %max3A_738 = arith.constant 0.000000e+00 : f32
    %max3A_739 = vector.broadcast %max3A_738 : f32 to vector<512x512xf32>
    %max3A_740 = arith.maximumf %sub3A_737, %max3A_739 : vector<512x512xf32>
    %mul3A_741 = arith.mulf %max3A_736, %max3A_740 : vector<512x512xf32>
    %add3A_742 = vector.broadcast %slice3A_724 : vector<1x512xf32> to vector<512x512xf32>
    %add3A_743 = arith.addf %broadcast_in_dim3A_657, %add3A_742 : vector<512x512xf32>
    %sub3A_744 = arith.subf %add3A_743, %mul3A_741 : vector<512x512xf32>
    %add3A_745 = arith.constant 9.99999971E-10 : f32
    %add3A_746 = vector.broadcast %add3A_745 : f32 to vector<512x512xf32>
    %add3A_747 = arith.addf %sub3A_744, %add3A_746 : vector<512x512xf32>
    %div3A_748 = arith.divf %mul3A_741, %add3A_747 : vector<512x512xf32>
    %gt3A_749 = arith.constant 5.000000e-01 : f32
    %gt3A_750 = vector.broadcast %gt3A_749 : f32 to vector<512x512xf32>
    %gt3A_751 = arith.cmpf ogt, %div3A_748, %gt3A_750 : vector<512x512xf32>
    %jit3A_752 = arith.constant 1.000000e+00 : f32
    %jit3A_753 = arith.constant 0.000000e+00 : f32
    %broadcast_in_dim3A_754 = vector.broadcast %jit3A_752 : f32 to vector<512x512xf32>
    %broadcast_in_dim3A_755 = vector.broadcast %jit3A_753 : f32 to vector<512x512xf32>
    %select_n3A_756 = arith.select %gt3A_751, %broadcast_in_dim3A_754, %broadcast_in_dim3A_755 : vector<512x512xi1>, vector<512x512xf32>
    %dot_general3A_757 = arith.constant dense<0.000000e+00> : vector<8x512xf32>
    %dot_general3A_758 = tpu.matmul %while3A_708#0, %select_n3A_756, %dot_general3A_757 {dimension_numbers = #tpu.dot_dimension_numbers<[1], [0], [0], [1], [0, 0, 1, 1], [], []>, transpose_lhs_hint = false} : vector<8x512xf32>, vector<512x512xf32>, vector<8x512xf32> -> vector<8x512xf32>
    %gt3A_759 = arith.constant 5.000000e-01 : f32
    %gt3A_760 = vector.broadcast %gt3A_759 : f32 to vector<8x512xf32>
    %gt3A_761 = arith.cmpf ogt, %dot_general3A_758, %gt3A_760 : vector<8x512xf32>
    %get3A_762 = arith.constant 0 : index
    %get3A_763 = arith.constant 1024 : index
    %get3A_764 = vector.load %arg5[%get3A_762, %get3A_763] : memref<8x5120xf32, #tpu.memory_space<vmem>>, vector<8x512xf32>
    %jit3A_765 = arith.constant 0.000000e+00 : f32
    %broadcast_in_dim3A_766 = vector.broadcast %jit3A_765 : f32 to vector<8x512xf32>
    %select_n3A_767 = arith.select %gt3A_761, %broadcast_in_dim3A_766, %get3A_764 : vector<8x512xi1>, vector<8x512xf32>
    %swap3A_768 = arith.constant 0 : index
    %swap3A_769 = arith.constant 1024 : index
    %swap3A_770 = vector.load %arg5[%swap3A_768, %swap3A_769] : memref<8x5120xf32, #tpu.memory_space<vmem>>, vector<8x512xf32>
    tpu.vector_store %arg5[%swap3A_768, %swap3A_769], %select_n3A_767 {strides = array<i32>} : memref<8x5120xf32, #tpu.memory_space<vmem>>, vector<8x512xf32>,
    %get3A_771 = arith.constant 0 : index
    %get3A_772 = arith.constant 1536 : index
    %get3A_773 = vector.load %arg1[%get3A_771, %get3A_772] : memref<4x5120xf32, #tpu.memory_space<vmem>>, vector<1x512xf32>
    %get3A_774 = arith.constant 1 : index
    %get3A_775 = arith.constant 1536 : index
    %get3A_776 = vector.load %arg1[%get3A_774, %get3A_775] : memref<4x5120xf32, #tpu.memory_space<vmem>>, vector<1x512xf32>
    %get3A_777 = arith.constant 2 : index
    %get3A_778 = arith.constant 1536 : index
    %get3A_779 = vector.load %arg1[%get3A_777, %get3A_778] : memref<4x5120xf32, #tpu.memory_space<vmem>>, vector<1x512xf32>
    %get3A_780 = arith.constant 3 : index
    %get3A_781 = arith.constant 1536 : index
    %get3A_782 = vector.load %arg1[%get3A_780, %get3A_781] : memref<4x5120xf32, #tpu.memory_space<vmem>>, vector<1x512xf32>
    %slice3A_783 = vector.extract_strided_slice %mul3A_34 {offsets = [0, 1536], sizes = [1, 512], strides = [1, 1]} : vector<1x5120xf32> to vector<1x512xf32>
    %max3A_784 = vector.broadcast %get3A_773 : vector<1x512xf32> to vector<512x512xf32>
    %max3A_785 = arith.maximumf %broadcast_in_dim3A_649, %max3A_784 : vector<512x512xf32>
    %max3A_786 = vector.broadcast %get3A_776 : vector<1x512xf32> to vector<512x512xf32>
    %max3A_787 = arith.maximumf %broadcast_in_dim3A_651, %max3A_786 : vector<512x512xf32>
    %min3A_788 = vector.broadcast %get3A_779 : vector<1x512xf32> to vector<512x512xf32>
    %min3A_789 = arith.minimumf %broadcast_in_dim3A_653, %min3A_788 : vector<512x512xf32>
    %min3A_790 = vector.broadcast %get3A_782 : vector<1x512xf32> to vector<512x512xf32>
    %min3A_791 = arith.minimumf %broadcast_in_dim3A_655, %min3A_790 : vector<512x512xf32>
    %sub3A_792 = arith.subf %min3A_789, %max3A_785 : vector<512x512xf32>
    %max3A_793 = arith.constant 0.000000e+00 : f32
    %max3A_794 = vector.broadcast %max3A_793 : f32 to vector<512x512xf32>
    %max3A_795 = arith.maximumf %sub3A_792, %max3A_794 : vector<512x512xf32>
    %sub3A_796 = arith.subf %min3A_791, %max3A_787 : vector<512x512xf32>
    %max3A_797 = arith.constant 0.000000e+00 : f32
    %max3A_798 = vector.broadcast %max3A_797 : f32 to vector<512x512xf32>
    %max3A_799 = arith.maximumf %sub3A_796, %max3A_798 : vector<512x512xf32>
    %mul3A_800 = arith.mulf %max3A_795, %max3A_799 : vector<512x512xf32>
    %add3A_801 = vector.broadcast %slice3A_783 : vector<1x512xf32> to vector<512x512xf32>
    %add3A_802 = arith.addf %broadcast_in_dim3A_657, %add3A_801 : vector<512x512xf32>
    %sub3A_803 = arith.subf %add3A_802, %mul3A_800 : vector<512x512xf32>
    %add3A_804 = arith.constant 9.99999971E-10 : f32
    %add3A_805 = vector.broadcast %add3A_804 : f32 to vector<512x512xf32>
    %add3A_806 = arith.addf %sub3A_803, %add3A_805 : vector<512x512xf32>
    %div3A_807 = arith.divf %mul3A_800, %add3A_806 : vector<512x512xf32>
    %gt3A_808 = arith.constant 5.000000e-01 : f32
    %gt3A_809 = vector.broadcast %gt3A_808 : f32 to vector<512x512xf32>
    %gt3A_810 = arith.cmpf ogt, %div3A_807, %gt3A_809 : vector<512x512xf32>
    %jit3A_811 = arith.constant 1.000000e+00 : f32
    %jit3A_812 = arith.constant 0.000000e+00 : f32
    %broadcast_in_dim3A_813 = vector.broadcast %jit3A_811 : f32 to vector<512x512xf32>
    %broadcast_in_dim3A_814 = vector.broadcast %jit3A_812 : f32 to vector<512x512xf32>
    %select_n3A_815 = arith.select %gt3A_810, %broadcast_in_dim3A_813, %broadcast_in_dim3A_814 : vector<512x512xi1>, vector<512x512xf32>
    %dot_general3A_816 = arith.constant dense<0.000000e+00> : vector<8x512xf32>
    %dot_general3A_817 = tpu.matmul %while3A_708#0, %select_n3A_815, %dot_general3A_816 {dimension_numbers = #tpu.dot_dimension_numbers<[1], [0], [0], [1], [0, 0, 1, 1], [], []>, transpose_lhs_hint = false} : vector<8x512xf32>, vector<512x512xf32>, vector<8x512xf32> -> vector<8x512xf32>
    %gt3A_818 = arith.constant 5.000000e-01 : f32
    %gt3A_819 = vector.broadcast %gt3A_818 : f32 to vector<8x512xf32>
    %gt3A_820 = arith.cmpf ogt, %dot_general3A_817, %gt3A_819 : vector<8x512xf32>
    %get3A_821 = arith.constant 0 : index
    %get3A_822 = arith.constant 1536 : index
    %get3A_823 = vector.load %arg5[%get3A_821, %get3A_822] : memref<8x5120xf32, #tpu.memory_space<vmem>>, vector<8x512xf32>
    %jit3A_824 = arith.constant 0.000000e+00 : f32
    %broadcast_in_dim3A_825 = vector.broadcast %jit3A_824 : f32 to vector<8x512xf32>
    %select_n3A_826 = arith.select %gt3A_820, %broadcast_in_dim3A_825, %get3A_823 : vector<8x512xi1>, vector<8x512xf32>
    %swap3A_827 = arith.constant 0 : index
    %swap3A_828 = arith.constant 1536 : index
    %swap3A_829 = vector.load %arg5[%swap3A_827, %swap3A_828] : memref<8x5120xf32, #tpu.memory_space<vmem>>, vector<8x512xf32>
    tpu.vector_store %arg5[%swap3A_827, %swap3A_828], %select_n3A_826 {strides = array<i32>} : memref<8x5120xf32, #tpu.memory_space<vmem>>, vector<8x512xf32>,
    %get3A_830 = arith.constant 0 : index
    %get3A_831 = arith.constant 2048 : index
    %get3A_832 = vector.load %arg1[%get3A_830, %get3A_831] : memref<4x5120xf32, #tpu.memory_space<vmem>>, vector<1x512xf32>
    %get3A_833 = arith.constant 1 : index
    %get3A_834 = arith.constant 2048 : index
    %get3A_835 = vector.load %arg1[%get3A_833, %get3A_834] : memref<4x5120xf32, #tpu.memory_space<vmem>>, vector<1x512xf32>
    %get3A_836 = arith.constant 2 : index
    %get3A_837 = arith.constant 2048 : index
    %get3A_838 = vector.load %arg1[%get3A_836, %get3A_837] : memref<4x5120xf32, #tpu.memory_space<vmem>>, vector<1x512xf32>
    %get3A_839 = arith.constant 3 : index
    %get3A_840 = arith.constant 2048 : index
    %get3A_841 = vector.load %arg1[%get3A_839, %get3A_840] : memref<4x5120xf32, #tpu.memory_space<vmem>>, vector<1x512xf32>
    %slice3A_842 = vector.extract_strided_slice %mul3A_34 {offsets = [0, 2048], sizes = [1, 512], strides = [1, 1]} : vector<1x5120xf32> to vector<1x512xf32>
    %max3A_843 = vector.broadcast %get3A_832 : vector<1x512xf32> to vector<512x512xf32>
    %max3A_844 = arith.maximumf %broadcast_in_dim3A_649, %max3A_843 : vector<512x512xf32>
    %max3A_845 = vector.broadcast %get3A_835 : vector<1x512xf32> to vector<512x512xf32>
    %max3A_846 = arith.maximumf %broadcast_in_dim3A_651, %max3A_845 : vector<512x512xf32>
    %min3A_847 = vector.broadcast %get3A_838 : vector<1x512xf32> to vector<512x512xf32>
    %min3A_848 = arith.minimumf %broadcast_in_dim3A_653, %min3A_847 : vector<512x512xf32>
    %min3A_849 = vector.broadcast %get3A_841 : vector<1x512xf32> to vector<512x512xf32>
    %min3A_850 = arith.minimumf %broadcast_in_dim3A_655, %min3A_849 : vector<512x512xf32>
    %sub3A_851 = arith.subf %min3A_848, %max3A_844 : vector<512x512xf32>
    %max3A_852 = arith.constant 0.000000e+00 : f32
    %max3A_853 = vector.broadcast %max3A_852 : f32 to vector<512x512xf32>
    %max3A_854 = arith.maximumf %sub3A_851, %max3A_853 : vector<512x512xf32>
    %sub3A_855 = arith.subf %min3A_850, %max3A_846 : vector<512x512xf32>
    %max3A_856 = arith.constant 0.000000e+00 : f32
    %max3A_857 = vector.broadcast %max3A_856 : f32 to vector<512x512xf32>
    %max3A_858 = arith.maximumf %sub3A_855, %max3A_857 : vector<512x512xf32>
    %mul3A_859 = arith.mulf %max3A_854, %max3A_858 : vector<512x512xf32>
    %add3A_860 = vector.broadcast %slice3A_842 : vector<1x512xf32> to vector<512x512xf32>
    %add3A_861 = arith.addf %broadcast_in_dim3A_657, %add3A_860 : vector<512x512xf32>
    %sub3A_862 = arith.subf %add3A_861, %mul3A_859 : vector<512x512xf32>
    %add3A_863 = arith.constant 9.99999971E-10 : f32
    %add3A_864 = vector.broadcast %add3A_863 : f32 to vector<512x512xf32>
    %add3A_865 = arith.addf %sub3A_862, %add3A_864 : vector<512x512xf32>
    %div3A_866 = arith.divf %mul3A_859, %add3A_865 : vector<512x512xf32>
    %gt3A_867 = arith.constant 5.000000e-01 : f32
    %gt3A_868 = vector.broadcast %gt3A_867 : f32 to vector<512x512xf32>
    %gt3A_869 = arith.cmpf ogt, %div3A_866, %gt3A_868 : vector<512x512xf32>
    %jit3A_870 = arith.constant 1.000000e+00 : f32
    %jit3A_871 = arith.constant 0.000000e+00 : f32
    %broadcast_in_dim3A_872 = vector.broadcast %jit3A_870 : f32 to vector<512x512xf32>
    %broadcast_in_dim3A_873 = vector.broadcast %jit3A_871 : f32 to vector<512x512xf32>
    %select_n3A_874 = arith.select %gt3A_869, %broadcast_in_dim3A_872, %broadcast_in_dim3A_873 : vector<512x512xi1>, vector<512x512xf32>
    %dot_general3A_875 = arith.constant dense<0.000000e+00> : vector<8x512xf32>
    %dot_general3A_876 = tpu.matmul %while3A_708#0, %select_n3A_874, %dot_general3A_875 {dimension_numbers = #tpu.dot_dimension_numbers<[1], [0], [0], [1], [0, 0, 1, 1], [], []>, transpose_lhs_hint = false} : vector<8x512xf32>, vector<512x512xf32>, vector<8x512xf32> -> vector<8x512xf32>
    %gt3A_877 = arith.constant 5.000000e-01 : f32
    %gt3A_878 = vector.broadcast %gt3A_877 : f32 to vector<8x512xf32>
    %gt3A_879 = arith.cmpf ogt, %dot_general3A_876, %gt3A_878 : vector<8x512xf32>
    %get3A_880 = arith.constant 0 : index
    %get3A_881 = arith.constant 2048 : index
    %get3A_882 = vector.load %arg5[%get3A_880, %get3A_881] : memref<8x5120xf32, #tpu.memory_space<vmem>>, vector<8x512xf32>
    %jit3A_883 = arith.constant 0.000000e+00 : f32
    %broadcast_in_dim3A_884 = vector.broadcast %jit3A_883 : f32 to vector<8x512xf32>
    %select_n3A_885 = arith.select %gt3A_879, %broadcast_in_dim3A_884, %get3A_882 : vector<8x512xi1>, vector<8x512xf32>
    %swap3A_886 = arith.constant 0 : index
    %swap3A_887 = arith.constant 2048 : index
    %swap3A_888 = vector.load %arg5[%swap3A_886, %swap3A_887] : memref<8x5120xf32, #tpu.memory_space<vmem>>, vector<8x512xf32>
    tpu.vector_store %arg5[%swap3A_886, %swap3A_887], %select_n3A_885 {strides = array<i32>} : memref<8x5120xf32, #tpu.memory_space<vmem>>, vector<8x512xf32>,
    %get3A_889 = arith.constant 0 : index
    %get3A_890 = arith.constant 2560 : index
    %get3A_891 = vector.load %arg1[%get3A_889, %get3A_890] : memref<4x5120xf32, #tpu.memory_space<vmem>>, vector<1x512xf32>
    %get3A_892 = arith.constant 1 : index
    %get3A_893 = arith.constant 2560 : index
    %get3A_894 = vector.load %arg1[%get3A_892, %get3A_893] : memref<4x5120xf32, #tpu.memory_space<vmem>>, vector<1x512xf32>
    %get3A_895 = arith.constant 2 : index
    %get3A_896 = arith.constant 2560 : index
    %get3A_897 = vector.load %arg1[%get3A_895, %get3A_896] : memref<4x5120xf32, #tpu.memory_space<vmem>>, vector<1x512xf32>
    %get3A_898 = arith.constant 3 : index
    %get3A_899 = arith.constant 2560 : index
    %get3A_900 = vector.load %arg1[%get3A_898, %get3A_899] : memref<4x5120xf32, #tpu.memory_space<vmem>>, vector<1x512xf32>
    %slice3A_901 = vector.extract_strided_slice %mul3A_34 {offsets = [0, 2560], sizes = [1, 512], strides = [1, 1]} : vector<1x5120xf32> to vector<1x512xf32>
    %max3A_902 = vector.broadcast %get3A_891 : vector<1x512xf32> to vector<512x512xf32>
    %max3A_903 = arith.maximumf %broadcast_in_dim3A_649, %max3A_902 : vector<512x512xf32>
    %max3A_904 = vector.broadcast %get3A_894 : vector<1x512xf32> to vector<512x512xf32>
    %max3A_905 = arith.maximumf %broadcast_in_dim3A_651, %max3A_904 : vector<512x512xf32>
    %min3A_906 = vector.broadcast %get3A_897 : vector<1x512xf32> to vector<512x512xf32>
    %min3A_907 = arith.minimumf %broadcast_in_dim3A_653, %min3A_906 : vector<512x512xf32>
    %min3A_908 = vector.broadcast %get3A_900 : vector<1x512xf32> to vector<512x512xf32>
    %min3A_909 = arith.minimumf %broadcast_in_dim3A_655, %min3A_908 : vector<512x512xf32>
    %sub3A_910 = arith.subf %min3A_907, %max3A_903 : vector<512x512xf32>
    %max3A_911 = arith.constant 0.000000e+00 : f32
    %max3A_912 = vector.broadcast %max3A_911 : f32 to vector<512x512xf32>
    %max3A_913 = arith.maximumf %sub3A_910, %max3A_912 : vector<512x512xf32>
    %sub3A_914 = arith.subf %min3A_909, %max3A_905 : vector<512x512xf32>
    %max3A_915 = arith.constant 0.000000e+00 : f32
    %max3A_916 = vector.broadcast %max3A_915 : f32 to vector<512x512xf32>
    %max3A_917 = arith.maximumf %sub3A_914, %max3A_916 : vector<512x512xf32>
    %mul3A_918 = arith.mulf %max3A_913, %max3A_917 : vector<512x512xf32>
    %add3A_919 = vector.broadcast %slice3A_901 : vector<1x512xf32> to vector<512x512xf32>
    %add3A_920 = arith.addf %broadcast_in_dim3A_657, %add3A_919 : vector<512x512xf32>
    %sub3A_921 = arith.subf %add3A_920, %mul3A_918 : vector<512x512xf32>
    %add3A_922 = arith.constant 9.99999971E-10 : f32
    %add3A_923 = vector.broadcast %add3A_922 : f32 to vector<512x512xf32>
    %add3A_924 = arith.addf %sub3A_921, %add3A_923 : vector<512x512xf32>
    %div3A_925 = arith.divf %mul3A_918, %add3A_924 : vector<512x512xf32>
    %gt3A_926 = arith.constant 5.000000e-01 : f32
    %gt3A_927 = vector.broadcast %gt3A_926 : f32 to vector<512x512xf32>
    %gt3A_928 = arith.cmpf ogt, %div3A_925, %gt3A_927 : vector<512x512xf32>
    %jit3A_929 = arith.constant 1.000000e+00 : f32
    %jit3A_930 = arith.constant 0.000000e+00 : f32
    %broadcast_in_dim3A_931 = vector.broadcast %jit3A_929 : f32 to vector<512x512xf32>
    %broadcast_in_dim3A_932 = vector.broadcast %jit3A_930 : f32 to vector<512x512xf32>
    %select_n3A_933 = arith.select %gt3A_928, %broadcast_in_dim3A_931, %broadcast_in_dim3A_932 : vector<512x512xi1>, vector<512x512xf32>
    %dot_general3A_934 = arith.constant dense<0.000000e+00> : vector<8x512xf32>
    %dot_general3A_935 = tpu.matmul %while3A_708#0, %select_n3A_933, %dot_general3A_934 {dimension_numbers = #tpu.dot_dimension_numbers<[1], [0], [0], [1], [0, 0, 1, 1], [], []>, transpose_lhs_hint = false} : vector<8x512xf32>, vector<512x512xf32>, vector<8x512xf32> -> vector<8x512xf32>
    %gt3A_936 = arith.constant 5.000000e-01 : f32
    %gt3A_937 = vector.broadcast %gt3A_936 : f32 to vector<8x512xf32>
    %gt3A_938 = arith.cmpf ogt, %dot_general3A_935, %gt3A_937 : vector<8x512xf32>
    %get3A_939 = arith.constant 0 : index
    %get3A_940 = arith.constant 2560 : index
    %get3A_941 = vector.load %arg5[%get3A_939, %get3A_940] : memref<8x5120xf32, #tpu.memory_space<vmem>>, vector<8x512xf32>
    %jit3A_942 = arith.constant 0.000000e+00 : f32
    %broadcast_in_dim3A_943 = vector.broadcast %jit3A_942 : f32 to vector<8x512xf32>
    %select_n3A_944 = arith.select %gt3A_938, %broadcast_in_dim3A_943, %get3A_941 : vector<8x512xi1>, vector<8x512xf32>
    %swap3A_945 = arith.constant 0 : index
    %swap3A_946 = arith.constant 2560 : index
    %swap3A_947 = vector.load %arg5[%swap3A_945, %swap3A_946] : memref<8x5120xf32, #tpu.memory_space<vmem>>, vector<8x512xf32>
    tpu.vector_store %arg5[%swap3A_945, %swap3A_946], %select_n3A_944 {strides = array<i32>} : memref<8x5120xf32, #tpu.memory_space<vmem>>, vector<8x512xf32>,
    %get3A_948 = arith.constant 0 : index
    %get3A_949 = arith.constant 3072 : index
    %get3A_950 = vector.load %arg1[%get3A_948, %get3A_949] : memref<4x5120xf32, #tpu.memory_space<vmem>>, vector<1x512xf32>
    %get3A_951 = arith.constant 1 : index
    %get3A_952 = arith.constant 3072 : index
    %get3A_953 = vector.load %arg1[%get3A_951, %get3A_952] : memref<4x5120xf32, #tpu.memory_space<vmem>>, vector<1x512xf32>
    %get3A_954 = arith.constant 2 : index
    %get3A_955 = arith.constant 3072 : index
    %get3A_956 = vector.load %arg1[%get3A_954, %get3A_955] : memref<4x5120xf32, #tpu.memory_space<vmem>>, vector<1x512xf32>
    %get3A_957 = arith.constant 3 : index
    %get3A_958 = arith.constant 3072 : index
    %get3A_959 = vector.load %arg1[%get3A_957, %get3A_958] : memref<4x5120xf32, #tpu.memory_space<vmem>>, vector<1x512xf32>
    %slice3A_960 = vector.extract_strided_slice %mul3A_34 {offsets = [0, 3072], sizes = [1, 512], strides = [1, 1]} : vector<1x5120xf32> to vector<1x512xf32>
    %max3A_961 = vector.broadcast %get3A_950 : vector<1x512xf32> to vector<512x512xf32>
    %max3A_962 = arith.maximumf %broadcast_in_dim3A_649, %max3A_961 : vector<512x512xf32>
    %max3A_963 = vector.broadcast %get3A_953 : vector<1x512xf32> to vector<512x512xf32>
    %max3A_964 = arith.maximumf %broadcast_in_dim3A_651, %max3A_963 : vector<512x512xf32>
    %min3A_965 = vector.broadcast %get3A_956 : vector<1x512xf32> to vector<512x512xf32>
    %min3A_966 = arith.minimumf %broadcast_in_dim3A_653, %min3A_965 : vector<512x512xf32>
    %min3A_967 = vector.broadcast %get3A_959 : vector<1x512xf32> to vector<512x512xf32>
    %min3A_968 = arith.minimumf %broadcast_in_dim3A_655, %min3A_967 : vector<512x512xf32>
    %sub3A_969 = arith.subf %min3A_966, %max3A_962 : vector<512x512xf32>
    %max3A_970 = arith.constant 0.000000e+00 : f32
    %max3A_971 = vector.broadcast %max3A_970 : f32 to vector<512x512xf32>
    %max3A_972 = arith.maximumf %sub3A_969, %max3A_971 : vector<512x512xf32>
    %sub3A_973 = arith.subf %min3A_968, %max3A_964 : vector<512x512xf32>
    %max3A_974 = arith.constant 0.000000e+00 : f32
    %max3A_975 = vector.broadcast %max3A_974 : f32 to vector<512x512xf32>
    %max3A_976 = arith.maximumf %sub3A_973, %max3A_975 : vector<512x512xf32>
    %mul3A_977 = arith.mulf %max3A_972, %max3A_976 : vector<512x512xf32>
    %add3A_978 = vector.broadcast %slice3A_960 : vector<1x512xf32> to vector<512x512xf32>
    %add3A_979 = arith.addf %broadcast_in_dim3A_657, %add3A_978 : vector<512x512xf32>
    %sub3A_980 = arith.subf %add3A_979, %mul3A_977 : vector<512x512xf32>
    %add3A_981 = arith.constant 9.99999971E-10 : f32
    %add3A_982 = vector.broadcast %add3A_981 : f32 to vector<512x512xf32>
    %add3A_983 = arith.addf %sub3A_980, %add3A_982 : vector<512x512xf32>
    %div3A_984 = arith.divf %mul3A_977, %add3A_983 : vector<512x512xf32>
    %gt3A_985 = arith.constant 5.000000e-01 : f32
    %gt3A_986 = vector.broadcast %gt3A_985 : f32 to vector<512x512xf32>
    %gt3A_987 = arith.cmpf ogt, %div3A_984, %gt3A_986 : vector<512x512xf32>
    %jit3A_988 = arith.constant 1.000000e+00 : f32
    %jit3A_989 = arith.constant 0.000000e+00 : f32
    %broadcast_in_dim3A_990 = vector.broadcast %jit3A_988 : f32 to vector<512x512xf32>
    %broadcast_in_dim3A_991 = vector.broadcast %jit3A_989 : f32 to vector<512x512xf32>
    %select_n3A_992 = arith.select %gt3A_987, %broadcast_in_dim3A_990, %broadcast_in_dim3A_991 : vector<512x512xi1>, vector<512x512xf32>
    %dot_general3A_993 = arith.constant dense<0.000000e+00> : vector<8x512xf32>
    %dot_general3A_994 = tpu.matmul %while3A_708#0, %select_n3A_992, %dot_general3A_993 {dimension_numbers = #tpu.dot_dimension_numbers<[1], [0], [0], [1], [0, 0, 1, 1], [], []>, transpose_lhs_hint = false} : vector<8x512xf32>, vector<512x512xf32>, vector<8x512xf32> -> vector<8x512xf32>
    %gt3A_995 = arith.constant 5.000000e-01 : f32
    %gt3A_996 = vector.broadcast %gt3A_995 : f32 to vector<8x512xf32>
    %gt3A_997 = arith.cmpf ogt, %dot_general3A_994, %gt3A_996 : vector<8x512xf32>
    %get3A_998 = arith.constant 0 : index
    %get3A_999 = arith.constant 3072 : index
    %get3A_1000 = vector.load %arg5[%get3A_998, %get3A_999] : memref<8x5120xf32, #tpu.memory_space<vmem>>, vector<8x512xf32>
    %jit3A_1001 = arith.constant 0.000000e+00 : f32
    %broadcast_in_dim3A_1002 = vector.broadcast %jit3A_1001 : f32 to vector<8x512xf32>
    %select_n3A_1003 = arith.select %gt3A_997, %broadcast_in_dim3A_1002, %get3A_1000 : vector<8x512xi1>, vector<8x512xf32>
    %swap3A_1004 = arith.constant 0 : index
    %swap3A_1005 = arith.constant 3072 : index
    %swap3A_1006 = vector.load %arg5[%swap3A_1004, %swap3A_1005] : memref<8x5120xf32, #tpu.memory_space<vmem>>, vector<8x512xf32>
    tpu.vector_store %arg5[%swap3A_1004, %swap3A_1005], %select_n3A_1003 {strides = array<i32>} : memref<8x5120xf32, #tpu.memory_space<vmem>>, vector<8x512xf32>,
    %get3A_1007 = arith.constant 0 : index
    %get3A_1008 = arith.constant 3584 : index
    %get3A_1009 = vector.load %arg1[%get3A_1007, %get3A_1008] : memref<4x5120xf32, #tpu.memory_space<vmem>>, vector<1x512xf32>
    %get3A_1010 = arith.constant 1 : index
    %get3A_1011 = arith.constant 3584 : index
    %get3A_1012 = vector.load %arg1[%get3A_1010, %get3A_1011] : memref<4x5120xf32, #tpu.memory_space<vmem>>, vector<1x512xf32>
    %get3A_1013 = arith.constant 2 : index
    %get3A_1014 = arith.constant 3584 : index
    %get3A_1015 = vector.load %arg1[%get3A_1013, %get3A_1014] : memref<4x5120xf32, #tpu.memory_space<vmem>>, vector<1x512xf32>
    %get3A_1016 = arith.constant 3 : index
    %get3A_1017 = arith.constant 3584 : index
    %get3A_1018 = vector.load %arg1[%get3A_1016, %get3A_1017] : memref<4x5120xf32, #tpu.memory_space<vmem>>, vector<1x512xf32>
    %slice3A_1019 = vector.extract_strided_slice %mul3A_34 {offsets = [0, 3584], sizes = [1, 512], strides = [1, 1]} : vector<1x5120xf32> to vector<1x512xf32>
    %max3A_1020 = vector.broadcast %get3A_1009 : vector<1x512xf32> to vector<512x512xf32>
    %max3A_1021 = arith.maximumf %broadcast_in_dim3A_649, %max3A_1020 : vector<512x512xf32>
    %max3A_1022 = vector.broadcast %get3A_1012 : vector<1x512xf32> to vector<512x512xf32>
    %max3A_1023 = arith.maximumf %broadcast_in_dim3A_651, %max3A_1022 : vector<512x512xf32>
    %min3A_1024 = vector.broadcast %get3A_1015 : vector<1x512xf32> to vector<512x512xf32>
    %min3A_1025 = arith.minimumf %broadcast_in_dim3A_653, %min3A_1024 : vector<512x512xf32>
    %min3A_1026 = vector.broadcast %get3A_1018 : vector<1x512xf32> to vector<512x512xf32>
    %min3A_1027 = arith.minimumf %broadcast_in_dim3A_655, %min3A_1026 : vector<512x512xf32>
    %sub3A_1028 = arith.subf %min3A_1025, %max3A_1021 : vector<512x512xf32>
    %max3A_1029 = arith.constant 0.000000e+00 : f32
    %max3A_1030 = vector.broadcast %max3A_1029 : f32 to vector<512x512xf32>
    %max3A_1031 = arith.maximumf %sub3A_1028, %max3A_1030 : vector<512x512xf32>
    %sub3A_1032 = arith.subf %min3A_1027, %max3A_1023 : vector<512x512xf32>
    %max3A_1033 = arith.constant 0.000000e+00 : f32
    %max3A_1034 = vector.broadcast %max3A_1033 : f32 to vector<512x512xf32>
    %max3A_1035 = arith.maximumf %sub3A_1032, %max3A_1034 : vector<512x512xf32>
    %mul3A_1036 = arith.mulf %max3A_1031, %max3A_1035 : vector<512x512xf32>
    %add3A_1037 = vector.broadcast %slice3A_1019 : vector<1x512xf32> to vector<512x512xf32>
    %add3A_1038 = arith.addf %broadcast_in_dim3A_657, %add3A_1037 : vector<512x512xf32>
    %sub3A_1039 = arith.subf %add3A_1038, %mul3A_1036 : vector<512x512xf32>
    %add3A_1040 = arith.constant 9.99999971E-10 : f32
    %add3A_1041 = vector.broadcast %add3A_1040 : f32 to vector<512x512xf32>
    %add3A_1042 = arith.addf %sub3A_1039, %add3A_1041 : vector<512x512xf32>
    %div3A_1043 = arith.divf %mul3A_1036, %add3A_1042 : vector<512x512xf32>
    %gt3A_1044 = arith.constant 5.000000e-01 : f32
    %gt3A_1045 = vector.broadcast %gt3A_1044 : f32 to vector<512x512xf32>
    %gt3A_1046 = arith.cmpf ogt, %div3A_1043, %gt3A_1045 : vector<512x512xf32>
    %jit3A_1047 = arith.constant 1.000000e+00 : f32
    %jit3A_1048 = arith.constant 0.000000e+00 : f32
    %broadcast_in_dim3A_1049 = vector.broadcast %jit3A_1047 : f32 to vector<512x512xf32>
    %broadcast_in_dim3A_1050 = vector.broadcast %jit3A_1048 : f32 to vector<512x512xf32>
    %select_n3A_1051 = arith.select %gt3A_1046, %broadcast_in_dim3A_1049, %broadcast_in_dim3A_1050 : vector<512x512xi1>, vector<512x512xf32>
    %dot_general3A_1052 = arith.constant dense<0.000000e+00> : vector<8x512xf32>
    %dot_general3A_1053 = tpu.matmul %while3A_708#0, %select_n3A_1051, %dot_general3A_1052 {dimension_numbers = #tpu.dot_dimension_numbers<[1], [0], [0], [1], [0, 0, 1, 1], [], []>, transpose_lhs_hint = false} : vector<8x512xf32>, vector<512x512xf32>, vector<8x512xf32> -> vector<8x512xf32>
    %gt3A_1054 = arith.constant 5.000000e-01 : f32
    %gt3A_1055 = vector.broadcast %gt3A_1054 : f32 to vector<8x512xf32>
    %gt3A_1056 = arith.cmpf ogt, %dot_general3A_1053, %gt3A_1055 : vector<8x512xf32>
    %get3A_1057 = arith.constant 0 : index
    %get3A_1058 = arith.constant 3584 : index
    %get3A_1059 = vector.load %arg5[%get3A_1057, %get3A_1058] : memref<8x5120xf32, #tpu.memory_space<vmem>>, vector<8x512xf32>
    %jit3A_1060 = arith.constant 0.000000e+00 : f32
    %broadcast_in_dim3A_1061 = vector.broadcast %jit3A_1060 : f32 to vector<8x512xf32>
    %select_n3A_1062 = arith.select %gt3A_1056, %broadcast_in_dim3A_1061, %get3A_1059 : vector<8x512xi1>, vector<8x512xf32>
    %swap3A_1063 = arith.constant 0 : index
    %swap3A_1064 = arith.constant 3584 : index
    %swap3A_1065 = vector.load %arg5[%swap3A_1063, %swap3A_1064] : memref<8x5120xf32, #tpu.memory_space<vmem>>, vector<8x512xf32>
    tpu.vector_store %arg5[%swap3A_1063, %swap3A_1064], %select_n3A_1062 {strides = array<i32>} : memref<8x5120xf32, #tpu.memory_space<vmem>>, vector<8x512xf32>,
    %get3A_1066 = arith.constant 0 : index
    %get3A_1067 = arith.constant 4096 : index
    %get3A_1068 = vector.load %arg1[%get3A_1066, %get3A_1067] : memref<4x5120xf32, #tpu.memory_space<vmem>>, vector<1x512xf32>
    %get3A_1069 = arith.constant 1 : index
    %get3A_1070 = arith.constant 4096 : index
    %get3A_1071 = vector.load %arg1[%get3A_1069, %get3A_1070] : memref<4x5120xf32, #tpu.memory_space<vmem>>, vector<1x512xf32>
    %get3A_1072 = arith.constant 2 : index
    %get3A_1073 = arith.constant 4096 : index
    %get3A_1074 = vector.load %arg1[%get3A_1072, %get3A_1073] : memref<4x5120xf32, #tpu.memory_space<vmem>>, vector<1x512xf32>
    %get3A_1075 = arith.constant 3 : index
    %get3A_1076 = arith.constant 4096 : index
    %get3A_1077 = vector.load %arg1[%get3A_1075, %get3A_1076] : memref<4x5120xf32, #tpu.memory_space<vmem>>, vector<1x512xf32>
    %slice3A_1078 = vector.extract_strided_slice %mul3A_34 {offsets = [0, 4096], sizes = [1, 512], strides = [1, 1]} : vector<1x5120xf32> to vector<1x512xf32>
    %max3A_1079 = vector.broadcast %get3A_1068 : vector<1x512xf32> to vector<512x512xf32>
    %max3A_1080 = arith.maximumf %broadcast_in_dim3A_649, %max3A_1079 : vector<512x512xf32>
    %max3A_1081 = vector.broadcast %get3A_1071 : vector<1x512xf32> to vector<512x512xf32>
    %max3A_1082 = arith.maximumf %broadcast_in_dim3A_651, %max3A_1081 : vector<512x512xf32>
    %min3A_1083 = vector.broadcast %get3A_1074 : vector<1x512xf32> to vector<512x512xf32>
    %min3A_1084 = arith.minimumf %broadcast_in_dim3A_653, %min3A_1083 : vector<512x512xf32>
    %min3A_1085 = vector.broadcast %get3A_1077 : vector<1x512xf32> to vector<512x512xf32>
    %min3A_1086 = arith.minimumf %broadcast_in_dim3A_655, %min3A_1085 : vector<512x512xf32>
    %sub3A_1087 = arith.subf %min3A_1084, %max3A_1080 : vector<512x512xf32>
    %max3A_1088 = arith.constant 0.000000e+00 : f32
    %max3A_1089 = vector.broadcast %max3A_1088 : f32 to vector<512x512xf32>
    %max3A_1090 = arith.maximumf %sub3A_1087, %max3A_1089 : vector<512x512xf32>
    %sub3A_1091 = arith.subf %min3A_1086, %max3A_1082 : vector<512x512xf32>
    %max3A_1092 = arith.constant 0.000000e+00 : f32
    %max3A_1093 = vector.broadcast %max3A_1092 : f32 to vector<512x512xf32>
    %max3A_1094 = arith.maximumf %sub3A_1091, %max3A_1093 : vector<512x512xf32>
    %mul3A_1095 = arith.mulf %max3A_1090, %max3A_1094 : vector<512x512xf32>
    %add3A_1096 = vector.broadcast %slice3A_1078 : vector<1x512xf32> to vector<512x512xf32>
    %add3A_1097 = arith.addf %broadcast_in_dim3A_657, %add3A_1096 : vector<512x512xf32>
    %sub3A_1098 = arith.subf %add3A_1097, %mul3A_1095 : vector<512x512xf32>
    %add3A_1099 = arith.constant 9.99999971E-10 : f32
    %add3A_1100 = vector.broadcast %add3A_1099 : f32 to vector<512x512xf32>
    %add3A_1101 = arith.addf %sub3A_1098, %add3A_1100 : vector<512x512xf32>
    %div3A_1102 = arith.divf %mul3A_1095, %add3A_1101 : vector<512x512xf32>
    %gt3A_1103 = arith.constant 5.000000e-01 : f32
    %gt3A_1104 = vector.broadcast %gt3A_1103 : f32 to vector<512x512xf32>
    %gt3A_1105 = arith.cmpf ogt, %div3A_1102, %gt3A_1104 : vector<512x512xf32>
    %jit3A_1106 = arith.constant 1.000000e+00 : f32
    %jit3A_1107 = arith.constant 0.000000e+00 : f32
    %broadcast_in_dim3A_1108 = vector.broadcast %jit3A_1106 : f32 to vector<512x512xf32>
    %broadcast_in_dim3A_1109 = vector.broadcast %jit3A_1107 : f32 to vector<512x512xf32>
    %select_n3A_1110 = arith.select %gt3A_1105, %broadcast_in_dim3A_1108, %broadcast_in_dim3A_1109 : vector<512x512xi1>, vector<512x512xf32>
    %dot_general3A_1111 = arith.constant dense<0.000000e+00> : vector<8x512xf32>
    %dot_general3A_1112 = tpu.matmul %while3A_708#0, %select_n3A_1110, %dot_general3A_1111 {dimension_numbers = #tpu.dot_dimension_numbers<[1], [0], [0], [1], [0, 0, 1, 1], [], []>, transpose_lhs_hint = false} : vector<8x512xf32>, vector<512x512xf32>, vector<8x512xf32> -> vector<8x512xf32>
    %gt3A_1113 = arith.constant 5.000000e-01 : f32
    %gt3A_1114 = vector.broadcast %gt3A_1113 : f32 to vector<8x512xf32>
    %gt3A_1115 = arith.cmpf ogt, %dot_general3A_1112, %gt3A_1114 : vector<8x512xf32>
    %get3A_1116 = arith.constant 0 : index
    %get3A_1117 = arith.constant 4096 : index
    %get3A_1118 = vector.load %arg5[%get3A_1116, %get3A_1117] : memref<8x5120xf32, #tpu.memory_space<vmem>>, vector<8x512xf32>
    %jit3A_1119 = arith.constant 0.000000e+00 : f32
    %broadcast_in_dim3A_1120 = vector.broadcast %jit3A_1119 : f32 to vector<8x512xf32>
    %select_n3A_1121 = arith.select %gt3A_1115, %broadcast_in_dim3A_1120, %get3A_1118 : vector<8x512xi1>, vector<8x512xf32>
    %swap3A_1122 = arith.constant 0 : index
    %swap3A_1123 = arith.constant 4096 : index
    %swap3A_1124 = vector.load %arg5[%swap3A_1122, %swap3A_1123] : memref<8x5120xf32, #tpu.memory_space<vmem>>, vector<8x512xf32>
    tpu.vector_store %arg5[%swap3A_1122, %swap3A_1123], %select_n3A_1121 {strides = array<i32>} : memref<8x5120xf32, #tpu.memory_space<vmem>>, vector<8x512xf32>,
    %get3A_1125 = arith.constant 0 : index
    %get3A_1126 = arith.constant 4608 : index
    %get3A_1127 = vector.load %arg1[%get3A_1125, %get3A_1126] : memref<4x5120xf32, #tpu.memory_space<vmem>>, vector<1x512xf32>
    %get3A_1128 = arith.constant 1 : index
    %get3A_1129 = arith.constant 4608 : index
    %get3A_1130 = vector.load %arg1[%get3A_1128, %get3A_1129] : memref<4x5120xf32, #tpu.memory_space<vmem>>, vector<1x512xf32>
    %get3A_1131 = arith.constant 2 : index
    %get3A_1132 = arith.constant 4608 : index
    %get3A_1133 = vector.load %arg1[%get3A_1131, %get3A_1132] : memref<4x5120xf32, #tpu.memory_space<vmem>>, vector<1x512xf32>
    %get3A_1134 = arith.constant 3 : index
    %get3A_1135 = arith.constant 4608 : index
    %get3A_1136 = vector.load %arg1[%get3A_1134, %get3A_1135] : memref<4x5120xf32, #tpu.memory_space<vmem>>, vector<1x512xf32>
    %slice3A_1137 = vector.extract_strided_slice %mul3A_34 {offsets = [0, 4608], sizes = [1, 512], strides = [1, 1]} : vector<1x5120xf32> to vector<1x512xf32>
    %max3A_1138 = vector.broadcast %get3A_1127 : vector<1x512xf32> to vector<512x512xf32>
    %max3A_1139 = arith.maximumf %broadcast_in_dim3A_649, %max3A_1138 : vector<512x512xf32>
    %max3A_1140 = vector.broadcast %get3A_1130 : vector<1x512xf32> to vector<512x512xf32>
    %max3A_1141 = arith.maximumf %broadcast_in_dim3A_651, %max3A_1140 : vector<512x512xf32>
    %min3A_1142 = vector.broadcast %get3A_1133 : vector<1x512xf32> to vector<512x512xf32>
    %min3A_1143 = arith.minimumf %broadcast_in_dim3A_653, %min3A_1142 : vector<512x512xf32>
    %min3A_1144 = vector.broadcast %get3A_1136 : vector<1x512xf32> to vector<512x512xf32>
    %min3A_1145 = arith.minimumf %broadcast_in_dim3A_655, %min3A_1144 : vector<512x512xf32>
    %sub3A_1146 = arith.subf %min3A_1143, %max3A_1139 : vector<512x512xf32>
    %max3A_1147 = arith.constant 0.000000e+00 : f32
    %max3A_1148 = vector.broadcast %max3A_1147 : f32 to vector<512x512xf32>
    %max3A_1149 = arith.maximumf %sub3A_1146, %max3A_1148 : vector<512x512xf32>
    %sub3A_1150 = arith.subf %min3A_1145, %max3A_1141 : vector<512x512xf32>
    %max3A_1151 = arith.constant 0.000000e+00 : f32
    %max3A_1152 = vector.broadcast %max3A_1151 : f32 to vector<512x512xf32>
    %max3A_1153 = arith.maximumf %sub3A_1150, %max3A_1152 : vector<512x512xf32>
    %mul3A_1154 = arith.mulf %max3A_1149, %max3A_1153 : vector<512x512xf32>
    %add3A_1155 = vector.broadcast %slice3A_1137 : vector<1x512xf32> to vector<512x512xf32>
    %add3A_1156 = arith.addf %broadcast_in_dim3A_657, %add3A_1155 : vector<512x512xf32>
    %sub3A_1157 = arith.subf %add3A_1156, %mul3A_1154 : vector<512x512xf32>
    %add3A_1158 = arith.constant 9.99999971E-10 : f32
    %add3A_1159 = vector.broadcast %add3A_1158 : f32 to vector<512x512xf32>
    %add3A_1160 = arith.addf %sub3A_1157, %add3A_1159 : vector<512x512xf32>
    %div3A_1161 = arith.divf %mul3A_1154, %add3A_1160 : vector<512x512xf32>
    %gt3A_1162 = arith.constant 5.000000e-01 : f32
    %gt3A_1163 = vector.broadcast %gt3A_1162 : f32 to vector<512x512xf32>
    %gt3A_1164 = arith.cmpf ogt, %div3A_1161, %gt3A_1163 : vector<512x512xf32>
    %jit3A_1165 = arith.constant 1.000000e+00 : f32
    %jit3A_1166 = arith.constant 0.000000e+00 : f32
    %broadcast_in_dim3A_1167 = vector.broadcast %jit3A_1165 : f32 to vector<512x512xf32>
    %broadcast_in_dim3A_1168 = vector.broadcast %jit3A_1166 : f32 to vector<512x512xf32>
    %select_n3A_1169 = arith.select %gt3A_1164, %broadcast_in_dim3A_1167, %broadcast_in_dim3A_1168 : vector<512x512xi1>, vector<512x512xf32>
    %dot_general3A_1170 = arith.constant dense<0.000000e+00> : vector<8x512xf32>
    %dot_general3A_1171 = tpu.matmul %while3A_708#0, %select_n3A_1169, %dot_general3A_1170 {dimension_numbers = #tpu.dot_dimension_numbers<[1], [0], [0], [1], [0, 0, 1, 1], [], []>, transpose_lhs_hint = false} : vector<8x512xf32>, vector<512x512xf32>, vector<8x512xf32> -> vector<8x512xf32>
    %gt3A_1172 = arith.constant 5.000000e-01 : f32
    %gt3A_1173 = vector.broadcast %gt3A_1172 : f32 to vector<8x512xf32>
    %gt3A_1174 = arith.cmpf ogt, %dot_general3A_1171, %gt3A_1173 : vector<8x512xf32>
    %get3A_1175 = arith.constant 0 : index
    %get3A_1176 = arith.constant 4608 : index
    %get3A_1177 = vector.load %arg5[%get3A_1175, %get3A_1176] : memref<8x5120xf32, #tpu.memory_space<vmem>>, vector<8x512xf32>
    %jit3A_1178 = arith.constant 0.000000e+00 : f32
    %broadcast_in_dim3A_1179 = vector.broadcast %jit3A_1178 : f32 to vector<8x512xf32>
    %select_n3A_1180 = arith.select %gt3A_1174, %broadcast_in_dim3A_1179, %get3A_1177 : vector<8x512xi1>, vector<8x512xf32>
    %swap3A_1181 = arith.constant 0 : index
    %swap3A_1182 = arith.constant 4608 : index
    %swap3A_1183 = vector.load %arg5[%swap3A_1181, %swap3A_1182] : memref<8x5120xf32, #tpu.memory_space<vmem>>, vector<8x512xf32>
    tpu.vector_store %arg5[%swap3A_1181, %swap3A_1182], %select_n3A_1180 {strides = array<i32>} : memref<8x5120xf32, #tpu.memory_space<vmem>>, vector<8x512xf32>,
    %get3A_1184 = arith.constant 1024 : index
    %get3A_1185 = arith.constant 0 : index
    %get3A_1186 = vector.load %arg0[%get3A_1184, %get3A_1185] : memref<5120x4xf32, #tpu.memory_space<vmem>>, vector<512x1xf32>
    %get3A_1187 = arith.constant 1024 : index
    %get3A_1188 = arith.constant 1 : index
    %get3A_1189 = vector.load %arg0[%get3A_1187, %get3A_1188] : memref<5120x4xf32, #tpu.memory_space<vmem>>, vector<512x1xf32>
    %get3A_1190 = arith.constant 1024 : index
    %get3A_1191 = arith.constant 2 : index
    %get3A_1192 = vector.load %arg0[%get3A_1190, %get3A_1191] : memref<5120x4xf32, #tpu.memory_space<vmem>>, vector<512x1xf32>
    %get3A_1193 = arith.constant 1024 : index
    %get3A_1194 = arith.constant 3 : index
    %get3A_1195 = vector.load %arg0[%get3A_1193, %get3A_1194] : memref<5120x4xf32, #tpu.memory_space<vmem>>, vector<512x1xf32>
    %slice3A_1196 = vector.extract_strided_slice %mul3A {offsets = [1024, 0], sizes = [512, 1], strides = [1, 1]} : vector<5120x1xf32> to vector<512x1xf32>
    %broadcast_in_dim3A_1197 = vector.shape_cast %get3A_1186 : vector<512x1xf32> to vector<512x1xf32>
    %broadcast_in_dim3A_1198 = vector.broadcast %broadcast_in_dim3A_1197 : vector<512x1xf32> to vector<512x512xf32>
    %broadcast_in_dim3A_1199 = vector.shape_cast %get3A_1189 : vector<512x1xf32> to vector<512x1xf32>
    %broadcast_in_dim3A_1200 = vector.broadcast %broadcast_in_dim3A_1199 : vector<512x1xf32> to vector<512x512xf32>
    %broadcast_in_dim3A_1201 = vector.shape_cast %get3A_1192 : vector<512x1xf32> to vector<512x1xf32>
    %broadcast_in_dim3A_1202 = vector.broadcast %broadcast_in_dim3A_1201 : vector<512x1xf32> to vector<512x512xf32>
    %broadcast_in_dim3A_1203 = vector.shape_cast %get3A_1195 : vector<512x1xf32> to vector<512x1xf32>
    %broadcast_in_dim3A_1204 = vector.broadcast %broadcast_in_dim3A_1203 : vector<512x1xf32> to vector<512x512xf32>
    %broadcast_in_dim3A_1205 = vector.shape_cast %slice3A_1196 : vector<512x1xf32> to vector<512x1xf32>
    %broadcast_in_dim3A_1206 = vector.broadcast %broadcast_in_dim3A_1205 : vector<512x1xf32> to vector<512x512xf32>
    %get3A_1207 = arith.constant 0 : index
    %get3A_1208 = arith.constant 1024 : index
    %get3A_1209 = vector.load %arg1[%get3A_1207, %get3A_1208] : memref<4x5120xf32, #tpu.memory_space<vmem>>, vector<1x512xf32>
    %get3A_1210 = arith.constant 1 : index
    %get3A_1211 = arith.constant 1024 : index
    %get3A_1212 = vector.load %arg1[%get3A_1210, %get3A_1211] : memref<4x5120xf32, #tpu.memory_space<vmem>>, vector<1x512xf32>
    %get3A_1213 = arith.constant 2 : index
    %get3A_1214 = arith.constant 1024 : index
    %get3A_1215 = vector.load %arg1[%get3A_1213, %get3A_1214] : memref<4x5120xf32, #tpu.memory_space<vmem>>, vector<1x512xf32>
    %get3A_1216 = arith.constant 3 : index
    %get3A_1217 = arith.constant 1024 : index
    %get3A_1218 = vector.load %arg1[%get3A_1216, %get3A_1217] : memref<4x5120xf32, #tpu.memory_space<vmem>>, vector<1x512xf32>
    %slice3A_1219 = vector.extract_strided_slice %mul3A_34 {offsets = [0, 1024], sizes = [1, 512], strides = [1, 1]} : vector<1x5120xf32> to vector<1x512xf32>
    %max3A_1220 = vector.broadcast %get3A_1209 : vector<1x512xf32> to vector<512x512xf32>
    %max3A_1221 = arith.maximumf %broadcast_in_dim3A_1198, %max3A_1220 : vector<512x512xf32>
    %max3A_1222 = vector.broadcast %get3A_1212 : vector<1x512xf32> to vector<512x512xf32>
    %max3A_1223 = arith.maximumf %broadcast_in_dim3A_1200, %max3A_1222 : vector<512x512xf32>
    %min3A_1224 = vector.broadcast %get3A_1215 : vector<1x512xf32> to vector<512x512xf32>
    %min3A_1225 = arith.minimumf %broadcast_in_dim3A_1202, %min3A_1224 : vector<512x512xf32>
    %min3A_1226 = vector.broadcast %get3A_1218 : vector<1x512xf32> to vector<512x512xf32>
    %min3A_1227 = arith.minimumf %broadcast_in_dim3A_1204, %min3A_1226 : vector<512x512xf32>
    %sub3A_1228 = arith.subf %min3A_1225, %max3A_1221 : vector<512x512xf32>
    %max3A_1229 = arith.constant 0.000000e+00 : f32
    %max3A_1230 = vector.broadcast %max3A_1229 : f32 to vector<512x512xf32>
    %max3A_1231 = arith.maximumf %sub3A_1228, %max3A_1230 : vector<512x512xf32>
    %sub3A_1232 = arith.subf %min3A_1227, %max3A_1223 : vector<512x512xf32>
    %max3A_1233 = arith.constant 0.000000e+00 : f32
    %max3A_1234 = vector.broadcast %max3A_1233 : f32 to vector<512x512xf32>
    %max3A_1235 = arith.maximumf %sub3A_1232, %max3A_1234 : vector<512x512xf32>
    %mul3A_1236 = arith.mulf %max3A_1231, %max3A_1235 : vector<512x512xf32>
    %add3A_1237 = vector.broadcast %slice3A_1219 : vector<1x512xf32> to vector<512x512xf32>
    %add3A_1238 = arith.addf %broadcast_in_dim3A_1206, %add3A_1237 : vector<512x512xf32>
    %sub3A_1239 = arith.subf %add3A_1238, %mul3A_1236 : vector<512x512xf32>
    %add3A_1240 = arith.constant 9.99999971E-10 : f32
    %add3A_1241 = vector.broadcast %add3A_1240 : f32 to vector<512x512xf32>
    %add3A_1242 = arith.addf %sub3A_1239, %add3A_1241 : vector<512x512xf32>
    %div3A_1243 = arith.divf %mul3A_1236, %add3A_1242 : vector<512x512xf32>
    %gt3A_1244 = arith.constant 5.000000e-01 : f32
    %gt3A_1245 = vector.broadcast %gt3A_1244 : f32 to vector<512x512xf32>
    %gt3A_1246 = arith.cmpf ogt, %div3A_1243, %gt3A_1245 : vector<512x512xf32>
    %and3A_1247 = arith.andi %gt3A_1246, %gt3A : vector<512x512xi1>
    %jit3A_1248 = arith.constant 1.000000e+00 : f32
    %jit3A_1249 = arith.constant 0.000000e+00 : f32
    %broadcast_in_dim3A_1250 = vector.broadcast %jit3A_1248 : f32 to vector<512x512xf32>
    %broadcast_in_dim3A_1251 = vector.broadcast %jit3A_1249 : f32 to vector<512x512xf32>
    %select_n3A_1252 = arith.select %and3A_1247, %broadcast_in_dim3A_1250, %broadcast_in_dim3A_1251 : vector<512x512xi1>, vector<512x512xf32>
    %get3A_1253 = arith.constant 0 : index
    %get3A_1254 = arith.constant 1024 : index
    %get3A_1255 = vector.load %arg5[%get3A_1253, %get3A_1254] : memref<8x5120xf32, #tpu.memory_space<vmem>>, vector<8x512xf32>
    %while3A_1256 = arith.constant true
    %while3A_1257:2 = scf.while (%while3A_3462 = %get3A_1255, %while3A_3463 = %while3A_1256) : (vector<8x512xf32>, i1) -> (vector<8x512xf32>, i1) {
      scf.condition(%while3A_3463) %while3A_3462, %while3A_3463 : vector<8x512xf32>, i1
    } do {
    ^bb0(%while3A_3462: vector<8x512xf32>, %while3A_3463: i1):
      %dot_general3A_3464 = arith.constant dense<0.000000e+00> : vector<8x512xf32>
      %dot_general3A_3465 = tpu.matmul %while3A_3462, %select_n3A_1252, %dot_general3A_3464 {dimension_numbers = #tpu.dot_dimension_numbers<[1], [0], [0], [1], [0, 0, 1, 1], [], []>, transpose_lhs_hint = false} : vector<8x512xf32>, vector<512x512xf32>, vector<8x512xf32> -> vector<8x512xf32>
      %gt3A_3466 = arith.constant 5.000000e-01 : f32
      %gt3A_3467 = vector.broadcast %gt3A_3466 : f32 to vector<8x512xf32>
      %gt3A_3468 = arith.cmpf ogt, %dot_general3A_3465, %gt3A_3467 : vector<8x512xf32>
      %jit3A_3469 = arith.constant 0.000000e+00 : f32
      %broadcast_in_dim3A_3470 = vector.broadcast %jit3A_3469 : f32 to vector<8x512xf32>
      %select_n3A_3471 = arith.select %gt3A_3468, %broadcast_in_dim3A_3470, %get3A_1255 : vector<8x512xi1>, vector<8x512xf32>
      %dot_general3A_3472 = arith.constant dense<0.000000e+00> : vector<8x512xf32>
      %dot_general3A_3473 = tpu.matmul %select_n3A_3471, %select_n3A_1252, %dot_general3A_3472 {dimension_numbers = #tpu.dot_dimension_numbers<[1], [0], [0], [1], [0, 0, 1, 1], [], []>, transpose_lhs_hint = false} : vector<8x512xf32>, vector<512x512xf32>, vector<8x512xf32> -> vector<8x512xf32>
      %gt3A_3474 = arith.constant 5.000000e-01 : f32
      %gt3A_3475 = vector.broadcast %gt3A_3474 : f32 to vector<8x512xf32>
      %gt3A_3476 = arith.cmpf ogt, %dot_general3A_3473, %gt3A_3475 : vector<8x512xf32>
      %jit3A_3477 = arith.constant 0.000000e+00 : f32
      %broadcast_in_dim3A_3478 = vector.broadcast %jit3A_3477 : f32 to vector<8x512xf32>
      %select_n3A_3479 = arith.select %gt3A_3476, %broadcast_in_dim3A_3478, %get3A_1255 : vector<8x512xi1>, vector<8x512xf32>
      %slice3A_3480 = vector.extract_strided_slice %select_n3A_3479 {offsets = [0, 0], sizes = [1, 512], strides = [1, 1]} : vector<8x512xf32> to vector<1x512xf32>
      %slice3A_3481 = vector.extract_strided_slice %select_n3A_3471 {offsets = [0, 0], sizes = [1, 512], strides = [1, 1]} : vector<8x512xf32> to vector<1x512xf32>
      %ne3A = arith.cmpf one, %slice3A_3480, %slice3A_3481 : vector<1x512xf32>
      %reduce_or3A = arith.constant 1.000000e+00 : f32
      %reduce_or3A_3482 = arith.constant 0.000000e+00 : f32
      %reduce_or3A_3483 = vector.broadcast %reduce_or3A : f32 to vector<1x512xf32>
      %reduce_or3A_3484 = vector.broadcast %reduce_or3A_3482 : f32 to vector<1x512xf32>
      %reduce_or3A_3485 = arith.select %ne3A, %reduce_or3A_3483, %reduce_or3A_3484 : vector<1x512xi1>, vector<1x512xf32>
      %reduce_or3A_3486 = vector.shape_cast %reduce_or3A_3485 : vector<1x512xf32> to vector<1x1x512xf32>
      %reduce_or3A_3487 = arith.constant dense<0xFF800000> : vector<1xf32>
      %reduce_or3A_3488 = vector.multi_reduction <maximumf>, %reduce_or3A_3486, %reduce_or3A_3487 [1, 2] : vector<1x1x512xf32> to vector<1xf32>
      %reduce_or3A_3489 = vector.shape_cast %reduce_or3A_3488 : vector<1xf32> to vector<1x1x1xf32>
      %reduce_or3A_3490 = vector.extract %reduce_or3A_3489[0, 0, 0] : f32 from vector<1x1x1xf32>
      %reduce_or3A_3491 = arith.constant 0.000000e+00 : f32
      %reduce_or3A_3492 = arith.cmpf ogt, %reduce_or3A_3490, %reduce_or3A_3491 : f32
      scf.yield %select_n3A_3479, %reduce_or3A_3492 : vector<8x512xf32>, i1
    }
    %swap3A_1258 = arith.constant 0 : index
    %swap3A_1259 = arith.constant 1024 : index
    %swap3A_1260 = vector.load %arg5[%swap3A_1258, %swap3A_1259] : memref<8x5120xf32, #tpu.memory_space<vmem>>, vector<8x512xf32>
    tpu.vector_store %arg5[%swap3A_1258, %swap3A_1259], %while3A_1257#0 {strides = array<i32>} : memref<8x5120xf32, #tpu.memory_space<vmem>>, vector<8x512xf32>,
    %get3A_1261 = arith.constant 0 : index
    %get3A_1262 = arith.constant 1536 : index
    %get3A_1263 = vector.load %arg1[%get3A_1261, %get3A_1262] : memref<4x5120xf32, #tpu.memory_space<vmem>>, vector<1x512xf32>
    %get3A_1264 = arith.constant 1 : index
    %get3A_1265 = arith.constant 1536 : index
    %get3A_1266 = vector.load %arg1[%get3A_1264, %get3A_1265] : memref<4x5120xf32, #tpu.memory_space<vmem>>, vector<1x512xf32>
    %get3A_1267 = arith.constant 2 : index
    %get3A_1268 = arith.constant 1536 : index
    %get3A_1269 = vector.load %arg1[%get3A_1267, %get3A_1268] : memref<4x5120xf32, #tpu.memory_space<vmem>>, vector<1x512xf32>
    %get3A_1270 = arith.constant 3 : index
    %get3A_1271 = arith.constant 1536 : index
    %get3A_1272 = vector.load %arg1[%get3A_1270, %get3A_1271] : memref<4x5120xf32, #tpu.memory_space<vmem>>, vector<1x512xf32>
    %slice3A_1273 = vector.extract_strided_slice %mul3A_34 {offsets = [0, 1536], sizes = [1, 512], strides = [1, 1]} : vector<1x5120xf32> to vector<1x512xf32>
    %max3A_1274 = vector.broadcast %get3A_1263 : vector<1x512xf32> to vector<512x512xf32>
    %max3A_1275 = arith.maximumf %broadcast_in_dim3A_1198, %max3A_1274 : vector<512x512xf32>
    %max3A_1276 = vector.broadcast %get3A_1266 : vector<1x512xf32> to vector<512x512xf32>
    %max3A_1277 = arith.maximumf %broadcast_in_dim3A_1200, %max3A_1276 : vector<512x512xf32>
    %min3A_1278 = vector.broadcast %get3A_1269 : vector<1x512xf32> to vector<512x512xf32>
    %min3A_1279 = arith.minimumf %broadcast_in_dim3A_1202, %min3A_1278 : vector<512x512xf32>
    %min3A_1280 = vector.broadcast %get3A_1272 : vector<1x512xf32> to vector<512x512xf32>
    %min3A_1281 = arith.minimumf %broadcast_in_dim3A_1204, %min3A_1280 : vector<512x512xf32>
    %sub3A_1282 = arith.subf %min3A_1279, %max3A_1275 : vector<512x512xf32>
    %max3A_1283 = arith.constant 0.000000e+00 : f32
    %max3A_1284 = vector.broadcast %max3A_1283 : f32 to vector<512x512xf32>
    %max3A_1285 = arith.maximumf %sub3A_1282, %max3A_1284 : vector<512x512xf32>
    %sub3A_1286 = arith.subf %min3A_1281, %max3A_1277 : vector<512x512xf32>
    %max3A_1287 = arith.constant 0.000000e+00 : f32
    %max3A_1288 = vector.broadcast %max3A_1287 : f32 to vector<512x512xf32>
    %max3A_1289 = arith.maximumf %sub3A_1286, %max3A_1288 : vector<512x512xf32>
    %mul3A_1290 = arith.mulf %max3A_1285, %max3A_1289 : vector<512x512xf32>
    %add3A_1291 = vector.broadcast %slice3A_1273 : vector<1x512xf32> to vector<512x512xf32>
    %add3A_1292 = arith.addf %broadcast_in_dim3A_1206, %add3A_1291 : vector<512x512xf32>
    %sub3A_1293 = arith.subf %add3A_1292, %mul3A_1290 : vector<512x512xf32>
    %add3A_1294 = arith.constant 9.99999971E-10 : f32
    %add3A_1295 = vector.broadcast %add3A_1294 : f32 to vector<512x512xf32>
    %add3A_1296 = arith.addf %sub3A_1293, %add3A_1295 : vector<512x512xf32>
    %div3A_1297 = arith.divf %mul3A_1290, %add3A_1296 : vector<512x512xf32>
    %gt3A_1298 = arith.constant 5.000000e-01 : f32
    %gt3A_1299 = vector.broadcast %gt3A_1298 : f32 to vector<512x512xf32>
    %gt3A_1300 = arith.cmpf ogt, %div3A_1297, %gt3A_1299 : vector<512x512xf32>
    %jit3A_1301 = arith.constant 1.000000e+00 : f32
    %jit3A_1302 = arith.constant 0.000000e+00 : f32
    %broadcast_in_dim3A_1303 = vector.broadcast %jit3A_1301 : f32 to vector<512x512xf32>
    %broadcast_in_dim3A_1304 = vector.broadcast %jit3A_1302 : f32 to vector<512x512xf32>
    %select_n3A_1305 = arith.select %gt3A_1300, %broadcast_in_dim3A_1303, %broadcast_in_dim3A_1304 : vector<512x512xi1>, vector<512x512xf32>
    %dot_general3A_1306 = arith.constant dense<0.000000e+00> : vector<8x512xf32>
    %dot_general3A_1307 = tpu.matmul %while3A_1257#0, %select_n3A_1305, %dot_general3A_1306 {dimension_numbers = #tpu.dot_dimension_numbers<[1], [0], [0], [1], [0, 0, 1, 1], [], []>, transpose_lhs_hint = false} : vector<8x512xf32>, vector<512x512xf32>, vector<8x512xf32> -> vector<8x512xf32>
    %gt3A_1308 = arith.constant 5.000000e-01 : f32
    %gt3A_1309 = vector.broadcast %gt3A_1308 : f32 to vector<8x512xf32>
    %gt3A_1310 = arith.cmpf ogt, %dot_general3A_1307, %gt3A_1309 : vector<8x512xf32>
    %get3A_1311 = arith.constant 0 : index
    %get3A_1312 = arith.constant 1536 : index
    %get3A_1313 = vector.load %arg5[%get3A_1311, %get3A_1312] : memref<8x5120xf32, #tpu.memory_space<vmem>>, vector<8x512xf32>
    %jit3A_1314 = arith.constant 0.000000e+00 : f32
    %broadcast_in_dim3A_1315 = vector.broadcast %jit3A_1314 : f32 to vector<8x512xf32>
    %select_n3A_1316 = arith.select %gt3A_1310, %broadcast_in_dim3A_1315, %get3A_1313 : vector<8x512xi1>, vector<8x512xf32>
    %swap3A_1317 = arith.constant 0 : index
    %swap3A_1318 = arith.constant 1536 : index
    %swap3A_1319 = vector.load %arg5[%swap3A_1317, %swap3A_1318] : memref<8x5120xf32, #tpu.memory_space<vmem>>, vector<8x512xf32>
    tpu.vector_store %arg5[%swap3A_1317, %swap3A_1318], %select_n3A_1316 {strides = array<i32>} : memref<8x5120xf32, #tpu.memory_space<vmem>>, vector<8x512xf32>,
    %get3A_1320 = arith.constant 0 : index
    %get3A_1321 = arith.constant 2048 : index
    %get3A_1322 = vector.load %arg1[%get3A_1320, %get3A_1321] : memref<4x5120xf32, #tpu.memory_space<vmem>>, vector<1x512xf32>
    %get3A_1323 = arith.constant 1 : index
    %get3A_1324 = arith.constant 2048 : index
    %get3A_1325 = vector.load %arg1[%get3A_1323, %get3A_1324] : memref<4x5120xf32, #tpu.memory_space<vmem>>, vector<1x512xf32>
    %get3A_1326 = arith.constant 2 : index
    %get3A_1327 = arith.constant 2048 : index
    %get3A_1328 = vector.load %arg1[%get3A_1326, %get3A_1327] : memref<4x5120xf32, #tpu.memory_space<vmem>>, vector<1x512xf32>
    %get3A_1329 = arith.constant 3 : index
    %get3A_1330 = arith.constant 2048 : index
    %get3A_1331 = vector.load %arg1[%get3A_1329, %get3A_1330] : memref<4x5120xf32, #tpu.memory_space<vmem>>, vector<1x512xf32>
    %slice3A_1332 = vector.extract_strided_slice %mul3A_34 {offsets = [0, 2048], sizes = [1, 512], strides = [1, 1]} : vector<1x5120xf32> to vector<1x512xf32>
    %max3A_1333 = vector.broadcast %get3A_1322 : vector<1x512xf32> to vector<512x512xf32>
    %max3A_1334 = arith.maximumf %broadcast_in_dim3A_1198, %max3A_1333 : vector<512x512xf32>
    %max3A_1335 = vector.broadcast %get3A_1325 : vector<1x512xf32> to vector<512x512xf32>
    %max3A_1336 = arith.maximumf %broadcast_in_dim3A_1200, %max3A_1335 : vector<512x512xf32>
    %min3A_1337 = vector.broadcast %get3A_1328 : vector<1x512xf32> to vector<512x512xf32>
    %min3A_1338 = arith.minimumf %broadcast_in_dim3A_1202, %min3A_1337 : vector<512x512xf32>
    %min3A_1339 = vector.broadcast %get3A_1331 : vector<1x512xf32> to vector<512x512xf32>
    %min3A_1340 = arith.minimumf %broadcast_in_dim3A_1204, %min3A_1339 : vector<512x512xf32>
    %sub3A_1341 = arith.subf %min3A_1338, %max3A_1334 : vector<512x512xf32>
    %max3A_1342 = arith.constant 0.000000e+00 : f32
    %max3A_1343 = vector.broadcast %max3A_1342 : f32 to vector<512x512xf32>
    %max3A_1344 = arith.maximumf %sub3A_1341, %max3A_1343 : vector<512x512xf32>
    %sub3A_1345 = arith.subf %min3A_1340, %max3A_1336 : vector<512x512xf32>
    %max3A_1346 = arith.constant 0.000000e+00 : f32
    %max3A_1347 = vector.broadcast %max3A_1346 : f32 to vector<512x512xf32>
    %max3A_1348 = arith.maximumf %sub3A_1345, %max3A_1347 : vector<512x512xf32>
    %mul3A_1349 = arith.mulf %max3A_1344, %max3A_1348 : vector<512x512xf32>
    %add3A_1350 = vector.broadcast %slice3A_1332 : vector<1x512xf32> to vector<512x512xf32>
    %add3A_1351 = arith.addf %broadcast_in_dim3A_1206, %add3A_1350 : vector<512x512xf32>
    %sub3A_1352 = arith.subf %add3A_1351, %mul3A_1349 : vector<512x512xf32>
    %add3A_1353 = arith.constant 9.99999971E-10 : f32
    %add3A_1354 = vector.broadcast %add3A_1353 : f32 to vector<512x512xf32>
    %add3A_1355 = arith.addf %sub3A_1352, %add3A_1354 : vector<512x512xf32>
    %div3A_1356 = arith.divf %mul3A_1349, %add3A_1355 : vector<512x512xf32>
    %gt3A_1357 = arith.constant 5.000000e-01 : f32
    %gt3A_1358 = vector.broadcast %gt3A_1357 : f32 to vector<512x512xf32>
    %gt3A_1359 = arith.cmpf ogt, %div3A_1356, %gt3A_1358 : vector<512x512xf32>
    %jit3A_1360 = arith.constant 1.000000e+00 : f32
    %jit3A_1361 = arith.constant 0.000000e+00 : f32
    %broadcast_in_dim3A_1362 = vector.broadcast %jit3A_1360 : f32 to vector<512x512xf32>
    %broadcast_in_dim3A_1363 = vector.broadcast %jit3A_1361 : f32 to vector<512x512xf32>
    %select_n3A_1364 = arith.select %gt3A_1359, %broadcast_in_dim3A_1362, %broadcast_in_dim3A_1363 : vector<512x512xi1>, vector<512x512xf32>
    %dot_general3A_1365 = arith.constant dense<0.000000e+00> : vector<8x512xf32>
    %dot_general3A_1366 = tpu.matmul %while3A_1257#0, %select_n3A_1364, %dot_general3A_1365 {dimension_numbers = #tpu.dot_dimension_numbers<[1], [0], [0], [1], [0, 0, 1, 1], [], []>, transpose_lhs_hint = false} : vector<8x512xf32>, vector<512x512xf32>, vector<8x512xf32> -> vector<8x512xf32>
    %gt3A_1367 = arith.constant 5.000000e-01 : f32
    %gt3A_1368 = vector.broadcast %gt3A_1367 : f32 to vector<8x512xf32>
    %gt3A_1369 = arith.cmpf ogt, %dot_general3A_1366, %gt3A_1368 : vector<8x512xf32>
    %get3A_1370 = arith.constant 0 : index
    %get3A_1371 = arith.constant 2048 : index
    %get3A_1372 = vector.load %arg5[%get3A_1370, %get3A_1371] : memref<8x5120xf32, #tpu.memory_space<vmem>>, vector<8x512xf32>
    %jit3A_1373 = arith.constant 0.000000e+00 : f32
    %broadcast_in_dim3A_1374 = vector.broadcast %jit3A_1373 : f32 to vector<8x512xf32>
    %select_n3A_1375 = arith.select %gt3A_1369, %broadcast_in_dim3A_1374, %get3A_1372 : vector<8x512xi1>, vector<8x512xf32>
    %swap3A_1376 = arith.constant 0 : index
    %swap3A_1377 = arith.constant 2048 : index
    %swap3A_1378 = vector.load %arg5[%swap3A_1376, %swap3A_1377] : memref<8x5120xf32, #tpu.memory_space<vmem>>, vector<8x512xf32>
    tpu.vector_store %arg5[%swap3A_1376, %swap3A_1377], %select_n3A_1375 {strides = array<i32>} : memref<8x5120xf32, #tpu.memory_space<vmem>>, vector<8x512xf32>,
    %get3A_1379 = arith.constant 0 : index
    %get3A_1380 = arith.constant 2560 : index
    %get3A_1381 = vector.load %arg1[%get3A_1379, %get3A_1380] : memref<4x5120xf32, #tpu.memory_space<vmem>>, vector<1x512xf32>
    %get3A_1382 = arith.constant 1 : index
    %get3A_1383 = arith.constant 2560 : index
    %get3A_1384 = vector.load %arg1[%get3A_1382, %get3A_1383] : memref<4x5120xf32, #tpu.memory_space<vmem>>, vector<1x512xf32>
    %get3A_1385 = arith.constant 2 : index
    %get3A_1386 = arith.constant 2560 : index
    %get3A_1387 = vector.load %arg1[%get3A_1385, %get3A_1386] : memref<4x5120xf32, #tpu.memory_space<vmem>>, vector<1x512xf32>
    %get3A_1388 = arith.constant 3 : index
    %get3A_1389 = arith.constant 2560 : index
    %get3A_1390 = vector.load %arg1[%get3A_1388, %get3A_1389] : memref<4x5120xf32, #tpu.memory_space<vmem>>, vector<1x512xf32>
    %slice3A_1391 = vector.extract_strided_slice %mul3A_34 {offsets = [0, 2560], sizes = [1, 512], strides = [1, 1]} : vector<1x5120xf32> to vector<1x512xf32>
    %max3A_1392 = vector.broadcast %get3A_1381 : vector<1x512xf32> to vector<512x512xf32>
    %max3A_1393 = arith.maximumf %broadcast_in_dim3A_1198, %max3A_1392 : vector<512x512xf32>
    %max3A_1394 = vector.broadcast %get3A_1384 : vector<1x512xf32> to vector<512x512xf32>
    %max3A_1395 = arith.maximumf %broadcast_in_dim3A_1200, %max3A_1394 : vector<512x512xf32>
    %min3A_1396 = vector.broadcast %get3A_1387 : vector<1x512xf32> to vector<512x512xf32>
    %min3A_1397 = arith.minimumf %broadcast_in_dim3A_1202, %min3A_1396 : vector<512x512xf32>
    %min3A_1398 = vector.broadcast %get3A_1390 : vector<1x512xf32> to vector<512x512xf32>
    %min3A_1399 = arith.minimumf %broadcast_in_dim3A_1204, %min3A_1398 : vector<512x512xf32>
    %sub3A_1400 = arith.subf %min3A_1397, %max3A_1393 : vector<512x512xf32>
    %max3A_1401 = arith.constant 0.000000e+00 : f32
    %max3A_1402 = vector.broadcast %max3A_1401 : f32 to vector<512x512xf32>
    %max3A_1403 = arith.maximumf %sub3A_1400, %max3A_1402 : vector<512x512xf32>
    %sub3A_1404 = arith.subf %min3A_1399, %max3A_1395 : vector<512x512xf32>
    %max3A_1405 = arith.constant 0.000000e+00 : f32
    %max3A_1406 = vector.broadcast %max3A_1405 : f32 to vector<512x512xf32>
    %max3A_1407 = arith.maximumf %sub3A_1404, %max3A_1406 : vector<512x512xf32>
    %mul3A_1408 = arith.mulf %max3A_1403, %max3A_1407 : vector<512x512xf32>
    %add3A_1409 = vector.broadcast %slice3A_1391 : vector<1x512xf32> to vector<512x512xf32>
    %add3A_1410 = arith.addf %broadcast_in_dim3A_1206, %add3A_1409 : vector<512x512xf32>
    %sub3A_1411 = arith.subf %add3A_1410, %mul3A_1408 : vector<512x512xf32>
    %add3A_1412 = arith.constant 9.99999971E-10 : f32
    %add3A_1413 = vector.broadcast %add3A_1412 : f32 to vector<512x512xf32>
    %add3A_1414 = arith.addf %sub3A_1411, %add3A_1413 : vector<512x512xf32>
    %div3A_1415 = arith.divf %mul3A_1408, %add3A_1414 : vector<512x512xf32>
    %gt3A_1416 = arith.constant 5.000000e-01 : f32
    %gt3A_1417 = vector.broadcast %gt3A_1416 : f32 to vector<512x512xf32>
    %gt3A_1418 = arith.cmpf ogt, %div3A_1415, %gt3A_1417 : vector<512x512xf32>
    %jit3A_1419 = arith.constant 1.000000e+00 : f32
    %jit3A_1420 = arith.constant 0.000000e+00 : f32
    %broadcast_in_dim3A_1421 = vector.broadcast %jit3A_1419 : f32 to vector<512x512xf32>
    %broadcast_in_dim3A_1422 = vector.broadcast %jit3A_1420 : f32 to vector<512x512xf32>
    %select_n3A_1423 = arith.select %gt3A_1418, %broadcast_in_dim3A_1421, %broadcast_in_dim3A_1422 : vector<512x512xi1>, vector<512x512xf32>
    %dot_general3A_1424 = arith.constant dense<0.000000e+00> : vector<8x512xf32>
    %dot_general3A_1425 = tpu.matmul %while3A_1257#0, %select_n3A_1423, %dot_general3A_1424 {dimension_numbers = #tpu.dot_dimension_numbers<[1], [0], [0], [1], [0, 0, 1, 1], [], []>, transpose_lhs_hint = false} : vector<8x512xf32>, vector<512x512xf32>, vector<8x512xf32> -> vector<8x512xf32>
    %gt3A_1426 = arith.constant 5.000000e-01 : f32
    %gt3A_1427 = vector.broadcast %gt3A_1426 : f32 to vector<8x512xf32>
    %gt3A_1428 = arith.cmpf ogt, %dot_general3A_1425, %gt3A_1427 : vector<8x512xf32>
    %get3A_1429 = arith.constant 0 : index
    %get3A_1430 = arith.constant 2560 : index
    %get3A_1431 = vector.load %arg5[%get3A_1429, %get3A_1430] : memref<8x5120xf32, #tpu.memory_space<vmem>>, vector<8x512xf32>
    %jit3A_1432 = arith.constant 0.000000e+00 : f32
    %broadcast_in_dim3A_1433 = vector.broadcast %jit3A_1432 : f32 to vector<8x512xf32>
    %select_n3A_1434 = arith.select %gt3A_1428, %broadcast_in_dim3A_1433, %get3A_1431 : vector<8x512xi1>, vector<8x512xf32>
    %swap3A_1435 = arith.constant 0 : index
    %swap3A_1436 = arith.constant 2560 : index
    %swap3A_1437 = vector.load %arg5[%swap3A_1435, %swap3A_1436] : memref<8x5120xf32, #tpu.memory_space<vmem>>, vector<8x512xf32>
    tpu.vector_store %arg5[%swap3A_1435, %swap3A_1436], %select_n3A_1434 {strides = array<i32>} : memref<8x5120xf32, #tpu.memory_space<vmem>>, vector<8x512xf32>,
    %get3A_1438 = arith.constant 0 : index
    %get3A_1439 = arith.constant 3072 : index
    %get3A_1440 = vector.load %arg1[%get3A_1438, %get3A_1439] : memref<4x5120xf32, #tpu.memory_space<vmem>>, vector<1x512xf32>
    %get3A_1441 = arith.constant 1 : index
    %get3A_1442 = arith.constant 3072 : index
    %get3A_1443 = vector.load %arg1[%get3A_1441, %get3A_1442] : memref<4x5120xf32, #tpu.memory_space<vmem>>, vector<1x512xf32>
    %get3A_1444 = arith.constant 2 : index
    %get3A_1445 = arith.constant 3072 : index
    %get3A_1446 = vector.load %arg1[%get3A_1444, %get3A_1445] : memref<4x5120xf32, #tpu.memory_space<vmem>>, vector<1x512xf32>
    %get3A_1447 = arith.constant 3 : index
    %get3A_1448 = arith.constant 3072 : index
    %get3A_1449 = vector.load %arg1[%get3A_1447, %get3A_1448] : memref<4x5120xf32, #tpu.memory_space<vmem>>, vector<1x512xf32>
    %slice3A_1450 = vector.extract_strided_slice %mul3A_34 {offsets = [0, 3072], sizes = [1, 512], strides = [1, 1]} : vector<1x5120xf32> to vector<1x512xf32>
    %max3A_1451 = vector.broadcast %get3A_1440 : vector<1x512xf32> to vector<512x512xf32>
    %max3A_1452 = arith.maximumf %broadcast_in_dim3A_1198, %max3A_1451 : vector<512x512xf32>
    %max3A_1453 = vector.broadcast %get3A_1443 : vector<1x512xf32> to vector<512x512xf32>
    %max3A_1454 = arith.maximumf %broadcast_in_dim3A_1200, %max3A_1453 : vector<512x512xf32>
    %min3A_1455 = vector.broadcast %get3A_1446 : vector<1x512xf32> to vector<512x512xf32>
    %min3A_1456 = arith.minimumf %broadcast_in_dim3A_1202, %min3A_1455 : vector<512x512xf32>
    %min3A_1457 = vector.broadcast %get3A_1449 : vector<1x512xf32> to vector<512x512xf32>
    %min3A_1458 = arith.minimumf %broadcast_in_dim3A_1204, %min3A_1457 : vector<512x512xf32>
    %sub3A_1459 = arith.subf %min3A_1456, %max3A_1452 : vector<512x512xf32>
    %max3A_1460 = arith.constant 0.000000e+00 : f32
    %max3A_1461 = vector.broadcast %max3A_1460 : f32 to vector<512x512xf32>
    %max3A_1462 = arith.maximumf %sub3A_1459, %max3A_1461 : vector<512x512xf32>
    %sub3A_1463 = arith.subf %min3A_1458, %max3A_1454 : vector<512x512xf32>
    %max3A_1464 = arith.constant 0.000000e+00 : f32
    %max3A_1465 = vector.broadcast %max3A_1464 : f32 to vector<512x512xf32>
    %max3A_1466 = arith.maximumf %sub3A_1463, %max3A_1465 : vector<512x512xf32>
    %mul3A_1467 = arith.mulf %max3A_1462, %max3A_1466 : vector<512x512xf32>
    %add3A_1468 = vector.broadcast %slice3A_1450 : vector<1x512xf32> to vector<512x512xf32>
    %add3A_1469 = arith.addf %broadcast_in_dim3A_1206, %add3A_1468 : vector<512x512xf32>
    %sub3A_1470 = arith.subf %add3A_1469, %mul3A_1467 : vector<512x512xf32>
    %add3A_1471 = arith.constant 9.99999971E-10 : f32
    %add3A_1472 = vector.broadcast %add3A_1471 : f32 to vector<512x512xf32>
    %add3A_1473 = arith.addf %sub3A_1470, %add3A_1472 : vector<512x512xf32>
    %div3A_1474 = arith.divf %mul3A_1467, %add3A_1473 : vector<512x512xf32>
    %gt3A_1475 = arith.constant 5.000000e-01 : f32
    %gt3A_1476 = vector.broadcast %gt3A_1475 : f32 to vector<512x512xf32>
    %gt3A_1477 = arith.cmpf ogt, %div3A_1474, %gt3A_1476 : vector<512x512xf32>
    %jit3A_1478 = arith.constant 1.000000e+00 : f32
    %jit3A_1479 = arith.constant 0.000000e+00 : f32
    %broadcast_in_dim3A_1480 = vector.broadcast %jit3A_1478 : f32 to vector<512x512xf32>
    %broadcast_in_dim3A_1481 = vector.broadcast %jit3A_1479 : f32 to vector<512x512xf32>
    %select_n3A_1482 = arith.select %gt3A_1477, %broadcast_in_dim3A_1480, %broadcast_in_dim3A_1481 : vector<512x512xi1>, vector<512x512xf32>
    %dot_general3A_1483 = arith.constant dense<0.000000e+00> : vector<8x512xf32>
    %dot_general3A_1484 = tpu.matmul %while3A_1257#0, %select_n3A_1482, %dot_general3A_1483 {dimension_numbers = #tpu.dot_dimension_numbers<[1], [0], [0], [1], [0, 0, 1, 1], [], []>, transpose_lhs_hint = false} : vector<8x512xf32>, vector<512x512xf32>, vector<8x512xf32> -> vector<8x512xf32>
    %gt3A_1485 = arith.constant 5.000000e-01 : f32
    %gt3A_1486 = vector.broadcast %gt3A_1485 : f32 to vector<8x512xf32>
    %gt3A_1487 = arith.cmpf ogt, %dot_general3A_1484, %gt3A_1486 : vector<8x512xf32>
    %get3A_1488 = arith.constant 0 : index
    %get3A_1489 = arith.constant 3072 : index
    %get3A_1490 = vector.load %arg5[%get3A_1488, %get3A_1489] : memref<8x5120xf32, #tpu.memory_space<vmem>>, vector<8x512xf32>
    %jit3A_1491 = arith.constant 0.000000e+00 : f32
    %broadcast_in_dim3A_1492 = vector.broadcast %jit3A_1491 : f32 to vector<8x512xf32>
    %select_n3A_1493 = arith.select %gt3A_1487, %broadcast_in_dim3A_1492, %get3A_1490 : vector<8x512xi1>, vector<8x512xf32>
    %swap3A_1494 = arith.constant 0 : index
    %swap3A_1495 = arith.constant 3072 : index
    %swap3A_1496 = vector.load %arg5[%swap3A_1494, %swap3A_1495] : memref<8x5120xf32, #tpu.memory_space<vmem>>, vector<8x512xf32>
    tpu.vector_store %arg5[%swap3A_1494, %swap3A_1495], %select_n3A_1493 {strides = array<i32>} : memref<8x5120xf32, #tpu.memory_space<vmem>>, vector<8x512xf32>,
    %get3A_1497 = arith.constant 0 : index
    %get3A_1498 = arith.constant 3584 : index
    %get3A_1499 = vector.load %arg1[%get3A_1497, %get3A_1498] : memref<4x5120xf32, #tpu.memory_space<vmem>>, vector<1x512xf32>
    %get3A_1500 = arith.constant 1 : index
    %get3A_1501 = arith.constant 3584 : index
    %get3A_1502 = vector.load %arg1[%get3A_1500, %get3A_1501] : memref<4x5120xf32, #tpu.memory_space<vmem>>, vector<1x512xf32>
    %get3A_1503 = arith.constant 2 : index
    %get3A_1504 = arith.constant 3584 : index
    %get3A_1505 = vector.load %arg1[%get3A_1503, %get3A_1504] : memref<4x5120xf32, #tpu.memory_space<vmem>>, vector<1x512xf32>
    %get3A_1506 = arith.constant 3 : index
    %get3A_1507 = arith.constant 3584 : index
    %get3A_1508 = vector.load %arg1[%get3A_1506, %get3A_1507] : memref<4x5120xf32, #tpu.memory_space<vmem>>, vector<1x512xf32>
    %slice3A_1509 = vector.extract_strided_slice %mul3A_34 {offsets = [0, 3584], sizes = [1, 512], strides = [1, 1]} : vector<1x5120xf32> to vector<1x512xf32>
    %max3A_1510 = vector.broadcast %get3A_1499 : vector<1x512xf32> to vector<512x512xf32>
    %max3A_1511 = arith.maximumf %broadcast_in_dim3A_1198, %max3A_1510 : vector<512x512xf32>
    %max3A_1512 = vector.broadcast %get3A_1502 : vector<1x512xf32> to vector<512x512xf32>
    %max3A_1513 = arith.maximumf %broadcast_in_dim3A_1200, %max3A_1512 : vector<512x512xf32>
    %min3A_1514 = vector.broadcast %get3A_1505 : vector<1x512xf32> to vector<512x512xf32>
    %min3A_1515 = arith.minimumf %broadcast_in_dim3A_1202, %min3A_1514 : vector<512x512xf32>
    %min3A_1516 = vector.broadcast %get3A_1508 : vector<1x512xf32> to vector<512x512xf32>
    %min3A_1517 = arith.minimumf %broadcast_in_dim3A_1204, %min3A_1516 : vector<512x512xf32>
    %sub3A_1518 = arith.subf %min3A_1515, %max3A_1511 : vector<512x512xf32>
    %max3A_1519 = arith.constant 0.000000e+00 : f32
    %max3A_1520 = vector.broadcast %max3A_1519 : f32 to vector<512x512xf32>
    %max3A_1521 = arith.maximumf %sub3A_1518, %max3A_1520 : vector<512x512xf32>
    %sub3A_1522 = arith.subf %min3A_1517, %max3A_1513 : vector<512x512xf32>
    %max3A_1523 = arith.constant 0.000000e+00 : f32
    %max3A_1524 = vector.broadcast %max3A_1523 : f32 to vector<512x512xf32>
    %max3A_1525 = arith.maximumf %sub3A_1522, %max3A_1524 : vector<512x512xf32>
    %mul3A_1526 = arith.mulf %max3A_1521, %max3A_1525 : vector<512x512xf32>
    %add3A_1527 = vector.broadcast %slice3A_1509 : vector<1x512xf32> to vector<512x512xf32>
    %add3A_1528 = arith.addf %broadcast_in_dim3A_1206, %add3A_1527 : vector<512x512xf32>
    %sub3A_1529 = arith.subf %add3A_1528, %mul3A_1526 : vector<512x512xf32>
    %add3A_1530 = arith.constant 9.99999971E-10 : f32
    %add3A_1531 = vector.broadcast %add3A_1530 : f32 to vector<512x512xf32>
    %add3A_1532 = arith.addf %sub3A_1529, %add3A_1531 : vector<512x512xf32>
    %div3A_1533 = arith.divf %mul3A_1526, %add3A_1532 : vector<512x512xf32>
    %gt3A_1534 = arith.constant 5.000000e-01 : f32
    %gt3A_1535 = vector.broadcast %gt3A_1534 : f32 to vector<512x512xf32>
    %gt3A_1536 = arith.cmpf ogt, %div3A_1533, %gt3A_1535 : vector<512x512xf32>
    %jit3A_1537 = arith.constant 1.000000e+00 : f32
    %jit3A_1538 = arith.constant 0.000000e+00 : f32
    %broadcast_in_dim3A_1539 = vector.broadcast %jit3A_1537 : f32 to vector<512x512xf32>
    %broadcast_in_dim3A_1540 = vector.broadcast %jit3A_1538 : f32 to vector<512x512xf32>
    %select_n3A_1541 = arith.select %gt3A_1536, %broadcast_in_dim3A_1539, %broadcast_in_dim3A_1540 : vector<512x512xi1>, vector<512x512xf32>
    %dot_general3A_1542 = arith.constant dense<0.000000e+00> : vector<8x512xf32>
    %dot_general3A_1543 = tpu.matmul %while3A_1257#0, %select_n3A_1541, %dot_general3A_1542 {dimension_numbers = #tpu.dot_dimension_numbers<[1], [0], [0], [1], [0, 0, 1, 1], [], []>, transpose_lhs_hint = false} : vector<8x512xf32>, vector<512x512xf32>, vector<8x512xf32> -> vector<8x512xf32>
    %gt3A_1544 = arith.constant 5.000000e-01 : f32
    %gt3A_1545 = vector.broadcast %gt3A_1544 : f32 to vector<8x512xf32>
    %gt3A_1546 = arith.cmpf ogt, %dot_general3A_1543, %gt3A_1545 : vector<8x512xf32>
    %get3A_1547 = arith.constant 0 : index
    %get3A_1548 = arith.constant 3584 : index
    %get3A_1549 = vector.load %arg5[%get3A_1547, %get3A_1548] : memref<8x5120xf32, #tpu.memory_space<vmem>>, vector<8x512xf32>
    %jit3A_1550 = arith.constant 0.000000e+00 : f32
    %broadcast_in_dim3A_1551 = vector.broadcast %jit3A_1550 : f32 to vector<8x512xf32>
    %select_n3A_1552 = arith.select %gt3A_1546, %broadcast_in_dim3A_1551, %get3A_1549 : vector<8x512xi1>, vector<8x512xf32>
    %swap3A_1553 = arith.constant 0 : index
    %swap3A_1554 = arith.constant 3584 : index
    %swap3A_1555 = vector.load %arg5[%swap3A_1553, %swap3A_1554] : memref<8x5120xf32, #tpu.memory_space<vmem>>, vector<8x512xf32>
    tpu.vector_store %arg5[%swap3A_1553, %swap3A_1554], %select_n3A_1552 {strides = array<i32>} : memref<8x5120xf32, #tpu.memory_space<vmem>>, vector<8x512xf32>,
    %get3A_1556 = arith.constant 0 : index
    %get3A_1557 = arith.constant 4096 : index
    %get3A_1558 = vector.load %arg1[%get3A_1556, %get3A_1557] : memref<4x5120xf32, #tpu.memory_space<vmem>>, vector<1x512xf32>
    %get3A_1559 = arith.constant 1 : index
    %get3A_1560 = arith.constant 4096 : index
    %get3A_1561 = vector.load %arg1[%get3A_1559, %get3A_1560] : memref<4x5120xf32, #tpu.memory_space<vmem>>, vector<1x512xf32>
    %get3A_1562 = arith.constant 2 : index
    %get3A_1563 = arith.constant 4096 : index
    %get3A_1564 = vector.load %arg1[%get3A_1562, %get3A_1563] : memref<4x5120xf32, #tpu.memory_space<vmem>>, vector<1x512xf32>
    %get3A_1565 = arith.constant 3 : index
    %get3A_1566 = arith.constant 4096 : index
    %get3A_1567 = vector.load %arg1[%get3A_1565, %get3A_1566] : memref<4x5120xf32, #tpu.memory_space<vmem>>, vector<1x512xf32>
    %slice3A_1568 = vector.extract_strided_slice %mul3A_34 {offsets = [0, 4096], sizes = [1, 512], strides = [1, 1]} : vector<1x5120xf32> to vector<1x512xf32>
    %max3A_1569 = vector.broadcast %get3A_1558 : vector<1x512xf32> to vector<512x512xf32>
    %max3A_1570 = arith.maximumf %broadcast_in_dim3A_1198, %max3A_1569 : vector<512x512xf32>
    %max3A_1571 = vector.broadcast %get3A_1561 : vector<1x512xf32> to vector<512x512xf32>
    %max3A_1572 = arith.maximumf %broadcast_in_dim3A_1200, %max3A_1571 : vector<512x512xf32>
    %min3A_1573 = vector.broadcast %get3A_1564 : vector<1x512xf32> to vector<512x512xf32>
    %min3A_1574 = arith.minimumf %broadcast_in_dim3A_1202, %min3A_1573 : vector<512x512xf32>
    %min3A_1575 = vector.broadcast %get3A_1567 : vector<1x512xf32> to vector<512x512xf32>
    %min3A_1576 = arith.minimumf %broadcast_in_dim3A_1204, %min3A_1575 : vector<512x512xf32>
    %sub3A_1577 = arith.subf %min3A_1574, %max3A_1570 : vector<512x512xf32>
    %max3A_1578 = arith.constant 0.000000e+00 : f32
    %max3A_1579 = vector.broadcast %max3A_1578 : f32 to vector<512x512xf32>
    %max3A_1580 = arith.maximumf %sub3A_1577, %max3A_1579 : vector<512x512xf32>
    %sub3A_1581 = arith.subf %min3A_1576, %max3A_1572 : vector<512x512xf32>
    %max3A_1582 = arith.constant 0.000000e+00 : f32
    %max3A_1583 = vector.broadcast %max3A_1582 : f32 to vector<512x512xf32>
    %max3A_1584 = arith.maximumf %sub3A_1581, %max3A_1583 : vector<512x512xf32>
    %mul3A_1585 = arith.mulf %max3A_1580, %max3A_1584 : vector<512x512xf32>
    %add3A_1586 = vector.broadcast %slice3A_1568 : vector<1x512xf32> to vector<512x512xf32>
    %add3A_1587 = arith.addf %broadcast_in_dim3A_1206, %add3A_1586 : vector<512x512xf32>
    %sub3A_1588 = arith.subf %add3A_1587, %mul3A_1585 : vector<512x512xf32>
    %add3A_1589 = arith.constant 9.99999971E-10 : f32
    %add3A_1590 = vector.broadcast %add3A_1589 : f32 to vector<512x512xf32>
    %add3A_1591 = arith.addf %sub3A_1588, %add3A_1590 : vector<512x512xf32>
    %div3A_1592 = arith.divf %mul3A_1585, %add3A_1591 : vector<512x512xf32>
    %gt3A_1593 = arith.constant 5.000000e-01 : f32
    %gt3A_1594 = vector.broadcast %gt3A_1593 : f32 to vector<512x512xf32>
    %gt3A_1595 = arith.cmpf ogt, %div3A_1592, %gt3A_1594 : vector<512x512xf32>
    %jit3A_1596 = arith.constant 1.000000e+00 : f32
    %jit3A_1597 = arith.constant 0.000000e+00 : f32
    %broadcast_in_dim3A_1598 = vector.broadcast %jit3A_1596 : f32 to vector<512x512xf32>
    %broadcast_in_dim3A_1599 = vector.broadcast %jit3A_1597 : f32 to vector<512x512xf32>
    %select_n3A_1600 = arith.select %gt3A_1595, %broadcast_in_dim3A_1598, %broadcast_in_dim3A_1599 : vector<512x512xi1>, vector<512x512xf32>
    %dot_general3A_1601 = arith.constant dense<0.000000e+00> : vector<8x512xf32>
    %dot_general3A_1602 = tpu.matmul %while3A_1257#0, %select_n3A_1600, %dot_general3A_1601 {dimension_numbers = #tpu.dot_dimension_numbers<[1], [0], [0], [1], [0, 0, 1, 1], [], []>, transpose_lhs_hint = false} : vector<8x512xf32>, vector<512x512xf32>, vector<8x512xf32> -> vector<8x512xf32>
    %gt3A_1603 = arith.constant 5.000000e-01 : f32
    %gt3A_1604 = vector.broadcast %gt3A_1603 : f32 to vector<8x512xf32>
    %gt3A_1605 = arith.cmpf ogt, %dot_general3A_1602, %gt3A_1604 : vector<8x512xf32>
    %get3A_1606 = arith.constant 0 : index
    %get3A_1607 = arith.constant 4096 : index
    %get3A_1608 = vector.load %arg5[%get3A_1606, %get3A_1607] : memref<8x5120xf32, #tpu.memory_space<vmem>>, vector<8x512xf32>
    %jit3A_1609 = arith.constant 0.000000e+00 : f32
    %broadcast_in_dim3A_1610 = vector.broadcast %jit3A_1609 : f32 to vector<8x512xf32>
    %select_n3A_1611 = arith.select %gt3A_1605, %broadcast_in_dim3A_1610, %get3A_1608 : vector<8x512xi1>, vector<8x512xf32>
    %swap3A_1612 = arith.constant 0 : index
    %swap3A_1613 = arith.constant 4096 : index
    %swap3A_1614 = vector.load %arg5[%swap3A_1612, %swap3A_1613] : memref<8x5120xf32, #tpu.memory_space<vmem>>, vector<8x512xf32>
    tpu.vector_store %arg5[%swap3A_1612, %swap3A_1613], %select_n3A_1611 {strides = array<i32>} : memref<8x5120xf32, #tpu.memory_space<vmem>>, vector<8x512xf32>,
    %get3A_1615 = arith.constant 0 : index
    %get3A_1616 = arith.constant 4608 : index
    %get3A_1617 = vector.load %arg1[%get3A_1615, %get3A_1616] : memref<4x5120xf32, #tpu.memory_space<vmem>>, vector<1x512xf32>
    %get3A_1618 = arith.constant 1 : index
    %get3A_1619 = arith.constant 4608 : index
    %get3A_1620 = vector.load %arg1[%get3A_1618, %get3A_1619] : memref<4x5120xf32, #tpu.memory_space<vmem>>, vector<1x512xf32>
    %get3A_1621 = arith.constant 2 : index
    %get3A_1622 = arith.constant 4608 : index
    %get3A_1623 = vector.load %arg1[%get3A_1621, %get3A_1622] : memref<4x5120xf32, #tpu.memory_space<vmem>>, vector<1x512xf32>
    %get3A_1624 = arith.constant 3 : index
    %get3A_1625 = arith.constant 4608 : index
    %get3A_1626 = vector.load %arg1[%get3A_1624, %get3A_1625] : memref<4x5120xf32, #tpu.memory_space<vmem>>, vector<1x512xf32>
    %slice3A_1627 = vector.extract_strided_slice %mul3A_34 {offsets = [0, 4608], sizes = [1, 512], strides = [1, 1]} : vector<1x5120xf32> to vector<1x512xf32>
    %max3A_1628 = vector.broadcast %get3A_1617 : vector<1x512xf32> to vector<512x512xf32>
    %max3A_1629 = arith.maximumf %broadcast_in_dim3A_1198, %max3A_1628 : vector<512x512xf32>
    %max3A_1630 = vector.broadcast %get3A_1620 : vector<1x512xf32> to vector<512x512xf32>
    %max3A_1631 = arith.maximumf %broadcast_in_dim3A_1200, %max3A_1630 : vector<512x512xf32>
    %min3A_1632 = vector.broadcast %get3A_1623 : vector<1x512xf32> to vector<512x512xf32>
    %min3A_1633 = arith.minimumf %broadcast_in_dim3A_1202, %min3A_1632 : vector<512x512xf32>
    %min3A_1634 = vector.broadcast %get3A_1626 : vector<1x512xf32> to vector<512x512xf32>
    %min3A_1635 = arith.minimumf %broadcast_in_dim3A_1204, %min3A_1634 : vector<512x512xf32>
    %sub3A_1636 = arith.subf %min3A_1633, %max3A_1629 : vector<512x512xf32>
    %max3A_1637 = arith.constant 0.000000e+00 : f32
    %max3A_1638 = vector.broadcast %max3A_1637 : f32 to vector<512x512xf32>
    %max3A_1639 = arith.maximumf %sub3A_1636, %max3A_1638 : vector<512x512xf32>
    %sub3A_1640 = arith.subf %min3A_1635, %max3A_1631 : vector<512x512xf32>
    %max3A_1641 = arith.constant 0.000000e+00 : f32
    %max3A_1642 = vector.broadcast %max3A_1641 : f32 to vector<512x512xf32>
    %max3A_1643 = arith.maximumf %sub3A_1640, %max3A_1642 : vector<512x512xf32>
    %mul3A_1644 = arith.mulf %max3A_1639, %max3A_1643 : vector<512x512xf32>
    %add3A_1645 = vector.broadcast %slice3A_1627 : vector<1x512xf32> to vector<512x512xf32>
    %add3A_1646 = arith.addf %broadcast_in_dim3A_1206, %add3A_1645 : vector<512x512xf32>
    %sub3A_1647 = arith.subf %add3A_1646, %mul3A_1644 : vector<512x512xf32>
    %add3A_1648 = arith.constant 9.99999971E-10 : f32
    %add3A_1649 = vector.broadcast %add3A_1648 : f32 to vector<512x512xf32>
    %add3A_1650 = arith.addf %sub3A_1647, %add3A_1649 : vector<512x512xf32>
    %div3A_1651 = arith.divf %mul3A_1644, %add3A_1650 : vector<512x512xf32>
    %gt3A_1652 = arith.constant 5.000000e-01 : f32
    %gt3A_1653 = vector.broadcast %gt3A_1652 : f32 to vector<512x512xf32>
    %gt3A_1654 = arith.cmpf ogt, %div3A_1651, %gt3A_1653 : vector<512x512xf32>
    %jit3A_1655 = arith.constant 1.000000e+00 : f32
    %jit3A_1656 = arith.constant 0.000000e+00 : f32
    %broadcast_in_dim3A_1657 = vector.broadcast %jit3A_1655 : f32 to vector<512x512xf32>
    %broadcast_in_dim3A_1658 = vector.broadcast %jit3A_1656 : f32 to vector<512x512xf32>
    %select_n3A_1659 = arith.select %gt3A_1654, %broadcast_in_dim3A_1657, %broadcast_in_dim3A_1658 : vector<512x512xi1>, vector<512x512xf32>
    %dot_general3A_1660 = arith.constant dense<0.000000e+00> : vector<8x512xf32>
    %dot_general3A_1661 = tpu.matmul %while3A_1257#0, %select_n3A_1659, %dot_general3A_1660 {dimension_numbers = #tpu.dot_dimension_numbers<[1], [0], [0], [1], [0, 0, 1, 1], [], []>, transpose_lhs_hint = false} : vector<8x512xf32>, vector<512x512xf32>, vector<8x512xf32> -> vector<8x512xf32>
    %gt3A_1662 = arith.constant 5.000000e-01 : f32
    %gt3A_1663 = vector.broadcast %gt3A_1662 : f32 to vector<8x512xf32>
    %gt3A_1664 = arith.cmpf ogt, %dot_general3A_1661, %gt3A_1663 : vector<8x512xf32>
    %get3A_1665 = arith.constant 0 : index
    %get3A_1666 = arith.constant 4608 : index
    %get3A_1667 = vector.load %arg5[%get3A_1665, %get3A_1666] : memref<8x5120xf32, #tpu.memory_space<vmem>>, vector<8x512xf32>
    %jit3A_1668 = arith.constant 0.000000e+00 : f32
    %broadcast_in_dim3A_1669 = vector.broadcast %jit3A_1668 : f32 to vector<8x512xf32>
    %select_n3A_1670 = arith.select %gt3A_1664, %broadcast_in_dim3A_1669, %get3A_1667 : vector<8x512xi1>, vector<8x512xf32>
    %swap3A_1671 = arith.constant 0 : index
    %swap3A_1672 = arith.constant 4608 : index
    %swap3A_1673 = vector.load %arg5[%swap3A_1671, %swap3A_1672] : memref<8x5120xf32, #tpu.memory_space<vmem>>, vector<8x512xf32>
    tpu.vector_store %arg5[%swap3A_1671, %swap3A_1672], %select_n3A_1670 {strides = array<i32>} : memref<8x5120xf32, #tpu.memory_space<vmem>>, vector<8x512xf32>,
    %get3A_1674 = arith.constant 1536 : index
    %get3A_1675 = arith.constant 0 : index
    %get3A_1676 = vector.load %arg0[%get3A_1674, %get3A_1675] : memref<5120x4xf32, #tpu.memory_space<vmem>>, vector<512x1xf32>
    %get3A_1677 = arith.constant 1536 : index
    %get3A_1678 = arith.constant 1 : index
    %get3A_1679 = vector.load %arg0[%get3A_1677, %get3A_1678] : memref<5120x4xf32, #tpu.memory_space<vmem>>, vector<512x1xf32>
    %get3A_1680 = arith.constant 1536 : index
    %get3A_1681 = arith.constant 2 : index
    %get3A_1682 = vector.load %arg0[%get3A_1680, %get3A_1681] : memref<5120x4xf32, #tpu.memory_space<vmem>>, vector<512x1xf32>
    %get3A_1683 = arith.constant 1536 : index
    %get3A_1684 = arith.constant 3 : index
    %get3A_1685 = vector.load %arg0[%get3A_1683, %get3A_1684] : memref<5120x4xf32, #tpu.memory_space<vmem>>, vector<512x1xf32>
    %slice3A_1686 = vector.extract_strided_slice %mul3A {offsets = [1536, 0], sizes = [512, 1], strides = [1, 1]} : vector<5120x1xf32> to vector<512x1xf32>
    %broadcast_in_dim3A_1687 = vector.shape_cast %get3A_1676 : vector<512x1xf32> to vector<512x1xf32>
    %broadcast_in_dim3A_1688 = vector.broadcast %broadcast_in_dim3A_1687 : vector<512x1xf32> to vector<512x512xf32>
    %broadcast_in_dim3A_1689 = vector.shape_cast %get3A_1679 : vector<512x1xf32> to vector<512x1xf32>
    %broadcast_in_dim3A_1690 = vector.broadcast %broadcast_in_dim3A_1689 : vector<512x1xf32> to vector<512x512xf32>
    %broadcast_in_dim3A_1691 = vector.shape_cast %get3A_1682 : vector<512x1xf32> to vector<512x1xf32>
    %broadcast_in_dim3A_1692 = vector.broadcast %broadcast_in_dim3A_1691 : vector<512x1xf32> to vector<512x512xf32>
    %broadcast_in_dim3A_1693 = vector.shape_cast %get3A_1685 : vector<512x1xf32> to vector<512x1xf32>
    %broadcast_in_dim3A_1694 = vector.broadcast %broadcast_in_dim3A_1693 : vector<512x1xf32> to vector<512x512xf32>
    %broadcast_in_dim3A_1695 = vector.shape_cast %slice3A_1686 : vector<512x1xf32> to vector<512x1xf32>
    %broadcast_in_dim3A_1696 = vector.broadcast %broadcast_in_dim3A_1695 : vector<512x1xf32> to vector<512x512xf32>
    %get3A_1697 = arith.constant 0 : index
    %get3A_1698 = arith.constant 1536 : index
    %get3A_1699 = vector.load %arg1[%get3A_1697, %get3A_1698] : memref<4x5120xf32, #tpu.memory_space<vmem>>, vector<1x512xf32>
    %get3A_1700 = arith.constant 1 : index
    %get3A_1701 = arith.constant 1536 : index
    %get3A_1702 = vector.load %arg1[%get3A_1700, %get3A_1701] : memref<4x5120xf32, #tpu.memory_space<vmem>>, vector<1x512xf32>
    %get3A_1703 = arith.constant 2 : index
    %get3A_1704 = arith.constant 1536 : index
    %get3A_1705 = vector.load %arg1[%get3A_1703, %get3A_1704] : memref<4x5120xf32, #tpu.memory_space<vmem>>, vector<1x512xf32>
    %get3A_1706 = arith.constant 3 : index
    %get3A_1707 = arith.constant 1536 : index
    %get3A_1708 = vector.load %arg1[%get3A_1706, %get3A_1707] : memref<4x5120xf32, #tpu.memory_space<vmem>>, vector<1x512xf32>
    %slice3A_1709 = vector.extract_strided_slice %mul3A_34 {offsets = [0, 1536], sizes = [1, 512], strides = [1, 1]} : vector<1x5120xf32> to vector<1x512xf32>
    %max3A_1710 = vector.broadcast %get3A_1699 : vector<1x512xf32> to vector<512x512xf32>
    %max3A_1711 = arith.maximumf %broadcast_in_dim3A_1688, %max3A_1710 : vector<512x512xf32>
    %max3A_1712 = vector.broadcast %get3A_1702 : vector<1x512xf32> to vector<512x512xf32>
    %max3A_1713 = arith.maximumf %broadcast_in_dim3A_1690, %max3A_1712 : vector<512x512xf32>
    %min3A_1714 = vector.broadcast %get3A_1705 : vector<1x512xf32> to vector<512x512xf32>
    %min3A_1715 = arith.minimumf %broadcast_in_dim3A_1692, %min3A_1714 : vector<512x512xf32>
    %min3A_1716 = vector.broadcast %get3A_1708 : vector<1x512xf32> to vector<512x512xf32>
    %min3A_1717 = arith.minimumf %broadcast_in_dim3A_1694, %min3A_1716 : vector<512x512xf32>
    %sub3A_1718 = arith.subf %min3A_1715, %max3A_1711 : vector<512x512xf32>
    %max3A_1719 = arith.constant 0.000000e+00 : f32
    %max3A_1720 = vector.broadcast %max3A_1719 : f32 to vector<512x512xf32>
    %max3A_1721 = arith.maximumf %sub3A_1718, %max3A_1720 : vector<512x512xf32>
    %sub3A_1722 = arith.subf %min3A_1717, %max3A_1713 : vector<512x512xf32>
    %max3A_1723 = arith.constant 0.000000e+00 : f32
    %max3A_1724 = vector.broadcast %max3A_1723 : f32 to vector<512x512xf32>
    %max3A_1725 = arith.maximumf %sub3A_1722, %max3A_1724 : vector<512x512xf32>
    %mul3A_1726 = arith.mulf %max3A_1721, %max3A_1725 : vector<512x512xf32>
    %add3A_1727 = vector.broadcast %slice3A_1709 : vector<1x512xf32> to vector<512x512xf32>
    %add3A_1728 = arith.addf %broadcast_in_dim3A_1696, %add3A_1727 : vector<512x512xf32>
    %sub3A_1729 = arith.subf %add3A_1728, %mul3A_1726 : vector<512x512xf32>
    %add3A_1730 = arith.constant 9.99999971E-10 : f32
    %add3A_1731 = vector.broadcast %add3A_1730 : f32 to vector<512x512xf32>
    %add3A_1732 = arith.addf %sub3A_1729, %add3A_1731 : vector<512x512xf32>
    %div3A_1733 = arith.divf %mul3A_1726, %add3A_1732 : vector<512x512xf32>
    %gt3A_1734 = arith.constant 5.000000e-01 : f32
    %gt3A_1735 = vector.broadcast %gt3A_1734 : f32 to vector<512x512xf32>
    %gt3A_1736 = arith.cmpf ogt, %div3A_1733, %gt3A_1735 : vector<512x512xf32>
    %and3A_1737 = arith.andi %gt3A_1736, %gt3A : vector<512x512xi1>
    %jit3A_1738 = arith.constant 1.000000e+00 : f32
    %jit3A_1739 = arith.constant 0.000000e+00 : f32
    %broadcast_in_dim3A_1740 = vector.broadcast %jit3A_1738 : f32 to vector<512x512xf32>
    %broadcast_in_dim3A_1741 = vector.broadcast %jit3A_1739 : f32 to vector<512x512xf32>
    %select_n3A_1742 = arith.select %and3A_1737, %broadcast_in_dim3A_1740, %broadcast_in_dim3A_1741 : vector<512x512xi1>, vector<512x512xf32>
    %get3A_1743 = arith.constant 0 : index
    %get3A_1744 = arith.constant 1536 : index
    %get3A_1745 = vector.load %arg5[%get3A_1743, %get3A_1744] : memref<8x5120xf32, #tpu.memory_space<vmem>>, vector<8x512xf32>
    %while3A_1746 = arith.constant true
    %while3A_1747:2 = scf.while (%while3A_3462 = %get3A_1745, %while3A_3463 = %while3A_1746) : (vector<8x512xf32>, i1) -> (vector<8x512xf32>, i1) {
      scf.condition(%while3A_3463) %while3A_3462, %while3A_3463 : vector<8x512xf32>, i1
    } do {
    ^bb0(%while3A_3462: vector<8x512xf32>, %while3A_3463: i1):
      %dot_general3A_3464 = arith.constant dense<0.000000e+00> : vector<8x512xf32>
      %dot_general3A_3465 = tpu.matmul %while3A_3462, %select_n3A_1742, %dot_general3A_3464 {dimension_numbers = #tpu.dot_dimension_numbers<[1], [0], [0], [1], [0, 0, 1, 1], [], []>, transpose_lhs_hint = false} : vector<8x512xf32>, vector<512x512xf32>, vector<8x512xf32> -> vector<8x512xf32>
      %gt3A_3466 = arith.constant 5.000000e-01 : f32
      %gt3A_3467 = vector.broadcast %gt3A_3466 : f32 to vector<8x512xf32>
      %gt3A_3468 = arith.cmpf ogt, %dot_general3A_3465, %gt3A_3467 : vector<8x512xf32>
      %jit3A_3469 = arith.constant 0.000000e+00 : f32
      %broadcast_in_dim3A_3470 = vector.broadcast %jit3A_3469 : f32 to vector<8x512xf32>
      %select_n3A_3471 = arith.select %gt3A_3468, %broadcast_in_dim3A_3470, %get3A_1745 : vector<8x512xi1>, vector<8x512xf32>
      %dot_general3A_3472 = arith.constant dense<0.000000e+00> : vector<8x512xf32>
      %dot_general3A_3473 = tpu.matmul %select_n3A_3471, %select_n3A_1742, %dot_general3A_3472 {dimension_numbers = #tpu.dot_dimension_numbers<[1], [0], [0], [1], [0, 0, 1, 1], [], []>, transpose_lhs_hint = false} : vector<8x512xf32>, vector<512x512xf32>, vector<8x512xf32> -> vector<8x512xf32>
      %gt3A_3474 = arith.constant 5.000000e-01 : f32
      %gt3A_3475 = vector.broadcast %gt3A_3474 : f32 to vector<8x512xf32>
      %gt3A_3476 = arith.cmpf ogt, %dot_general3A_3473, %gt3A_3475 : vector<8x512xf32>
      %jit3A_3477 = arith.constant 0.000000e+00 : f32
      %broadcast_in_dim3A_3478 = vector.broadcast %jit3A_3477 : f32 to vector<8x512xf32>
      %select_n3A_3479 = arith.select %gt3A_3476, %broadcast_in_dim3A_3478, %get3A_1745 : vector<8x512xi1>, vector<8x512xf32>
      %slice3A_3480 = vector.extract_strided_slice %select_n3A_3479 {offsets = [0, 0], sizes = [1, 512], strides = [1, 1]} : vector<8x512xf32> to vector<1x512xf32>
      %slice3A_3481 = vector.extract_strided_slice %select_n3A_3471 {offsets = [0, 0], sizes = [1, 512], strides = [1, 1]} : vector<8x512xf32> to vector<1x512xf32>
      %ne3A = arith.cmpf one, %slice3A_3480, %slice3A_3481 : vector<1x512xf32>
      %reduce_or3A = arith.constant 1.000000e+00 : f32
      %reduce_or3A_3482 = arith.constant 0.000000e+00 : f32
      %reduce_or3A_3483 = vector.broadcast %reduce_or3A : f32 to vector<1x512xf32>
      %reduce_or3A_3484 = vector.broadcast %reduce_or3A_3482 : f32 to vector<1x512xf32>
      %reduce_or3A_3485 = arith.select %ne3A, %reduce_or3A_3483, %reduce_or3A_3484 : vector<1x512xi1>, vector<1x512xf32>
      %reduce_or3A_3486 = vector.shape_cast %reduce_or3A_3485 : vector<1x512xf32> to vector<1x1x512xf32>
      %reduce_or3A_3487 = arith.constant dense<0xFF800000> : vector<1xf32>
      %reduce_or3A_3488 = vector.multi_reduction <maximumf>, %reduce_or3A_3486, %reduce_or3A_3487 [1, 2] : vector<1x1x512xf32> to vector<1xf32>
      %reduce_or3A_3489 = vector.shape_cast %reduce_or3A_3488 : vector<1xf32> to vector<1x1x1xf32>
      %reduce_or3A_3490 = vector.extract %reduce_or3A_3489[0, 0, 0] : f32 from vector<1x1x1xf32>
      %reduce_or3A_3491 = arith.constant 0.000000e+00 : f32
      %reduce_or3A_3492 = arith.cmpf ogt, %reduce_or3A_3490, %reduce_or3A_3491 : f32
      scf.yield %select_n3A_3479, %reduce_or3A_3492 : vector<8x512xf32>, i1
    }
    %swap3A_1748 = arith.constant 0 : index
    %swap3A_1749 = arith.constant 1536 : index
    %swap3A_1750 = vector.load %arg5[%swap3A_1748, %swap3A_1749] : memref<8x5120xf32, #tpu.memory_space<vmem>>, vector<8x512xf32>
    tpu.vector_store %arg5[%swap3A_1748, %swap3A_1749], %while3A_1747#0 {strides = array<i32>} : memref<8x5120xf32, #tpu.memory_space<vmem>>, vector<8x512xf32>,
    %get3A_1751 = arith.constant 0 : index
    %get3A_1752 = arith.constant 2048 : index
    %get3A_1753 = vector.load %arg1[%get3A_1751, %get3A_1752] : memref<4x5120xf32, #tpu.memory_space<vmem>>, vector<1x512xf32>
    %get3A_1754 = arith.constant 1 : index
    %get3A_1755 = arith.constant 2048 : index
    %get3A_1756 = vector.load %arg1[%get3A_1754, %get3A_1755] : memref<4x5120xf32, #tpu.memory_space<vmem>>, vector<1x512xf32>
    %get3A_1757 = arith.constant 2 : index
    %get3A_1758 = arith.constant 2048 : index
    %get3A_1759 = vector.load %arg1[%get3A_1757, %get3A_1758] : memref<4x5120xf32, #tpu.memory_space<vmem>>, vector<1x512xf32>
    %get3A_1760 = arith.constant 3 : index
    %get3A_1761 = arith.constant 2048 : index
    %get3A_1762 = vector.load %arg1[%get3A_1760, %get3A_1761] : memref<4x5120xf32, #tpu.memory_space<vmem>>, vector<1x512xf32>
    %slice3A_1763 = vector.extract_strided_slice %mul3A_34 {offsets = [0, 2048], sizes = [1, 512], strides = [1, 1]} : vector<1x5120xf32> to vector<1x512xf32>
    %max3A_1764 = vector.broadcast %get3A_1753 : vector<1x512xf32> to vector<512x512xf32>
    %max3A_1765 = arith.maximumf %broadcast_in_dim3A_1688, %max3A_1764 : vector<512x512xf32>
    %max3A_1766 = vector.broadcast %get3A_1756 : vector<1x512xf32> to vector<512x512xf32>
    %max3A_1767 = arith.maximumf %broadcast_in_dim3A_1690, %max3A_1766 : vector<512x512xf32>
    %min3A_1768 = vector.broadcast %get3A_1759 : vector<1x512xf32> to vector<512x512xf32>
    %min3A_1769 = arith.minimumf %broadcast_in_dim3A_1692, %min3A_1768 : vector<512x512xf32>
    %min3A_1770 = vector.broadcast %get3A_1762 : vector<1x512xf32> to vector<512x512xf32>
    %min3A_1771 = arith.minimumf %broadcast_in_dim3A_1694, %min3A_1770 : vector<512x512xf32>
    %sub3A_1772 = arith.subf %min3A_1769, %max3A_1765 : vector<512x512xf32>
    %max3A_1773 = arith.constant 0.000000e+00 : f32
    %max3A_1774 = vector.broadcast %max3A_1773 : f32 to vector<512x512xf32>
    %max3A_1775 = arith.maximumf %sub3A_1772, %max3A_1774 : vector<512x512xf32>
    %sub3A_1776 = arith.subf %min3A_1771, %max3A_1767 : vector<512x512xf32>
    %max3A_1777 = arith.constant 0.000000e+00 : f32
    %max3A_1778 = vector.broadcast %max3A_1777 : f32 to vector<512x512xf32>
    %max3A_1779 = arith.maximumf %sub3A_1776, %max3A_1778 : vector<512x512xf32>
    %mul3A_1780 = arith.mulf %max3A_1775, %max3A_1779 : vector<512x512xf32>
    %add3A_1781 = vector.broadcast %slice3A_1763 : vector<1x512xf32> to vector<512x512xf32>
    %add3A_1782 = arith.addf %broadcast_in_dim3A_1696, %add3A_1781 : vector<512x512xf32>
    %sub3A_1783 = arith.subf %add3A_1782, %mul3A_1780 : vector<512x512xf32>
    %add3A_1784 = arith.constant 9.99999971E-10 : f32
    %add3A_1785 = vector.broadcast %add3A_1784 : f32 to vector<512x512xf32>
    %add3A_1786 = arith.addf %sub3A_1783, %add3A_1785 : vector<512x512xf32>
    %div3A_1787 = arith.divf %mul3A_1780, %add3A_1786 : vector<512x512xf32>
    %gt3A_1788 = arith.constant 5.000000e-01 : f32
    %gt3A_1789 = vector.broadcast %gt3A_1788 : f32 to vector<512x512xf32>
    %gt3A_1790 = arith.cmpf ogt, %div3A_1787, %gt3A_1789 : vector<512x512xf32>
    %jit3A_1791 = arith.constant 1.000000e+00 : f32
    %jit3A_1792 = arith.constant 0.000000e+00 : f32
    %broadcast_in_dim3A_1793 = vector.broadcast %jit3A_1791 : f32 to vector<512x512xf32>
    %broadcast_in_dim3A_1794 = vector.broadcast %jit3A_1792 : f32 to vector<512x512xf32>
    %select_n3A_1795 = arith.select %gt3A_1790, %broadcast_in_dim3A_1793, %broadcast_in_dim3A_1794 : vector<512x512xi1>, vector<512x512xf32>
    %dot_general3A_1796 = arith.constant dense<0.000000e+00> : vector<8x512xf32>
    %dot_general3A_1797 = tpu.matmul %while3A_1747#0, %select_n3A_1795, %dot_general3A_1796 {dimension_numbers = #tpu.dot_dimension_numbers<[1], [0], [0], [1], [0, 0, 1, 1], [], []>, transpose_lhs_hint = false} : vector<8x512xf32>, vector<512x512xf32>, vector<8x512xf32> -> vector<8x512xf32>
    %gt3A_1798 = arith.constant 5.000000e-01 : f32
    %gt3A_1799 = vector.broadcast %gt3A_1798 : f32 to vector<8x512xf32>
    %gt3A_1800 = arith.cmpf ogt, %dot_general3A_1797, %gt3A_1799 : vector<8x512xf32>
    %get3A_1801 = arith.constant 0 : index
    %get3A_1802 = arith.constant 2048 : index
    %get3A_1803 = vector.load %arg5[%get3A_1801, %get3A_1802] : memref<8x5120xf32, #tpu.memory_space<vmem>>, vector<8x512xf32>
    %jit3A_1804 = arith.constant 0.000000e+00 : f32
    %broadcast_in_dim3A_1805 = vector.broadcast %jit3A_1804 : f32 to vector<8x512xf32>
    %select_n3A_1806 = arith.select %gt3A_1800, %broadcast_in_dim3A_1805, %get3A_1803 : vector<8x512xi1>, vector<8x512xf32>
    %swap3A_1807 = arith.constant 0 : index
    %swap3A_1808 = arith.constant 2048 : index
    %swap3A_1809 = vector.load %arg5[%swap3A_1807, %swap3A_1808] : memref<8x5120xf32, #tpu.memory_space<vmem>>, vector<8x512xf32>
    tpu.vector_store %arg5[%swap3A_1807, %swap3A_1808], %select_n3A_1806 {strides = array<i32>} : memref<8x5120xf32, #tpu.memory_space<vmem>>, vector<8x512xf32>,
    %get3A_1810 = arith.constant 0 : index
    %get3A_1811 = arith.constant 2560 : index
    %get3A_1812 = vector.load %arg1[%get3A_1810, %get3A_1811] : memref<4x5120xf32, #tpu.memory_space<vmem>>, vector<1x512xf32>
    %get3A_1813 = arith.constant 1 : index
    %get3A_1814 = arith.constant 2560 : index
    %get3A_1815 = vector.load %arg1[%get3A_1813, %get3A_1814] : memref<4x5120xf32, #tpu.memory_space<vmem>>, vector<1x512xf32>
    %get3A_1816 = arith.constant 2 : index
    %get3A_1817 = arith.constant 2560 : index
    %get3A_1818 = vector.load %arg1[%get3A_1816, %get3A_1817] : memref<4x5120xf32, #tpu.memory_space<vmem>>, vector<1x512xf32>
    %get3A_1819 = arith.constant 3 : index
    %get3A_1820 = arith.constant 2560 : index
    %get3A_1821 = vector.load %arg1[%get3A_1819, %get3A_1820] : memref<4x5120xf32, #tpu.memory_space<vmem>>, vector<1x512xf32>
    %slice3A_1822 = vector.extract_strided_slice %mul3A_34 {offsets = [0, 2560], sizes = [1, 512], strides = [1, 1]} : vector<1x5120xf32> to vector<1x512xf32>
    %max3A_1823 = vector.broadcast %get3A_1812 : vector<1x512xf32> to vector<512x512xf32>
    %max3A_1824 = arith.maximumf %broadcast_in_dim3A_1688, %max3A_1823 : vector<512x512xf32>
    %max3A_1825 = vector.broadcast %get3A_1815 : vector<1x512xf32> to vector<512x512xf32>
    %max3A_1826 = arith.maximumf %broadcast_in_dim3A_1690, %max3A_1825 : vector<512x512xf32>
    %min3A_1827 = vector.broadcast %get3A_1818 : vector<1x512xf32> to vector<512x512xf32>
    %min3A_1828 = arith.minimumf %broadcast_in_dim3A_1692, %min3A_1827 : vector<512x512xf32>
    %min3A_1829 = vector.broadcast %get3A_1821 : vector<1x512xf32> to vector<512x512xf32>
    %min3A_1830 = arith.minimumf %broadcast_in_dim3A_1694, %min3A_1829 : vector<512x512xf32>
    %sub3A_1831 = arith.subf %min3A_1828, %max3A_1824 : vector<512x512xf32>
    %max3A_1832 = arith.constant 0.000000e+00 : f32
    %max3A_1833 = vector.broadcast %max3A_1832 : f32 to vector<512x512xf32>
    %max3A_1834 = arith.maximumf %sub3A_1831, %max3A_1833 : vector<512x512xf32>
    %sub3A_1835 = arith.subf %min3A_1830, %max3A_1826 : vector<512x512xf32>
    %max3A_1836 = arith.constant 0.000000e+00 : f32
    %max3A_1837 = vector.broadcast %max3A_1836 : f32 to vector<512x512xf32>
    %max3A_1838 = arith.maximumf %sub3A_1835, %max3A_1837 : vector<512x512xf32>
    %mul3A_1839 = arith.mulf %max3A_1834, %max3A_1838 : vector<512x512xf32>
    %add3A_1840 = vector.broadcast %slice3A_1822 : vector<1x512xf32> to vector<512x512xf32>
    %add3A_1841 = arith.addf %broadcast_in_dim3A_1696, %add3A_1840 : vector<512x512xf32>
    %sub3A_1842 = arith.subf %add3A_1841, %mul3A_1839 : vector<512x512xf32>
    %add3A_1843 = arith.constant 9.99999971E-10 : f32
    %add3A_1844 = vector.broadcast %add3A_1843 : f32 to vector<512x512xf32>
    %add3A_1845 = arith.addf %sub3A_1842, %add3A_1844 : vector<512x512xf32>
    %div3A_1846 = arith.divf %mul3A_1839, %add3A_1845 : vector<512x512xf32>
    %gt3A_1847 = arith.constant 5.000000e-01 : f32
    %gt3A_1848 = vector.broadcast %gt3A_1847 : f32 to vector<512x512xf32>
    %gt3A_1849 = arith.cmpf ogt, %div3A_1846, %gt3A_1848 : vector<512x512xf32>
    %jit3A_1850 = arith.constant 1.000000e+00 : f32
    %jit3A_1851 = arith.constant 0.000000e+00 : f32
    %broadcast_in_dim3A_1852 = vector.broadcast %jit3A_1850 : f32 to vector<512x512xf32>
    %broadcast_in_dim3A_1853 = vector.broadcast %jit3A_1851 : f32 to vector<512x512xf32>
    %select_n3A_1854 = arith.select %gt3A_1849, %broadcast_in_dim3A_1852, %broadcast_in_dim3A_1853 : vector<512x512xi1>, vector<512x512xf32>
    %dot_general3A_1855 = arith.constant dense<0.000000e+00> : vector<8x512xf32>
    %dot_general3A_1856 = tpu.matmul %while3A_1747#0, %select_n3A_1854, %dot_general3A_1855 {dimension_numbers = #tpu.dot_dimension_numbers<[1], [0], [0], [1], [0, 0, 1, 1], [], []>, transpose_lhs_hint = false} : vector<8x512xf32>, vector<512x512xf32>, vector<8x512xf32> -> vector<8x512xf32>
    %gt3A_1857 = arith.constant 5.000000e-01 : f32
    %gt3A_1858 = vector.broadcast %gt3A_1857 : f32 to vector<8x512xf32>
    %gt3A_1859 = arith.cmpf ogt, %dot_general3A_1856, %gt3A_1858 : vector<8x512xf32>
    %get3A_1860 = arith.constant 0 : index
    %get3A_1861 = arith.constant 2560 : index
    %get3A_1862 = vector.load %arg5[%get3A_1860, %get3A_1861] : memref<8x5120xf32, #tpu.memory_space<vmem>>, vector<8x512xf32>
    %jit3A_1863 = arith.constant 0.000000e+00 : f32
    %broadcast_in_dim3A_1864 = vector.broadcast %jit3A_1863 : f32 to vector<8x512xf32>
    %select_n3A_1865 = arith.select %gt3A_1859, %broadcast_in_dim3A_1864, %get3A_1862 : vector<8x512xi1>, vector<8x512xf32>
    %swap3A_1866 = arith.constant 0 : index
    %swap3A_1867 = arith.constant 2560 : index
    %swap3A_1868 = vector.load %arg5[%swap3A_1866, %swap3A_1867] : memref<8x5120xf32, #tpu.memory_space<vmem>>, vector<8x512xf32>
    tpu.vector_store %arg5[%swap3A_1866, %swap3A_1867], %select_n3A_1865 {strides = array<i32>} : memref<8x5120xf32, #tpu.memory_space<vmem>>, vector<8x512xf32>,
    %get3A_1869 = arith.constant 0 : index
    %get3A_1870 = arith.constant 3072 : index
    %get3A_1871 = vector.load %arg1[%get3A_1869, %get3A_1870] : memref<4x5120xf32, #tpu.memory_space<vmem>>, vector<1x512xf32>
    %get3A_1872 = arith.constant 1 : index
    %get3A_1873 = arith.constant 3072 : index
    %get3A_1874 = vector.load %arg1[%get3A_1872, %get3A_1873] : memref<4x5120xf32, #tpu.memory_space<vmem>>, vector<1x512xf32>
    %get3A_1875 = arith.constant 2 : index
    %get3A_1876 = arith.constant 3072 : index
    %get3A_1877 = vector.load %arg1[%get3A_1875, %get3A_1876] : memref<4x5120xf32, #tpu.memory_space<vmem>>, vector<1x512xf32>
    %get3A_1878 = arith.constant 3 : index
    %get3A_1879 = arith.constant 3072 : index
    %get3A_1880 = vector.load %arg1[%get3A_1878, %get3A_1879] : memref<4x5120xf32, #tpu.memory_space<vmem>>, vector<1x512xf32>
    %slice3A_1881 = vector.extract_strided_slice %mul3A_34 {offsets = [0, 3072], sizes = [1, 512], strides = [1, 1]} : vector<1x5120xf32> to vector<1x512xf32>
    %max3A_1882 = vector.broadcast %get3A_1871 : vector<1x512xf32> to vector<512x512xf32>
    %max3A_1883 = arith.maximumf %broadcast_in_dim3A_1688, %max3A_1882 : vector<512x512xf32>
    %max3A_1884 = vector.broadcast %get3A_1874 : vector<1x512xf32> to vector<512x512xf32>
    %max3A_1885 = arith.maximumf %broadcast_in_dim3A_1690, %max3A_1884 : vector<512x512xf32>
    %min3A_1886 = vector.broadcast %get3A_1877 : vector<1x512xf32> to vector<512x512xf32>
    %min3A_1887 = arith.minimumf %broadcast_in_dim3A_1692, %min3A_1886 : vector<512x512xf32>
    %min3A_1888 = vector.broadcast %get3A_1880 : vector<1x512xf32> to vector<512x512xf32>
    %min3A_1889 = arith.minimumf %broadcast_in_dim3A_1694, %min3A_1888 : vector<512x512xf32>
    %sub3A_1890 = arith.subf %min3A_1887, %max3A_1883 : vector<512x512xf32>
    %max3A_1891 = arith.constant 0.000000e+00 : f32
    %max3A_1892 = vector.broadcast %max3A_1891 : f32 to vector<512x512xf32>
    %max3A_1893 = arith.maximumf %sub3A_1890, %max3A_1892 : vector<512x512xf32>
    %sub3A_1894 = arith.subf %min3A_1889, %max3A_1885 : vector<512x512xf32>
    %max3A_1895 = arith.constant 0.000000e+00 : f32
    %max3A_1896 = vector.broadcast %max3A_1895 : f32 to vector<512x512xf32>
    %max3A_1897 = arith.maximumf %sub3A_1894, %max3A_1896 : vector<512x512xf32>
    %mul3A_1898 = arith.mulf %max3A_1893, %max3A_1897 : vector<512x512xf32>
    %add3A_1899 = vector.broadcast %slice3A_1881 : vector<1x512xf32> to vector<512x512xf32>
    %add3A_1900 = arith.addf %broadcast_in_dim3A_1696, %add3A_1899 : vector<512x512xf32>
    %sub3A_1901 = arith.subf %add3A_1900, %mul3A_1898 : vector<512x512xf32>
    %add3A_1902 = arith.constant 9.99999971E-10 : f32
    %add3A_1903 = vector.broadcast %add3A_1902 : f32 to vector<512x512xf32>
    %add3A_1904 = arith.addf %sub3A_1901, %add3A_1903 : vector<512x512xf32>
    %div3A_1905 = arith.divf %mul3A_1898, %add3A_1904 : vector<512x512xf32>
    %gt3A_1906 = arith.constant 5.000000e-01 : f32
    %gt3A_1907 = vector.broadcast %gt3A_1906 : f32 to vector<512x512xf32>
    %gt3A_1908 = arith.cmpf ogt, %div3A_1905, %gt3A_1907 : vector<512x512xf32>
    %jit3A_1909 = arith.constant 1.000000e+00 : f32
    %jit3A_1910 = arith.constant 0.000000e+00 : f32
    %broadcast_in_dim3A_1911 = vector.broadcast %jit3A_1909 : f32 to vector<512x512xf32>
    %broadcast_in_dim3A_1912 = vector.broadcast %jit3A_1910 : f32 to vector<512x512xf32>
    %select_n3A_1913 = arith.select %gt3A_1908, %broadcast_in_dim3A_1911, %broadcast_in_dim3A_1912 : vector<512x512xi1>, vector<512x512xf32>
    %dot_general3A_1914 = arith.constant dense<0.000000e+00> : vector<8x512xf32>
    %dot_general3A_1915 = tpu.matmul %while3A_1747#0, %select_n3A_1913, %dot_general3A_1914 {dimension_numbers = #tpu.dot_dimension_numbers<[1], [0], [0], [1], [0, 0, 1, 1], [], []>, transpose_lhs_hint = false} : vector<8x512xf32>, vector<512x512xf32>, vector<8x512xf32> -> vector<8x512xf32>
    %gt3A_1916 = arith.constant 5.000000e-01 : f32
    %gt3A_1917 = vector.broadcast %gt3A_1916 : f32 to vector<8x512xf32>
    %gt3A_1918 = arith.cmpf ogt, %dot_general3A_1915, %gt3A_1917 : vector<8x512xf32>
    %get3A_1919 = arith.constant 0 : index
    %get3A_1920 = arith.constant 3072 : index
    %get3A_1921 = vector.load %arg5[%get3A_1919, %get3A_1920] : memref<8x5120xf32, #tpu.memory_space<vmem>>, vector<8x512xf32>
    %jit3A_1922 = arith.constant 0.000000e+00 : f32
    %broadcast_in_dim3A_1923 = vector.broadcast %jit3A_1922 : f32 to vector<8x512xf32>
    %select_n3A_1924 = arith.select %gt3A_1918, %broadcast_in_dim3A_1923, %get3A_1921 : vector<8x512xi1>, vector<8x512xf32>
    %swap3A_1925 = arith.constant 0 : index
    %swap3A_1926 = arith.constant 3072 : index
    %swap3A_1927 = vector.load %arg5[%swap3A_1925, %swap3A_1926] : memref<8x5120xf32, #tpu.memory_space<vmem>>, vector<8x512xf32>
    tpu.vector_store %arg5[%swap3A_1925, %swap3A_1926], %select_n3A_1924 {strides = array<i32>} : memref<8x5120xf32, #tpu.memory_space<vmem>>, vector<8x512xf32>,
    %get3A_1928 = arith.constant 0 : index
    %get3A_1929 = arith.constant 3584 : index
    %get3A_1930 = vector.load %arg1[%get3A_1928, %get3A_1929] : memref<4x5120xf32, #tpu.memory_space<vmem>>, vector<1x512xf32>
    %get3A_1931 = arith.constant 1 : index
    %get3A_1932 = arith.constant 3584 : index
    %get3A_1933 = vector.load %arg1[%get3A_1931, %get3A_1932] : memref<4x5120xf32, #tpu.memory_space<vmem>>, vector<1x512xf32>
    %get3A_1934 = arith.constant 2 : index
    %get3A_1935 = arith.constant 3584 : index
    %get3A_1936 = vector.load %arg1[%get3A_1934, %get3A_1935] : memref<4x5120xf32, #tpu.memory_space<vmem>>, vector<1x512xf32>
    %get3A_1937 = arith.constant 3 : index
    %get3A_1938 = arith.constant 3584 : index
    %get3A_1939 = vector.load %arg1[%get3A_1937, %get3A_1938] : memref<4x5120xf32, #tpu.memory_space<vmem>>, vector<1x512xf32>
    %slice3A_1940 = vector.extract_strided_slice %mul3A_34 {offsets = [0, 3584], sizes = [1, 512], strides = [1, 1]} : vector<1x5120xf32> to vector<1x512xf32>
    %max3A_1941 = vector.broadcast %get3A_1930 : vector<1x512xf32> to vector<512x512xf32>
    %max3A_1942 = arith.maximumf %broadcast_in_dim3A_1688, %max3A_1941 : vector<512x512xf32>
    %max3A_1943 = vector.broadcast %get3A_1933 : vector<1x512xf32> to vector<512x512xf32>
    %max3A_1944 = arith.maximumf %broadcast_in_dim3A_1690, %max3A_1943 : vector<512x512xf32>
    %min3A_1945 = vector.broadcast %get3A_1936 : vector<1x512xf32> to vector<512x512xf32>
    %min3A_1946 = arith.minimumf %broadcast_in_dim3A_1692, %min3A_1945 : vector<512x512xf32>
    %min3A_1947 = vector.broadcast %get3A_1939 : vector<1x512xf32> to vector<512x512xf32>
    %min3A_1948 = arith.minimumf %broadcast_in_dim3A_1694, %min3A_1947 : vector<512x512xf32>
    %sub3A_1949 = arith.subf %min3A_1946, %max3A_1942 : vector<512x512xf32>
    %max3A_1950 = arith.constant 0.000000e+00 : f32
    %max3A_1951 = vector.broadcast %max3A_1950 : f32 to vector<512x512xf32>
    %max3A_1952 = arith.maximumf %sub3A_1949, %max3A_1951 : vector<512x512xf32>
    %sub3A_1953 = arith.subf %min3A_1948, %max3A_1944 : vector<512x512xf32>
    %max3A_1954 = arith.constant 0.000000e+00 : f32
    %max3A_1955 = vector.broadcast %max3A_1954 : f32 to vector<512x512xf32>
    %max3A_1956 = arith.maximumf %sub3A_1953, %max3A_1955 : vector<512x512xf32>
    %mul3A_1957 = arith.mulf %max3A_1952, %max3A_1956 : vector<512x512xf32>
    %add3A_1958 = vector.broadcast %slice3A_1940 : vector<1x512xf32> to vector<512x512xf32>
    %add3A_1959 = arith.addf %broadcast_in_dim3A_1696, %add3A_1958 : vector<512x512xf32>
    %sub3A_1960 = arith.subf %add3A_1959, %mul3A_1957 : vector<512x512xf32>
    %add3A_1961 = arith.constant 9.99999971E-10 : f32
    %add3A_1962 = vector.broadcast %add3A_1961 : f32 to vector<512x512xf32>
    %add3A_1963 = arith.addf %sub3A_1960, %add3A_1962 : vector<512x512xf32>
    %div3A_1964 = arith.divf %mul3A_1957, %add3A_1963 : vector<512x512xf32>
    %gt3A_1965 = arith.constant 5.000000e-01 : f32
    %gt3A_1966 = vector.broadcast %gt3A_1965 : f32 to vector<512x512xf32>
    %gt3A_1967 = arith.cmpf ogt, %div3A_1964, %gt3A_1966 : vector<512x512xf32>
    %jit3A_1968 = arith.constant 1.000000e+00 : f32
    %jit3A_1969 = arith.constant 0.000000e+00 : f32
    %broadcast_in_dim3A_1970 = vector.broadcast %jit3A_1968 : f32 to vector<512x512xf32>
    %broadcast_in_dim3A_1971 = vector.broadcast %jit3A_1969 : f32 to vector<512x512xf32>
    %select_n3A_1972 = arith.select %gt3A_1967, %broadcast_in_dim3A_1970, %broadcast_in_dim3A_1971 : vector<512x512xi1>, vector<512x512xf32>
    %dot_general3A_1973 = arith.constant dense<0.000000e+00> : vector<8x512xf32>
    %dot_general3A_1974 = tpu.matmul %while3A_1747#0, %select_n3A_1972, %dot_general3A_1973 {dimension_numbers = #tpu.dot_dimension_numbers<[1], [0], [0], [1], [0, 0, 1, 1], [], []>, transpose_lhs_hint = false} : vector<8x512xf32>, vector<512x512xf32>, vector<8x512xf32> -> vector<8x512xf32>
    %gt3A_1975 = arith.constant 5.000000e-01 : f32
    %gt3A_1976 = vector.broadcast %gt3A_1975 : f32 to vector<8x512xf32>
    %gt3A_1977 = arith.cmpf ogt, %dot_general3A_1974, %gt3A_1976 : vector<8x512xf32>
    %get3A_1978 = arith.constant 0 : index
    %get3A_1979 = arith.constant 3584 : index
    %get3A_1980 = vector.load %arg5[%get3A_1978, %get3A_1979] : memref<8x5120xf32, #tpu.memory_space<vmem>>, vector<8x512xf32>
    %jit3A_1981 = arith.constant 0.000000e+00 : f32
    %broadcast_in_dim3A_1982 = vector.broadcast %jit3A_1981 : f32 to vector<8x512xf32>
    %select_n3A_1983 = arith.select %gt3A_1977, %broadcast_in_dim3A_1982, %get3A_1980 : vector<8x512xi1>, vector<8x512xf32>
    %swap3A_1984 = arith.constant 0 : index
    %swap3A_1985 = arith.constant 3584 : index
    %swap3A_1986 = vector.load %arg5[%swap3A_1984, %swap3A_1985] : memref<8x5120xf32, #tpu.memory_space<vmem>>, vector<8x512xf32>
    tpu.vector_store %arg5[%swap3A_1984, %swap3A_1985], %select_n3A_1983 {strides = array<i32>} : memref<8x5120xf32, #tpu.memory_space<vmem>>, vector<8x512xf32>,
    %get3A_1987 = arith.constant 0 : index
    %get3A_1988 = arith.constant 4096 : index
    %get3A_1989 = vector.load %arg1[%get3A_1987, %get3A_1988] : memref<4x5120xf32, #tpu.memory_space<vmem>>, vector<1x512xf32>
    %get3A_1990 = arith.constant 1 : index
    %get3A_1991 = arith.constant 4096 : index
    %get3A_1992 = vector.load %arg1[%get3A_1990, %get3A_1991] : memref<4x5120xf32, #tpu.memory_space<vmem>>, vector<1x512xf32>
    %get3A_1993 = arith.constant 2 : index
    %get3A_1994 = arith.constant 4096 : index
    %get3A_1995 = vector.load %arg1[%get3A_1993, %get3A_1994] : memref<4x5120xf32, #tpu.memory_space<vmem>>, vector<1x512xf32>
    %get3A_1996 = arith.constant 3 : index
    %get3A_1997 = arith.constant 4096 : index
    %get3A_1998 = vector.load %arg1[%get3A_1996, %get3A_1997] : memref<4x5120xf32, #tpu.memory_space<vmem>>, vector<1x512xf32>
    %slice3A_1999 = vector.extract_strided_slice %mul3A_34 {offsets = [0, 4096], sizes = [1, 512], strides = [1, 1]} : vector<1x5120xf32> to vector<1x512xf32>
    %max3A_2000 = vector.broadcast %get3A_1989 : vector<1x512xf32> to vector<512x512xf32>
    %max3A_2001 = arith.maximumf %broadcast_in_dim3A_1688, %max3A_2000 : vector<512x512xf32>
    %max3A_2002 = vector.broadcast %get3A_1992 : vector<1x512xf32> to vector<512x512xf32>
    %max3A_2003 = arith.maximumf %broadcast_in_dim3A_1690, %max3A_2002 : vector<512x512xf32>
    %min3A_2004 = vector.broadcast %get3A_1995 : vector<1x512xf32> to vector<512x512xf32>
    %min3A_2005 = arith.minimumf %broadcast_in_dim3A_1692, %min3A_2004 : vector<512x512xf32>
    %min3A_2006 = vector.broadcast %get3A_1998 : vector<1x512xf32> to vector<512x512xf32>
    %min3A_2007 = arith.minimumf %broadcast_in_dim3A_1694, %min3A_2006 : vector<512x512xf32>
    %sub3A_2008 = arith.subf %min3A_2005, %max3A_2001 : vector<512x512xf32>
    %max3A_2009 = arith.constant 0.000000e+00 : f32
    %max3A_2010 = vector.broadcast %max3A_2009 : f32 to vector<512x512xf32>
    %max3A_2011 = arith.maximumf %sub3A_2008, %max3A_2010 : vector<512x512xf32>
    %sub3A_2012 = arith.subf %min3A_2007, %max3A_2003 : vector<512x512xf32>
    %max3A_2013 = arith.constant 0.000000e+00 : f32
    %max3A_2014 = vector.broadcast %max3A_2013 : f32 to vector<512x512xf32>
    %max3A_2015 = arith.maximumf %sub3A_2012, %max3A_2014 : vector<512x512xf32>
    %mul3A_2016 = arith.mulf %max3A_2011, %max3A_2015 : vector<512x512xf32>
    %add3A_2017 = vector.broadcast %slice3A_1999 : vector<1x512xf32> to vector<512x512xf32>
    %add3A_2018 = arith.addf %broadcast_in_dim3A_1696, %add3A_2017 : vector<512x512xf32>
    %sub3A_2019 = arith.subf %add3A_2018, %mul3A_2016 : vector<512x512xf32>
    %add3A_2020 = arith.constant 9.99999971E-10 : f32
    %add3A_2021 = vector.broadcast %add3A_2020 : f32 to vector<512x512xf32>
    %add3A_2022 = arith.addf %sub3A_2019, %add3A_2021 : vector<512x512xf32>
    %div3A_2023 = arith.divf %mul3A_2016, %add3A_2022 : vector<512x512xf32>
    %gt3A_2024 = arith.constant 5.000000e-01 : f32
    %gt3A_2025 = vector.broadcast %gt3A_2024 : f32 to vector<512x512xf32>
    %gt3A_2026 = arith.cmpf ogt, %div3A_2023, %gt3A_2025 : vector<512x512xf32>
    %jit3A_2027 = arith.constant 1.000000e+00 : f32
    %jit3A_2028 = arith.constant 0.000000e+00 : f32
    %broadcast_in_dim3A_2029 = vector.broadcast %jit3A_2027 : f32 to vector<512x512xf32>
    %broadcast_in_dim3A_2030 = vector.broadcast %jit3A_2028 : f32 to vector<512x512xf32>
    %select_n3A_2031 = arith.select %gt3A_2026, %broadcast_in_dim3A_2029, %broadcast_in_dim3A_2030 : vector<512x512xi1>, vector<512x512xf32>
    %dot_general3A_2032 = arith.constant dense<0.000000e+00> : vector<8x512xf32>
    %dot_general3A_2033 = tpu.matmul %while3A_1747#0, %select_n3A_2031, %dot_general3A_2032 {dimension_numbers = #tpu.dot_dimension_numbers<[1], [0], [0], [1], [0, 0, 1, 1], [], []>, transpose_lhs_hint = false} : vector<8x512xf32>, vector<512x512xf32>, vector<8x512xf32> -> vector<8x512xf32>
    %gt3A_2034 = arith.constant 5.000000e-01 : f32
    %gt3A_2035 = vector.broadcast %gt3A_2034 : f32 to vector<8x512xf32>
    %gt3A_2036 = arith.cmpf ogt, %dot_general3A_2033, %gt3A_2035 : vector<8x512xf32>
    %get3A_2037 = arith.constant 0 : index
    %get3A_2038 = arith.constant 4096 : index
    %get3A_2039 = vector.load %arg5[%get3A_2037, %get3A_2038] : memref<8x5120xf32, #tpu.memory_space<vmem>>, vector<8x512xf32>
    %jit3A_2040 = arith.constant 0.000000e+00 : f32
    %broadcast_in_dim3A_2041 = vector.broadcast %jit3A_2040 : f32 to vector<8x512xf32>
    %select_n3A_2042 = arith.select %gt3A_2036, %broadcast_in_dim3A_2041, %get3A_2039 : vector<8x512xi1>, vector<8x512xf32>
    %swap3A_2043 = arith.constant 0 : index
    %swap3A_2044 = arith.constant 4096 : index
    %swap3A_2045 = vector.load %arg5[%swap3A_2043, %swap3A_2044] : memref<8x5120xf32, #tpu.memory_space<vmem>>, vector<8x512xf32>
    tpu.vector_store %arg5[%swap3A_2043, %swap3A_2044], %select_n3A_2042 {strides = array<i32>} : memref<8x5120xf32, #tpu.memory_space<vmem>>, vector<8x512xf32>,
    %get3A_2046 = arith.constant 0 : index
    %get3A_2047 = arith.constant 4608 : index
    %get3A_2048 = vector.load %arg1[%get3A_2046, %get3A_2047] : memref<4x5120xf32, #tpu.memory_space<vmem>>, vector<1x512xf32>
    %get3A_2049 = arith.constant 1 : index
    %get3A_2050 = arith.constant 4608 : index
    %get3A_2051 = vector.load %arg1[%get3A_2049, %get3A_2050] : memref<4x5120xf32, #tpu.memory_space<vmem>>, vector<1x512xf32>
    %get3A_2052 = arith.constant 2 : index
    %get3A_2053 = arith.constant 4608 : index
    %get3A_2054 = vector.load %arg1[%get3A_2052, %get3A_2053] : memref<4x5120xf32, #tpu.memory_space<vmem>>, vector<1x512xf32>
    %get3A_2055 = arith.constant 3 : index
    %get3A_2056 = arith.constant 4608 : index
    %get3A_2057 = vector.load %arg1[%get3A_2055, %get3A_2056] : memref<4x5120xf32, #tpu.memory_space<vmem>>, vector<1x512xf32>
    %slice3A_2058 = vector.extract_strided_slice %mul3A_34 {offsets = [0, 4608], sizes = [1, 512], strides = [1, 1]} : vector<1x5120xf32> to vector<1x512xf32>
    %max3A_2059 = vector.broadcast %get3A_2048 : vector<1x512xf32> to vector<512x512xf32>
    %max3A_2060 = arith.maximumf %broadcast_in_dim3A_1688, %max3A_2059 : vector<512x512xf32>
    %max3A_2061 = vector.broadcast %get3A_2051 : vector<1x512xf32> to vector<512x512xf32>
    %max3A_2062 = arith.maximumf %broadcast_in_dim3A_1690, %max3A_2061 : vector<512x512xf32>
    %min3A_2063 = vector.broadcast %get3A_2054 : vector<1x512xf32> to vector<512x512xf32>
    %min3A_2064 = arith.minimumf %broadcast_in_dim3A_1692, %min3A_2063 : vector<512x512xf32>
    %min3A_2065 = vector.broadcast %get3A_2057 : vector<1x512xf32> to vector<512x512xf32>
    %min3A_2066 = arith.minimumf %broadcast_in_dim3A_1694, %min3A_2065 : vector<512x512xf32>
    %sub3A_2067 = arith.subf %min3A_2064, %max3A_2060 : vector<512x512xf32>
    %max3A_2068 = arith.constant 0.000000e+00 : f32
    %max3A_2069 = vector.broadcast %max3A_2068 : f32 to vector<512x512xf32>
    %max3A_2070 = arith.maximumf %sub3A_2067, %max3A_2069 : vector<512x512xf32>
    %sub3A_2071 = arith.subf %min3A_2066, %max3A_2062 : vector<512x512xf32>
    %max3A_2072 = arith.constant 0.000000e+00 : f32
    %max3A_2073 = vector.broadcast %max3A_2072 : f32 to vector<512x512xf32>
    %max3A_2074 = arith.maximumf %sub3A_2071, %max3A_2073 : vector<512x512xf32>
    %mul3A_2075 = arith.mulf %max3A_2070, %max3A_2074 : vector<512x512xf32>
    %add3A_2076 = vector.broadcast %slice3A_2058 : vector<1x512xf32> to vector<512x512xf32>
    %add3A_2077 = arith.addf %broadcast_in_dim3A_1696, %add3A_2076 : vector<512x512xf32>
    %sub3A_2078 = arith.subf %add3A_2077, %mul3A_2075 : vector<512x512xf32>
    %add3A_2079 = arith.constant 9.99999971E-10 : f32
    %add3A_2080 = vector.broadcast %add3A_2079 : f32 to vector<512x512xf32>
    %add3A_2081 = arith.addf %sub3A_2078, %add3A_2080 : vector<512x512xf32>
    %div3A_2082 = arith.divf %mul3A_2075, %add3A_2081 : vector<512x512xf32>
    %gt3A_2083 = arith.constant 5.000000e-01 : f32
    %gt3A_2084 = vector.broadcast %gt3A_2083 : f32 to vector<512x512xf32>
    %gt3A_2085 = arith.cmpf ogt, %div3A_2082, %gt3A_2084 : vector<512x512xf32>
    %jit3A_2086 = arith.constant 1.000000e+00 : f32
    %jit3A_2087 = arith.constant 0.000000e+00 : f32
    %broadcast_in_dim3A_2088 = vector.broadcast %jit3A_2086 : f32 to vector<512x512xf32>
    %broadcast_in_dim3A_2089 = vector.broadcast %jit3A_2087 : f32 to vector<512x512xf32>
    %select_n3A_2090 = arith.select %gt3A_2085, %broadcast_in_dim3A_2088, %broadcast_in_dim3A_2089 : vector<512x512xi1>, vector<512x512xf32>
    %dot_general3A_2091 = arith.constant dense<0.000000e+00> : vector<8x512xf32>
    %dot_general3A_2092 = tpu.matmul %while3A_1747#0, %select_n3A_2090, %dot_general3A_2091 {dimension_numbers = #tpu.dot_dimension_numbers<[1], [0], [0], [1], [0, 0, 1, 1], [], []>, transpose_lhs_hint = false} : vector<8x512xf32>, vector<512x512xf32>, vector<8x512xf32> -> vector<8x512xf32>
    %gt3A_2093 = arith.constant 5.000000e-01 : f32
    %gt3A_2094 = vector.broadcast %gt3A_2093 : f32 to vector<8x512xf32>
    %gt3A_2095 = arith.cmpf ogt, %dot_general3A_2092, %gt3A_2094 : vector<8x512xf32>
    %get3A_2096 = arith.constant 0 : index
    %get3A_2097 = arith.constant 4608 : index
    %get3A_2098 = vector.load %arg5[%get3A_2096, %get3A_2097] : memref<8x5120xf32, #tpu.memory_space<vmem>>, vector<8x512xf32>
    %jit3A_2099 = arith.constant 0.000000e+00 : f32
    %broadcast_in_dim3A_2100 = vector.broadcast %jit3A_2099 : f32 to vector<8x512xf32>
    %select_n3A_2101 = arith.select %gt3A_2095, %broadcast_in_dim3A_2100, %get3A_2098 : vector<8x512xi1>, vector<8x512xf32>
    %swap3A_2102 = arith.constant 0 : index
    %swap3A_2103 = arith.constant 4608 : index
    %swap3A_2104 = vector.load %arg5[%swap3A_2102, %swap3A_2103] : memref<8x5120xf32, #tpu.memory_space<vmem>>, vector<8x512xf32>
    tpu.vector_store %arg5[%swap3A_2102, %swap3A_2103], %select_n3A_2101 {strides = array<i32>} : memref<8x5120xf32, #tpu.memory_space<vmem>>, vector<8x512xf32>,
    %get3A_2105 = arith.constant 2048 : index
    %get3A_2106 = arith.constant 0 : index
    %get3A_2107 = vector.load %arg0[%get3A_2105, %get3A_2106] : memref<5120x4xf32, #tpu.memory_space<vmem>>, vector<512x1xf32>
    %get3A_2108 = arith.constant 2048 : index
    %get3A_2109 = arith.constant 1 : index
    %get3A_2110 = vector.load %arg0[%get3A_2108, %get3A_2109] : memref<5120x4xf32, #tpu.memory_space<vmem>>, vector<512x1xf32>
    %get3A_2111 = arith.constant 2048 : index
    %get3A_2112 = arith.constant 2 : index
    %get3A_2113 = vector.load %arg0[%get3A_2111, %get3A_2112] : memref<5120x4xf32, #tpu.memory_space<vmem>>, vector<512x1xf32>
    %get3A_2114 = arith.constant 2048 : index
    %get3A_2115 = arith.constant 3 : index
    %get3A_2116 = vector.load %arg0[%get3A_2114, %get3A_2115] : memref<5120x4xf32, #tpu.memory_space<vmem>>, vector<512x1xf32>
    %slice3A_2117 = vector.extract_strided_slice %mul3A {offsets = [2048, 0], sizes = [512, 1], strides = [1, 1]} : vector<5120x1xf32> to vector<512x1xf32>
    %broadcast_in_dim3A_2118 = vector.shape_cast %get3A_2107 : vector<512x1xf32> to vector<512x1xf32>
    %broadcast_in_dim3A_2119 = vector.broadcast %broadcast_in_dim3A_2118 : vector<512x1xf32> to vector<512x512xf32>
    %broadcast_in_dim3A_2120 = vector.shape_cast %get3A_2110 : vector<512x1xf32> to vector<512x1xf32>
    %broadcast_in_dim3A_2121 = vector.broadcast %broadcast_in_dim3A_2120 : vector<512x1xf32> to vector<512x512xf32>
    %broadcast_in_dim3A_2122 = vector.shape_cast %get3A_2113 : vector<512x1xf32> to vector<512x1xf32>
    %broadcast_in_dim3A_2123 = vector.broadcast %broadcast_in_dim3A_2122 : vector<512x1xf32> to vector<512x512xf32>
    %broadcast_in_dim3A_2124 = vector.shape_cast %get3A_2116 : vector<512x1xf32> to vector<512x1xf32>
    %broadcast_in_dim3A_2125 = vector.broadcast %broadcast_in_dim3A_2124 : vector<512x1xf32> to vector<512x512xf32>
    %broadcast_in_dim3A_2126 = vector.shape_cast %slice3A_2117 : vector<512x1xf32> to vector<512x1xf32>
    %broadcast_in_dim3A_2127 = vector.broadcast %broadcast_in_dim3A_2126 : vector<512x1xf32> to vector<512x512xf32>
    %get3A_2128 = arith.constant 0 : index
    %get3A_2129 = arith.constant 2048 : index
    %get3A_2130 = vector.load %arg1[%get3A_2128, %get3A_2129] : memref<4x5120xf32, #tpu.memory_space<vmem>>, vector<1x512xf32>
    %get3A_2131 = arith.constant 1 : index
    %get3A_2132 = arith.constant 2048 : index
    %get3A_2133 = vector.load %arg1[%get3A_2131, %get3A_2132] : memref<4x5120xf32, #tpu.memory_space<vmem>>, vector<1x512xf32>
    %get3A_2134 = arith.constant 2 : index
    %get3A_2135 = arith.constant 2048 : index
    %get3A_2136 = vector.load %arg1[%get3A_2134, %get3A_2135] : memref<4x5120xf32, #tpu.memory_space<vmem>>, vector<1x512xf32>
    %get3A_2137 = arith.constant 3 : index
    %get3A_2138 = arith.constant 2048 : index
    %get3A_2139 = vector.load %arg1[%get3A_2137, %get3A_2138] : memref<4x5120xf32, #tpu.memory_space<vmem>>, vector<1x512xf32>
    %slice3A_2140 = vector.extract_strided_slice %mul3A_34 {offsets = [0, 2048], sizes = [1, 512], strides = [1, 1]} : vector<1x5120xf32> to vector<1x512xf32>
    %max3A_2141 = vector.broadcast %get3A_2130 : vector<1x512xf32> to vector<512x512xf32>
    %max3A_2142 = arith.maximumf %broadcast_in_dim3A_2119, %max3A_2141 : vector<512x512xf32>
    %max3A_2143 = vector.broadcast %get3A_2133 : vector<1x512xf32> to vector<512x512xf32>
    %max3A_2144 = arith.maximumf %broadcast_in_dim3A_2121, %max3A_2143 : vector<512x512xf32>
    %min3A_2145 = vector.broadcast %get3A_2136 : vector<1x512xf32> to vector<512x512xf32>
    %min3A_2146 = arith.minimumf %broadcast_in_dim3A_2123, %min3A_2145 : vector<512x512xf32>
    %min3A_2147 = vector.broadcast %get3A_2139 : vector<1x512xf32> to vector<512x512xf32>
    %min3A_2148 = arith.minimumf %broadcast_in_dim3A_2125, %min3A_2147 : vector<512x512xf32>
    %sub3A_2149 = arith.subf %min3A_2146, %max3A_2142 : vector<512x512xf32>
    %max3A_2150 = arith.constant 0.000000e+00 : f32
    %max3A_2151 = vector.broadcast %max3A_2150 : f32 to vector<512x512xf32>
    %max3A_2152 = arith.maximumf %sub3A_2149, %max3A_2151 : vector<512x512xf32>
    %sub3A_2153 = arith.subf %min3A_2148, %max3A_2144 : vector<512x512xf32>
    %max3A_2154 = arith.constant 0.000000e+00 : f32
    %max3A_2155 = vector.broadcast %max3A_2154 : f32 to vector<512x512xf32>
    %max3A_2156 = arith.maximumf %sub3A_2153, %max3A_2155 : vector<512x512xf32>
    %mul3A_2157 = arith.mulf %max3A_2152, %max3A_2156 : vector<512x512xf32>
    %add3A_2158 = vector.broadcast %slice3A_2140 : vector<1x512xf32> to vector<512x512xf32>
    %add3A_2159 = arith.addf %broadcast_in_dim3A_2127, %add3A_2158 : vector<512x512xf32>
    %sub3A_2160 = arith.subf %add3A_2159, %mul3A_2157 : vector<512x512xf32>
    %add3A_2161 = arith.constant 9.99999971E-10 : f32
    %add3A_2162 = vector.broadcast %add3A_2161 : f32 to vector<512x512xf32>
    %add3A_2163 = arith.addf %sub3A_2160, %add3A_2162 : vector<512x512xf32>
    %div3A_2164 = arith.divf %mul3A_2157, %add3A_2163 : vector<512x512xf32>
    %gt3A_2165 = arith.constant 5.000000e-01 : f32
    %gt3A_2166 = vector.broadcast %gt3A_2165 : f32 to vector<512x512xf32>
    %gt3A_2167 = arith.cmpf ogt, %div3A_2164, %gt3A_2166 : vector<512x512xf32>
    %and3A_2168 = arith.andi %gt3A_2167, %gt3A : vector<512x512xi1>
    %jit3A_2169 = arith.constant 1.000000e+00 : f32
    %jit3A_2170 = arith.constant 0.000000e+00 : f32
    %broadcast_in_dim3A_2171 = vector.broadcast %jit3A_2169 : f32 to vector<512x512xf32>
    %broadcast_in_dim3A_2172 = vector.broadcast %jit3A_2170 : f32 to vector<512x512xf32>
    %select_n3A_2173 = arith.select %and3A_2168, %broadcast_in_dim3A_2171, %broadcast_in_dim3A_2172 : vector<512x512xi1>, vector<512x512xf32>
    %get3A_2174 = arith.constant 0 : index
    %get3A_2175 = arith.constant 2048 : index
    %get3A_2176 = vector.load %arg5[%get3A_2174, %get3A_2175] : memref<8x5120xf32, #tpu.memory_space<vmem>>, vector<8x512xf32>
    %while3A_2177 = arith.constant true
    %while3A_2178:2 = scf.while (%while3A_3462 = %get3A_2176, %while3A_3463 = %while3A_2177) : (vector<8x512xf32>, i1) -> (vector<8x512xf32>, i1) {
      scf.condition(%while3A_3463) %while3A_3462, %while3A_3463 : vector<8x512xf32>, i1
    } do {
    ^bb0(%while3A_3462: vector<8x512xf32>, %while3A_3463: i1):
      %dot_general3A_3464 = arith.constant dense<0.000000e+00> : vector<8x512xf32>
      %dot_general3A_3465 = tpu.matmul %while3A_3462, %select_n3A_2173, %dot_general3A_3464 {dimension_numbers = #tpu.dot_dimension_numbers<[1], [0], [0], [1], [0, 0, 1, 1], [], []>, transpose_lhs_hint = false} : vector<8x512xf32>, vector<512x512xf32>, vector<8x512xf32> -> vector<8x512xf32>
      %gt3A_3466 = arith.constant 5.000000e-01 : f32
      %gt3A_3467 = vector.broadcast %gt3A_3466 : f32 to vector<8x512xf32>
      %gt3A_3468 = arith.cmpf ogt, %dot_general3A_3465, %gt3A_3467 : vector<8x512xf32>
      %jit3A_3469 = arith.constant 0.000000e+00 : f32
      %broadcast_in_dim3A_3470 = vector.broadcast %jit3A_3469 : f32 to vector<8x512xf32>
      %select_n3A_3471 = arith.select %gt3A_3468, %broadcast_in_dim3A_3470, %get3A_2176 : vector<8x512xi1>, vector<8x512xf32>
      %dot_general3A_3472 = arith.constant dense<0.000000e+00> : vector<8x512xf32>
      %dot_general3A_3473 = tpu.matmul %select_n3A_3471, %select_n3A_2173, %dot_general3A_3472 {dimension_numbers = #tpu.dot_dimension_numbers<[1], [0], [0], [1], [0, 0, 1, 1], [], []>, transpose_lhs_hint = false} : vector<8x512xf32>, vector<512x512xf32>, vector<8x512xf32> -> vector<8x512xf32>
      %gt3A_3474 = arith.constant 5.000000e-01 : f32
      %gt3A_3475 = vector.broadcast %gt3A_3474 : f32 to vector<8x512xf32>
      %gt3A_3476 = arith.cmpf ogt, %dot_general3A_3473, %gt3A_3475 : vector<8x512xf32>
      %jit3A_3477 = arith.constant 0.000000e+00 : f32
      %broadcast_in_dim3A_3478 = vector.broadcast %jit3A_3477 : f32 to vector<8x512xf32>
      %select_n3A_3479 = arith.select %gt3A_3476, %broadcast_in_dim3A_3478, %get3A_2176 : vector<8x512xi1>, vector<8x512xf32>
      %slice3A_3480 = vector.extract_strided_slice %select_n3A_3479 {offsets = [0, 0], sizes = [1, 512], strides = [1, 1]} : vector<8x512xf32> to vector<1x512xf32>
      %slice3A_3481 = vector.extract_strided_slice %select_n3A_3471 {offsets = [0, 0], sizes = [1, 512], strides = [1, 1]} : vector<8x512xf32> to vector<1x512xf32>
      %ne3A = arith.cmpf one, %slice3A_3480, %slice3A_3481 : vector<1x512xf32>
      %reduce_or3A = arith.constant 1.000000e+00 : f32
      %reduce_or3A_3482 = arith.constant 0.000000e+00 : f32
      %reduce_or3A_3483 = vector.broadcast %reduce_or3A : f32 to vector<1x512xf32>
      %reduce_or3A_3484 = vector.broadcast %reduce_or3A_3482 : f32 to vector<1x512xf32>
      %reduce_or3A_3485 = arith.select %ne3A, %reduce_or3A_3483, %reduce_or3A_3484 : vector<1x512xi1>, vector<1x512xf32>
      %reduce_or3A_3486 = vector.shape_cast %reduce_or3A_3485 : vector<1x512xf32> to vector<1x1x512xf32>
      %reduce_or3A_3487 = arith.constant dense<0xFF800000> : vector<1xf32>
      %reduce_or3A_3488 = vector.multi_reduction <maximumf>, %reduce_or3A_3486, %reduce_or3A_3487 [1, 2] : vector<1x1x512xf32> to vector<1xf32>
      %reduce_or3A_3489 = vector.shape_cast %reduce_or3A_3488 : vector<1xf32> to vector<1x1x1xf32>
      %reduce_or3A_3490 = vector.extract %reduce_or3A_3489[0, 0, 0] : f32 from vector<1x1x1xf32>
      %reduce_or3A_3491 = arith.constant 0.000000e+00 : f32
      %reduce_or3A_3492 = arith.cmpf ogt, %reduce_or3A_3490, %reduce_or3A_3491 : f32
      scf.yield %select_n3A_3479, %reduce_or3A_3492 : vector<8x512xf32>, i1
    }
    %swap3A_2179 = arith.constant 0 : index
    %swap3A_2180 = arith.constant 2048 : index
    %swap3A_2181 = vector.load %arg5[%swap3A_2179, %swap3A_2180] : memref<8x5120xf32, #tpu.memory_space<vmem>>, vector<8x512xf32>
    tpu.vector_store %arg5[%swap3A_2179, %swap3A_2180], %while3A_2178#0 {strides = array<i32>} : memref<8x5120xf32, #tpu.memory_space<vmem>>, vector<8x512xf32>,
    %get3A_2182 = arith.constant 0 : index
    %get3A_2183 = arith.constant 2560 : index
    %get3A_2184 = vector.load %arg1[%get3A_2182, %get3A_2183] : memref<4x5120xf32, #tpu.memory_space<vmem>>, vector<1x512xf32>
    %get3A_2185 = arith.constant 1 : index
    %get3A_2186 = arith.constant 2560 : index
    %get3A_2187 = vector.load %arg1[%get3A_2185, %get3A_2186] : memref<4x5120xf32, #tpu.memory_space<vmem>>, vector<1x512xf32>
    %get3A_2188 = arith.constant 2 : index
    %get3A_2189 = arith.constant 2560 : index
    %get3A_2190 = vector.load %arg1[%get3A_2188, %get3A_2189] : memref<4x5120xf32, #tpu.memory_space<vmem>>, vector<1x512xf32>
    %get3A_2191 = arith.constant 3 : index
    %get3A_2192 = arith.constant 2560 : index
    %get3A_2193 = vector.load %arg1[%get3A_2191, %get3A_2192] : memref<4x5120xf32, #tpu.memory_space<vmem>>, vector<1x512xf32>
    %slice3A_2194 = vector.extract_strided_slice %mul3A_34 {offsets = [0, 2560], sizes = [1, 512], strides = [1, 1]} : vector<1x5120xf32> to vector<1x512xf32>
    %max3A_2195 = vector.broadcast %get3A_2184 : vector<1x512xf32> to vector<512x512xf32>
    %max3A_2196 = arith.maximumf %broadcast_in_dim3A_2119, %max3A_2195 : vector<512x512xf32>
    %max3A_2197 = vector.broadcast %get3A_2187 : vector<1x512xf32> to vector<512x512xf32>
    %max3A_2198 = arith.maximumf %broadcast_in_dim3A_2121, %max3A_2197 : vector<512x512xf32>
    %min3A_2199 = vector.broadcast %get3A_2190 : vector<1x512xf32> to vector<512x512xf32>
    %min3A_2200 = arith.minimumf %broadcast_in_dim3A_2123, %min3A_2199 : vector<512x512xf32>
    %min3A_2201 = vector.broadcast %get3A_2193 : vector<1x512xf32> to vector<512x512xf32>
    %min3A_2202 = arith.minimumf %broadcast_in_dim3A_2125, %min3A_2201 : vector<512x512xf32>
    %sub3A_2203 = arith.subf %min3A_2200, %max3A_2196 : vector<512x512xf32>
    %max3A_2204 = arith.constant 0.000000e+00 : f32
    %max3A_2205 = vector.broadcast %max3A_2204 : f32 to vector<512x512xf32>
    %max3A_2206 = arith.maximumf %sub3A_2203, %max3A_2205 : vector<512x512xf32>
    %sub3A_2207 = arith.subf %min3A_2202, %max3A_2198 : vector<512x512xf32>
    %max3A_2208 = arith.constant 0.000000e+00 : f32
    %max3A_2209 = vector.broadcast %max3A_2208 : f32 to vector<512x512xf32>
    %max3A_2210 = arith.maximumf %sub3A_2207, %max3A_2209 : vector<512x512xf32>
    %mul3A_2211 = arith.mulf %max3A_2206, %max3A_2210 : vector<512x512xf32>
    %add3A_2212 = vector.broadcast %slice3A_2194 : vector<1x512xf32> to vector<512x512xf32>
    %add3A_2213 = arith.addf %broadcast_in_dim3A_2127, %add3A_2212 : vector<512x512xf32>
    %sub3A_2214 = arith.subf %add3A_2213, %mul3A_2211 : vector<512x512xf32>
    %add3A_2215 = arith.constant 9.99999971E-10 : f32
    %add3A_2216 = vector.broadcast %add3A_2215 : f32 to vector<512x512xf32>
    %add3A_2217 = arith.addf %sub3A_2214, %add3A_2216 : vector<512x512xf32>
    %div3A_2218 = arith.divf %mul3A_2211, %add3A_2217 : vector<512x512xf32>
    %gt3A_2219 = arith.constant 5.000000e-01 : f32
    %gt3A_2220 = vector.broadcast %gt3A_2219 : f32 to vector<512x512xf32>
    %gt3A_2221 = arith.cmpf ogt, %div3A_2218, %gt3A_2220 : vector<512x512xf32>
    %jit3A_2222 = arith.constant 1.000000e+00 : f32
    %jit3A_2223 = arith.constant 0.000000e+00 : f32
    %broadcast_in_dim3A_2224 = vector.broadcast %jit3A_2222 : f32 to vector<512x512xf32>
    %broadcast_in_dim3A_2225 = vector.broadcast %jit3A_2223 : f32 to vector<512x512xf32>
    %select_n3A_2226 = arith.select %gt3A_2221, %broadcast_in_dim3A_2224, %broadcast_in_dim3A_2225 : vector<512x512xi1>, vector<512x512xf32>
    %dot_general3A_2227 = arith.constant dense<0.000000e+00> : vector<8x512xf32>
    %dot_general3A_2228 = tpu.matmul %while3A_2178#0, %select_n3A_2226, %dot_general3A_2227 {dimension_numbers = #tpu.dot_dimension_numbers<[1], [0], [0], [1], [0, 0, 1, 1], [], []>, transpose_lhs_hint = false} : vector<8x512xf32>, vector<512x512xf32>, vector<8x512xf32> -> vector<8x512xf32>
    %gt3A_2229 = arith.constant 5.000000e-01 : f32
    %gt3A_2230 = vector.broadcast %gt3A_2229 : f32 to vector<8x512xf32>
    %gt3A_2231 = arith.cmpf ogt, %dot_general3A_2228, %gt3A_2230 : vector<8x512xf32>
    %get3A_2232 = arith.constant 0 : index
    %get3A_2233 = arith.constant 2560 : index
    %get3A_2234 = vector.load %arg5[%get3A_2232, %get3A_2233] : memref<8x5120xf32, #tpu.memory_space<vmem>>, vector<8x512xf32>
    %jit3A_2235 = arith.constant 0.000000e+00 : f32
    %broadcast_in_dim3A_2236 = vector.broadcast %jit3A_2235 : f32 to vector<8x512xf32>
    %select_n3A_2237 = arith.select %gt3A_2231, %broadcast_in_dim3A_2236, %get3A_2234 : vector<8x512xi1>, vector<8x512xf32>
    %swap3A_2238 = arith.constant 0 : index
    %swap3A_2239 = arith.constant 2560 : index
    %swap3A_2240 = vector.load %arg5[%swap3A_2238, %swap3A_2239] : memref<8x5120xf32, #tpu.memory_space<vmem>>, vector<8x512xf32>
    tpu.vector_store %arg5[%swap3A_2238, %swap3A_2239], %select_n3A_2237 {strides = array<i32>} : memref<8x5120xf32, #tpu.memory_space<vmem>>, vector<8x512xf32>,
    %get3A_2241 = arith.constant 0 : index
    %get3A_2242 = arith.constant 3072 : index
    %get3A_2243 = vector.load %arg1[%get3A_2241, %get3A_2242] : memref<4x5120xf32, #tpu.memory_space<vmem>>, vector<1x512xf32>
    %get3A_2244 = arith.constant 1 : index
    %get3A_2245 = arith.constant 3072 : index
    %get3A_2246 = vector.load %arg1[%get3A_2244, %get3A_2245] : memref<4x5120xf32, #tpu.memory_space<vmem>>, vector<1x512xf32>
    %get3A_2247 = arith.constant 2 : index
    %get3A_2248 = arith.constant 3072 : index
    %get3A_2249 = vector.load %arg1[%get3A_2247, %get3A_2248] : memref<4x5120xf32, #tpu.memory_space<vmem>>, vector<1x512xf32>
    %get3A_2250 = arith.constant 3 : index
    %get3A_2251 = arith.constant 3072 : index
    %get3A_2252 = vector.load %arg1[%get3A_2250, %get3A_2251] : memref<4x5120xf32, #tpu.memory_space<vmem>>, vector<1x512xf32>
    %slice3A_2253 = vector.extract_strided_slice %mul3A_34 {offsets = [0, 3072], sizes = [1, 512], strides = [1, 1]} : vector<1x5120xf32> to vector<1x512xf32>
    %max3A_2254 = vector.broadcast %get3A_2243 : vector<1x512xf32> to vector<512x512xf32>
    %max3A_2255 = arith.maximumf %broadcast_in_dim3A_2119, %max3A_2254 : vector<512x512xf32>
    %max3A_2256 = vector.broadcast %get3A_2246 : vector<1x512xf32> to vector<512x512xf32>
    %max3A_2257 = arith.maximumf %broadcast_in_dim3A_2121, %max3A_2256 : vector<512x512xf32>
    %min3A_2258 = vector.broadcast %get3A_2249 : vector<1x512xf32> to vector<512x512xf32>
    %min3A_2259 = arith.minimumf %broadcast_in_dim3A_2123, %min3A_2258 : vector<512x512xf32>
    %min3A_2260 = vector.broadcast %get3A_2252 : vector<1x512xf32> to vector<512x512xf32>
    %min3A_2261 = arith.minimumf %broadcast_in_dim3A_2125, %min3A_2260 : vector<512x512xf32>
    %sub3A_2262 = arith.subf %min3A_2259, %max3A_2255 : vector<512x512xf32>
    %max3A_2263 = arith.constant 0.000000e+00 : f32
    %max3A_2264 = vector.broadcast %max3A_2263 : f32 to vector<512x512xf32>
    %max3A_2265 = arith.maximumf %sub3A_2262, %max3A_2264 : vector<512x512xf32>
    %sub3A_2266 = arith.subf %min3A_2261, %max3A_2257 : vector<512x512xf32>
    %max3A_2267 = arith.constant 0.000000e+00 : f32
    %max3A_2268 = vector.broadcast %max3A_2267 : f32 to vector<512x512xf32>
    %max3A_2269 = arith.maximumf %sub3A_2266, %max3A_2268 : vector<512x512xf32>
    %mul3A_2270 = arith.mulf %max3A_2265, %max3A_2269 : vector<512x512xf32>
    %add3A_2271 = vector.broadcast %slice3A_2253 : vector<1x512xf32> to vector<512x512xf32>
    %add3A_2272 = arith.addf %broadcast_in_dim3A_2127, %add3A_2271 : vector<512x512xf32>
    %sub3A_2273 = arith.subf %add3A_2272, %mul3A_2270 : vector<512x512xf32>
    %add3A_2274 = arith.constant 9.99999971E-10 : f32
    %add3A_2275 = vector.broadcast %add3A_2274 : f32 to vector<512x512xf32>
    %add3A_2276 = arith.addf %sub3A_2273, %add3A_2275 : vector<512x512xf32>
    %div3A_2277 = arith.divf %mul3A_2270, %add3A_2276 : vector<512x512xf32>
    %gt3A_2278 = arith.constant 5.000000e-01 : f32
    %gt3A_2279 = vector.broadcast %gt3A_2278 : f32 to vector<512x512xf32>
    %gt3A_2280 = arith.cmpf ogt, %div3A_2277, %gt3A_2279 : vector<512x512xf32>
    %jit3A_2281 = arith.constant 1.000000e+00 : f32
    %jit3A_2282 = arith.constant 0.000000e+00 : f32
    %broadcast_in_dim3A_2283 = vector.broadcast %jit3A_2281 : f32 to vector<512x512xf32>
    %broadcast_in_dim3A_2284 = vector.broadcast %jit3A_2282 : f32 to vector<512x512xf32>
    %select_n3A_2285 = arith.select %gt3A_2280, %broadcast_in_dim3A_2283, %broadcast_in_dim3A_2284 : vector<512x512xi1>, vector<512x512xf32>
    %dot_general3A_2286 = arith.constant dense<0.000000e+00> : vector<8x512xf32>
    %dot_general3A_2287 = tpu.matmul %while3A_2178#0, %select_n3A_2285, %dot_general3A_2286 {dimension_numbers = #tpu.dot_dimension_numbers<[1], [0], [0], [1], [0, 0, 1, 1], [], []>, transpose_lhs_hint = false} : vector<8x512xf32>, vector<512x512xf32>, vector<8x512xf32> -> vector<8x512xf32>
    %gt3A_2288 = arith.constant 5.000000e-01 : f32
    %gt3A_2289 = vector.broadcast %gt3A_2288 : f32 to vector<8x512xf32>
    %gt3A_2290 = arith.cmpf ogt, %dot_general3A_2287, %gt3A_2289 : vector<8x512xf32>
    %get3A_2291 = arith.constant 0 : index
    %get3A_2292 = arith.constant 3072 : index
    %get3A_2293 = vector.load %arg5[%get3A_2291, %get3A_2292] : memref<8x5120xf32, #tpu.memory_space<vmem>>, vector<8x512xf32>
    %jit3A_2294 = arith.constant 0.000000e+00 : f32
    %broadcast_in_dim3A_2295 = vector.broadcast %jit3A_2294 : f32 to vector<8x512xf32>
    %select_n3A_2296 = arith.select %gt3A_2290, %broadcast_in_dim3A_2295, %get3A_2293 : vector<8x512xi1>, vector<8x512xf32>
    %swap3A_2297 = arith.constant 0 : index
    %swap3A_2298 = arith.constant 3072 : index
    %swap3A_2299 = vector.load %arg5[%swap3A_2297, %swap3A_2298] : memref<8x5120xf32, #tpu.memory_space<vmem>>, vector<8x512xf32>
    tpu.vector_store %arg5[%swap3A_2297, %swap3A_2298], %select_n3A_2296 {strides = array<i32>} : memref<8x5120xf32, #tpu.memory_space<vmem>>, vector<8x512xf32>,
    %get3A_2300 = arith.constant 0 : index
    %get3A_2301 = arith.constant 3584 : index
    %get3A_2302 = vector.load %arg1[%get3A_2300, %get3A_2301] : memref<4x5120xf32, #tpu.memory_space<vmem>>, vector<1x512xf32>
    %get3A_2303 = arith.constant 1 : index
    %get3A_2304 = arith.constant 3584 : index
    %get3A_2305 = vector.load %arg1[%get3A_2303, %get3A_2304] : memref<4x5120xf32, #tpu.memory_space<vmem>>, vector<1x512xf32>
    %get3A_2306 = arith.constant 2 : index
    %get3A_2307 = arith.constant 3584 : index
    %get3A_2308 = vector.load %arg1[%get3A_2306, %get3A_2307] : memref<4x5120xf32, #tpu.memory_space<vmem>>, vector<1x512xf32>
    %get3A_2309 = arith.constant 3 : index
    %get3A_2310 = arith.constant 3584 : index
    %get3A_2311 = vector.load %arg1[%get3A_2309, %get3A_2310] : memref<4x5120xf32, #tpu.memory_space<vmem>>, vector<1x512xf32>
    %slice3A_2312 = vector.extract_strided_slice %mul3A_34 {offsets = [0, 3584], sizes = [1, 512], strides = [1, 1]} : vector<1x5120xf32> to vector<1x512xf32>
    %max3A_2313 = vector.broadcast %get3A_2302 : vector<1x512xf32> to vector<512x512xf32>
    %max3A_2314 = arith.maximumf %broadcast_in_dim3A_2119, %max3A_2313 : vector<512x512xf32>
    %max3A_2315 = vector.broadcast %get3A_2305 : vector<1x512xf32> to vector<512x512xf32>
    %max3A_2316 = arith.maximumf %broadcast_in_dim3A_2121, %max3A_2315 : vector<512x512xf32>
    %min3A_2317 = vector.broadcast %get3A_2308 : vector<1x512xf32> to vector<512x512xf32>
    %min3A_2318 = arith.minimumf %broadcast_in_dim3A_2123, %min3A_2317 : vector<512x512xf32>
    %min3A_2319 = vector.broadcast %get3A_2311 : vector<1x512xf32> to vector<512x512xf32>
    %min3A_2320 = arith.minimumf %broadcast_in_dim3A_2125, %min3A_2319 : vector<512x512xf32>
    %sub3A_2321 = arith.subf %min3A_2318, %max3A_2314 : vector<512x512xf32>
    %max3A_2322 = arith.constant 0.000000e+00 : f32
    %max3A_2323 = vector.broadcast %max3A_2322 : f32 to vector<512x512xf32>
    %max3A_2324 = arith.maximumf %sub3A_2321, %max3A_2323 : vector<512x512xf32>
    %sub3A_2325 = arith.subf %min3A_2320, %max3A_2316 : vector<512x512xf32>
    %max3A_2326 = arith.constant 0.000000e+00 : f32
    %max3A_2327 = vector.broadcast %max3A_2326 : f32 to vector<512x512xf32>
    %max3A_2328 = arith.maximumf %sub3A_2325, %max3A_2327 : vector<512x512xf32>
    %mul3A_2329 = arith.mulf %max3A_2324, %max3A_2328 : vector<512x512xf32>
    %add3A_2330 = vector.broadcast %slice3A_2312 : vector<1x512xf32> to vector<512x512xf32>
    %add3A_2331 = arith.addf %broadcast_in_dim3A_2127, %add3A_2330 : vector<512x512xf32>
    %sub3A_2332 = arith.subf %add3A_2331, %mul3A_2329 : vector<512x512xf32>
    %add3A_2333 = arith.constant 9.99999971E-10 : f32
    %add3A_2334 = vector.broadcast %add3A_2333 : f32 to vector<512x512xf32>
    %add3A_2335 = arith.addf %sub3A_2332, %add3A_2334 : vector<512x512xf32>
    %div3A_2336 = arith.divf %mul3A_2329, %add3A_2335 : vector<512x512xf32>
    %gt3A_2337 = arith.constant 5.000000e-01 : f32
    %gt3A_2338 = vector.broadcast %gt3A_2337 : f32 to vector<512x512xf32>
    %gt3A_2339 = arith.cmpf ogt, %div3A_2336, %gt3A_2338 : vector<512x512xf32>
    %jit3A_2340 = arith.constant 1.000000e+00 : f32
    %jit3A_2341 = arith.constant 0.000000e+00 : f32
    %broadcast_in_dim3A_2342 = vector.broadcast %jit3A_2340 : f32 to vector<512x512xf32>
    %broadcast_in_dim3A_2343 = vector.broadcast %jit3A_2341 : f32 to vector<512x512xf32>
    %select_n3A_2344 = arith.select %gt3A_2339, %broadcast_in_dim3A_2342, %broadcast_in_dim3A_2343 : vector<512x512xi1>, vector<512x512xf32>
    %dot_general3A_2345 = arith.constant dense<0.000000e+00> : vector<8x512xf32>
    %dot_general3A_2346 = tpu.matmul %while3A_2178#0, %select_n3A_2344, %dot_general3A_2345 {dimension_numbers = #tpu.dot_dimension_numbers<[1], [0], [0], [1], [0, 0, 1, 1], [], []>, transpose_lhs_hint = false} : vector<8x512xf32>, vector<512x512xf32>, vector<8x512xf32> -> vector<8x512xf32>
    %gt3A_2347 = arith.constant 5.000000e-01 : f32
    %gt3A_2348 = vector.broadcast %gt3A_2347 : f32 to vector<8x512xf32>
    %gt3A_2349 = arith.cmpf ogt, %dot_general3A_2346, %gt3A_2348 : vector<8x512xf32>
    %get3A_2350 = arith.constant 0 : index
    %get3A_2351 = arith.constant 3584 : index
    %get3A_2352 = vector.load %arg5[%get3A_2350, %get3A_2351] : memref<8x5120xf32, #tpu.memory_space<vmem>>, vector<8x512xf32>
    %jit3A_2353 = arith.constant 0.000000e+00 : f32
    %broadcast_in_dim3A_2354 = vector.broadcast %jit3A_2353 : f32 to vector<8x512xf32>
    %select_n3A_2355 = arith.select %gt3A_2349, %broadcast_in_dim3A_2354, %get3A_2352 : vector<8x512xi1>, vector<8x512xf32>
    %swap3A_2356 = arith.constant 0 : index
    %swap3A_2357 = arith.constant 3584 : index
    %swap3A_2358 = vector.load %arg5[%swap3A_2356, %swap3A_2357] : memref<8x5120xf32, #tpu.memory_space<vmem>>, vector<8x512xf32>
    tpu.vector_store %arg5[%swap3A_2356, %swap3A_2357], %select_n3A_2355 {strides = array<i32>} : memref<8x5120xf32, #tpu.memory_space<vmem>>, vector<8x512xf32>,
    %get3A_2359 = arith.constant 0 : index
    %get3A_2360 = arith.constant 4096 : index
    %get3A_2361 = vector.load %arg1[%get3A_2359, %get3A_2360] : memref<4x5120xf32, #tpu.memory_space<vmem>>, vector<1x512xf32>
    %get3A_2362 = arith.constant 1 : index
    %get3A_2363 = arith.constant 4096 : index
    %get3A_2364 = vector.load %arg1[%get3A_2362, %get3A_2363] : memref<4x5120xf32, #tpu.memory_space<vmem>>, vector<1x512xf32>
    %get3A_2365 = arith.constant 2 : index
    %get3A_2366 = arith.constant 4096 : index
    %get3A_2367 = vector.load %arg1[%get3A_2365, %get3A_2366] : memref<4x5120xf32, #tpu.memory_space<vmem>>, vector<1x512xf32>
    %get3A_2368 = arith.constant 3 : index
    %get3A_2369 = arith.constant 4096 : index
    %get3A_2370 = vector.load %arg1[%get3A_2368, %get3A_2369] : memref<4x5120xf32, #tpu.memory_space<vmem>>, vector<1x512xf32>
    %slice3A_2371 = vector.extract_strided_slice %mul3A_34 {offsets = [0, 4096], sizes = [1, 512], strides = [1, 1]} : vector<1x5120xf32> to vector<1x512xf32>
    %max3A_2372 = vector.broadcast %get3A_2361 : vector<1x512xf32> to vector<512x512xf32>
    %max3A_2373 = arith.maximumf %broadcast_in_dim3A_2119, %max3A_2372 : vector<512x512xf32>
    %max3A_2374 = vector.broadcast %get3A_2364 : vector<1x512xf32> to vector<512x512xf32>
    %max3A_2375 = arith.maximumf %broadcast_in_dim3A_2121, %max3A_2374 : vector<512x512xf32>
    %min3A_2376 = vector.broadcast %get3A_2367 : vector<1x512xf32> to vector<512x512xf32>
    %min3A_2377 = arith.minimumf %broadcast_in_dim3A_2123, %min3A_2376 : vector<512x512xf32>
    %min3A_2378 = vector.broadcast %get3A_2370 : vector<1x512xf32> to vector<512x512xf32>
    %min3A_2379 = arith.minimumf %broadcast_in_dim3A_2125, %min3A_2378 : vector<512x512xf32>
    %sub3A_2380 = arith.subf %min3A_2377, %max3A_2373 : vector<512x512xf32>
    %max3A_2381 = arith.constant 0.000000e+00 : f32
    %max3A_2382 = vector.broadcast %max3A_2381 : f32 to vector<512x512xf32>
    %max3A_2383 = arith.maximumf %sub3A_2380, %max3A_2382 : vector<512x512xf32>
    %sub3A_2384 = arith.subf %min3A_2379, %max3A_2375 : vector<512x512xf32>
    %max3A_2385 = arith.constant 0.000000e+00 : f32
    %max3A_2386 = vector.broadcast %max3A_2385 : f32 to vector<512x512xf32>
    %max3A_2387 = arith.maximumf %sub3A_2384, %max3A_2386 : vector<512x512xf32>
    %mul3A_2388 = arith.mulf %max3A_2383, %max3A_2387 : vector<512x512xf32>
    %add3A_2389 = vector.broadcast %slice3A_2371 : vector<1x512xf32> to vector<512x512xf32>
    %add3A_2390 = arith.addf %broadcast_in_dim3A_2127, %add3A_2389 : vector<512x512xf32>
    %sub3A_2391 = arith.subf %add3A_2390, %mul3A_2388 : vector<512x512xf32>
    %add3A_2392 = arith.constant 9.99999971E-10 : f32
    %add3A_2393 = vector.broadcast %add3A_2392 : f32 to vector<512x512xf32>
    %add3A_2394 = arith.addf %sub3A_2391, %add3A_2393 : vector<512x512xf32>
    %div3A_2395 = arith.divf %mul3A_2388, %add3A_2394 : vector<512x512xf32>
    %gt3A_2396 = arith.constant 5.000000e-01 : f32
    %gt3A_2397 = vector.broadcast %gt3A_2396 : f32 to vector<512x512xf32>
    %gt3A_2398 = arith.cmpf ogt, %div3A_2395, %gt3A_2397 : vector<512x512xf32>
    %jit3A_2399 = arith.constant 1.000000e+00 : f32
    %jit3A_2400 = arith.constant 0.000000e+00 : f32
    %broadcast_in_dim3A_2401 = vector.broadcast %jit3A_2399 : f32 to vector<512x512xf32>
    %broadcast_in_dim3A_2402 = vector.broadcast %jit3A_2400 : f32 to vector<512x512xf32>
    %select_n3A_2403 = arith.select %gt3A_2398, %broadcast_in_dim3A_2401, %broadcast_in_dim3A_2402 : vector<512x512xi1>, vector<512x512xf32>
    %dot_general3A_2404 = arith.constant dense<0.000000e+00> : vector<8x512xf32>
    %dot_general3A_2405 = tpu.matmul %while3A_2178#0, %select_n3A_2403, %dot_general3A_2404 {dimension_numbers = #tpu.dot_dimension_numbers<[1], [0], [0], [1], [0, 0, 1, 1], [], []>, transpose_lhs_hint = false} : vector<8x512xf32>, vector<512x512xf32>, vector<8x512xf32> -> vector<8x512xf32>
    %gt3A_2406 = arith.constant 5.000000e-01 : f32
    %gt3A_2407 = vector.broadcast %gt3A_2406 : f32 to vector<8x512xf32>
    %gt3A_2408 = arith.cmpf ogt, %dot_general3A_2405, %gt3A_2407 : vector<8x512xf32>
    %get3A_2409 = arith.constant 0 : index
    %get3A_2410 = arith.constant 4096 : index
    %get3A_2411 = vector.load %arg5[%get3A_2409, %get3A_2410] : memref<8x5120xf32, #tpu.memory_space<vmem>>, vector<8x512xf32>
    %jit3A_2412 = arith.constant 0.000000e+00 : f32
    %broadcast_in_dim3A_2413 = vector.broadcast %jit3A_2412 : f32 to vector<8x512xf32>
    %select_n3A_2414 = arith.select %gt3A_2408, %broadcast_in_dim3A_2413, %get3A_2411 : vector<8x512xi1>, vector<8x512xf32>
    %swap3A_2415 = arith.constant 0 : index
    %swap3A_2416 = arith.constant 4096 : index
    %swap3A_2417 = vector.load %arg5[%swap3A_2415, %swap3A_2416] : memref<8x5120xf32, #tpu.memory_space<vmem>>, vector<8x512xf32>
    tpu.vector_store %arg5[%swap3A_2415, %swap3A_2416], %select_n3A_2414 {strides = array<i32>} : memref<8x5120xf32, #tpu.memory_space<vmem>>, vector<8x512xf32>,
    %get3A_2418 = arith.constant 0 : index
    %get3A_2419 = arith.constant 4608 : index
    %get3A_2420 = vector.load %arg1[%get3A_2418, %get3A_2419] : memref<4x5120xf32, #tpu.memory_space<vmem>>, vector<1x512xf32>
    %get3A_2421 = arith.constant 1 : index
    %get3A_2422 = arith.constant 4608 : index
    %get3A_2423 = vector.load %arg1[%get3A_2421, %get3A_2422] : memref<4x5120xf32, #tpu.memory_space<vmem>>, vector<1x512xf32>
    %get3A_2424 = arith.constant 2 : index
    %get3A_2425 = arith.constant 4608 : index
    %get3A_2426 = vector.load %arg1[%get3A_2424, %get3A_2425] : memref<4x5120xf32, #tpu.memory_space<vmem>>, vector<1x512xf32>
    %get3A_2427 = arith.constant 3 : index
    %get3A_2428 = arith.constant 4608 : index
    %get3A_2429 = vector.load %arg1[%get3A_2427, %get3A_2428] : memref<4x5120xf32, #tpu.memory_space<vmem>>, vector<1x512xf32>
    %slice3A_2430 = vector.extract_strided_slice %mul3A_34 {offsets = [0, 4608], sizes = [1, 512], strides = [1, 1]} : vector<1x5120xf32> to vector<1x512xf32>
    %max3A_2431 = vector.broadcast %get3A_2420 : vector<1x512xf32> to vector<512x512xf32>
    %max3A_2432 = arith.maximumf %broadcast_in_dim3A_2119, %max3A_2431 : vector<512x512xf32>
    %max3A_2433 = vector.broadcast %get3A_2423 : vector<1x512xf32> to vector<512x512xf32>
    %max3A_2434 = arith.maximumf %broadcast_in_dim3A_2121, %max3A_2433 : vector<512x512xf32>
    %min3A_2435 = vector.broadcast %get3A_2426 : vector<1x512xf32> to vector<512x512xf32>
    %min3A_2436 = arith.minimumf %broadcast_in_dim3A_2123, %min3A_2435 : vector<512x512xf32>
    %min3A_2437 = vector.broadcast %get3A_2429 : vector<1x512xf32> to vector<512x512xf32>
    %min3A_2438 = arith.minimumf %broadcast_in_dim3A_2125, %min3A_2437 : vector<512x512xf32>
    %sub3A_2439 = arith.subf %min3A_2436, %max3A_2432 : vector<512x512xf32>
    %max3A_2440 = arith.constant 0.000000e+00 : f32
    %max3A_2441 = vector.broadcast %max3A_2440 : f32 to vector<512x512xf32>
    %max3A_2442 = arith.maximumf %sub3A_2439, %max3A_2441 : vector<512x512xf32>
    %sub3A_2443 = arith.subf %min3A_2438, %max3A_2434 : vector<512x512xf32>
    %max3A_2444 = arith.constant 0.000000e+00 : f32
    %max3A_2445 = vector.broadcast %max3A_2444 : f32 to vector<512x512xf32>
    %max3A_2446 = arith.maximumf %sub3A_2443, %max3A_2445 : vector<512x512xf32>
    %mul3A_2447 = arith.mulf %max3A_2442, %max3A_2446 : vector<512x512xf32>
    %add3A_2448 = vector.broadcast %slice3A_2430 : vector<1x512xf32> to vector<512x512xf32>
    %add3A_2449 = arith.addf %broadcast_in_dim3A_2127, %add3A_2448 : vector<512x512xf32>
    %sub3A_2450 = arith.subf %add3A_2449, %mul3A_2447 : vector<512x512xf32>
    %add3A_2451 = arith.constant 9.99999971E-10 : f32
    %add3A_2452 = vector.broadcast %add3A_2451 : f32 to vector<512x512xf32>
    %add3A_2453 = arith.addf %sub3A_2450, %add3A_2452 : vector<512x512xf32>
    %div3A_2454 = arith.divf %mul3A_2447, %add3A_2453 : vector<512x512xf32>
    %gt3A_2455 = arith.constant 5.000000e-01 : f32
    %gt3A_2456 = vector.broadcast %gt3A_2455 : f32 to vector<512x512xf32>
    %gt3A_2457 = arith.cmpf ogt, %div3A_2454, %gt3A_2456 : vector<512x512xf32>
    %jit3A_2458 = arith.constant 1.000000e+00 : f32
    %jit3A_2459 = arith.constant 0.000000e+00 : f32
    %broadcast_in_dim3A_2460 = vector.broadcast %jit3A_2458 : f32 to vector<512x512xf32>
    %broadcast_in_dim3A_2461 = vector.broadcast %jit3A_2459 : f32 to vector<512x512xf32>
    %select_n3A_2462 = arith.select %gt3A_2457, %broadcast_in_dim3A_2460, %broadcast_in_dim3A_2461 : vector<512x512xi1>, vector<512x512xf32>
    %dot_general3A_2463 = arith.constant dense<0.000000e+00> : vector<8x512xf32>
    %dot_general3A_2464 = tpu.matmul %while3A_2178#0, %select_n3A_2462, %dot_general3A_2463 {dimension_numbers = #tpu.dot_dimension_numbers<[1], [0], [0], [1], [0, 0, 1, 1], [], []>, transpose_lhs_hint = false} : vector<8x512xf32>, vector<512x512xf32>, vector<8x512xf32> -> vector<8x512xf32>
    %gt3A_2465 = arith.constant 5.000000e-01 : f32
    %gt3A_2466 = vector.broadcast %gt3A_2465 : f32 to vector<8x512xf32>
    %gt3A_2467 = arith.cmpf ogt, %dot_general3A_2464, %gt3A_2466 : vector<8x512xf32>
    %get3A_2468 = arith.constant 0 : index
    %get3A_2469 = arith.constant 4608 : index
    %get3A_2470 = vector.load %arg5[%get3A_2468, %get3A_2469] : memref<8x5120xf32, #tpu.memory_space<vmem>>, vector<8x512xf32>
    %jit3A_2471 = arith.constant 0.000000e+00 : f32
    %broadcast_in_dim3A_2472 = vector.broadcast %jit3A_2471 : f32 to vector<8x512xf32>
    %select_n3A_2473 = arith.select %gt3A_2467, %broadcast_in_dim3A_2472, %get3A_2470 : vector<8x512xi1>, vector<8x512xf32>
    %swap3A_2474 = arith.constant 0 : index
    %swap3A_2475 = arith.constant 4608 : index
    %swap3A_2476 = vector.load %arg5[%swap3A_2474, %swap3A_2475] : memref<8x5120xf32, #tpu.memory_space<vmem>>, vector<8x512xf32>
    tpu.vector_store %arg5[%swap3A_2474, %swap3A_2475], %select_n3A_2473 {strides = array<i32>} : memref<8x5120xf32, #tpu.memory_space<vmem>>, vector<8x512xf32>,
    %get3A_2477 = arith.constant 2560 : index
    %get3A_2478 = arith.constant 0 : index
    %get3A_2479 = vector.load %arg0[%get3A_2477, %get3A_2478] : memref<5120x4xf32, #tpu.memory_space<vmem>>, vector<512x1xf32>
    %get3A_2480 = arith.constant 2560 : index
    %get3A_2481 = arith.constant 1 : index
    %get3A_2482 = vector.load %arg0[%get3A_2480, %get3A_2481] : memref<5120x4xf32, #tpu.memory_space<vmem>>, vector<512x1xf32>
    %get3A_2483 = arith.constant 2560 : index
    %get3A_2484 = arith.constant 2 : index
    %get3A_2485 = vector.load %arg0[%get3A_2483, %get3A_2484] : memref<5120x4xf32, #tpu.memory_space<vmem>>, vector<512x1xf32>
    %get3A_2486 = arith.constant 2560 : index
    %get3A_2487 = arith.constant 3 : index
    %get3A_2488 = vector.load %arg0[%get3A_2486, %get3A_2487] : memref<5120x4xf32, #tpu.memory_space<vmem>>, vector<512x1xf32>
    %slice3A_2489 = vector.extract_strided_slice %mul3A {offsets = [2560, 0], sizes = [512, 1], strides = [1, 1]} : vector<5120x1xf32> to vector<512x1xf32>
    %broadcast_in_dim3A_2490 = vector.shape_cast %get3A_2479 : vector<512x1xf32> to vector<512x1xf32>
    %broadcast_in_dim3A_2491 = vector.broadcast %broadcast_in_dim3A_2490 : vector<512x1xf32> to vector<512x512xf32>
    %broadcast_in_dim3A_2492 = vector.shape_cast %get3A_2482 : vector<512x1xf32> to vector<512x1xf32>
    %broadcast_in_dim3A_2493 = vector.broadcast %broadcast_in_dim3A_2492 : vector<512x1xf32> to vector<512x512xf32>
    %broadcast_in_dim3A_2494 = vector.shape_cast %get3A_2485 : vector<512x1xf32> to vector<512x1xf32>
    %broadcast_in_dim3A_2495 = vector.broadcast %broadcast_in_dim3A_2494 : vector<512x1xf32> to vector<512x512xf32>
    %broadcast_in_dim3A_2496 = vector.shape_cast %get3A_2488 : vector<512x1xf32> to vector<512x1xf32>
    %broadcast_in_dim3A_2497 = vector.broadcast %broadcast_in_dim3A_2496 : vector<512x1xf32> to vector<512x512xf32>
    %broadcast_in_dim3A_2498 = vector.shape_cast %slice3A_2489 : vector<512x1xf32> to vector<512x1xf32>
    %broadcast_in_dim3A_2499 = vector.broadcast %broadcast_in_dim3A_2498 : vector<512x1xf32> to vector<512x512xf32>
    %get3A_2500 = arith.constant 0 : index
    %get3A_2501 = arith.constant 2560 : index
    %get3A_2502 = vector.load %arg1[%get3A_2500, %get3A_2501] : memref<4x5120xf32, #tpu.memory_space<vmem>>, vector<1x512xf32>
    %get3A_2503 = arith.constant 1 : index
    %get3A_2504 = arith.constant 2560 : index
    %get3A_2505 = vector.load %arg1[%get3A_2503, %get3A_2504] : memref<4x5120xf32, #tpu.memory_space<vmem>>, vector<1x512xf32>
    %get3A_2506 = arith.constant 2 : index
    %get3A_2507 = arith.constant 2560 : index
    %get3A_2508 = vector.load %arg1[%get3A_2506, %get3A_2507] : memref<4x5120xf32, #tpu.memory_space<vmem>>, vector<1x512xf32>
    %get3A_2509 = arith.constant 3 : index
    %get3A_2510 = arith.constant 2560 : index
    %get3A_2511 = vector.load %arg1[%get3A_2509, %get3A_2510] : memref<4x5120xf32, #tpu.memory_space<vmem>>, vector<1x512xf32>
    %slice3A_2512 = vector.extract_strided_slice %mul3A_34 {offsets = [0, 2560], sizes = [1, 512], strides = [1, 1]} : vector<1x5120xf32> to vector<1x512xf32>
    %max3A_2513 = vector.broadcast %get3A_2502 : vector<1x512xf32> to vector<512x512xf32>
    %max3A_2514 = arith.maximumf %broadcast_in_dim3A_2491, %max3A_2513 : vector<512x512xf32>
    %max3A_2515 = vector.broadcast %get3A_2505 : vector<1x512xf32> to vector<512x512xf32>
    %max3A_2516 = arith.maximumf %broadcast_in_dim3A_2493, %max3A_2515 : vector<512x512xf32>
    %min3A_2517 = vector.broadcast %get3A_2508 : vector<1x512xf32> to vector<512x512xf32>
    %min3A_2518 = arith.minimumf %broadcast_in_dim3A_2495, %min3A_2517 : vector<512x512xf32>
    %min3A_2519 = vector.broadcast %get3A_2511 : vector<1x512xf32> to vector<512x512xf32>
    %min3A_2520 = arith.minimumf %broadcast_in_dim3A_2497, %min3A_2519 : vector<512x512xf32>
    %sub3A_2521 = arith.subf %min3A_2518, %max3A_2514 : vector<512x512xf32>
    %max3A_2522 = arith.constant 0.000000e+00 : f32
    %max3A_2523 = vector.broadcast %max3A_2522 : f32 to vector<512x512xf32>
    %max3A_2524 = arith.maximumf %sub3A_2521, %max3A_2523 : vector<512x512xf32>
    %sub3A_2525 = arith.subf %min3A_2520, %max3A_2516 : vector<512x512xf32>
    %max3A_2526 = arith.constant 0.000000e+00 : f32
    %max3A_2527 = vector.broadcast %max3A_2526 : f32 to vector<512x512xf32>
    %max3A_2528 = arith.maximumf %sub3A_2525, %max3A_2527 : vector<512x512xf32>
    %mul3A_2529 = arith.mulf %max3A_2524, %max3A_2528 : vector<512x512xf32>
    %add3A_2530 = vector.broadcast %slice3A_2512 : vector<1x512xf32> to vector<512x512xf32>
    %add3A_2531 = arith.addf %broadcast_in_dim3A_2499, %add3A_2530 : vector<512x512xf32>
    %sub3A_2532 = arith.subf %add3A_2531, %mul3A_2529 : vector<512x512xf32>
    %add3A_2533 = arith.constant 9.99999971E-10 : f32
    %add3A_2534 = vector.broadcast %add3A_2533 : f32 to vector<512x512xf32>
    %add3A_2535 = arith.addf %sub3A_2532, %add3A_2534 : vector<512x512xf32>
    %div3A_2536 = arith.divf %mul3A_2529, %add3A_2535 : vector<512x512xf32>
    %gt3A_2537 = arith.constant 5.000000e-01 : f32
    %gt3A_2538 = vector.broadcast %gt3A_2537 : f32 to vector<512x512xf32>
    %gt3A_2539 = arith.cmpf ogt, %div3A_2536, %gt3A_2538 : vector<512x512xf32>
    %and3A_2540 = arith.andi %gt3A_2539, %gt3A : vector<512x512xi1>
    %jit3A_2541 = arith.constant 1.000000e+00 : f32
    %jit3A_2542 = arith.constant 0.000000e+00 : f32
    %broadcast_in_dim3A_2543 = vector.broadcast %jit3A_2541 : f32 to vector<512x512xf32>
    %broadcast_in_dim3A_2544 = vector.broadcast %jit3A_2542 : f32 to vector<512x512xf32>
    %select_n3A_2545 = arith.select %and3A_2540, %broadcast_in_dim3A_2543, %broadcast_in_dim3A_2544 : vector<512x512xi1>, vector<512x512xf32>
    %get3A_2546 = arith.constant 0 : index
    %get3A_2547 = arith.constant 2560 : index
    %get3A_2548 = vector.load %arg5[%get3A_2546, %get3A_2547] : memref<8x5120xf32, #tpu.memory_space<vmem>>, vector<8x512xf32>
    %while3A_2549 = arith.constant true
    %while3A_2550:2 = scf.while (%while3A_3462 = %get3A_2548, %while3A_3463 = %while3A_2549) : (vector<8x512xf32>, i1) -> (vector<8x512xf32>, i1) {
      scf.condition(%while3A_3463) %while3A_3462, %while3A_3463 : vector<8x512xf32>, i1
    } do {
    ^bb0(%while3A_3462: vector<8x512xf32>, %while3A_3463: i1):
      %dot_general3A_3464 = arith.constant dense<0.000000e+00> : vector<8x512xf32>
      %dot_general3A_3465 = tpu.matmul %while3A_3462, %select_n3A_2545, %dot_general3A_3464 {dimension_numbers = #tpu.dot_dimension_numbers<[1], [0], [0], [1], [0, 0, 1, 1], [], []>, transpose_lhs_hint = false} : vector<8x512xf32>, vector<512x512xf32>, vector<8x512xf32> -> vector<8x512xf32>
      %gt3A_3466 = arith.constant 5.000000e-01 : f32
      %gt3A_3467 = vector.broadcast %gt3A_3466 : f32 to vector<8x512xf32>
      %gt3A_3468 = arith.cmpf ogt, %dot_general3A_3465, %gt3A_3467 : vector<8x512xf32>
      %jit3A_3469 = arith.constant 0.000000e+00 : f32
      %broadcast_in_dim3A_3470 = vector.broadcast %jit3A_3469 : f32 to vector<8x512xf32>
      %select_n3A_3471 = arith.select %gt3A_3468, %broadcast_in_dim3A_3470, %get3A_2548 : vector<8x512xi1>, vector<8x512xf32>
      %dot_general3A_3472 = arith.constant dense<0.000000e+00> : vector<8x512xf32>
      %dot_general3A_3473 = tpu.matmul %select_n3A_3471, %select_n3A_2545, %dot_general3A_3472 {dimension_numbers = #tpu.dot_dimension_numbers<[1], [0], [0], [1], [0, 0, 1, 1], [], []>, transpose_lhs_hint = false} : vector<8x512xf32>, vector<512x512xf32>, vector<8x512xf32> -> vector<8x512xf32>
      %gt3A_3474 = arith.constant 5.000000e-01 : f32
      %gt3A_3475 = vector.broadcast %gt3A_3474 : f32 to vector<8x512xf32>
      %gt3A_3476 = arith.cmpf ogt, %dot_general3A_3473, %gt3A_3475 : vector<8x512xf32>
      %jit3A_3477 = arith.constant 0.000000e+00 : f32
      %broadcast_in_dim3A_3478 = vector.broadcast %jit3A_3477 : f32 to vector<8x512xf32>
      %select_n3A_3479 = arith.select %gt3A_3476, %broadcast_in_dim3A_3478, %get3A_2548 : vector<8x512xi1>, vector<8x512xf32>
      %slice3A_3480 = vector.extract_strided_slice %select_n3A_3479 {offsets = [0, 0], sizes = [1, 512], strides = [1, 1]} : vector<8x512xf32> to vector<1x512xf32>
      %slice3A_3481 = vector.extract_strided_slice %select_n3A_3471 {offsets = [0, 0], sizes = [1, 512], strides = [1, 1]} : vector<8x512xf32> to vector<1x512xf32>
      %ne3A = arith.cmpf one, %slice3A_3480, %slice3A_3481 : vector<1x512xf32>
      %reduce_or3A = arith.constant 1.000000e+00 : f32
      %reduce_or3A_3482 = arith.constant 0.000000e+00 : f32
      %reduce_or3A_3483 = vector.broadcast %reduce_or3A : f32 to vector<1x512xf32>
      %reduce_or3A_3484 = vector.broadcast %reduce_or3A_3482 : f32 to vector<1x512xf32>
      %reduce_or3A_3485 = arith.select %ne3A, %reduce_or3A_3483, %reduce_or3A_3484 : vector<1x512xi1>, vector<1x512xf32>
      %reduce_or3A_3486 = vector.shape_cast %reduce_or3A_3485 : vector<1x512xf32> to vector<1x1x512xf32>
      %reduce_or3A_3487 = arith.constant dense<0xFF800000> : vector<1xf32>
      %reduce_or3A_3488 = vector.multi_reduction <maximumf>, %reduce_or3A_3486, %reduce_or3A_3487 [1, 2] : vector<1x1x512xf32> to vector<1xf32>
      %reduce_or3A_3489 = vector.shape_cast %reduce_or3A_3488 : vector<1xf32> to vector<1x1x1xf32>
      %reduce_or3A_3490 = vector.extract %reduce_or3A_3489[0, 0, 0] : f32 from vector<1x1x1xf32>
      %reduce_or3A_3491 = arith.constant 0.000000e+00 : f32
      %reduce_or3A_3492 = arith.cmpf ogt, %reduce_or3A_3490, %reduce_or3A_3491 : f32
      scf.yield %select_n3A_3479, %reduce_or3A_3492 : vector<8x512xf32>, i1
    }
    %swap3A_2551 = arith.constant 0 : index
    %swap3A_2552 = arith.constant 2560 : index
    %swap3A_2553 = vector.load %arg5[%swap3A_2551, %swap3A_2552] : memref<8x5120xf32, #tpu.memory_space<vmem>>, vector<8x512xf32>
    tpu.vector_store %arg5[%swap3A_2551, %swap3A_2552], %while3A_2550#0 {strides = array<i32>} : memref<8x5120xf32, #tpu.memory_space<vmem>>, vector<8x512xf32>,
    %get3A_2554 = arith.constant 0 : index
    %get3A_2555 = arith.constant 3072 : index
    %get3A_2556 = vector.load %arg1[%get3A_2554, %get3A_2555] : memref<4x5120xf32, #tpu.memory_space<vmem>>, vector<1x512xf32>
    %get3A_2557 = arith.constant 1 : index
    %get3A_2558 = arith.constant 3072 : index
    %get3A_2559 = vector.load %arg1[%get3A_2557, %get3A_2558] : memref<4x5120xf32, #tpu.memory_space<vmem>>, vector<1x512xf32>
    %get3A_2560 = arith.constant 2 : index
    %get3A_2561 = arith.constant 3072 : index
    %get3A_2562 = vector.load %arg1[%get3A_2560, %get3A_2561] : memref<4x5120xf32, #tpu.memory_space<vmem>>, vector<1x512xf32>
    %get3A_2563 = arith.constant 3 : index
    %get3A_2564 = arith.constant 3072 : index
    %get3A_2565 = vector.load %arg1[%get3A_2563, %get3A_2564] : memref<4x5120xf32, #tpu.memory_space<vmem>>, vector<1x512xf32>
    %slice3A_2566 = vector.extract_strided_slice %mul3A_34 {offsets = [0, 3072], sizes = [1, 512], strides = [1, 1]} : vector<1x5120xf32> to vector<1x512xf32>
    %max3A_2567 = vector.broadcast %get3A_2556 : vector<1x512xf32> to vector<512x512xf32>
    %max3A_2568 = arith.maximumf %broadcast_in_dim3A_2491, %max3A_2567 : vector<512x512xf32>
    %max3A_2569 = vector.broadcast %get3A_2559 : vector<1x512xf32> to vector<512x512xf32>
    %max3A_2570 = arith.maximumf %broadcast_in_dim3A_2493, %max3A_2569 : vector<512x512xf32>
    %min3A_2571 = vector.broadcast %get3A_2562 : vector<1x512xf32> to vector<512x512xf32>
    %min3A_2572 = arith.minimumf %broadcast_in_dim3A_2495, %min3A_2571 : vector<512x512xf32>
    %min3A_2573 = vector.broadcast %get3A_2565 : vector<1x512xf32> to vector<512x512xf32>
    %min3A_2574 = arith.minimumf %broadcast_in_dim3A_2497, %min3A_2573 : vector<512x512xf32>
    %sub3A_2575 = arith.subf %min3A_2572, %max3A_2568 : vector<512x512xf32>
    %max3A_2576 = arith.constant 0.000000e+00 : f32
    %max3A_2577 = vector.broadcast %max3A_2576 : f32 to vector<512x512xf32>
    %max3A_2578 = arith.maximumf %sub3A_2575, %max3A_2577 : vector<512x512xf32>
    %sub3A_2579 = arith.subf %min3A_2574, %max3A_2570 : vector<512x512xf32>
    %max3A_2580 = arith.constant 0.000000e+00 : f32
    %max3A_2581 = vector.broadcast %max3A_2580 : f32 to vector<512x512xf32>
    %max3A_2582 = arith.maximumf %sub3A_2579, %max3A_2581 : vector<512x512xf32>
    %mul3A_2583 = arith.mulf %max3A_2578, %max3A_2582 : vector<512x512xf32>
    %add3A_2584 = vector.broadcast %slice3A_2566 : vector<1x512xf32> to vector<512x512xf32>
    %add3A_2585 = arith.addf %broadcast_in_dim3A_2499, %add3A_2584 : vector<512x512xf32>
    %sub3A_2586 = arith.subf %add3A_2585, %mul3A_2583 : vector<512x512xf32>
    %add3A_2587 = arith.constant 9.99999971E-10 : f32
    %add3A_2588 = vector.broadcast %add3A_2587 : f32 to vector<512x512xf32>
    %add3A_2589 = arith.addf %sub3A_2586, %add3A_2588 : vector<512x512xf32>
    %div3A_2590 = arith.divf %mul3A_2583, %add3A_2589 : vector<512x512xf32>
    %gt3A_2591 = arith.constant 5.000000e-01 : f32
    %gt3A_2592 = vector.broadcast %gt3A_2591 : f32 to vector<512x512xf32>
    %gt3A_2593 = arith.cmpf ogt, %div3A_2590, %gt3A_2592 : vector<512x512xf32>
    %jit3A_2594 = arith.constant 1.000000e+00 : f32
    %jit3A_2595 = arith.constant 0.000000e+00 : f32
    %broadcast_in_dim3A_2596 = vector.broadcast %jit3A_2594 : f32 to vector<512x512xf32>
    %broadcast_in_dim3A_2597 = vector.broadcast %jit3A_2595 : f32 to vector<512x512xf32>
    %select_n3A_2598 = arith.select %gt3A_2593, %broadcast_in_dim3A_2596, %broadcast_in_dim3A_2597 : vector<512x512xi1>, vector<512x512xf32>
    %dot_general3A_2599 = arith.constant dense<0.000000e+00> : vector<8x512xf32>
    %dot_general3A_2600 = tpu.matmul %while3A_2550#0, %select_n3A_2598, %dot_general3A_2599 {dimension_numbers = #tpu.dot_dimension_numbers<[1], [0], [0], [1], [0, 0, 1, 1], [], []>, transpose_lhs_hint = false} : vector<8x512xf32>, vector<512x512xf32>, vector<8x512xf32> -> vector<8x512xf32>
    %gt3A_2601 = arith.constant 5.000000e-01 : f32
    %gt3A_2602 = vector.broadcast %gt3A_2601 : f32 to vector<8x512xf32>
    %gt3A_2603 = arith.cmpf ogt, %dot_general3A_2600, %gt3A_2602 : vector<8x512xf32>
    %get3A_2604 = arith.constant 0 : index
    %get3A_2605 = arith.constant 3072 : index
    %get3A_2606 = vector.load %arg5[%get3A_2604, %get3A_2605] : memref<8x5120xf32, #tpu.memory_space<vmem>>, vector<8x512xf32>
    %jit3A_2607 = arith.constant 0.000000e+00 : f32
    %broadcast_in_dim3A_2608 = vector.broadcast %jit3A_2607 : f32 to vector<8x512xf32>
    %select_n3A_2609 = arith.select %gt3A_2603, %broadcast_in_dim3A_2608, %get3A_2606 : vector<8x512xi1>, vector<8x512xf32>
    %swap3A_2610 = arith.constant 0 : index
    %swap3A_2611 = arith.constant 3072 : index
    %swap3A_2612 = vector.load %arg5[%swap3A_2610, %swap3A_2611] : memref<8x5120xf32, #tpu.memory_space<vmem>>, vector<8x512xf32>
    tpu.vector_store %arg5[%swap3A_2610, %swap3A_2611], %select_n3A_2609 {strides = array<i32>} : memref<8x5120xf32, #tpu.memory_space<vmem>>, vector<8x512xf32>,
    %get3A_2613 = arith.constant 0 : index
    %get3A_2614 = arith.constant 3584 : index
    %get3A_2615 = vector.load %arg1[%get3A_2613, %get3A_2614] : memref<4x5120xf32, #tpu.memory_space<vmem>>, vector<1x512xf32>
    %get3A_2616 = arith.constant 1 : index
    %get3A_2617 = arith.constant 3584 : index
    %get3A_2618 = vector.load %arg1[%get3A_2616, %get3A_2617] : memref<4x5120xf32, #tpu.memory_space<vmem>>, vector<1x512xf32>
    %get3A_2619 = arith.constant 2 : index
    %get3A_2620 = arith.constant 3584 : index
    %get3A_2621 = vector.load %arg1[%get3A_2619, %get3A_2620] : memref<4x5120xf32, #tpu.memory_space<vmem>>, vector<1x512xf32>
    %get3A_2622 = arith.constant 3 : index
    %get3A_2623 = arith.constant 3584 : index
    %get3A_2624 = vector.load %arg1[%get3A_2622, %get3A_2623] : memref<4x5120xf32, #tpu.memory_space<vmem>>, vector<1x512xf32>
    %slice3A_2625 = vector.extract_strided_slice %mul3A_34 {offsets = [0, 3584], sizes = [1, 512], strides = [1, 1]} : vector<1x5120xf32> to vector<1x512xf32>
    %max3A_2626 = vector.broadcast %get3A_2615 : vector<1x512xf32> to vector<512x512xf32>
    %max3A_2627 = arith.maximumf %broadcast_in_dim3A_2491, %max3A_2626 : vector<512x512xf32>
    %max3A_2628 = vector.broadcast %get3A_2618 : vector<1x512xf32> to vector<512x512xf32>
    %max3A_2629 = arith.maximumf %broadcast_in_dim3A_2493, %max3A_2628 : vector<512x512xf32>
    %min3A_2630 = vector.broadcast %get3A_2621 : vector<1x512xf32> to vector<512x512xf32>
    %min3A_2631 = arith.minimumf %broadcast_in_dim3A_2495, %min3A_2630 : vector<512x512xf32>
    %min3A_2632 = vector.broadcast %get3A_2624 : vector<1x512xf32> to vector<512x512xf32>
    %min3A_2633 = arith.minimumf %broadcast_in_dim3A_2497, %min3A_2632 : vector<512x512xf32>
    %sub3A_2634 = arith.subf %min3A_2631, %max3A_2627 : vector<512x512xf32>
    %max3A_2635 = arith.constant 0.000000e+00 : f32
    %max3A_2636 = vector.broadcast %max3A_2635 : f32 to vector<512x512xf32>
    %max3A_2637 = arith.maximumf %sub3A_2634, %max3A_2636 : vector<512x512xf32>
    %sub3A_2638 = arith.subf %min3A_2633, %max3A_2629 : vector<512x512xf32>
    %max3A_2639 = arith.constant 0.000000e+00 : f32
    %max3A_2640 = vector.broadcast %max3A_2639 : f32 to vector<512x512xf32>
    %max3A_2641 = arith.maximumf %sub3A_2638, %max3A_2640 : vector<512x512xf32>
    %mul3A_2642 = arith.mulf %max3A_2637, %max3A_2641 : vector<512x512xf32>
    %add3A_2643 = vector.broadcast %slice3A_2625 : vector<1x512xf32> to vector<512x512xf32>
    %add3A_2644 = arith.addf %broadcast_in_dim3A_2499, %add3A_2643 : vector<512x512xf32>
    %sub3A_2645 = arith.subf %add3A_2644, %mul3A_2642 : vector<512x512xf32>
    %add3A_2646 = arith.constant 9.99999971E-10 : f32
    %add3A_2647 = vector.broadcast %add3A_2646 : f32 to vector<512x512xf32>
    %add3A_2648 = arith.addf %sub3A_2645, %add3A_2647 : vector<512x512xf32>
    %div3A_2649 = arith.divf %mul3A_2642, %add3A_2648 : vector<512x512xf32>
    %gt3A_2650 = arith.constant 5.000000e-01 : f32
    %gt3A_2651 = vector.broadcast %gt3A_2650 : f32 to vector<512x512xf32>
    %gt3A_2652 = arith.cmpf ogt, %div3A_2649, %gt3A_2651 : vector<512x512xf32>
    %jit3A_2653 = arith.constant 1.000000e+00 : f32
    %jit3A_2654 = arith.constant 0.000000e+00 : f32
    %broadcast_in_dim3A_2655 = vector.broadcast %jit3A_2653 : f32 to vector<512x512xf32>
    %broadcast_in_dim3A_2656 = vector.broadcast %jit3A_2654 : f32 to vector<512x512xf32>
    %select_n3A_2657 = arith.select %gt3A_2652, %broadcast_in_dim3A_2655, %broadcast_in_dim3A_2656 : vector<512x512xi1>, vector<512x512xf32>
    %dot_general3A_2658 = arith.constant dense<0.000000e+00> : vector<8x512xf32>
    %dot_general3A_2659 = tpu.matmul %while3A_2550#0, %select_n3A_2657, %dot_general3A_2658 {dimension_numbers = #tpu.dot_dimension_numbers<[1], [0], [0], [1], [0, 0, 1, 1], [], []>, transpose_lhs_hint = false} : vector<8x512xf32>, vector<512x512xf32>, vector<8x512xf32> -> vector<8x512xf32>
    %gt3A_2660 = arith.constant 5.000000e-01 : f32
    %gt3A_2661 = vector.broadcast %gt3A_2660 : f32 to vector<8x512xf32>
    %gt3A_2662 = arith.cmpf ogt, %dot_general3A_2659, %gt3A_2661 : vector<8x512xf32>
    %get3A_2663 = arith.constant 0 : index
    %get3A_2664 = arith.constant 3584 : index
    %get3A_2665 = vector.load %arg5[%get3A_2663, %get3A_2664] : memref<8x5120xf32, #tpu.memory_space<vmem>>, vector<8x512xf32>
    %jit3A_2666 = arith.constant 0.000000e+00 : f32
    %broadcast_in_dim3A_2667 = vector.broadcast %jit3A_2666 : f32 to vector<8x512xf32>
    %select_n3A_2668 = arith.select %gt3A_2662, %broadcast_in_dim3A_2667, %get3A_2665 : vector<8x512xi1>, vector<8x512xf32>
    %swap3A_2669 = arith.constant 0 : index
    %swap3A_2670 = arith.constant 3584 : index
    %swap3A_2671 = vector.load %arg5[%swap3A_2669, %swap3A_2670] : memref<8x5120xf32, #tpu.memory_space<vmem>>, vector<8x512xf32>
    tpu.vector_store %arg5[%swap3A_2669, %swap3A_2670], %select_n3A_2668 {strides = array<i32>} : memref<8x5120xf32, #tpu.memory_space<vmem>>, vector<8x512xf32>,
    %get3A_2672 = arith.constant 0 : index
    %get3A_2673 = arith.constant 4096 : index
    %get3A_2674 = vector.load %arg1[%get3A_2672, %get3A_2673] : memref<4x5120xf32, #tpu.memory_space<vmem>>, vector<1x512xf32>
    %get3A_2675 = arith.constant 1 : index
    %get3A_2676 = arith.constant 4096 : index
    %get3A_2677 = vector.load %arg1[%get3A_2675, %get3A_2676] : memref<4x5120xf32, #tpu.memory_space<vmem>>, vector<1x512xf32>
    %get3A_2678 = arith.constant 2 : index
    %get3A_2679 = arith.constant 4096 : index
    %get3A_2680 = vector.load %arg1[%get3A_2678, %get3A_2679] : memref<4x5120xf32, #tpu.memory_space<vmem>>, vector<1x512xf32>
    %get3A_2681 = arith.constant 3 : index
    %get3A_2682 = arith.constant 4096 : index
    %get3A_2683 = vector.load %arg1[%get3A_2681, %get3A_2682] : memref<4x5120xf32, #tpu.memory_space<vmem>>, vector<1x512xf32>
    %slice3A_2684 = vector.extract_strided_slice %mul3A_34 {offsets = [0, 4096], sizes = [1, 512], strides = [1, 1]} : vector<1x5120xf32> to vector<1x512xf32>
    %max3A_2685 = vector.broadcast %get3A_2674 : vector<1x512xf32> to vector<512x512xf32>
    %max3A_2686 = arith.maximumf %broadcast_in_dim3A_2491, %max3A_2685 : vector<512x512xf32>
    %max3A_2687 = vector.broadcast %get3A_2677 : vector<1x512xf32> to vector<512x512xf32>
    %max3A_2688 = arith.maximumf %broadcast_in_dim3A_2493, %max3A_2687 : vector<512x512xf32>
    %min3A_2689 = vector.broadcast %get3A_2680 : vector<1x512xf32> to vector<512x512xf32>
    %min3A_2690 = arith.minimumf %broadcast_in_dim3A_2495, %min3A_2689 : vector<512x512xf32>
    %min3A_2691 = vector.broadcast %get3A_2683 : vector<1x512xf32> to vector<512x512xf32>
    %min3A_2692 = arith.minimumf %broadcast_in_dim3A_2497, %min3A_2691 : vector<512x512xf32>
    %sub3A_2693 = arith.subf %min3A_2690, %max3A_2686 : vector<512x512xf32>
    %max3A_2694 = arith.constant 0.000000e+00 : f32
    %max3A_2695 = vector.broadcast %max3A_2694 : f32 to vector<512x512xf32>
    %max3A_2696 = arith.maximumf %sub3A_2693, %max3A_2695 : vector<512x512xf32>
    %sub3A_2697 = arith.subf %min3A_2692, %max3A_2688 : vector<512x512xf32>
    %max3A_2698 = arith.constant 0.000000e+00 : f32
    %max3A_2699 = vector.broadcast %max3A_2698 : f32 to vector<512x512xf32>
    %max3A_2700 = arith.maximumf %sub3A_2697, %max3A_2699 : vector<512x512xf32>
    %mul3A_2701 = arith.mulf %max3A_2696, %max3A_2700 : vector<512x512xf32>
    %add3A_2702 = vector.broadcast %slice3A_2684 : vector<1x512xf32> to vector<512x512xf32>
    %add3A_2703 = arith.addf %broadcast_in_dim3A_2499, %add3A_2702 : vector<512x512xf32>
    %sub3A_2704 = arith.subf %add3A_2703, %mul3A_2701 : vector<512x512xf32>
    %add3A_2705 = arith.constant 9.99999971E-10 : f32
    %add3A_2706 = vector.broadcast %add3A_2705 : f32 to vector<512x512xf32>
    %add3A_2707 = arith.addf %sub3A_2704, %add3A_2706 : vector<512x512xf32>
    %div3A_2708 = arith.divf %mul3A_2701, %add3A_2707 : vector<512x512xf32>
    %gt3A_2709 = arith.constant 5.000000e-01 : f32
    %gt3A_2710 = vector.broadcast %gt3A_2709 : f32 to vector<512x512xf32>
    %gt3A_2711 = arith.cmpf ogt, %div3A_2708, %gt3A_2710 : vector<512x512xf32>
    %jit3A_2712 = arith.constant 1.000000e+00 : f32
    %jit3A_2713 = arith.constant 0.000000e+00 : f32
    %broadcast_in_dim3A_2714 = vector.broadcast %jit3A_2712 : f32 to vector<512x512xf32>
    %broadcast_in_dim3A_2715 = vector.broadcast %jit3A_2713 : f32 to vector<512x512xf32>
    %select_n3A_2716 = arith.select %gt3A_2711, %broadcast_in_dim3A_2714, %broadcast_in_dim3A_2715 : vector<512x512xi1>, vector<512x512xf32>
    %dot_general3A_2717 = arith.constant dense<0.000000e+00> : vector<8x512xf32>
    %dot_general3A_2718 = tpu.matmul %while3A_2550#0, %select_n3A_2716, %dot_general3A_2717 {dimension_numbers = #tpu.dot_dimension_numbers<[1], [0], [0], [1], [0, 0, 1, 1], [], []>, transpose_lhs_hint = false} : vector<8x512xf32>, vector<512x512xf32>, vector<8x512xf32> -> vector<8x512xf32>
    %gt3A_2719 = arith.constant 5.000000e-01 : f32
    %gt3A_2720 = vector.broadcast %gt3A_2719 : f32 to vector<8x512xf32>
    %gt3A_2721 = arith.cmpf ogt, %dot_general3A_2718, %gt3A_2720 : vector<8x512xf32>
    %get3A_2722 = arith.constant 0 : index
    %get3A_2723 = arith.constant 4096 : index
    %get3A_2724 = vector.load %arg5[%get3A_2722, %get3A_2723] : memref<8x5120xf32, #tpu.memory_space<vmem>>, vector<8x512xf32>
    %jit3A_2725 = arith.constant 0.000000e+00 : f32
    %broadcast_in_dim3A_2726 = vector.broadcast %jit3A_2725 : f32 to vector<8x512xf32>
    %select_n3A_2727 = arith.select %gt3A_2721, %broadcast_in_dim3A_2726, %get3A_2724 : vector<8x512xi1>, vector<8x512xf32>
    %swap3A_2728 = arith.constant 0 : index
    %swap3A_2729 = arith.constant 4096 : index
    %swap3A_2730 = vector.load %arg5[%swap3A_2728, %swap3A_2729] : memref<8x5120xf32, #tpu.memory_space<vmem>>, vector<8x512xf32>
    tpu.vector_store %arg5[%swap3A_2728, %swap3A_2729], %select_n3A_2727 {strides = array<i32>} : memref<8x5120xf32, #tpu.memory_space<vmem>>, vector<8x512xf32>,
    %get3A_2731 = arith.constant 0 : index
    %get3A_2732 = arith.constant 4608 : index
    %get3A_2733 = vector.load %arg1[%get3A_2731, %get3A_2732] : memref<4x5120xf32, #tpu.memory_space<vmem>>, vector<1x512xf32>
    %get3A_2734 = arith.constant 1 : index
    %get3A_2735 = arith.constant 4608 : index
    %get3A_2736 = vector.load %arg1[%get3A_2734, %get3A_2735] : memref<4x5120xf32, #tpu.memory_space<vmem>>, vector<1x512xf32>
    %get3A_2737 = arith.constant 2 : index
    %get3A_2738 = arith.constant 4608 : index
    %get3A_2739 = vector.load %arg1[%get3A_2737, %get3A_2738] : memref<4x5120xf32, #tpu.memory_space<vmem>>, vector<1x512xf32>
    %get3A_2740 = arith.constant 3 : index
    %get3A_2741 = arith.constant 4608 : index
    %get3A_2742 = vector.load %arg1[%get3A_2740, %get3A_2741] : memref<4x5120xf32, #tpu.memory_space<vmem>>, vector<1x512xf32>
    %slice3A_2743 = vector.extract_strided_slice %mul3A_34 {offsets = [0, 4608], sizes = [1, 512], strides = [1, 1]} : vector<1x5120xf32> to vector<1x512xf32>
    %max3A_2744 = vector.broadcast %get3A_2733 : vector<1x512xf32> to vector<512x512xf32>
    %max3A_2745 = arith.maximumf %broadcast_in_dim3A_2491, %max3A_2744 : vector<512x512xf32>
    %max3A_2746 = vector.broadcast %get3A_2736 : vector<1x512xf32> to vector<512x512xf32>
    %max3A_2747 = arith.maximumf %broadcast_in_dim3A_2493, %max3A_2746 : vector<512x512xf32>
    %min3A_2748 = vector.broadcast %get3A_2739 : vector<1x512xf32> to vector<512x512xf32>
    %min3A_2749 = arith.minimumf %broadcast_in_dim3A_2495, %min3A_2748 : vector<512x512xf32>
    %min3A_2750 = vector.broadcast %get3A_2742 : vector<1x512xf32> to vector<512x512xf32>
    %min3A_2751 = arith.minimumf %broadcast_in_dim3A_2497, %min3A_2750 : vector<512x512xf32>
    %sub3A_2752 = arith.subf %min3A_2749, %max3A_2745 : vector<512x512xf32>
    %max3A_2753 = arith.constant 0.000000e+00 : f32
    %max3A_2754 = vector.broadcast %max3A_2753 : f32 to vector<512x512xf32>
    %max3A_2755 = arith.maximumf %sub3A_2752, %max3A_2754 : vector<512x512xf32>
    %sub3A_2756 = arith.subf %min3A_2751, %max3A_2747 : vector<512x512xf32>
    %max3A_2757 = arith.constant 0.000000e+00 : f32
    %max3A_2758 = vector.broadcast %max3A_2757 : f32 to vector<512x512xf32>
    %max3A_2759 = arith.maximumf %sub3A_2756, %max3A_2758 : vector<512x512xf32>
    %mul3A_2760 = arith.mulf %max3A_2755, %max3A_2759 : vector<512x512xf32>
    %add3A_2761 = vector.broadcast %slice3A_2743 : vector<1x512xf32> to vector<512x512xf32>
    %add3A_2762 = arith.addf %broadcast_in_dim3A_2499, %add3A_2761 : vector<512x512xf32>
    %sub3A_2763 = arith.subf %add3A_2762, %mul3A_2760 : vector<512x512xf32>
    %add3A_2764 = arith.constant 9.99999971E-10 : f32
    %add3A_2765 = vector.broadcast %add3A_2764 : f32 to vector<512x512xf32>
    %add3A_2766 = arith.addf %sub3A_2763, %add3A_2765 : vector<512x512xf32>
    %div3A_2767 = arith.divf %mul3A_2760, %add3A_2766 : vector<512x512xf32>
    %gt3A_2768 = arith.constant 5.000000e-01 : f32
    %gt3A_2769 = vector.broadcast %gt3A_2768 : f32 to vector<512x512xf32>
    %gt3A_2770 = arith.cmpf ogt, %div3A_2767, %gt3A_2769 : vector<512x512xf32>
    %jit3A_2771 = arith.constant 1.000000e+00 : f32
    %jit3A_2772 = arith.constant 0.000000e+00 : f32
    %broadcast_in_dim3A_2773 = vector.broadcast %jit3A_2771 : f32 to vector<512x512xf32>
    %broadcast_in_dim3A_2774 = vector.broadcast %jit3A_2772 : f32 to vector<512x512xf32>
    %select_n3A_2775 = arith.select %gt3A_2770, %broadcast_in_dim3A_2773, %broadcast_in_dim3A_2774 : vector<512x512xi1>, vector<512x512xf32>
    %dot_general3A_2776 = arith.constant dense<0.000000e+00> : vector<8x512xf32>
    %dot_general3A_2777 = tpu.matmul %while3A_2550#0, %select_n3A_2775, %dot_general3A_2776 {dimension_numbers = #tpu.dot_dimension_numbers<[1], [0], [0], [1], [0, 0, 1, 1], [], []>, transpose_lhs_hint = false} : vector<8x512xf32>, vector<512x512xf32>, vector<8x512xf32> -> vector<8x512xf32>
    %gt3A_2778 = arith.constant 5.000000e-01 : f32
    %gt3A_2779 = vector.broadcast %gt3A_2778 : f32 to vector<8x512xf32>
    %gt3A_2780 = arith.cmpf ogt, %dot_general3A_2777, %gt3A_2779 : vector<8x512xf32>
    %get3A_2781 = arith.constant 0 : index
    %get3A_2782 = arith.constant 4608 : index
    %get3A_2783 = vector.load %arg5[%get3A_2781, %get3A_2782] : memref<8x5120xf32, #tpu.memory_space<vmem>>, vector<8x512xf32>
    %jit3A_2784 = arith.constant 0.000000e+00 : f32
    %broadcast_in_dim3A_2785 = vector.broadcast %jit3A_2784 : f32 to vector<8x512xf32>
    %select_n3A_2786 = arith.select %gt3A_2780, %broadcast_in_dim3A_2785, %get3A_2783 : vector<8x512xi1>, vector<8x512xf32>
    %swap3A_2787 = arith.constant 0 : index
    %swap3A_2788 = arith.constant 4608 : index
    %swap3A_2789 = vector.load %arg5[%swap3A_2787, %swap3A_2788] : memref<8x5120xf32, #tpu.memory_space<vmem>>, vector<8x512xf32>
    tpu.vector_store %arg5[%swap3A_2787, %swap3A_2788], %select_n3A_2786 {strides = array<i32>} : memref<8x5120xf32, #tpu.memory_space<vmem>>, vector<8x512xf32>,
    %get3A_2790 = arith.constant 3072 : index
    %get3A_2791 = arith.constant 0 : index
    %get3A_2792 = vector.load %arg0[%get3A_2790, %get3A_2791] : memref<5120x4xf32, #tpu.memory_space<vmem>>, vector<512x1xf32>
    %get3A_2793 = arith.constant 3072 : index
    %get3A_2794 = arith.constant 1 : index
    %get3A_2795 = vector.load %arg0[%get3A_2793, %get3A_2794] : memref<5120x4xf32, #tpu.memory_space<vmem>>, vector<512x1xf32>
    %get3A_2796 = arith.constant 3072 : index
    %get3A_2797 = arith.constant 2 : index
    %get3A_2798 = vector.load %arg0[%get3A_2796, %get3A_2797] : memref<5120x4xf32, #tpu.memory_space<vmem>>, vector<512x1xf32>
    %get3A_2799 = arith.constant 3072 : index
    %get3A_2800 = arith.constant 3 : index
    %get3A_2801 = vector.load %arg0[%get3A_2799, %get3A_2800] : memref<5120x4xf32, #tpu.memory_space<vmem>>, vector<512x1xf32>
    %slice3A_2802 = vector.extract_strided_slice %mul3A {offsets = [3072, 0], sizes = [512, 1], strides = [1, 1]} : vector<5120x1xf32> to vector<512x1xf32>
    %broadcast_in_dim3A_2803 = vector.shape_cast %get3A_2792 : vector<512x1xf32> to vector<512x1xf32>
    %broadcast_in_dim3A_2804 = vector.broadcast %broadcast_in_dim3A_2803 : vector<512x1xf32> to vector<512x512xf32>
    %broadcast_in_dim3A_2805 = vector.shape_cast %get3A_2795 : vector<512x1xf32> to vector<512x1xf32>
    %broadcast_in_dim3A_2806 = vector.broadcast %broadcast_in_dim3A_2805 : vector<512x1xf32> to vector<512x512xf32>
    %broadcast_in_dim3A_2807 = vector.shape_cast %get3A_2798 : vector<512x1xf32> to vector<512x1xf32>
    %broadcast_in_dim3A_2808 = vector.broadcast %broadcast_in_dim3A_2807 : vector<512x1xf32> to vector<512x512xf32>
    %broadcast_in_dim3A_2809 = vector.shape_cast %get3A_2801 : vector<512x1xf32> to vector<512x1xf32>
    %broadcast_in_dim3A_2810 = vector.broadcast %broadcast_in_dim3A_2809 : vector<512x1xf32> to vector<512x512xf32>
    %broadcast_in_dim3A_2811 = vector.shape_cast %slice3A_2802 : vector<512x1xf32> to vector<512x1xf32>
    %broadcast_in_dim3A_2812 = vector.broadcast %broadcast_in_dim3A_2811 : vector<512x1xf32> to vector<512x512xf32>
    %get3A_2813 = arith.constant 0 : index
    %get3A_2814 = arith.constant 3072 : index
    %get3A_2815 = vector.load %arg1[%get3A_2813, %get3A_2814] : memref<4x5120xf32, #tpu.memory_space<vmem>>, vector<1x512xf32>
    %get3A_2816 = arith.constant 1 : index
    %get3A_2817 = arith.constant 3072 : index
    %get3A_2818 = vector.load %arg1[%get3A_2816, %get3A_2817] : memref<4x5120xf32, #tpu.memory_space<vmem>>, vector<1x512xf32>
    %get3A_2819 = arith.constant 2 : index
    %get3A_2820 = arith.constant 3072 : index
    %get3A_2821 = vector.load %arg1[%get3A_2819, %get3A_2820] : memref<4x5120xf32, #tpu.memory_space<vmem>>, vector<1x512xf32>
    %get3A_2822 = arith.constant 3 : index
    %get3A_2823 = arith.constant 3072 : index
    %get3A_2824 = vector.load %arg1[%get3A_2822, %get3A_2823] : memref<4x5120xf32, #tpu.memory_space<vmem>>, vector<1x512xf32>
    %slice3A_2825 = vector.extract_strided_slice %mul3A_34 {offsets = [0, 3072], sizes = [1, 512], strides = [1, 1]} : vector<1x5120xf32> to vector<1x512xf32>
    %max3A_2826 = vector.broadcast %get3A_2815 : vector<1x512xf32> to vector<512x512xf32>
    %max3A_2827 = arith.maximumf %broadcast_in_dim3A_2804, %max3A_2826 : vector<512x512xf32>
    %max3A_2828 = vector.broadcast %get3A_2818 : vector<1x512xf32> to vector<512x512xf32>
    %max3A_2829 = arith.maximumf %broadcast_in_dim3A_2806, %max3A_2828 : vector<512x512xf32>
    %min3A_2830 = vector.broadcast %get3A_2821 : vector<1x512xf32> to vector<512x512xf32>
    %min3A_2831 = arith.minimumf %broadcast_in_dim3A_2808, %min3A_2830 : vector<512x512xf32>
    %min3A_2832 = vector.broadcast %get3A_2824 : vector<1x512xf32> to vector<512x512xf32>
    %min3A_2833 = arith.minimumf %broadcast_in_dim3A_2810, %min3A_2832 : vector<512x512xf32>
    %sub3A_2834 = arith.subf %min3A_2831, %max3A_2827 : vector<512x512xf32>
    %max3A_2835 = arith.constant 0.000000e+00 : f32
    %max3A_2836 = vector.broadcast %max3A_2835 : f32 to vector<512x512xf32>
    %max3A_2837 = arith.maximumf %sub3A_2834, %max3A_2836 : vector<512x512xf32>
    %sub3A_2838 = arith.subf %min3A_2833, %max3A_2829 : vector<512x512xf32>
    %max3A_2839 = arith.constant 0.000000e+00 : f32
    %max3A_2840 = vector.broadcast %max3A_2839 : f32 to vector<512x512xf32>
    %max3A_2841 = arith.maximumf %sub3A_2838, %max3A_2840 : vector<512x512xf32>
    %mul3A_2842 = arith.mulf %max3A_2837, %max3A_2841 : vector<512x512xf32>
    %add3A_2843 = vector.broadcast %slice3A_2825 : vector<1x512xf32> to vector<512x512xf32>
    %add3A_2844 = arith.addf %broadcast_in_dim3A_2812, %add3A_2843 : vector<512x512xf32>
    %sub3A_2845 = arith.subf %add3A_2844, %mul3A_2842 : vector<512x512xf32>
    %add3A_2846 = arith.constant 9.99999971E-10 : f32
    %add3A_2847 = vector.broadcast %add3A_2846 : f32 to vector<512x512xf32>
    %add3A_2848 = arith.addf %sub3A_2845, %add3A_2847 : vector<512x512xf32>
    %div3A_2849 = arith.divf %mul3A_2842, %add3A_2848 : vector<512x512xf32>
    %gt3A_2850 = arith.constant 5.000000e-01 : f32
    %gt3A_2851 = vector.broadcast %gt3A_2850 : f32 to vector<512x512xf32>
    %gt3A_2852 = arith.cmpf ogt, %div3A_2849, %gt3A_2851 : vector<512x512xf32>
    %and3A_2853 = arith.andi %gt3A_2852, %gt3A : vector<512x512xi1>
    %jit3A_2854 = arith.constant 1.000000e+00 : f32
    %jit3A_2855 = arith.constant 0.000000e+00 : f32
    %broadcast_in_dim3A_2856 = vector.broadcast %jit3A_2854 : f32 to vector<512x512xf32>
    %broadcast_in_dim3A_2857 = vector.broadcast %jit3A_2855 : f32 to vector<512x512xf32>
    %select_n3A_2858 = arith.select %and3A_2853, %broadcast_in_dim3A_2856, %broadcast_in_dim3A_2857 : vector<512x512xi1>, vector<512x512xf32>
    %get3A_2859 = arith.constant 0 : index
    %get3A_2860 = arith.constant 3072 : index
    %get3A_2861 = vector.load %arg5[%get3A_2859, %get3A_2860] : memref<8x5120xf32, #tpu.memory_space<vmem>>, vector<8x512xf32>
    %while3A_2862 = arith.constant true
    %while3A_2863:2 = scf.while (%while3A_3462 = %get3A_2861, %while3A_3463 = %while3A_2862) : (vector<8x512xf32>, i1) -> (vector<8x512xf32>, i1) {
      scf.condition(%while3A_3463) %while3A_3462, %while3A_3463 : vector<8x512xf32>, i1
    } do {
    ^bb0(%while3A_3462: vector<8x512xf32>, %while3A_3463: i1):
      %dot_general3A_3464 = arith.constant dense<0.000000e+00> : vector<8x512xf32>
      %dot_general3A_3465 = tpu.matmul %while3A_3462, %select_n3A_2858, %dot_general3A_3464 {dimension_numbers = #tpu.dot_dimension_numbers<[1], [0], [0], [1], [0, 0, 1, 1], [], []>, transpose_lhs_hint = false} : vector<8x512xf32>, vector<512x512xf32>, vector<8x512xf32> -> vector<8x512xf32>
      %gt3A_3466 = arith.constant 5.000000e-01 : f32
      %gt3A_3467 = vector.broadcast %gt3A_3466 : f32 to vector<8x512xf32>
      %gt3A_3468 = arith.cmpf ogt, %dot_general3A_3465, %gt3A_3467 : vector<8x512xf32>
      %jit3A_3469 = arith.constant 0.000000e+00 : f32
      %broadcast_in_dim3A_3470 = vector.broadcast %jit3A_3469 : f32 to vector<8x512xf32>
      %select_n3A_3471 = arith.select %gt3A_3468, %broadcast_in_dim3A_3470, %get3A_2861 : vector<8x512xi1>, vector<8x512xf32>
      %dot_general3A_3472 = arith.constant dense<0.000000e+00> : vector<8x512xf32>
      %dot_general3A_3473 = tpu.matmul %select_n3A_3471, %select_n3A_2858, %dot_general3A_3472 {dimension_numbers = #tpu.dot_dimension_numbers<[1], [0], [0], [1], [0, 0, 1, 1], [], []>, transpose_lhs_hint = false} : vector<8x512xf32>, vector<512x512xf32>, vector<8x512xf32> -> vector<8x512xf32>
      %gt3A_3474 = arith.constant 5.000000e-01 : f32
      %gt3A_3475 = vector.broadcast %gt3A_3474 : f32 to vector<8x512xf32>
      %gt3A_3476 = arith.cmpf ogt, %dot_general3A_3473, %gt3A_3475 : vector<8x512xf32>
      %jit3A_3477 = arith.constant 0.000000e+00 : f32
      %broadcast_in_dim3A_3478 = vector.broadcast %jit3A_3477 : f32 to vector<8x512xf32>
      %select_n3A_3479 = arith.select %gt3A_3476, %broadcast_in_dim3A_3478, %get3A_2861 : vector<8x512xi1>, vector<8x512xf32>
      %slice3A_3480 = vector.extract_strided_slice %select_n3A_3479 {offsets = [0, 0], sizes = [1, 512], strides = [1, 1]} : vector<8x512xf32> to vector<1x512xf32>
      %slice3A_3481 = vector.extract_strided_slice %select_n3A_3471 {offsets = [0, 0], sizes = [1, 512], strides = [1, 1]} : vector<8x512xf32> to vector<1x512xf32>
      %ne3A = arith.cmpf one, %slice3A_3480, %slice3A_3481 : vector<1x512xf32>
      %reduce_or3A = arith.constant 1.000000e+00 : f32
      %reduce_or3A_3482 = arith.constant 0.000000e+00 : f32
      %reduce_or3A_3483 = vector.broadcast %reduce_or3A : f32 to vector<1x512xf32>
      %reduce_or3A_3484 = vector.broadcast %reduce_or3A_3482 : f32 to vector<1x512xf32>
      %reduce_or3A_3485 = arith.select %ne3A, %reduce_or3A_3483, %reduce_or3A_3484 : vector<1x512xi1>, vector<1x512xf32>
      %reduce_or3A_3486 = vector.shape_cast %reduce_or3A_3485 : vector<1x512xf32> to vector<1x1x512xf32>
      %reduce_or3A_3487 = arith.constant dense<0xFF800000> : vector<1xf32>
      %reduce_or3A_3488 = vector.multi_reduction <maximumf>, %reduce_or3A_3486, %reduce_or3A_3487 [1, 2] : vector<1x1x512xf32> to vector<1xf32>
      %reduce_or3A_3489 = vector.shape_cast %reduce_or3A_3488 : vector<1xf32> to vector<1x1x1xf32>
      %reduce_or3A_3490 = vector.extract %reduce_or3A_3489[0, 0, 0] : f32 from vector<1x1x1xf32>
      %reduce_or3A_3491 = arith.constant 0.000000e+00 : f32
      %reduce_or3A_3492 = arith.cmpf ogt, %reduce_or3A_3490, %reduce_or3A_3491 : f32
      scf.yield %select_n3A_3479, %reduce_or3A_3492 : vector<8x512xf32>, i1
    }
    %swap3A_2864 = arith.constant 0 : index
    %swap3A_2865 = arith.constant 3072 : index
    %swap3A_2866 = vector.load %arg5[%swap3A_2864, %swap3A_2865] : memref<8x5120xf32, #tpu.memory_space<vmem>>, vector<8x512xf32>
    tpu.vector_store %arg5[%swap3A_2864, %swap3A_2865], %while3A_2863#0 {strides = array<i32>} : memref<8x5120xf32, #tpu.memory_space<vmem>>, vector<8x512xf32>,
    %get3A_2867 = arith.constant 0 : index
    %get3A_2868 = arith.constant 3584 : index
    %get3A_2869 = vector.load %arg1[%get3A_2867, %get3A_2868] : memref<4x5120xf32, #tpu.memory_space<vmem>>, vector<1x512xf32>
    %get3A_2870 = arith.constant 1 : index
    %get3A_2871 = arith.constant 3584 : index
    %get3A_2872 = vector.load %arg1[%get3A_2870, %get3A_2871] : memref<4x5120xf32, #tpu.memory_space<vmem>>, vector<1x512xf32>
    %get3A_2873 = arith.constant 2 : index
    %get3A_2874 = arith.constant 3584 : index
    %get3A_2875 = vector.load %arg1[%get3A_2873, %get3A_2874] : memref<4x5120xf32, #tpu.memory_space<vmem>>, vector<1x512xf32>
    %get3A_2876 = arith.constant 3 : index
    %get3A_2877 = arith.constant 3584 : index
    %get3A_2878 = vector.load %arg1[%get3A_2876, %get3A_2877] : memref<4x5120xf32, #tpu.memory_space<vmem>>, vector<1x512xf32>
    %slice3A_2879 = vector.extract_strided_slice %mul3A_34 {offsets = [0, 3584], sizes = [1, 512], strides = [1, 1]} : vector<1x5120xf32> to vector<1x512xf32>
    %max3A_2880 = vector.broadcast %get3A_2869 : vector<1x512xf32> to vector<512x512xf32>
    %max3A_2881 = arith.maximumf %broadcast_in_dim3A_2804, %max3A_2880 : vector<512x512xf32>
    %max3A_2882 = vector.broadcast %get3A_2872 : vector<1x512xf32> to vector<512x512xf32>
    %max3A_2883 = arith.maximumf %broadcast_in_dim3A_2806, %max3A_2882 : vector<512x512xf32>
    %min3A_2884 = vector.broadcast %get3A_2875 : vector<1x512xf32> to vector<512x512xf32>
    %min3A_2885 = arith.minimumf %broadcast_in_dim3A_2808, %min3A_2884 : vector<512x512xf32>
    %min3A_2886 = vector.broadcast %get3A_2878 : vector<1x512xf32> to vector<512x512xf32>
    %min3A_2887 = arith.minimumf %broadcast_in_dim3A_2810, %min3A_2886 : vector<512x512xf32>
    %sub3A_2888 = arith.subf %min3A_2885, %max3A_2881 : vector<512x512xf32>
    %max3A_2889 = arith.constant 0.000000e+00 : f32
    %max3A_2890 = vector.broadcast %max3A_2889 : f32 to vector<512x512xf32>
    %max3A_2891 = arith.maximumf %sub3A_2888, %max3A_2890 : vector<512x512xf32>
    %sub3A_2892 = arith.subf %min3A_2887, %max3A_2883 : vector<512x512xf32>
    %max3A_2893 = arith.constant 0.000000e+00 : f32
    %max3A_2894 = vector.broadcast %max3A_2893 : f32 to vector<512x512xf32>
    %max3A_2895 = arith.maximumf %sub3A_2892, %max3A_2894 : vector<512x512xf32>
    %mul3A_2896 = arith.mulf %max3A_2891, %max3A_2895 : vector<512x512xf32>
    %add3A_2897 = vector.broadcast %slice3A_2879 : vector<1x512xf32> to vector<512x512xf32>
    %add3A_2898 = arith.addf %broadcast_in_dim3A_2812, %add3A_2897 : vector<512x512xf32>
    %sub3A_2899 = arith.subf %add3A_2898, %mul3A_2896 : vector<512x512xf32>
    %add3A_2900 = arith.constant 9.99999971E-10 : f32
    %add3A_2901 = vector.broadcast %add3A_2900 : f32 to vector<512x512xf32>
    %add3A_2902 = arith.addf %sub3A_2899, %add3A_2901 : vector<512x512xf32>
    %div3A_2903 = arith.divf %mul3A_2896, %add3A_2902 : vector<512x512xf32>
    %gt3A_2904 = arith.constant 5.000000e-01 : f32
    %gt3A_2905 = vector.broadcast %gt3A_2904 : f32 to vector<512x512xf32>
    %gt3A_2906 = arith.cmpf ogt, %div3A_2903, %gt3A_2905 : vector<512x512xf32>
    %jit3A_2907 = arith.constant 1.000000e+00 : f32
    %jit3A_2908 = arith.constant 0.000000e+00 : f32
    %broadcast_in_dim3A_2909 = vector.broadcast %jit3A_2907 : f32 to vector<512x512xf32>
    %broadcast_in_dim3A_2910 = vector.broadcast %jit3A_2908 : f32 to vector<512x512xf32>
    %select_n3A_2911 = arith.select %gt3A_2906, %broadcast_in_dim3A_2909, %broadcast_in_dim3A_2910 : vector<512x512xi1>, vector<512x512xf32>
    %dot_general3A_2912 = arith.constant dense<0.000000e+00> : vector<8x512xf32>
    %dot_general3A_2913 = tpu.matmul %while3A_2863#0, %select_n3A_2911, %dot_general3A_2912 {dimension_numbers = #tpu.dot_dimension_numbers<[1], [0], [0], [1], [0, 0, 1, 1], [], []>, transpose_lhs_hint = false} : vector<8x512xf32>, vector<512x512xf32>, vector<8x512xf32> -> vector<8x512xf32>
    %gt3A_2914 = arith.constant 5.000000e-01 : f32
    %gt3A_2915 = vector.broadcast %gt3A_2914 : f32 to vector<8x512xf32>
    %gt3A_2916 = arith.cmpf ogt, %dot_general3A_2913, %gt3A_2915 : vector<8x512xf32>
    %get3A_2917 = arith.constant 0 : index
    %get3A_2918 = arith.constant 3584 : index
    %get3A_2919 = vector.load %arg5[%get3A_2917, %get3A_2918] : memref<8x5120xf32, #tpu.memory_space<vmem>>, vector<8x512xf32>
    %jit3A_2920 = arith.constant 0.000000e+00 : f32
    %broadcast_in_dim3A_2921 = vector.broadcast %jit3A_2920 : f32 to vector<8x512xf32>
    %select_n3A_2922 = arith.select %gt3A_2916, %broadcast_in_dim3A_2921, %get3A_2919 : vector<8x512xi1>, vector<8x512xf32>
    %swap3A_2923 = arith.constant 0 : index
    %swap3A_2924 = arith.constant 3584 : index
    %swap3A_2925 = vector.load %arg5[%swap3A_2923, %swap3A_2924] : memref<8x5120xf32, #tpu.memory_space<vmem>>, vector<8x512xf32>
    tpu.vector_store %arg5[%swap3A_2923, %swap3A_2924], %select_n3A_2922 {strides = array<i32>} : memref<8x5120xf32, #tpu.memory_space<vmem>>, vector<8x512xf32>,
    %get3A_2926 = arith.constant 0 : index
    %get3A_2927 = arith.constant 4096 : index
    %get3A_2928 = vector.load %arg1[%get3A_2926, %get3A_2927] : memref<4x5120xf32, #tpu.memory_space<vmem>>, vector<1x512xf32>
    %get3A_2929 = arith.constant 1 : index
    %get3A_2930 = arith.constant 4096 : index
    %get3A_2931 = vector.load %arg1[%get3A_2929, %get3A_2930] : memref<4x5120xf32, #tpu.memory_space<vmem>>, vector<1x512xf32>
    %get3A_2932 = arith.constant 2 : index
    %get3A_2933 = arith.constant 4096 : index
    %get3A_2934 = vector.load %arg1[%get3A_2932, %get3A_2933] : memref<4x5120xf32, #tpu.memory_space<vmem>>, vector<1x512xf32>
    %get3A_2935 = arith.constant 3 : index
    %get3A_2936 = arith.constant 4096 : index
    %get3A_2937 = vector.load %arg1[%get3A_2935, %get3A_2936] : memref<4x5120xf32, #tpu.memory_space<vmem>>, vector<1x512xf32>
    %slice3A_2938 = vector.extract_strided_slice %mul3A_34 {offsets = [0, 4096], sizes = [1, 512], strides = [1, 1]} : vector<1x5120xf32> to vector<1x512xf32>
    %max3A_2939 = vector.broadcast %get3A_2928 : vector<1x512xf32> to vector<512x512xf32>
    %max3A_2940 = arith.maximumf %broadcast_in_dim3A_2804, %max3A_2939 : vector<512x512xf32>
    %max3A_2941 = vector.broadcast %get3A_2931 : vector<1x512xf32> to vector<512x512xf32>
    %max3A_2942 = arith.maximumf %broadcast_in_dim3A_2806, %max3A_2941 : vector<512x512xf32>
    %min3A_2943 = vector.broadcast %get3A_2934 : vector<1x512xf32> to vector<512x512xf32>
    %min3A_2944 = arith.minimumf %broadcast_in_dim3A_2808, %min3A_2943 : vector<512x512xf32>
    %min3A_2945 = vector.broadcast %get3A_2937 : vector<1x512xf32> to vector<512x512xf32>
    %min3A_2946 = arith.minimumf %broadcast_in_dim3A_2810, %min3A_2945 : vector<512x512xf32>
    %sub3A_2947 = arith.subf %min3A_2944, %max3A_2940 : vector<512x512xf32>
    %max3A_2948 = arith.constant 0.000000e+00 : f32
    %max3A_2949 = vector.broadcast %max3A_2948 : f32 to vector<512x512xf32>
    %max3A_2950 = arith.maximumf %sub3A_2947, %max3A_2949 : vector<512x512xf32>
    %sub3A_2951 = arith.subf %min3A_2946, %max3A_2942 : vector<512x512xf32>
    %max3A_2952 = arith.constant 0.000000e+00 : f32
    %max3A_2953 = vector.broadcast %max3A_2952 : f32 to vector<512x512xf32>
    %max3A_2954 = arith.maximumf %sub3A_2951, %max3A_2953 : vector<512x512xf32>
    %mul3A_2955 = arith.mulf %max3A_2950, %max3A_2954 : vector<512x512xf32>
    %add3A_2956 = vector.broadcast %slice3A_2938 : vector<1x512xf32> to vector<512x512xf32>
    %add3A_2957 = arith.addf %broadcast_in_dim3A_2812, %add3A_2956 : vector<512x512xf32>
    %sub3A_2958 = arith.subf %add3A_2957, %mul3A_2955 : vector<512x512xf32>
    %add3A_2959 = arith.constant 9.99999971E-10 : f32
    %add3A_2960 = vector.broadcast %add3A_2959 : f32 to vector<512x512xf32>
    %add3A_2961 = arith.addf %sub3A_2958, %add3A_2960 : vector<512x512xf32>
    %div3A_2962 = arith.divf %mul3A_2955, %add3A_2961 : vector<512x512xf32>
    %gt3A_2963 = arith.constant 5.000000e-01 : f32
    %gt3A_2964 = vector.broadcast %gt3A_2963 : f32 to vector<512x512xf32>
    %gt3A_2965 = arith.cmpf ogt, %div3A_2962, %gt3A_2964 : vector<512x512xf32>
    %jit3A_2966 = arith.constant 1.000000e+00 : f32
    %jit3A_2967 = arith.constant 0.000000e+00 : f32
    %broadcast_in_dim3A_2968 = vector.broadcast %jit3A_2966 : f32 to vector<512x512xf32>
    %broadcast_in_dim3A_2969 = vector.broadcast %jit3A_2967 : f32 to vector<512x512xf32>
    %select_n3A_2970 = arith.select %gt3A_2965, %broadcast_in_dim3A_2968, %broadcast_in_dim3A_2969 : vector<512x512xi1>, vector<512x512xf32>
    %dot_general3A_2971 = arith.constant dense<0.000000e+00> : vector<8x512xf32>
    %dot_general3A_2972 = tpu.matmul %while3A_2863#0, %select_n3A_2970, %dot_general3A_2971 {dimension_numbers = #tpu.dot_dimension_numbers<[1], [0], [0], [1], [0, 0, 1, 1], [], []>, transpose_lhs_hint = false} : vector<8x512xf32>, vector<512x512xf32>, vector<8x512xf32> -> vector<8x512xf32>
    %gt3A_2973 = arith.constant 5.000000e-01 : f32
    %gt3A_2974 = vector.broadcast %gt3A_2973 : f32 to vector<8x512xf32>
    %gt3A_2975 = arith.cmpf ogt, %dot_general3A_2972, %gt3A_2974 : vector<8x512xf32>
    %get3A_2976 = arith.constant 0 : index
    %get3A_2977 = arith.constant 4096 : index
    %get3A_2978 = vector.load %arg5[%get3A_2976, %get3A_2977] : memref<8x5120xf32, #tpu.memory_space<vmem>>, vector<8x512xf32>
    %jit3A_2979 = arith.constant 0.000000e+00 : f32
    %broadcast_in_dim3A_2980 = vector.broadcast %jit3A_2979 : f32 to vector<8x512xf32>
    %select_n3A_2981 = arith.select %gt3A_2975, %broadcast_in_dim3A_2980, %get3A_2978 : vector<8x512xi1>, vector<8x512xf32>
    %swap3A_2982 = arith.constant 0 : index
    %swap3A_2983 = arith.constant 4096 : index
    %swap3A_2984 = vector.load %arg5[%swap3A_2982, %swap3A_2983] : memref<8x5120xf32, #tpu.memory_space<vmem>>, vector<8x512xf32>
    tpu.vector_store %arg5[%swap3A_2982, %swap3A_2983], %select_n3A_2981 {strides = array<i32>} : memref<8x5120xf32, #tpu.memory_space<vmem>>, vector<8x512xf32>,
    %get3A_2985 = arith.constant 0 : index
    %get3A_2986 = arith.constant 4608 : index
    %get3A_2987 = vector.load %arg1[%get3A_2985, %get3A_2986] : memref<4x5120xf32, #tpu.memory_space<vmem>>, vector<1x512xf32>
    %get3A_2988 = arith.constant 1 : index
    %get3A_2989 = arith.constant 4608 : index
    %get3A_2990 = vector.load %arg1[%get3A_2988, %get3A_2989] : memref<4x5120xf32, #tpu.memory_space<vmem>>, vector<1x512xf32>
    %get3A_2991 = arith.constant 2 : index
    %get3A_2992 = arith.constant 4608 : index
    %get3A_2993 = vector.load %arg1[%get3A_2991, %get3A_2992] : memref<4x5120xf32, #tpu.memory_space<vmem>>, vector<1x512xf32>
    %get3A_2994 = arith.constant 3 : index
    %get3A_2995 = arith.constant 4608 : index
    %get3A_2996 = vector.load %arg1[%get3A_2994, %get3A_2995] : memref<4x5120xf32, #tpu.memory_space<vmem>>, vector<1x512xf32>
    %slice3A_2997 = vector.extract_strided_slice %mul3A_34 {offsets = [0, 4608], sizes = [1, 512], strides = [1, 1]} : vector<1x5120xf32> to vector<1x512xf32>
    %max3A_2998 = vector.broadcast %get3A_2987 : vector<1x512xf32> to vector<512x512xf32>
    %max3A_2999 = arith.maximumf %broadcast_in_dim3A_2804, %max3A_2998 : vector<512x512xf32>
    %max3A_3000 = vector.broadcast %get3A_2990 : vector<1x512xf32> to vector<512x512xf32>
    %max3A_3001 = arith.maximumf %broadcast_in_dim3A_2806, %max3A_3000 : vector<512x512xf32>
    %min3A_3002 = vector.broadcast %get3A_2993 : vector<1x512xf32> to vector<512x512xf32>
    %min3A_3003 = arith.minimumf %broadcast_in_dim3A_2808, %min3A_3002 : vector<512x512xf32>
    %min3A_3004 = vector.broadcast %get3A_2996 : vector<1x512xf32> to vector<512x512xf32>
    %min3A_3005 = arith.minimumf %broadcast_in_dim3A_2810, %min3A_3004 : vector<512x512xf32>
    %sub3A_3006 = arith.subf %min3A_3003, %max3A_2999 : vector<512x512xf32>
    %max3A_3007 = arith.constant 0.000000e+00 : f32
    %max3A_3008 = vector.broadcast %max3A_3007 : f32 to vector<512x512xf32>
    %max3A_3009 = arith.maximumf %sub3A_3006, %max3A_3008 : vector<512x512xf32>
    %sub3A_3010 = arith.subf %min3A_3005, %max3A_3001 : vector<512x512xf32>
    %max3A_3011 = arith.constant 0.000000e+00 : f32
    %max3A_3012 = vector.broadcast %max3A_3011 : f32 to vector<512x512xf32>
    %max3A_3013 = arith.maximumf %sub3A_3010, %max3A_3012 : vector<512x512xf32>
    %mul3A_3014 = arith.mulf %max3A_3009, %max3A_3013 : vector<512x512xf32>
    %add3A_3015 = vector.broadcast %slice3A_2997 : vector<1x512xf32> to vector<512x512xf32>
    %add3A_3016 = arith.addf %broadcast_in_dim3A_2812, %add3A_3015 : vector<512x512xf32>
    %sub3A_3017 = arith.subf %add3A_3016, %mul3A_3014 : vector<512x512xf32>
    %add3A_3018 = arith.constant 9.99999971E-10 : f32
    %add3A_3019 = vector.broadcast %add3A_3018 : f32 to vector<512x512xf32>
    %add3A_3020 = arith.addf %sub3A_3017, %add3A_3019 : vector<512x512xf32>
    %div3A_3021 = arith.divf %mul3A_3014, %add3A_3020 : vector<512x512xf32>
    %gt3A_3022 = arith.constant 5.000000e-01 : f32
    %gt3A_3023 = vector.broadcast %gt3A_3022 : f32 to vector<512x512xf32>
    %gt3A_3024 = arith.cmpf ogt, %div3A_3021, %gt3A_3023 : vector<512x512xf32>
    %jit3A_3025 = arith.constant 1.000000e+00 : f32
    %jit3A_3026 = arith.constant 0.000000e+00 : f32
    %broadcast_in_dim3A_3027 = vector.broadcast %jit3A_3025 : f32 to vector<512x512xf32>
    %broadcast_in_dim3A_3028 = vector.broadcast %jit3A_3026 : f32 to vector<512x512xf32>
    %select_n3A_3029 = arith.select %gt3A_3024, %broadcast_in_dim3A_3027, %broadcast_in_dim3A_3028 : vector<512x512xi1>, vector<512x512xf32>
    %dot_general3A_3030 = arith.constant dense<0.000000e+00> : vector<8x512xf32>
    %dot_general3A_3031 = tpu.matmul %while3A_2863#0, %select_n3A_3029, %dot_general3A_3030 {dimension_numbers = #tpu.dot_dimension_numbers<[1], [0], [0], [1], [0, 0, 1, 1], [], []>, transpose_lhs_hint = false} : vector<8x512xf32>, vector<512x512xf32>, vector<8x512xf32> -> vector<8x512xf32>
    %gt3A_3032 = arith.constant 5.000000e-01 : f32
    %gt3A_3033 = vector.broadcast %gt3A_3032 : f32 to vector<8x512xf32>
    %gt3A_3034 = arith.cmpf ogt, %dot_general3A_3031, %gt3A_3033 : vector<8x512xf32>
    %get3A_3035 = arith.constant 0 : index
    %get3A_3036 = arith.constant 4608 : index
    %get3A_3037 = vector.load %arg5[%get3A_3035, %get3A_3036] : memref<8x5120xf32, #tpu.memory_space<vmem>>, vector<8x512xf32>
    %jit3A_3038 = arith.constant 0.000000e+00 : f32
    %broadcast_in_dim3A_3039 = vector.broadcast %jit3A_3038 : f32 to vector<8x512xf32>
    %select_n3A_3040 = arith.select %gt3A_3034, %broadcast_in_dim3A_3039, %get3A_3037 : vector<8x512xi1>, vector<8x512xf32>
    %swap3A_3041 = arith.constant 0 : index
    %swap3A_3042 = arith.constant 4608 : index
    %swap3A_3043 = vector.load %arg5[%swap3A_3041, %swap3A_3042] : memref<8x5120xf32, #tpu.memory_space<vmem>>, vector<8x512xf32>
    tpu.vector_store %arg5[%swap3A_3041, %swap3A_3042], %select_n3A_3040 {strides = array<i32>} : memref<8x5120xf32, #tpu.memory_space<vmem>>, vector<8x512xf32>,
    %get3A_3044 = arith.constant 3584 : index
    %get3A_3045 = arith.constant 0 : index
    %get3A_3046 = vector.load %arg0[%get3A_3044, %get3A_3045] : memref<5120x4xf32, #tpu.memory_space<vmem>>, vector<512x1xf32>
    %get3A_3047 = arith.constant 3584 : index
    %get3A_3048 = arith.constant 1 : index
    %get3A_3049 = vector.load %arg0[%get3A_3047, %get3A_3048] : memref<5120x4xf32, #tpu.memory_space<vmem>>, vector<512x1xf32>
    %get3A_3050 = arith.constant 3584 : index
    %get3A_3051 = arith.constant 2 : index
    %get3A_3052 = vector.load %arg0[%get3A_3050, %get3A_3051] : memref<5120x4xf32, #tpu.memory_space<vmem>>, vector<512x1xf32>
    %get3A_3053 = arith.constant 3584 : index
    %get3A_3054 = arith.constant 3 : index
    %get3A_3055 = vector.load %arg0[%get3A_3053, %get3A_3054] : memref<5120x4xf32, #tpu.memory_space<vmem>>, vector<512x1xf32>
    %slice3A_3056 = vector.extract_strided_slice %mul3A {offsets = [3584, 0], sizes = [512, 1], strides = [1, 1]} : vector<5120x1xf32> to vector<512x1xf32>
    %broadcast_in_dim3A_3057 = vector.shape_cast %get3A_3046 : vector<512x1xf32> to vector<512x1xf32>
    %broadcast_in_dim3A_3058 = vector.broadcast %broadcast_in_dim3A_3057 : vector<512x1xf32> to vector<512x512xf32>
    %broadcast_in_dim3A_3059 = vector.shape_cast %get3A_3049 : vector<512x1xf32> to vector<512x1xf32>
    %broadcast_in_dim3A_3060 = vector.broadcast %broadcast_in_dim3A_3059 : vector<512x1xf32> to vector<512x512xf32>
    %broadcast_in_dim3A_3061 = vector.shape_cast %get3A_3052 : vector<512x1xf32> to vector<512x1xf32>
    %broadcast_in_dim3A_3062 = vector.broadcast %broadcast_in_dim3A_3061 : vector<512x1xf32> to vector<512x512xf32>
    %broadcast_in_dim3A_3063 = vector.shape_cast %get3A_3055 : vector<512x1xf32> to vector<512x1xf32>
    %broadcast_in_dim3A_3064 = vector.broadcast %broadcast_in_dim3A_3063 : vector<512x1xf32> to vector<512x512xf32>
    %broadcast_in_dim3A_3065 = vector.shape_cast %slice3A_3056 : vector<512x1xf32> to vector<512x1xf32>
    %broadcast_in_dim3A_3066 = vector.broadcast %broadcast_in_dim3A_3065 : vector<512x1xf32> to vector<512x512xf32>
    %get3A_3067 = arith.constant 0 : index
    %get3A_3068 = arith.constant 3584 : index
    %get3A_3069 = vector.load %arg1[%get3A_3067, %get3A_3068] : memref<4x5120xf32, #tpu.memory_space<vmem>>, vector<1x512xf32>
    %get3A_3070 = arith.constant 1 : index
    %get3A_3071 = arith.constant 3584 : index
    %get3A_3072 = vector.load %arg1[%get3A_3070, %get3A_3071] : memref<4x5120xf32, #tpu.memory_space<vmem>>, vector<1x512xf32>
    %get3A_3073 = arith.constant 2 : index
    %get3A_3074 = arith.constant 3584 : index
    %get3A_3075 = vector.load %arg1[%get3A_3073, %get3A_3074] : memref<4x5120xf32, #tpu.memory_space<vmem>>, vector<1x512xf32>
    %get3A_3076 = arith.constant 3 : index
    %get3A_3077 = arith.constant 3584 : index
    %get3A_3078 = vector.load %arg1[%get3A_3076, %get3A_3077] : memref<4x5120xf32, #tpu.memory_space<vmem>>, vector<1x512xf32>
    %slice3A_3079 = vector.extract_strided_slice %mul3A_34 {offsets = [0, 3584], sizes = [1, 512], strides = [1, 1]} : vector<1x5120xf32> to vector<1x512xf32>
    %max3A_3080 = vector.broadcast %get3A_3069 : vector<1x512xf32> to vector<512x512xf32>
    %max3A_3081 = arith.maximumf %broadcast_in_dim3A_3058, %max3A_3080 : vector<512x512xf32>
    %max3A_3082 = vector.broadcast %get3A_3072 : vector<1x512xf32> to vector<512x512xf32>
    %max3A_3083 = arith.maximumf %broadcast_in_dim3A_3060, %max3A_3082 : vector<512x512xf32>
    %min3A_3084 = vector.broadcast %get3A_3075 : vector<1x512xf32> to vector<512x512xf32>
    %min3A_3085 = arith.minimumf %broadcast_in_dim3A_3062, %min3A_3084 : vector<512x512xf32>
    %min3A_3086 = vector.broadcast %get3A_3078 : vector<1x512xf32> to vector<512x512xf32>
    %min3A_3087 = arith.minimumf %broadcast_in_dim3A_3064, %min3A_3086 : vector<512x512xf32>
    %sub3A_3088 = arith.subf %min3A_3085, %max3A_3081 : vector<512x512xf32>
    %max3A_3089 = arith.constant 0.000000e+00 : f32
    %max3A_3090 = vector.broadcast %max3A_3089 : f32 to vector<512x512xf32>
    %max3A_3091 = arith.maximumf %sub3A_3088, %max3A_3090 : vector<512x512xf32>
    %sub3A_3092 = arith.subf %min3A_3087, %max3A_3083 : vector<512x512xf32>
    %max3A_3093 = arith.constant 0.000000e+00 : f32
    %max3A_3094 = vector.broadcast %max3A_3093 : f32 to vector<512x512xf32>
    %max3A_3095 = arith.maximumf %sub3A_3092, %max3A_3094 : vector<512x512xf32>
    %mul3A_3096 = arith.mulf %max3A_3091, %max3A_3095 : vector<512x512xf32>
    %add3A_3097 = vector.broadcast %slice3A_3079 : vector<1x512xf32> to vector<512x512xf32>
    %add3A_3098 = arith.addf %broadcast_in_dim3A_3066, %add3A_3097 : vector<512x512xf32>
    %sub3A_3099 = arith.subf %add3A_3098, %mul3A_3096 : vector<512x512xf32>
    %add3A_3100 = arith.constant 9.99999971E-10 : f32
    %add3A_3101 = vector.broadcast %add3A_3100 : f32 to vector<512x512xf32>
    %add3A_3102 = arith.addf %sub3A_3099, %add3A_3101 : vector<512x512xf32>
    %div3A_3103 = arith.divf %mul3A_3096, %add3A_3102 : vector<512x512xf32>
    %gt3A_3104 = arith.constant 5.000000e-01 : f32
    %gt3A_3105 = vector.broadcast %gt3A_3104 : f32 to vector<512x512xf32>
    %gt3A_3106 = arith.cmpf ogt, %div3A_3103, %gt3A_3105 : vector<512x512xf32>
    %and3A_3107 = arith.andi %gt3A_3106, %gt3A : vector<512x512xi1>
    %jit3A_3108 = arith.constant 1.000000e+00 : f32
    %jit3A_3109 = arith.constant 0.000000e+00 : f32
    %broadcast_in_dim3A_3110 = vector.broadcast %jit3A_3108 : f32 to vector<512x512xf32>
    %broadcast_in_dim3A_3111 = vector.broadcast %jit3A_3109 : f32 to vector<512x512xf32>
    %select_n3A_3112 = arith.select %and3A_3107, %broadcast_in_dim3A_3110, %broadcast_in_dim3A_3111 : vector<512x512xi1>, vector<512x512xf32>
    %get3A_3113 = arith.constant 0 : index
    %get3A_3114 = arith.constant 3584 : index
    %get3A_3115 = vector.load %arg5[%get3A_3113, %get3A_3114] : memref<8x5120xf32, #tpu.memory_space<vmem>>, vector<8x512xf32>
    %while3A_3116 = arith.constant true
    %while3A_3117:2 = scf.while (%while3A_3462 = %get3A_3115, %while3A_3463 = %while3A_3116) : (vector<8x512xf32>, i1) -> (vector<8x512xf32>, i1) {
      scf.condition(%while3A_3463) %while3A_3462, %while3A_3463 : vector<8x512xf32>, i1
    } do {
    ^bb0(%while3A_3462: vector<8x512xf32>, %while3A_3463: i1):
      %dot_general3A_3464 = arith.constant dense<0.000000e+00> : vector<8x512xf32>
      %dot_general3A_3465 = tpu.matmul %while3A_3462, %select_n3A_3112, %dot_general3A_3464 {dimension_numbers = #tpu.dot_dimension_numbers<[1], [0], [0], [1], [0, 0, 1, 1], [], []>, transpose_lhs_hint = false} : vector<8x512xf32>, vector<512x512xf32>, vector<8x512xf32> -> vector<8x512xf32>
      %gt3A_3466 = arith.constant 5.000000e-01 : f32
      %gt3A_3467 = vector.broadcast %gt3A_3466 : f32 to vector<8x512xf32>
      %gt3A_3468 = arith.cmpf ogt, %dot_general3A_3465, %gt3A_3467 : vector<8x512xf32>
      %jit3A_3469 = arith.constant 0.000000e+00 : f32
      %broadcast_in_dim3A_3470 = vector.broadcast %jit3A_3469 : f32 to vector<8x512xf32>
      %select_n3A_3471 = arith.select %gt3A_3468, %broadcast_in_dim3A_3470, %get3A_3115 : vector<8x512xi1>, vector<8x512xf32>
      %dot_general3A_3472 = arith.constant dense<0.000000e+00> : vector<8x512xf32>
      %dot_general3A_3473 = tpu.matmul %select_n3A_3471, %select_n3A_3112, %dot_general3A_3472 {dimension_numbers = #tpu.dot_dimension_numbers<[1], [0], [0], [1], [0, 0, 1, 1], [], []>, transpose_lhs_hint = false} : vector<8x512xf32>, vector<512x512xf32>, vector<8x512xf32> -> vector<8x512xf32>
      %gt3A_3474 = arith.constant 5.000000e-01 : f32
      %gt3A_3475 = vector.broadcast %gt3A_3474 : f32 to vector<8x512xf32>
      %gt3A_3476 = arith.cmpf ogt, %dot_general3A_3473, %gt3A_3475 : vector<8x512xf32>
      %jit3A_3477 = arith.constant 0.000000e+00 : f32
      %broadcast_in_dim3A_3478 = vector.broadcast %jit3A_3477 : f32 to vector<8x512xf32>
      %select_n3A_3479 = arith.select %gt3A_3476, %broadcast_in_dim3A_3478, %get3A_3115 : vector<8x512xi1>, vector<8x512xf32>
      %slice3A_3480 = vector.extract_strided_slice %select_n3A_3479 {offsets = [0, 0], sizes = [1, 512], strides = [1, 1]} : vector<8x512xf32> to vector<1x512xf32>
      %slice3A_3481 = vector.extract_strided_slice %select_n3A_3471 {offsets = [0, 0], sizes = [1, 512], strides = [1, 1]} : vector<8x512xf32> to vector<1x512xf32>
      %ne3A = arith.cmpf one, %slice3A_3480, %slice3A_3481 : vector<1x512xf32>
      %reduce_or3A = arith.constant 1.000000e+00 : f32
      %reduce_or3A_3482 = arith.constant 0.000000e+00 : f32
      %reduce_or3A_3483 = vector.broadcast %reduce_or3A : f32 to vector<1x512xf32>
      %reduce_or3A_3484 = vector.broadcast %reduce_or3A_3482 : f32 to vector<1x512xf32>
      %reduce_or3A_3485 = arith.select %ne3A, %reduce_or3A_3483, %reduce_or3A_3484 : vector<1x512xi1>, vector<1x512xf32>
      %reduce_or3A_3486 = vector.shape_cast %reduce_or3A_3485 : vector<1x512xf32> to vector<1x1x512xf32>
      %reduce_or3A_3487 = arith.constant dense<0xFF800000> : vector<1xf32>
      %reduce_or3A_3488 = vector.multi_reduction <maximumf>, %reduce_or3A_3486, %reduce_or3A_3487 [1, 2] : vector<1x1x512xf32> to vector<1xf32>
      %reduce_or3A_3489 = vector.shape_cast %reduce_or3A_3488 : vector<1xf32> to vector<1x1x1xf32>
      %reduce_or3A_3490 = vector.extract %reduce_or3A_3489[0, 0, 0] : f32 from vector<1x1x1xf32>
      %reduce_or3A_3491 = arith.constant 0.000000e+00 : f32
      %reduce_or3A_3492 = arith.cmpf ogt, %reduce_or3A_3490, %reduce_or3A_3491 : f32
      scf.yield %select_n3A_3479, %reduce_or3A_3492 : vector<8x512xf32>, i1
    }
    %swap3A_3118 = arith.constant 0 : index
    %swap3A_3119 = arith.constant 3584 : index
    %swap3A_3120 = vector.load %arg5[%swap3A_3118, %swap3A_3119] : memref<8x5120xf32, #tpu.memory_space<vmem>>, vector<8x512xf32>
    tpu.vector_store %arg5[%swap3A_3118, %swap3A_3119], %while3A_3117#0 {strides = array<i32>} : memref<8x5120xf32, #tpu.memory_space<vmem>>, vector<8x512xf32>,
    %get3A_3121 = arith.constant 0 : index
    %get3A_3122 = arith.constant 4096 : index
    %get3A_3123 = vector.load %arg1[%get3A_3121, %get3A_3122] : memref<4x5120xf32, #tpu.memory_space<vmem>>, vector<1x512xf32>
    %get3A_3124 = arith.constant 1 : index
    %get3A_3125 = arith.constant 4096 : index
    %get3A_3126 = vector.load %arg1[%get3A_3124, %get3A_3125] : memref<4x5120xf32, #tpu.memory_space<vmem>>, vector<1x512xf32>
    %get3A_3127 = arith.constant 2 : index
    %get3A_3128 = arith.constant 4096 : index
    %get3A_3129 = vector.load %arg1[%get3A_3127, %get3A_3128] : memref<4x5120xf32, #tpu.memory_space<vmem>>, vector<1x512xf32>
    %get3A_3130 = arith.constant 3 : index
    %get3A_3131 = arith.constant 4096 : index
    %get3A_3132 = vector.load %arg1[%get3A_3130, %get3A_3131] : memref<4x5120xf32, #tpu.memory_space<vmem>>, vector<1x512xf32>
    %slice3A_3133 = vector.extract_strided_slice %mul3A_34 {offsets = [0, 4096], sizes = [1, 512], strides = [1, 1]} : vector<1x5120xf32> to vector<1x512xf32>
    %max3A_3134 = vector.broadcast %get3A_3123 : vector<1x512xf32> to vector<512x512xf32>
    %max3A_3135 = arith.maximumf %broadcast_in_dim3A_3058, %max3A_3134 : vector<512x512xf32>
    %max3A_3136 = vector.broadcast %get3A_3126 : vector<1x512xf32> to vector<512x512xf32>
    %max3A_3137 = arith.maximumf %broadcast_in_dim3A_3060, %max3A_3136 : vector<512x512xf32>
    %min3A_3138 = vector.broadcast %get3A_3129 : vector<1x512xf32> to vector<512x512xf32>
    %min3A_3139 = arith.minimumf %broadcast_in_dim3A_3062, %min3A_3138 : vector<512x512xf32>
    %min3A_3140 = vector.broadcast %get3A_3132 : vector<1x512xf32> to vector<512x512xf32>
    %min3A_3141 = arith.minimumf %broadcast_in_dim3A_3064, %min3A_3140 : vector<512x512xf32>
    %sub3A_3142 = arith.subf %min3A_3139, %max3A_3135 : vector<512x512xf32>
    %max3A_3143 = arith.constant 0.000000e+00 : f32
    %max3A_3144 = vector.broadcast %max3A_3143 : f32 to vector<512x512xf32>
    %max3A_3145 = arith.maximumf %sub3A_3142, %max3A_3144 : vector<512x512xf32>
    %sub3A_3146 = arith.subf %min3A_3141, %max3A_3137 : vector<512x512xf32>
    %max3A_3147 = arith.constant 0.000000e+00 : f32
    %max3A_3148 = vector.broadcast %max3A_3147 : f32 to vector<512x512xf32>
    %max3A_3149 = arith.maximumf %sub3A_3146, %max3A_3148 : vector<512x512xf32>
    %mul3A_3150 = arith.mulf %max3A_3145, %max3A_3149 : vector<512x512xf32>
    %add3A_3151 = vector.broadcast %slice3A_3133 : vector<1x512xf32> to vector<512x512xf32>
    %add3A_3152 = arith.addf %broadcast_in_dim3A_3066, %add3A_3151 : vector<512x512xf32>
    %sub3A_3153 = arith.subf %add3A_3152, %mul3A_3150 : vector<512x512xf32>
    %add3A_3154 = arith.constant 9.99999971E-10 : f32
    %add3A_3155 = vector.broadcast %add3A_3154 : f32 to vector<512x512xf32>
    %add3A_3156 = arith.addf %sub3A_3153, %add3A_3155 : vector<512x512xf32>
    %div3A_3157 = arith.divf %mul3A_3150, %add3A_3156 : vector<512x512xf32>
    %gt3A_3158 = arith.constant 5.000000e-01 : f32
    %gt3A_3159 = vector.broadcast %gt3A_3158 : f32 to vector<512x512xf32>
    %gt3A_3160 = arith.cmpf ogt, %div3A_3157, %gt3A_3159 : vector<512x512xf32>
    %jit3A_3161 = arith.constant 1.000000e+00 : f32
    %jit3A_3162 = arith.constant 0.000000e+00 : f32
    %broadcast_in_dim3A_3163 = vector.broadcast %jit3A_3161 : f32 to vector<512x512xf32>
    %broadcast_in_dim3A_3164 = vector.broadcast %jit3A_3162 : f32 to vector<512x512xf32>
    %select_n3A_3165 = arith.select %gt3A_3160, %broadcast_in_dim3A_3163, %broadcast_in_dim3A_3164 : vector<512x512xi1>, vector<512x512xf32>
    %dot_general3A_3166 = arith.constant dense<0.000000e+00> : vector<8x512xf32>
    %dot_general3A_3167 = tpu.matmul %while3A_3117#0, %select_n3A_3165, %dot_general3A_3166 {dimension_numbers = #tpu.dot_dimension_numbers<[1], [0], [0], [1], [0, 0, 1, 1], [], []>, transpose_lhs_hint = false} : vector<8x512xf32>, vector<512x512xf32>, vector<8x512xf32> -> vector<8x512xf32>
    %gt3A_3168 = arith.constant 5.000000e-01 : f32
    %gt3A_3169 = vector.broadcast %gt3A_3168 : f32 to vector<8x512xf32>
    %gt3A_3170 = arith.cmpf ogt, %dot_general3A_3167, %gt3A_3169 : vector<8x512xf32>
    %get3A_3171 = arith.constant 0 : index
    %get3A_3172 = arith.constant 4096 : index
    %get3A_3173 = vector.load %arg5[%get3A_3171, %get3A_3172] : memref<8x5120xf32, #tpu.memory_space<vmem>>, vector<8x512xf32>
    %jit3A_3174 = arith.constant 0.000000e+00 : f32
    %broadcast_in_dim3A_3175 = vector.broadcast %jit3A_3174 : f32 to vector<8x512xf32>
    %select_n3A_3176 = arith.select %gt3A_3170, %broadcast_in_dim3A_3175, %get3A_3173 : vector<8x512xi1>, vector<8x512xf32>
    %swap3A_3177 = arith.constant 0 : index
    %swap3A_3178 = arith.constant 4096 : index
    %swap3A_3179 = vector.load %arg5[%swap3A_3177, %swap3A_3178] : memref<8x5120xf32, #tpu.memory_space<vmem>>, vector<8x512xf32>
    tpu.vector_store %arg5[%swap3A_3177, %swap3A_3178], %select_n3A_3176 {strides = array<i32>} : memref<8x5120xf32, #tpu.memory_space<vmem>>, vector<8x512xf32>,
    %get3A_3180 = arith.constant 0 : index
    %get3A_3181 = arith.constant 4608 : index
    %get3A_3182 = vector.load %arg1[%get3A_3180, %get3A_3181] : memref<4x5120xf32, #tpu.memory_space<vmem>>, vector<1x512xf32>
    %get3A_3183 = arith.constant 1 : index
    %get3A_3184 = arith.constant 4608 : index
    %get3A_3185 = vector.load %arg1[%get3A_3183, %get3A_3184] : memref<4x5120xf32, #tpu.memory_space<vmem>>, vector<1x512xf32>
    %get3A_3186 = arith.constant 2 : index
    %get3A_3187 = arith.constant 4608 : index
    %get3A_3188 = vector.load %arg1[%get3A_3186, %get3A_3187] : memref<4x5120xf32, #tpu.memory_space<vmem>>, vector<1x512xf32>
    %get3A_3189 = arith.constant 3 : index
    %get3A_3190 = arith.constant 4608 : index
    %get3A_3191 = vector.load %arg1[%get3A_3189, %get3A_3190] : memref<4x5120xf32, #tpu.memory_space<vmem>>, vector<1x512xf32>
    %slice3A_3192 = vector.extract_strided_slice %mul3A_34 {offsets = [0, 4608], sizes = [1, 512], strides = [1, 1]} : vector<1x5120xf32> to vector<1x512xf32>
    %max3A_3193 = vector.broadcast %get3A_3182 : vector<1x512xf32> to vector<512x512xf32>
    %max3A_3194 = arith.maximumf %broadcast_in_dim3A_3058, %max3A_3193 : vector<512x512xf32>
    %max3A_3195 = vector.broadcast %get3A_3185 : vector<1x512xf32> to vector<512x512xf32>
    %max3A_3196 = arith.maximumf %broadcast_in_dim3A_3060, %max3A_3195 : vector<512x512xf32>
    %min3A_3197 = vector.broadcast %get3A_3188 : vector<1x512xf32> to vector<512x512xf32>
    %min3A_3198 = arith.minimumf %broadcast_in_dim3A_3062, %min3A_3197 : vector<512x512xf32>
    %min3A_3199 = vector.broadcast %get3A_3191 : vector<1x512xf32> to vector<512x512xf32>
    %min3A_3200 = arith.minimumf %broadcast_in_dim3A_3064, %min3A_3199 : vector<512x512xf32>
    %sub3A_3201 = arith.subf %min3A_3198, %max3A_3194 : vector<512x512xf32>
    %max3A_3202 = arith.constant 0.000000e+00 : f32
    %max3A_3203 = vector.broadcast %max3A_3202 : f32 to vector<512x512xf32>
    %max3A_3204 = arith.maximumf %sub3A_3201, %max3A_3203 : vector<512x512xf32>
    %sub3A_3205 = arith.subf %min3A_3200, %max3A_3196 : vector<512x512xf32>
    %max3A_3206 = arith.constant 0.000000e+00 : f32
    %max3A_3207 = vector.broadcast %max3A_3206 : f32 to vector<512x512xf32>
    %max3A_3208 = arith.maximumf %sub3A_3205, %max3A_3207 : vector<512x512xf32>
    %mul3A_3209 = arith.mulf %max3A_3204, %max3A_3208 : vector<512x512xf32>
    %add3A_3210 = vector.broadcast %slice3A_3192 : vector<1x512xf32> to vector<512x512xf32>
    %add3A_3211 = arith.addf %broadcast_in_dim3A_3066, %add3A_3210 : vector<512x512xf32>
    %sub3A_3212 = arith.subf %add3A_3211, %mul3A_3209 : vector<512x512xf32>
    %add3A_3213 = arith.constant 9.99999971E-10 : f32
    %add3A_3214 = vector.broadcast %add3A_3213 : f32 to vector<512x512xf32>
    %add3A_3215 = arith.addf %sub3A_3212, %add3A_3214 : vector<512x512xf32>
    %div3A_3216 = arith.divf %mul3A_3209, %add3A_3215 : vector<512x512xf32>
    %gt3A_3217 = arith.constant 5.000000e-01 : f32
    %gt3A_3218 = vector.broadcast %gt3A_3217 : f32 to vector<512x512xf32>
    %gt3A_3219 = arith.cmpf ogt, %div3A_3216, %gt3A_3218 : vector<512x512xf32>
    %jit3A_3220 = arith.constant 1.000000e+00 : f32
    %jit3A_3221 = arith.constant 0.000000e+00 : f32
    %broadcast_in_dim3A_3222 = vector.broadcast %jit3A_3220 : f32 to vector<512x512xf32>
    %broadcast_in_dim3A_3223 = vector.broadcast %jit3A_3221 : f32 to vector<512x512xf32>
    %select_n3A_3224 = arith.select %gt3A_3219, %broadcast_in_dim3A_3222, %broadcast_in_dim3A_3223 : vector<512x512xi1>, vector<512x512xf32>
    %dot_general3A_3225 = arith.constant dense<0.000000e+00> : vector<8x512xf32>
    %dot_general3A_3226 = tpu.matmul %while3A_3117#0, %select_n3A_3224, %dot_general3A_3225 {dimension_numbers = #tpu.dot_dimension_numbers<[1], [0], [0], [1], [0, 0, 1, 1], [], []>, transpose_lhs_hint = false} : vector<8x512xf32>, vector<512x512xf32>, vector<8x512xf32> -> vector<8x512xf32>
    %gt3A_3227 = arith.constant 5.000000e-01 : f32
    %gt3A_3228 = vector.broadcast %gt3A_3227 : f32 to vector<8x512xf32>
    %gt3A_3229 = arith.cmpf ogt, %dot_general3A_3226, %gt3A_3228 : vector<8x512xf32>
    %get3A_3230 = arith.constant 0 : index
    %get3A_3231 = arith.constant 4608 : index
    %get3A_3232 = vector.load %arg5[%get3A_3230, %get3A_3231] : memref<8x5120xf32, #tpu.memory_space<vmem>>, vector<8x512xf32>
    %jit3A_3233 = arith.constant 0.000000e+00 : f32
    %broadcast_in_dim3A_3234 = vector.broadcast %jit3A_3233 : f32 to vector<8x512xf32>
    %select_n3A_3235 = arith.select %gt3A_3229, %broadcast_in_dim3A_3234, %get3A_3232 : vector<8x512xi1>, vector<8x512xf32>
    %swap3A_3236 = arith.constant 0 : index
    %swap3A_3237 = arith.constant 4608 : index
    %swap3A_3238 = vector.load %arg5[%swap3A_3236, %swap3A_3237] : memref<8x5120xf32, #tpu.memory_space<vmem>>, vector<8x512xf32>
    tpu.vector_store %arg5[%swap3A_3236, %swap3A_3237], %select_n3A_3235 {strides = array<i32>} : memref<8x5120xf32, #tpu.memory_space<vmem>>, vector<8x512xf32>,
    %get3A_3239 = arith.constant 4096 : index
    %get3A_3240 = arith.constant 0 : index
    %get3A_3241 = vector.load %arg0[%get3A_3239, %get3A_3240] : memref<5120x4xf32, #tpu.memory_space<vmem>>, vector<512x1xf32>
    %get3A_3242 = arith.constant 4096 : index
    %get3A_3243 = arith.constant 1 : index
    %get3A_3244 = vector.load %arg0[%get3A_3242, %get3A_3243] : memref<5120x4xf32, #tpu.memory_space<vmem>>, vector<512x1xf32>
    %get3A_3245 = arith.constant 4096 : index
    %get3A_3246 = arith.constant 2 : index
    %get3A_3247 = vector.load %arg0[%get3A_3245, %get3A_3246] : memref<5120x4xf32, #tpu.memory_space<vmem>>, vector<512x1xf32>
    %get3A_3248 = arith.constant 4096 : index
    %get3A_3249 = arith.constant 3 : index
    %get3A_3250 = vector.load %arg0[%get3A_3248, %get3A_3249] : memref<5120x4xf32, #tpu.memory_space<vmem>>, vector<512x1xf32>
    %slice3A_3251 = vector.extract_strided_slice %mul3A {offsets = [4096, 0], sizes = [512, 1], strides = [1, 1]} : vector<5120x1xf32> to vector<512x1xf32>
    %broadcast_in_dim3A_3252 = vector.shape_cast %get3A_3241 : vector<512x1xf32> to vector<512x1xf32>
    %broadcast_in_dim3A_3253 = vector.broadcast %broadcast_in_dim3A_3252 : vector<512x1xf32> to vector<512x512xf32>
    %broadcast_in_dim3A_3254 = vector.shape_cast %get3A_3244 : vector<512x1xf32> to vector<512x1xf32>
    %broadcast_in_dim3A_3255 = vector.broadcast %broadcast_in_dim3A_3254 : vector<512x1xf32> to vector<512x512xf32>
    %broadcast_in_dim3A_3256 = vector.shape_cast %get3A_3247 : vector<512x1xf32> to vector<512x1xf32>
    %broadcast_in_dim3A_3257 = vector.broadcast %broadcast_in_dim3A_3256 : vector<512x1xf32> to vector<512x512xf32>
    %broadcast_in_dim3A_3258 = vector.shape_cast %get3A_3250 : vector<512x1xf32> to vector<512x1xf32>
    %broadcast_in_dim3A_3259 = vector.broadcast %broadcast_in_dim3A_3258 : vector<512x1xf32> to vector<512x512xf32>
    %broadcast_in_dim3A_3260 = vector.shape_cast %slice3A_3251 : vector<512x1xf32> to vector<512x1xf32>
    %broadcast_in_dim3A_3261 = vector.broadcast %broadcast_in_dim3A_3260 : vector<512x1xf32> to vector<512x512xf32>
    %get3A_3262 = arith.constant 0 : index
    %get3A_3263 = arith.constant 4096 : index
    %get3A_3264 = vector.load %arg1[%get3A_3262, %get3A_3263] : memref<4x5120xf32, #tpu.memory_space<vmem>>, vector<1x512xf32>
    %get3A_3265 = arith.constant 1 : index
    %get3A_3266 = arith.constant 4096 : index
    %get3A_3267 = vector.load %arg1[%get3A_3265, %get3A_3266] : memref<4x5120xf32, #tpu.memory_space<vmem>>, vector<1x512xf32>
    %get3A_3268 = arith.constant 2 : index
    %get3A_3269 = arith.constant 4096 : index
    %get3A_3270 = vector.load %arg1[%get3A_3268, %get3A_3269] : memref<4x5120xf32, #tpu.memory_space<vmem>>, vector<1x512xf32>
    %get3A_3271 = arith.constant 3 : index
    %get3A_3272 = arith.constant 4096 : index
    %get3A_3273 = vector.load %arg1[%get3A_3271, %get3A_3272] : memref<4x5120xf32, #tpu.memory_space<vmem>>, vector<1x512xf32>
    %slice3A_3274 = vector.extract_strided_slice %mul3A_34 {offsets = [0, 4096], sizes = [1, 512], strides = [1, 1]} : vector<1x5120xf32> to vector<1x512xf32>
    %max3A_3275 = vector.broadcast %get3A_3264 : vector<1x512xf32> to vector<512x512xf32>
    %max3A_3276 = arith.maximumf %broadcast_in_dim3A_3253, %max3A_3275 : vector<512x512xf32>
    %max3A_3277 = vector.broadcast %get3A_3267 : vector<1x512xf32> to vector<512x512xf32>
    %max3A_3278 = arith.maximumf %broadcast_in_dim3A_3255, %max3A_3277 : vector<512x512xf32>
    %min3A_3279 = vector.broadcast %get3A_3270 : vector<1x512xf32> to vector<512x512xf32>
    %min3A_3280 = arith.minimumf %broadcast_in_dim3A_3257, %min3A_3279 : vector<512x512xf32>
    %min3A_3281 = vector.broadcast %get3A_3273 : vector<1x512xf32> to vector<512x512xf32>
    %min3A_3282 = arith.minimumf %broadcast_in_dim3A_3259, %min3A_3281 : vector<512x512xf32>
    %sub3A_3283 = arith.subf %min3A_3280, %max3A_3276 : vector<512x512xf32>
    %max3A_3284 = arith.constant 0.000000e+00 : f32
    %max3A_3285 = vector.broadcast %max3A_3284 : f32 to vector<512x512xf32>
    %max3A_3286 = arith.maximumf %sub3A_3283, %max3A_3285 : vector<512x512xf32>
    %sub3A_3287 = arith.subf %min3A_3282, %max3A_3278 : vector<512x512xf32>
    %max3A_3288 = arith.constant 0.000000e+00 : f32
    %max3A_3289 = vector.broadcast %max3A_3288 : f32 to vector<512x512xf32>
    %max3A_3290 = arith.maximumf %sub3A_3287, %max3A_3289 : vector<512x512xf32>
    %mul3A_3291 = arith.mulf %max3A_3286, %max3A_3290 : vector<512x512xf32>
    %add3A_3292 = vector.broadcast %slice3A_3274 : vector<1x512xf32> to vector<512x512xf32>
    %add3A_3293 = arith.addf %broadcast_in_dim3A_3261, %add3A_3292 : vector<512x512xf32>
    %sub3A_3294 = arith.subf %add3A_3293, %mul3A_3291 : vector<512x512xf32>
    %add3A_3295 = arith.constant 9.99999971E-10 : f32
    %add3A_3296 = vector.broadcast %add3A_3295 : f32 to vector<512x512xf32>
    %add3A_3297 = arith.addf %sub3A_3294, %add3A_3296 : vector<512x512xf32>
    %div3A_3298 = arith.divf %mul3A_3291, %add3A_3297 : vector<512x512xf32>
    %gt3A_3299 = arith.constant 5.000000e-01 : f32
    %gt3A_3300 = vector.broadcast %gt3A_3299 : f32 to vector<512x512xf32>
    %gt3A_3301 = arith.cmpf ogt, %div3A_3298, %gt3A_3300 : vector<512x512xf32>
    %and3A_3302 = arith.andi %gt3A_3301, %gt3A : vector<512x512xi1>
    %jit3A_3303 = arith.constant 1.000000e+00 : f32
    %jit3A_3304 = arith.constant 0.000000e+00 : f32
    %broadcast_in_dim3A_3305 = vector.broadcast %jit3A_3303 : f32 to vector<512x512xf32>
    %broadcast_in_dim3A_3306 = vector.broadcast %jit3A_3304 : f32 to vector<512x512xf32>
    %select_n3A_3307 = arith.select %and3A_3302, %broadcast_in_dim3A_3305, %broadcast_in_dim3A_3306 : vector<512x512xi1>, vector<512x512xf32>
    %get3A_3308 = arith.constant 0 : index
    %get3A_3309 = arith.constant 4096 : index
    %get3A_3310 = vector.load %arg5[%get3A_3308, %get3A_3309] : memref<8x5120xf32, #tpu.memory_space<vmem>>, vector<8x512xf32>
    %while3A_3311 = arith.constant true
    %while3A_3312:2 = scf.while (%while3A_3462 = %get3A_3310, %while3A_3463 = %while3A_3311) : (vector<8x512xf32>, i1) -> (vector<8x512xf32>, i1) {
      scf.condition(%while3A_3463) %while3A_3462, %while3A_3463 : vector<8x512xf32>, i1
    } do {
    ^bb0(%while3A_3462: vector<8x512xf32>, %while3A_3463: i1):
      %dot_general3A_3464 = arith.constant dense<0.000000e+00> : vector<8x512xf32>
      %dot_general3A_3465 = tpu.matmul %while3A_3462, %select_n3A_3307, %dot_general3A_3464 {dimension_numbers = #tpu.dot_dimension_numbers<[1], [0], [0], [1], [0, 0, 1, 1], [], []>, transpose_lhs_hint = false} : vector<8x512xf32>, vector<512x512xf32>, vector<8x512xf32> -> vector<8x512xf32>
      %gt3A_3466 = arith.constant 5.000000e-01 : f32
      %gt3A_3467 = vector.broadcast %gt3A_3466 : f32 to vector<8x512xf32>
      %gt3A_3468 = arith.cmpf ogt, %dot_general3A_3465, %gt3A_3467 : vector<8x512xf32>
      %jit3A_3469 = arith.constant 0.000000e+00 : f32
      %broadcast_in_dim3A_3470 = vector.broadcast %jit3A_3469 : f32 to vector<8x512xf32>
      %select_n3A_3471 = arith.select %gt3A_3468, %broadcast_in_dim3A_3470, %get3A_3310 : vector<8x512xi1>, vector<8x512xf32>
      %dot_general3A_3472 = arith.constant dense<0.000000e+00> : vector<8x512xf32>
      %dot_general3A_3473 = tpu.matmul %select_n3A_3471, %select_n3A_3307, %dot_general3A_3472 {dimension_numbers = #tpu.dot_dimension_numbers<[1], [0], [0], [1], [0, 0, 1, 1], [], []>, transpose_lhs_hint = false} : vector<8x512xf32>, vector<512x512xf32>, vector<8x512xf32> -> vector<8x512xf32>
      %gt3A_3474 = arith.constant 5.000000e-01 : f32
      %gt3A_3475 = vector.broadcast %gt3A_3474 : f32 to vector<8x512xf32>
      %gt3A_3476 = arith.cmpf ogt, %dot_general3A_3473, %gt3A_3475 : vector<8x512xf32>
      %jit3A_3477 = arith.constant 0.000000e+00 : f32
      %broadcast_in_dim3A_3478 = vector.broadcast %jit3A_3477 : f32 to vector<8x512xf32>
      %select_n3A_3479 = arith.select %gt3A_3476, %broadcast_in_dim3A_3478, %get3A_3310 : vector<8x512xi1>, vector<8x512xf32>
      %slice3A_3480 = vector.extract_strided_slice %select_n3A_3479 {offsets = [0, 0], sizes = [1, 512], strides = [1, 1]} : vector<8x512xf32> to vector<1x512xf32>
      %slice3A_3481 = vector.extract_strided_slice %select_n3A_3471 {offsets = [0, 0], sizes = [1, 512], strides = [1, 1]} : vector<8x512xf32> to vector<1x512xf32>
      %ne3A = arith.cmpf one, %slice3A_3480, %slice3A_3481 : vector<1x512xf32>
      %reduce_or3A = arith.constant 1.000000e+00 : f32
      %reduce_or3A_3482 = arith.constant 0.000000e+00 : f32
      %reduce_or3A_3483 = vector.broadcast %reduce_or3A : f32 to vector<1x512xf32>
      %reduce_or3A_3484 = vector.broadcast %reduce_or3A_3482 : f32 to vector<1x512xf32>
      %reduce_or3A_3485 = arith.select %ne3A, %reduce_or3A_3483, %reduce_or3A_3484 : vector<1x512xi1>, vector<1x512xf32>
      %reduce_or3A_3486 = vector.shape_cast %reduce_or3A_3485 : vector<1x512xf32> to vector<1x1x512xf32>
      %reduce_or3A_3487 = arith.constant dense<0xFF800000> : vector<1xf32>
      %reduce_or3A_3488 = vector.multi_reduction <maximumf>, %reduce_or3A_3486, %reduce_or3A_3487 [1, 2] : vector<1x1x512xf32> to vector<1xf32>
      %reduce_or3A_3489 = vector.shape_cast %reduce_or3A_3488 : vector<1xf32> to vector<1x1x1xf32>
      %reduce_or3A_3490 = vector.extract %reduce_or3A_3489[0, 0, 0] : f32 from vector<1x1x1xf32>
      %reduce_or3A_3491 = arith.constant 0.000000e+00 : f32
      %reduce_or3A_3492 = arith.cmpf ogt, %reduce_or3A_3490, %reduce_or3A_3491 : f32
      scf.yield %select_n3A_3479, %reduce_or3A_3492 : vector<8x512xf32>, i1
    }
    %swap3A_3313 = arith.constant 0 : index
    %swap3A_3314 = arith.constant 4096 : index
    %swap3A_3315 = vector.load %arg5[%swap3A_3313, %swap3A_3314] : memref<8x5120xf32, #tpu.memory_space<vmem>>, vector<8x512xf32>
    tpu.vector_store %arg5[%swap3A_3313, %swap3A_3314], %while3A_3312#0 {strides = array<i32>} : memref<8x5120xf32, #tpu.memory_space<vmem>>, vector<8x512xf32>,
    %get3A_3316 = arith.constant 0 : index
    %get3A_3317 = arith.constant 4608 : index
    %get3A_3318 = vector.load %arg1[%get3A_3316, %get3A_3317] : memref<4x5120xf32, #tpu.memory_space<vmem>>, vector<1x512xf32>
    %get3A_3319 = arith.constant 1 : index
    %get3A_3320 = arith.constant 4608 : index
    %get3A_3321 = vector.load %arg1[%get3A_3319, %get3A_3320] : memref<4x5120xf32, #tpu.memory_space<vmem>>, vector<1x512xf32>
    %get3A_3322 = arith.constant 2 : index
    %get3A_3323 = arith.constant 4608 : index
    %get3A_3324 = vector.load %arg1[%get3A_3322, %get3A_3323] : memref<4x5120xf32, #tpu.memory_space<vmem>>, vector<1x512xf32>
    %get3A_3325 = arith.constant 3 : index
    %get3A_3326 = arith.constant 4608 : index
    %get3A_3327 = vector.load %arg1[%get3A_3325, %get3A_3326] : memref<4x5120xf32, #tpu.memory_space<vmem>>, vector<1x512xf32>
    %slice3A_3328 = vector.extract_strided_slice %mul3A_34 {offsets = [0, 4608], sizes = [1, 512], strides = [1, 1]} : vector<1x5120xf32> to vector<1x512xf32>
    %max3A_3329 = vector.broadcast %get3A_3318 : vector<1x512xf32> to vector<512x512xf32>
    %max3A_3330 = arith.maximumf %broadcast_in_dim3A_3253, %max3A_3329 : vector<512x512xf32>
    %max3A_3331 = vector.broadcast %get3A_3321 : vector<1x512xf32> to vector<512x512xf32>
    %max3A_3332 = arith.maximumf %broadcast_in_dim3A_3255, %max3A_3331 : vector<512x512xf32>
    %min3A_3333 = vector.broadcast %get3A_3324 : vector<1x512xf32> to vector<512x512xf32>
    %min3A_3334 = arith.minimumf %broadcast_in_dim3A_3257, %min3A_3333 : vector<512x512xf32>
    %min3A_3335 = vector.broadcast %get3A_3327 : vector<1x512xf32> to vector<512x512xf32>
    %min3A_3336 = arith.minimumf %broadcast_in_dim3A_3259, %min3A_3335 : vector<512x512xf32>
    %sub3A_3337 = arith.subf %min3A_3334, %max3A_3330 : vector<512x512xf32>
    %max3A_3338 = arith.constant 0.000000e+00 : f32
    %max3A_3339 = vector.broadcast %max3A_3338 : f32 to vector<512x512xf32>
    %max3A_3340 = arith.maximumf %sub3A_3337, %max3A_3339 : vector<512x512xf32>
    %sub3A_3341 = arith.subf %min3A_3336, %max3A_3332 : vector<512x512xf32>
    %max3A_3342 = arith.constant 0.000000e+00 : f32
    %max3A_3343 = vector.broadcast %max3A_3342 : f32 to vector<512x512xf32>
    %max3A_3344 = arith.maximumf %sub3A_3341, %max3A_3343 : vector<512x512xf32>
    %mul3A_3345 = arith.mulf %max3A_3340, %max3A_3344 : vector<512x512xf32>
    %add3A_3346 = vector.broadcast %slice3A_3328 : vector<1x512xf32> to vector<512x512xf32>
    %add3A_3347 = arith.addf %broadcast_in_dim3A_3261, %add3A_3346 : vector<512x512xf32>
    %sub3A_3348 = arith.subf %add3A_3347, %mul3A_3345 : vector<512x512xf32>
    %add3A_3349 = arith.constant 9.99999971E-10 : f32
    %add3A_3350 = vector.broadcast %add3A_3349 : f32 to vector<512x512xf32>
    %add3A_3351 = arith.addf %sub3A_3348, %add3A_3350 : vector<512x512xf32>
    %div3A_3352 = arith.divf %mul3A_3345, %add3A_3351 : vector<512x512xf32>
    %gt3A_3353 = arith.constant 5.000000e-01 : f32
    %gt3A_3354 = vector.broadcast %gt3A_3353 : f32 to vector<512x512xf32>
    %gt3A_3355 = arith.cmpf ogt, %div3A_3352, %gt3A_3354 : vector<512x512xf32>
    %jit3A_3356 = arith.constant 1.000000e+00 : f32
    %jit3A_3357 = arith.constant 0.000000e+00 : f32
    %broadcast_in_dim3A_3358 = vector.broadcast %jit3A_3356 : f32 to vector<512x512xf32>
    %broadcast_in_dim3A_3359 = vector.broadcast %jit3A_3357 : f32 to vector<512x512xf32>
    %select_n3A_3360 = arith.select %gt3A_3355, %broadcast_in_dim3A_3358, %broadcast_in_dim3A_3359 : vector<512x512xi1>, vector<512x512xf32>
    %dot_general3A_3361 = arith.constant dense<0.000000e+00> : vector<8x512xf32>
    %dot_general3A_3362 = tpu.matmul %while3A_3312#0, %select_n3A_3360, %dot_general3A_3361 {dimension_numbers = #tpu.dot_dimension_numbers<[1], [0], [0], [1], [0, 0, 1, 1], [], []>, transpose_lhs_hint = false} : vector<8x512xf32>, vector<512x512xf32>, vector<8x512xf32> -> vector<8x512xf32>
    %gt3A_3363 = arith.constant 5.000000e-01 : f32
    %gt3A_3364 = vector.broadcast %gt3A_3363 : f32 to vector<8x512xf32>
    %gt3A_3365 = arith.cmpf ogt, %dot_general3A_3362, %gt3A_3364 : vector<8x512xf32>
    %get3A_3366 = arith.constant 0 : index
    %get3A_3367 = arith.constant 4608 : index
    %get3A_3368 = vector.load %arg5[%get3A_3366, %get3A_3367] : memref<8x5120xf32, #tpu.memory_space<vmem>>, vector<8x512xf32>
    %jit3A_3369 = arith.constant 0.000000e+00 : f32
    %broadcast_in_dim3A_3370 = vector.broadcast %jit3A_3369 : f32 to vector<8x512xf32>
    %select_n3A_3371 = arith.select %gt3A_3365, %broadcast_in_dim3A_3370, %get3A_3368 : vector<8x512xi1>, vector<8x512xf32>
    %swap3A_3372 = arith.constant 0 : index
    %swap3A_3373 = arith.constant 4608 : index
    %swap3A_3374 = vector.load %arg5[%swap3A_3372, %swap3A_3373] : memref<8x5120xf32, #tpu.memory_space<vmem>>, vector<8x512xf32>
    tpu.vector_store %arg5[%swap3A_3372, %swap3A_3373], %select_n3A_3371 {strides = array<i32>} : memref<8x5120xf32, #tpu.memory_space<vmem>>, vector<8x512xf32>,
    %get3A_3375 = arith.constant 4608 : index
    %get3A_3376 = arith.constant 0 : index
    %get3A_3377 = vector.load %arg0[%get3A_3375, %get3A_3376] : memref<5120x4xf32, #tpu.memory_space<vmem>>, vector<512x1xf32>
    %get3A_3378 = arith.constant 4608 : index
    %get3A_3379 = arith.constant 1 : index
    %get3A_3380 = vector.load %arg0[%get3A_3378, %get3A_3379] : memref<5120x4xf32, #tpu.memory_space<vmem>>, vector<512x1xf32>
    %get3A_3381 = arith.constant 4608 : index
    %get3A_3382 = arith.constant 2 : index
    %get3A_3383 = vector.load %arg0[%get3A_3381, %get3A_3382] : memref<5120x4xf32, #tpu.memory_space<vmem>>, vector<512x1xf32>
    %get3A_3384 = arith.constant 4608 : index
    %get3A_3385 = arith.constant 3 : index
    %get3A_3386 = vector.load %arg0[%get3A_3384, %get3A_3385] : memref<5120x4xf32, #tpu.memory_space<vmem>>, vector<512x1xf32>
    %slice3A_3387 = vector.extract_strided_slice %mul3A {offsets = [4608, 0], sizes = [512, 1], strides = [1, 1]} : vector<5120x1xf32> to vector<512x1xf32>
    %broadcast_in_dim3A_3388 = vector.shape_cast %get3A_3377 : vector<512x1xf32> to vector<512x1xf32>
    %broadcast_in_dim3A_3389 = vector.broadcast %broadcast_in_dim3A_3388 : vector<512x1xf32> to vector<512x512xf32>
    %broadcast_in_dim3A_3390 = vector.shape_cast %get3A_3380 : vector<512x1xf32> to vector<512x1xf32>
    %broadcast_in_dim3A_3391 = vector.broadcast %broadcast_in_dim3A_3390 : vector<512x1xf32> to vector<512x512xf32>
    %broadcast_in_dim3A_3392 = vector.shape_cast %get3A_3383 : vector<512x1xf32> to vector<512x1xf32>
    %broadcast_in_dim3A_3393 = vector.broadcast %broadcast_in_dim3A_3392 : vector<512x1xf32> to vector<512x512xf32>
    %broadcast_in_dim3A_3394 = vector.shape_cast %get3A_3386 : vector<512x1xf32> to vector<512x1xf32>
    %broadcast_in_dim3A_3395 = vector.broadcast %broadcast_in_dim3A_3394 : vector<512x1xf32> to vector<512x512xf32>
    %broadcast_in_dim3A_3396 = vector.shape_cast %slice3A_3387 : vector<512x1xf32> to vector<512x1xf32>
    %broadcast_in_dim3A_3397 = vector.broadcast %broadcast_in_dim3A_3396 : vector<512x1xf32> to vector<512x512xf32>
    %get3A_3398 = arith.constant 0 : index
    %get3A_3399 = arith.constant 4608 : index
    %get3A_3400 = vector.load %arg1[%get3A_3398, %get3A_3399] : memref<4x5120xf32, #tpu.memory_space<vmem>>, vector<1x512xf32>
    %get3A_3401 = arith.constant 1 : index
    %get3A_3402 = arith.constant 4608 : index
    %get3A_3403 = vector.load %arg1[%get3A_3401, %get3A_3402] : memref<4x5120xf32, #tpu.memory_space<vmem>>, vector<1x512xf32>
    %get3A_3404 = arith.constant 2 : index
    %get3A_3405 = arith.constant 4608 : index
    %get3A_3406 = vector.load %arg1[%get3A_3404, %get3A_3405] : memref<4x5120xf32, #tpu.memory_space<vmem>>, vector<1x512xf32>
    %get3A_3407 = arith.constant 3 : index
    %get3A_3408 = arith.constant 4608 : index
    %get3A_3409 = vector.load %arg1[%get3A_3407, %get3A_3408] : memref<4x5120xf32, #tpu.memory_space<vmem>>, vector<1x512xf32>
    %slice3A_3410 = vector.extract_strided_slice %mul3A_34 {offsets = [0, 4608], sizes = [1, 512], strides = [1, 1]} : vector<1x5120xf32> to vector<1x512xf32>
    %max3A_3411 = vector.broadcast %get3A_3400 : vector<1x512xf32> to vector<512x512xf32>
    %max3A_3412 = arith.maximumf %broadcast_in_dim3A_3389, %max3A_3411 : vector<512x512xf32>
    %max3A_3413 = vector.broadcast %get3A_3403 : vector<1x512xf32> to vector<512x512xf32>
    %max3A_3414 = arith.maximumf %broadcast_in_dim3A_3391, %max3A_3413 : vector<512x512xf32>
    %min3A_3415 = vector.broadcast %get3A_3406 : vector<1x512xf32> to vector<512x512xf32>
    %min3A_3416 = arith.minimumf %broadcast_in_dim3A_3393, %min3A_3415 : vector<512x512xf32>
    %min3A_3417 = vector.broadcast %get3A_3409 : vector<1x512xf32> to vector<512x512xf32>
    %min3A_3418 = arith.minimumf %broadcast_in_dim3A_3395, %min3A_3417 : vector<512x512xf32>
    %sub3A_3419 = arith.subf %min3A_3416, %max3A_3412 : vector<512x512xf32>
    %max3A_3420 = arith.constant 0.000000e+00 : f32
    %max3A_3421 = vector.broadcast %max3A_3420 : f32 to vector<512x512xf32>
    %max3A_3422 = arith.maximumf %sub3A_3419, %max3A_3421 : vector<512x512xf32>
    %sub3A_3423 = arith.subf %min3A_3418, %max3A_3414 : vector<512x512xf32>
    %max3A_3424 = arith.constant 0.000000e+00 : f32
    %max3A_3425 = vector.broadcast %max3A_3424 : f32 to vector<512x512xf32>
    %max3A_3426 = arith.maximumf %sub3A_3423, %max3A_3425 : vector<512x512xf32>
    %mul3A_3427 = arith.mulf %max3A_3422, %max3A_3426 : vector<512x512xf32>
    %add3A_3428 = vector.broadcast %slice3A_3410 : vector<1x512xf32> to vector<512x512xf32>
    %add3A_3429 = arith.addf %broadcast_in_dim3A_3397, %add3A_3428 : vector<512x512xf32>
    %sub3A_3430 = arith.subf %add3A_3429, %mul3A_3427 : vector<512x512xf32>
    %add3A_3431 = arith.constant 9.99999971E-10 : f32
    %add3A_3432 = vector.broadcast %add3A_3431 : f32 to vector<512x512xf32>
    %add3A_3433 = arith.addf %sub3A_3430, %add3A_3432 : vector<512x512xf32>
    %div3A_3434 = arith.divf %mul3A_3427, %add3A_3433 : vector<512x512xf32>
    %gt3A_3435 = arith.constant 5.000000e-01 : f32
    %gt3A_3436 = vector.broadcast %gt3A_3435 : f32 to vector<512x512xf32>
    %gt3A_3437 = arith.cmpf ogt, %div3A_3434, %gt3A_3436 : vector<512x512xf32>
    %and3A_3438 = arith.andi %gt3A_3437, %gt3A : vector<512x512xi1>
    %jit3A_3439 = arith.constant 1.000000e+00 : f32
    %jit3A_3440 = arith.constant 0.000000e+00 : f32
    %broadcast_in_dim3A_3441 = vector.broadcast %jit3A_3439 : f32 to vector<512x512xf32>
    %broadcast_in_dim3A_3442 = vector.broadcast %jit3A_3440 : f32 to vector<512x512xf32>
    %select_n3A_3443 = arith.select %and3A_3438, %broadcast_in_dim3A_3441, %broadcast_in_dim3A_3442 : vector<512x512xi1>, vector<512x512xf32>
    %get3A_3444 = arith.constant 0 : index
    %get3A_3445 = arith.constant 4608 : index
    %get3A_3446 = vector.load %arg5[%get3A_3444, %get3A_3445] : memref<8x5120xf32, #tpu.memory_space<vmem>>, vector<8x512xf32>
    %while3A_3447 = arith.constant true
    %while3A_3448:2 = scf.while (%while3A_3462 = %get3A_3446, %while3A_3463 = %while3A_3447) : (vector<8x512xf32>, i1) -> (vector<8x512xf32>, i1) {
      scf.condition(%while3A_3463) %while3A_3462, %while3A_3463 : vector<8x512xf32>, i1
    } do {
    ^bb0(%while3A_3462: vector<8x512xf32>, %while3A_3463: i1):
      %dot_general3A_3464 = arith.constant dense<0.000000e+00> : vector<8x512xf32>
      %dot_general3A_3465 = tpu.matmul %while3A_3462, %select_n3A_3443, %dot_general3A_3464 {dimension_numbers = #tpu.dot_dimension_numbers<[1], [0], [0], [1], [0, 0, 1, 1], [], []>, transpose_lhs_hint = false} : vector<8x512xf32>, vector<512x512xf32>, vector<8x512xf32> -> vector<8x512xf32>
      %gt3A_3466 = arith.constant 5.000000e-01 : f32
      %gt3A_3467 = vector.broadcast %gt3A_3466 : f32 to vector<8x512xf32>
      %gt3A_3468 = arith.cmpf ogt, %dot_general3A_3465, %gt3A_3467 : vector<8x512xf32>
      %jit3A_3469 = arith.constant 0.000000e+00 : f32
      %broadcast_in_dim3A_3470 = vector.broadcast %jit3A_3469 : f32 to vector<8x512xf32>
      %select_n3A_3471 = arith.select %gt3A_3468, %broadcast_in_dim3A_3470, %get3A_3446 : vector<8x512xi1>, vector<8x512xf32>
      %dot_general3A_3472 = arith.constant dense<0.000000e+00> : vector<8x512xf32>
      %dot_general3A_3473 = tpu.matmul %select_n3A_3471, %select_n3A_3443, %dot_general3A_3472 {dimension_numbers = #tpu.dot_dimension_numbers<[1], [0], [0], [1], [0, 0, 1, 1], [], []>, transpose_lhs_hint = false} : vector<8x512xf32>, vector<512x512xf32>, vector<8x512xf32> -> vector<8x512xf32>
      %gt3A_3474 = arith.constant 5.000000e-01 : f32
      %gt3A_3475 = vector.broadcast %gt3A_3474 : f32 to vector<8x512xf32>
      %gt3A_3476 = arith.cmpf ogt, %dot_general3A_3473, %gt3A_3475 : vector<8x512xf32>
      %jit3A_3477 = arith.constant 0.000000e+00 : f32
      %broadcast_in_dim3A_3478 = vector.broadcast %jit3A_3477 : f32 to vector<8x512xf32>
      %select_n3A_3479 = arith.select %gt3A_3476, %broadcast_in_dim3A_3478, %get3A_3446 : vector<8x512xi1>, vector<8x512xf32>
      %slice3A_3480 = vector.extract_strided_slice %select_n3A_3479 {offsets = [0, 0], sizes = [1, 512], strides = [1, 1]} : vector<8x512xf32> to vector<1x512xf32>
      %slice3A_3481 = vector.extract_strided_slice %select_n3A_3471 {offsets = [0, 0], sizes = [1, 512], strides = [1, 1]} : vector<8x512xf32> to vector<1x512xf32>
      %ne3A = arith.cmpf one, %slice3A_3480, %slice3A_3481 : vector<1x512xf32>
      %reduce_or3A = arith.constant 1.000000e+00 : f32
      %reduce_or3A_3482 = arith.constant 0.000000e+00 : f32
      %reduce_or3A_3483 = vector.broadcast %reduce_or3A : f32 to vector<1x512xf32>
      %reduce_or3A_3484 = vector.broadcast %reduce_or3A_3482 : f32 to vector<1x512xf32>
      %reduce_or3A_3485 = arith.select %ne3A, %reduce_or3A_3483, %reduce_or3A_3484 : vector<1x512xi1>, vector<1x512xf32>
      %reduce_or3A_3486 = vector.shape_cast %reduce_or3A_3485 : vector<1x512xf32> to vector<1x1x512xf32>
      %reduce_or3A_3487 = arith.constant dense<0xFF800000> : vector<1xf32>
      %reduce_or3A_3488 = vector.multi_reduction <maximumf>, %reduce_or3A_3486, %reduce_or3A_3487 [1, 2] : vector<1x1x512xf32> to vector<1xf32>
      %reduce_or3A_3489 = vector.shape_cast %reduce_or3A_3488 : vector<1xf32> to vector<1x1x1xf32>
      %reduce_or3A_3490 = vector.extract %reduce_or3A_3489[0, 0, 0] : f32 from vector<1x1x1xf32>
      %reduce_or3A_3491 = arith.constant 0.000000e+00 : f32
      %reduce_or3A_3492 = arith.cmpf ogt, %reduce_or3A_3490, %reduce_or3A_3491 : f32
      scf.yield %select_n3A_3479, %reduce_or3A_3492 : vector<8x512xf32>, i1
    }
    %swap3A_3449 = arith.constant 0 : index
    %swap3A_3450 = arith.constant 4608 : index
    %swap3A_3451 = vector.load %arg5[%swap3A_3449, %swap3A_3450] : memref<8x5120xf32, #tpu.memory_space<vmem>>, vector<8x512xf32>
    tpu.vector_store %arg5[%swap3A_3449, %swap3A_3450], %while3A_3448#0 {strides = array<i32>} : memref<8x5120xf32, #tpu.memory_space<vmem>>, vector<8x512xf32>,
    %get3A_3452 = arith.constant 0 : index
    %get3A_3453 = arith.constant 0 : index
    %get3A_3454 = vector.load %arg5[%get3A_3452, %get3A_3453] : memref<8x5120xf32, #tpu.memory_space<vmem>>, vector<1x5000xf32>
    %reshape3A = vector.shape_cast %get3A_3454 : vector<1x5000xf32> to vector<5000xf32>
    %swap3A_3455 = arith.constant 0 : index
    %swap3A_3456 = vector.load %arg3[%swap3A_3455] : memref<5000xf32, #tpu.memory_space<vmem>>, vector<5000xf32>
    tpu.vector_store %arg3[%swap3A_3455], %reshape3A {strides = array<i32>} : memref<5000xf32, #tpu.memory_space<vmem>>, vector<5000xf32>,
    %get3A_3457 = arith.constant 0 : index
    %get3A_3458 = vector.load %arg2[%get3A_3457] : memref<5000xf32, #tpu.memory_space<vmem>>, vector<5000xf32>
    %mul3A_3459 = arith.mulf %get3A_3458, %reshape3A : vector<5000xf32>
    %swap3A_3460 = arith.constant 0 : index
    %swap3A_3461 = vector.load %arg4[%swap3A_3460] : memref<5000xf32, #tpu.memory_space<vmem>>, vector<5000xf32>
    tpu.vector_store %arg4[%swap3A_3460], %mul3A_3459 {strides = array<i32>} : memref<5000xf32, #tpu.memory_space<vmem>>, vector<5000xf32>,
    return
  }
}

</mosaic_0001>

<sc_bundles>
// kernel: kernel.4.cloned.1.call-start
scs
__scs_entry_jumppad:
0x0: {  	(pc) =	sbr.rel $0x88, $3  }
0x1: {  	(tag) =	ssettag $0x0;
	lr =	simm.s32 $0x1  }
0x2: {  	[smem:$0x3F9F] =	sst lr;
	_ =	strace $0xD0000000  }
0x3: {  	_ = 	snop  }
0x4: {  	_ = 	snop  }
0x5: {  	_ = 	snop  }
0x6: {  	_ = 	snop  }
0x7: {  	_ = 	snop  }
__scs_overlays_trampoline_lowered:
0x8: {  	[smem:$0x3FAE] =	sst s0  }
0x9: {  	[smem:$0x3FAF] =	sst s1  }
0xa: {  	[smem:$0x3FB0] =	sst s2  }
0xb: {  	[smem:$0x3FB1] =	sst s3  }
0xc: {  	[smem:$0x3FB2] =	sst s4  }
0xd: {  	[smem:$0x3FB3] =	sst s5  }
0xe: {  	[smem:$0x3FB4] =	sst s6  }
0xf: {  	[smem:$0x3FB5] =	sst s7  }
0x10: {  	[smem:$0x3FB6] =	sst s8  }
0x11: {  	[smem:$0x3FB7] =	sst s9;
	s0 =	simm.s32 @!p0 $0x0  }
0x12: {  	s1 =	sld [smem:$0x3F9D];
	s0 =	simm.s32 @p0 $0x1  }
0x13: {  	[smem:$0x3FB8] =	sst s0;
	s0 =	simm.s32 @!p1 $0x0  }
0x14: {  	s2 =	sld [smem:$0x3F9C];
	s0 =	simm.s32 @p1 $0x1  }
0x15: {  	[smem:$0x3FB9] =	sst s0;
	s0 =	simm.s32 @!p2 $0x0  }
0x16: {  	s3 =	sld [smem:$0x3FDB];
	s0 =	simm.s32 @p2 $0x1  }
0x17: {  	s4 =	simm.s32 $0x1BF5;
	[smem:$0x3FBB] =	sst s0  }
0x18: {  	s0 =	sld [smem:$0x3F9E];
	_ =	swait.ge [sflag:s4], $0x0  }
0x19: {  	s7 =	sld [smem:$0x3F9F]  }
0x1a: {  	s8 =	sadd.s32 $0xFFFFE003, lr  }
0x1b: {  	s9 =	sadd.s32 $0xFFFFFEF7, lr;
	s5 =	simm.s32 $0xFFFFFFFF;
	p2 =	slt.u32 s8, $0xFFFFF086  }
0x1c: {  	p1 =	slt.u32 s9, $0xF7A;
	s5 =	simm.s32 @!p2 $0x0  }
0x1d: {  	s5 =	simm.s32 @p1 $0x1;
	p0 =	seq.s32 s7, s2  }
0x1e: {  	s7 =	smul.u32 @!p0 $0xF7A, s2;
	p2 =	seq.s32 @!p0 s5, $0x0  }
0x1f: {  	s9 =	smul.u32 $0xF7A, s1;
	s8 =	simm.s32 @!p0 $0x1BF5;
	p2 =	por !p2, p0  }
0x20: {  	[sflag:s8] =	ssyncset.s32 @!p0 $0xFFFFF086;
	s6 =	sadd.s32 @!p0 s3, s7;
	s7 =	simm.s32 @!p0 $0x108  }
0x21: {  	s3 =	sadd.s32 s3, s9;
	s6 =	sadd.s32 @!p0 $0x88, s6;
	s7 =	simm.s32 @p2 $0x1082  }
0x22: {  	[simem:s7], [sflag:s8] =	dma.local @!p0 [hbm:s6], $0xF7A  }
0x23: {  	s9 =	sor.u32 $0xD0000000, s2;
	s6 =	simm.s32 $0x108;
	_ =	swait.ge @!p0 [sflag:s8], $0x0  }
0x24: {  	s3 =	sadd.s32 $0x88, s3;
	s6 =	simm.s32 @!p1 $0x1082;
	[sflag:s4] =	ssyncset.s32 $0xFFFFF086  }
0x25: {  	[simem:s6], [sflag:s4] =	dma.local [hbm:s3], $0xF7A  }
0x26: {  	[smem:$0x3F9F] =	sst s1;
	(tag) =	ssettag s2;
	_ =	strace s9  }
0x27: {  	s1 =	sld [smem:$0x3FAF]  }
0x28: {  	s2 =	sld [smem:$0x3FB0]  }
0x29: {  	s4 =	sld [smem:$0x3FB2]  }
0x2a: {  	p0 =	seq.s32 s5, $0x0;
	s5 =	sld [smem:$0x3FB3]  }
0x2b: {  	s6 =	sld [smem:$0x3FB4]  }
0x2c: {  	s7 =	sld [smem:$0x3FB5]  }
0x2d: {  	s3 =	simm.s32 $0x108;
	s8 =	sld [smem:$0x3FB6]  }
0x2e: {  	s3 =	simm.s32 @!p0 $0x1082;
	s9 =	sld [smem:$0x3FB7]  }
0x2f: {  	lr =	sadd.s32 s0, s3;
	s0 =	sld [smem:$0x3FAE]  }
0x30: {  	s3 =	sld [smem:$0x3FB1]  }
0x31: {  	[smem:$0x3FBA] =	sst s10  }
0x32: {  	s10 =	sld [smem:$0x3FB8];
	_ =	sdelay $0x3  }
0x33: {  	p0 =	seq.s32 s10, $0x1;
	s10 =	sld [smem:$0x3FBA];
	_ =	sdelay $0x3  }
0x34: {  	[smem:$0x3FBA] =	sst s10  }
0x35: {  	s10 =	sld [smem:$0x3FB9];
	_ =	sdelay $0x3  }
0x36: {  	p1 =	seq.s32 s10, $0x1;
	s10 =	sld [smem:$0x3FBA];
	_ =	sdelay $0x3  }
0x37: {  	[smem:$0x3FBA] =	sst s10  }
0x38: {  	s10 =	sld [smem:$0x3FBB]  }
0x39: {  	_ = 	snop;
	(pc) =	sbr.ind lr, $3  }
0x3a: {  	_ = 	snop  }
0x3b: {  	_ = 	snop  }
0x3c: {  	p2 =	seq.s32 s10, $0x1;
	s10 =	sld [smem:$0x3FBA]  }
0x3d: {  	_ =	shalt  }
0x3e: {  	_ =	shalt  }
0x3f: {  	_ =	shalt  }
0x40: {  	_ =	shalt  }
0x41: {  	_ =	shalt  }
0x42: {  	_ =	shalt  }
0x43: {  	_ =	shalt  }
0x44: {  	_ =	shalt  }
0x45: {  	_ =	shalt  }
0x46: {  	_ =	shalt  }
0x47: {  	_ =	shalt  }
0x48: {  	_ =	shalt  }
0x49: {  	_ =	shalt  }
0x4a: {  	_ =	shalt  }
0x4b: {  	_ =	shalt  }
0x4c: {  	_ =	shalt  }
0x4d: {  	_ =	shalt  }
0x4e: {  	_ =	shalt  }
0x4f: {  	_ =	shalt  }
0x50: {  	_ =	shalt  }
0x51: {  	_ =	shalt  }
0x52: {  	_ =	shalt  }
0x53: {  	_ =	shalt  }
0x54: {  	_ =	shalt  }
0x55: {  	_ =	shalt  }
0x56: {  	_ =	shalt  }
0x57: {  	_ =	shalt  }
0x58: {  	_ =	shalt  }
0x59: {  	_ =	shalt  }
0x5a: {  	_ =	shalt  }
0x5b: {  	_ =	shalt  }
0x5c: {  	_ =	shalt  }
0x5d: {  	_ =	shalt  }
0x5e: {  	_ =	shalt  }
0x5f: {  	_ =	shalt  }
0x60: {  	_ =	shalt  }
0x61: {  	_ =	shalt  }
0x62: {  	_ =	shalt  }
0x63: {  	_ =	shalt  }
0x64: {  	_ =	shalt  }
0x65: {  	_ =	shalt  }
0x66: {  	_ =	shalt  }
0x67: {  	_ =	shalt  }
0x68: {  	_ =	shalt  }
0x69: {  	_ =	shalt  }
0x6a: {  	_ =	shalt  }
0x6b: {  	_ =	shalt  }
0x6c: {  	_ =	shalt  }
0x6d: {  	_ =	shalt  }
0x6e: {  	_ =	shalt  }
0x6f: {  	_ =	shalt  }
0x70: {  	_ =	shalt  }
0x71: {  	_ =	shalt  }
0x72: {  	_ =	shalt  }
0x73: {  	_ =	shalt  }
0x74: {  	_ =	shalt  }
0x75: {  	_ =	shalt  }
0x76: {  	_ =	shalt  }
0x77: {  	_ =	shalt  }
0x78: {  	_ =	shalt  }
0x79: {  	_ =	shalt  }
0x7a: {  	_ =	shalt  }
0x7b: {  	_ =	shalt  }
0x7c: {  	_ =	shalt  }
0x7d: {  	_ =	shalt  }
0x7e: {  	_ =	shalt  }
0x7f: {  	_ =	shalt  }
0x80: {  	_ =	shalt  }
0x81: {  	_ =	shalt  }
0x82: {  	_ =	shalt  }
0x83: {  	_ =	shalt  }
0x84: {  	_ =	shalt  }
0x85: {  	_ =	shalt  }
0x86: {  	_ =	shalt  }
0x87: {  	_ =	shalt  }
.Lfunc_end0:
.L_simem_size_0:
called_computation_lowered:
.L_overlay_start_0:
0x88: {  	s2 =	sld [smem:$0x3FD9]  }
0x89: {  	s3 =	sld [smem:$0x3FFE];
	_ =	sdelay $0x1  }
0x8a: {  	s1 =	srdreg.scid  }
0x8b: {  	s0 =	sand.u32 $0x1, s1  }
0x8c: {  	s14 =	sshll.u32 s0, $0xA;
	s2 =	sadd.s32 s3, s2  }
0x8d: {  	s2 =	sadd.s32 s2, s14  }
0x8e: {  	[smem:$0x3FC6] =	sst s2  }
0x8f: {  	_ = 	snop  }
0x90: {  	s2 =	sld [smem:$0x3FD0];
	_ =	sdelay $0x2  }
0x91: {  	s15 =	simm.s32 $0xA;
	s4 =	simm.s32 $0x10  }
0x92: {  	[smem:s4], [sflag:s15] =	dma.local [hbm:s2], $0x1  }
0x93: {  	_ =	swait.eq [sflag:s15], $0x1  }
0x94: {  	[sflag:s15] =	ssyncset.done $0x0  }
0x95: {  	[sflag:s15] =	ssyncadd.s32 $0xFFFFFFFF  }
0x96: {  	s16 =	sld [smem:$0x10];
	(tm) =	ssettm $0x1  }
0x97: {  	s17 =	sld [smem:$0x3FFB];
	_ =	sdelay $0x3  }
0x98: {  	_ =	strace s17  }
0x99: {  	s3 =	sld [smem:$0x3FFC];
	_ =	sdelay $0x3  }
0x9a: {  	_ =	strace s3  }
0x9b: {  	s3 =	sld [smem:$0x3FFD];
	_ =	sdelay $0x3  }
0x9c: {  	_ =	strace s3  }
0x9d: {  	_ =	strace $0x8FFFFFFF  }
0x9e: {  	s18 =	sld [smem:$0x3FDB];
	_ =	sdelay $0x1  }
0x9f: {  	s19 =	simm.s32 $_scs_section_size  }
0xa0: {  	s5 =	simm.s32 $_size__tile_overlayer_lowered;
	s6 =	simm.s32 $_tile_overlayer_lowered  }
0xa1: {  	s22 =	simm.s32 $0x1BFF;
	s21 =	sshll.u32 s6, $0x1;
	s3 =	sadd.s32 s19, s18  }
0xa2: {  	s7 =	simm.s32 $0x0;
	s20 =	sshll.u32 s5, $0x1;
	s5 =	sadd.s32 s21, s3  }
0xa3: {  	[timem:s7], [sflag:s22] =	dma.local [hbm:s5], s20  }
0xa4: {  	_ =	swait.ge [sflag:s22], s20  }
0xa5: {  	s4 =	ssub.s32 $0x0, s20;
	[sflag:s22] =	ssyncset.done $0x0  }
0xa6: {  	[sflag:s22] =	ssyncadd.s32 s4;
	_ =	sdelay $0x1  }
0xa7: {  	s23 =	simm.s32 $0x1B8B  }
0xa8: {  	_ =	swait.ge [sflag:s23], $0x1  }
0xa9: {  	[sflag:s23] =	ssyncset.done $0x0  }
0xaa: {  	s25 =	simm.s32 $0x1B8E;
	s24 =	sld [smem:$0x3FFE];
	[sflag:s23] =	ssyncadd.s32 $0xFFFFFFFF  }
0xab: {  	s26 =	simm.s32 $execute0_lowered;
	[smem:$0x3FD2] =	sst s25  }
0xac: {  	s5 =	sshll.u32 s26, $0x1;
	_ =	strace $0x80000046;
	[dreg:$0x1] =	wrdreg $0xFFFFFFFF  }
0xad: {  	s28 =	simm.s32 $_size_execute0_lowered;
	s3 =	sadd.s32 s3, s5;
	[dreg:$0x0] =	wrdreg $0x0  }
0xae: {  	s5 =	sshll.u32 s28, $0x1;
	[dreg:$0x2] =	wrdreg s3  }
0xaf: {  	[dreg:$0x3] =	wrdreg s5  }
0xb0: {  	[dreg:$0x4] =	wrdreg $0xC0  }
0xb1: {  	_ =	task [dreg:s7], $0x5FFFF  }
0xb2: {  	[dreg:$0x1] =	wrdreg $0xFFFFFFFF  }
0xb3: {  	[dreg:$0x0] =	wrdreg $0x60  }
0xb4: {  	[dreg:$0x2] =	wrdreg s24  }
0xb5: {  	[dreg:$0x3] =	wrdreg s16  }
0xb6: {  	[dreg:$0x4] =	wrdreg $0x9  }
0xb7: {  	_ =	task.clear_ibuf [dreg:s7], $0x5FFFF;
	_ =	strace $0x90000046  }
0xb8: {  	s29 =	simm.s32 $0x9;
	_ =	strace $0x80000048  }
0xb9: {  	_ =	swait.ge [sflag:s29], $0x1  }
0xba: {  	[sflag:s29] =	ssyncadd.s32 $0xFFFFFFFF  }
0xbb: {  	_ =	strace $0x90000048  }
0xbc: {  	_ =	sfence  }
0xbd: {  	s30 =	sld [smem:$0x0];
	_ =	sdelay $0x2  }
0xbe: {  	s31 =	sshll.u32 s1, $0xD;
	s1 =	sshrl.u32 s1, $0x2  }
0xbf: {  	s3 =	sand.u32 $0x4000, s31;
	s1 =	sadd.s32 s1, s30  }
0xc0: {  	s0 =	sor.u32 s3, s0;
	s1 =	sshll.u32 s1, $0x11  }
0xc1: {  	s0 =	sor.u32 s1, s0  }
0xc2: {  	s0 =	sadd.s32 $0x8F2B, s0  }
0xc3: {  	[sflag:s0] =	ssyncadd.remote.s32 $0x1  }
0xc4: {  	_ =	sfence.sel $0xFFFF  }
0xc5: {  	[dreg:$0x0] =	wrdreg $0xFFFFFFFF;
	(pc) =	sbr.abs _section_cstart, $3  }
0xc6: {  	[dreg:$0x1] =	wrdreg $0xFFFFFFFF  }
0xc7: {  	_ =	task.clear_ibuf [dreg:s7], $0x2FFFF;
	_ =	strace $0x9FFFFFFF  }
0xc8: {  	(tm) =	ssettm $0x7FFFFFFF  }
0xc9: {  	_ =	shalt  }
tec
execute0_lowered:
.L_overlay_start_1:
0x0: {  	(tag) =	ssettag $0x1  }
0x1: {  	s1 =	srdreg.scid;
	s0 =	stileid.u32  }
0x2: {  	s2 =	rddreg [dreg:$0x0];
	s6 =	sand.u32 $0x1, s1;
	s31 =	sshll.u32 s0, $0x1  }
0x3: {  	s4 =	rddreg [dreg:$0x1];
	s3 =	simm.s32 $0x0;
	s7 =	sor.u32 s6, s31  }
0x4: {  	[smem:$0x7FF] =	sst s3;
	s5 =	smul.u32 $0x14, s7  }
0x5: {  	s8 =	simm.s32 $0x1;
	s1 =	rddreg [dreg:$0x2];
	_ =	strace $0x80000047  }
0x6: {  	s10 =	ssub.s32 $0x2, s6;
	s5 =	sadd.s32 s4, s5;
	s4 =	simm.s32 $0x2  }
0x7: {  	[tilespmem:s3], [sflag:$0x2] =	stream.linear.gather [hbm4b:s5+s3], $0xA0, $0x38;
	[tilespmem:$0x5100] =	vst v63  }
0x8: {  	s6 =	simm.s32 $0xA0;
	s11 =	sshrl.u32 s10, $0x1;
	_ =	swait.ge [sflag:s4], $0xA0  }
0x9: {  	s9 =	smul.u32 $0xA00, s7;
	s10 =	ssub.s32 s10, s11;
	[sflag:s4] =	ssyncset.done $0x0  }
0xa: {  	s7 =	simm.s32 $0x100;
	s10 =	smax.u32 s10, $0x1;
	[sflag:s4] =	ssyncadd.s32 $0xFFFFFF60  }
0xb: {  	[tilespmem:s7], [sflag:$0x1] =	stream.indirect.gather [hbm4b:s2+s6], $0x80, s3, s6, $0xb8;
	[tilespmem:$0x5100] =	vst v63  }
0xc: {  	p0 =	sne.s32 s10, $0x1;
	_ =	swait.ge [sflag:s8], $0x5000  }
.Ltmp0:
0xd: {  	s9 =	sadd.s32 s9, s2;
	[sflag:s8] =	ssyncset.done $0x0;
	(pc) =	sbr.rel @!p0 .LBB2_2-.Ltmp0, $4  }
0xe: {  	s9 =	sadd.s32 $0x13A00, s9;
	[sflag:s8] =	ssyncadd.s32 $0xFFFFB000  }
0xf: {  	[hbm4b:s9+s3] =	stream.linear.scatter [tilespmem:s7], [sflag:$0x2], $0x5000, $0x38;
	[tilespmem:$0x5100] =	vst v63  }
0x10: {  	_ =	swait.ge [sflag:s4], $0x5000  }
0x11: {  	s10 =	sadd.s32 $0xFFFFFFFF, s10;
	[sflag:s4] =	ssyncset.done $0x0  }
.LBB2_1:
0x12: {  	p0 =	sne.s32 s10, $0x1;
	s10 =	sadd.s32 $0xFFFFFFFF, s10;
	[sflag:s4] =	ssyncadd.s32 $0xFFFFB000  }
0x13: {  	[tilespmem:s3], [sflag:$0x2] =	stream.linear.gather [hbm4b:s5+s3], $0xA0, $0x38;
	[tilespmem:$0x5100] =	vst v63  }
0x14: {  	_ =	swait.ge [sflag:s4], $0xA0  }
0x15: {  	[sflag:s4] =	ssyncset.done $0x0  }
0x16: {  	[sflag:s4] =	ssyncadd.s32 $0xFFFFFF60  }
0x17: {  	[tilespmem:s7], [sflag:$0x1] =	stream.indirect.gather [hbm4b:s2+s6], $0x80, s3, s6, $0xb8;
	[tilespmem:$0x5100] =	vst v63  }
0x18: {  	_ =	swait.ge [sflag:s8], $0x5000  }
.Ltmp1:
0x19: {  	[sflag:s8] =	ssyncset.done $0x0;
	(pc) =	sbr.rel @p0 .LBB2_1-.Ltmp1, $4  }
0x1a: {  	[sflag:s8] =	ssyncadd.s32 $0xFFFFB000  }
0x1b: {  	[hbm4b:s9+s3] =	stream.linear.scatter [tilespmem:s7], [sflag:$0x2], $0x5000, $0x38;
	[tilespmem:$0x5100] =	vst v63  }
0x1c: {  	_ =	swait.ge [sflag:s4], $0x5000  }
0x1d: {  	[sflag:s4] =	ssyncset.done $0x0  }
.LBB2_2:
0x1e: {  	[sflag:s4] =	ssyncadd.s32 $0xFFFFB000  }
0x1f: {  	_ =	sfence.sel $0x180000  }
0x20: {  	[bflag:$0x0] =	sbarrier.arrive $0xFFFF  }
0x21: {  	p0 =	sne.s32 s0, $0x0;
	_ =	strace $0x90000047  }
0x22: {  	s0 =	sadd.s32 @!p0 $0x100000, s1;
	[bflag:$0x2] =	sbarrier.arrive $0xFFFF  }
0x23: {  	[sflag:s0] =	ssyncadd.tile.s32 @!p0 $0x1;
	_ =	shalt  }
.Lfunc_end2:
_tile_overlayer_lowered:
.L_overlay_start_2:
0x24: {  	(tag) =	ssettag $0x2  }
0x25: {  	s0 =	rddreg [dreg:$0x0];
	s2 =	stileid.u32  }
0x26: {  	s1 =	rddreg [dreg:$0x1];
	p0 =	sne.s32 s2, $0x0  }
0x27: {  	s3 =	rddreg [dreg:$0x2];
	[bflag:$0x3] =	sbarrier.arrive $0xFFFF;
	s2 =	simm.s32 @!p0 $0x1C02  }
0x28: {  	[timem:s3], [sflag:s2] =	dma.local @!p0 [hbm:s0], s1  }
0x29: {  	s0 =	simm.s32 @!p0 $0x2  }
0x2a: {  	_ =	swait.ge @!p0 [sflag:s0], s1  }
0x2b: {  	s1 =	ssub.s32 @!p0 $0x0, s1;
	[sflag:s0] =	ssyncset.done @!p0 $0x0  }
0x2c: {  	[sflag:s0] =	ssyncadd.s32 @!p0 s1  }
0x2d: {  	[bflag:$0x3] =	sbarrier.arrive $0xFFFF  }
0x2e: {  	_ =	shalt  }

</sc_bundles>
